<compile_context>
chip_gen: v7x
topology: tpu7x:2x2x1
jax: 0.10.2.dev20260603
libtpu: 0.0.44.dev20260713+nightly
codegen_flags: <defaults>
</compile_context>

<pallas_src>
import dataclasses
import functools

import jax
import jax.numpy as jnp
from jax import lax
from jax.experimental import pallas as pl
from jax.experimental.pallas import tpu as pltpu
from jax.experimental.pallas import tpu_sc as plsc

N = 10000
E = 320000
EL = 100000
D_IN = 128
D_H = 256
D_OUT = 128
BNS = float(1.0 / (1.0 + 1e-5) ** 0.5)

NC, NS = 2, 16
NW = NC * NS
EPW = E // NW
AC = 80
ANC = EPW // AC
RPT = 624
ZR = 8

ELP = 102400
ELPH = ELP // 2
GPWH = ELPH // NW
GC = 80
GNCH = GPWH // GC

_MESH = plsc.VectorSubcoreMesh(core_axis_name="c", subcore_axis_name="s")

_SC_PARAMS = pltpu.CompilerParams()
if "needs_layout_passes" in pltpu.CompilerParams.__dataclass_fields__:
    _SC_PARAMS = dataclasses.replace(_SC_PARAMS, needs_layout_passes=False)


def _make_agg(with_deg, ac=AC):
    anc = EPW // ac
    tail = EPW - anc * ac
    assert anc % 4 in (1, 2) and (tail == 0 or tail % 8 == 0)
    out_type = [jax.ShapeDtypeStruct((NC, N, D_IN), jnp.float32)]
    scratch = (
        [pltpu.VMEM((ac,), jnp.int32) for _ in range(4)]
        + [pltpu.VMEM((ac,), jnp.int32) for _ in range(4)]
        + [pltpu.VMEM((ac, D_IN), jnp.float32) for _ in range(2)]
        + [
            pltpu.VMEM((ZR, D_IN), jnp.float32),
            pltpu.VMEM_SHARED((N, D_IN), jnp.float32),
        ]
        + [pltpu.SemaphoreType.DMA for _ in range(9)]
    )
    if tail:
        scratch += [pltpu.VMEM((tail,), jnp.int32),
                    pltpu.VMEM((tail,), jnp.int32),
                    pltpu.VMEM((tail, D_IN), jnp.float32)]
    if with_deg:
        out_type.append(jax.ShapeDtypeStruct((NW, N), jnp.float32))
        scratch.append(pltpu.VMEM((N,), jnp.float32))

    def body(src_hbm, dst_hbm, feat_hbm, agg_out, *rest):
        if with_deg:
            deg_out = rest[0]
            rest = rest[1:]
        isx = rest[0:4]
        idxd = rest[4:8]
        rows = rest[8:10]
        zbuf, sh_agg = rest[10:12]
        semi = rest[12:16]
        semg = rest[16:18]
        sems = rest[18:20]
        semz = rest[20]
        rest = rest[21:]
        if tail:
            isx_t, idxd_t, rows_t = rest[0:3]
            rest = rest[3:]
        degbuf = rest[0] if with_deg else None
        cid = lax.axis_index("c")
        sid = lax.axis_index("s")
        wid = sid * NC + cid

        zero16 = jnp.zeros((16,), jnp.float32)
        one16 = jnp.full((16,), 1.0, jnp.float32)

        @pl.loop(0, ZR)
        def _(r):
            @pl.loop(0, D_IN, step=16)
            def _(k):
                zbuf[r, pl.ds(k, 16)] = zero16

        if with_deg:
            @pl.loop(0, N, step=16)
            def _(r):
                degbuf[pl.ds(r, 16)] = zero16

        rbase = sid * RPT
        nz = RPT // ZR

        @pl.loop(0, nz)
        def _(b):
            pltpu.async_copy(zbuf, sh_agg.at[pl.ds(rbase + b * ZR, ZR)], semz)

        @pl.when(sid == 0)
        def _():
            pltpu.async_copy(zbuf, sh_agg.at[pl.ds(NS * RPT, ZR)], semz)
            pltpu.async_copy(zbuf, sh_agg.at[pl.ds(NS * RPT + ZR, ZR)], semz)

        @pl.loop(0, nz)
        def _(b):
            pltpu.make_async_copy(zbuf, sh_agg.at[pl.ds(0, ZR)], semz).wait()

        @pl.when(sid == 0)
        def _():
            pltpu.make_async_copy(zbuf, sh_agg.at[pl.ds(0, ZR)], semz).wait()
            pltpu.make_async_copy(zbuf, sh_agg.at[pl.ds(0, ZR)], semz).wait()

        plsc.subcore_barrier()

        ebase = wid * EPW

        def fill(j, c):
            b0 = ebase + c * ac
            pltpu.async_copy(src_hbm.at[pl.ds(b0, ac)], isx[j], semi[j])
            pltpu.async_copy(dst_hbm.at[pl.ds(b0, ac)], idxd[j], semi[j])

        def wait_fill(j):
            pltpu.make_async_copy(src_hbm.at[pl.ds(0, ac)], isx[j],
                                  semi[j]).wait()
            pltpu.make_async_copy(dst_hbm.at[pl.ds(0, ac)], idxd[j],
                                  semi[j]).wait()

        def wait_scatter(b, j):
            pltpu.make_async_copy(rows[b], sh_agg.at[idxd[j]], sems[b]).wait()

        def phase(c, j, b, refill, wait_sc):
            wait_fill(j)
            if wait_sc:
                wait_scatter(b, (j + 2) % 4)
            if refill:
                fill((j + 2) % 4, c + 2)
            pltpu.async_copy(feat_hbm.at[isx[j]], rows[b], semg[b]).wait()
            if with_deg:
                for e in range(0, ac, 16):
                    plsc.addupdate_scatter(degbuf, [idxd[j][pl.ds(e, 16)]],
                                           one16)
            pltpu.async_copy(rows[b], sh_agg.at[idxd[j]], sems[b], add=True)

        if tail:
            t0 = ebase + anc * ac
            pltpu.sync_copy(src_hbm.at[pl.ds(t0, tail)], isx_t)
            pltpu.sync_copy(dst_hbm.at[pl.ds(t0, tail)], idxd_t)
            pltpu.sync_copy(feat_hbm.at[isx_t], rows_t)
            pltpu.sync_copy(rows_t, sh_agg.at[idxd_t], add=True)
            if with_deg:
                for e in range(0, tail, 16):
                    plsc.addupdate_scatter(degbuf, [idxd_t[pl.ds(e, 16)]],
                                           one16)

        fill(0, 0)
        fill(1, 1)
        phase(0, 0, 0, True, False)
        phase(1, 1, 1, True, False)

        if anc % 4 == 1:
            @pl.loop(0, (anc - 5) // 4)
            def _(q):
                c = 4 * q + 2
                phase(c, 2, 0, True, True)
                phase(c + 1, 3, 1, True, True)
                phase(c + 2, 0, 0, True, True)
                phase(c + 3, 1, 1, True, True)

            phase(anc - 3, 2, 0, True, True)
            phase(anc - 2, 3, 1, False, True)
            phase(anc - 1, 0, 0, False, True)
            wait_scatter(1, 3)
            wait_scatter(0, 0)
        else:
            @pl.loop(0, (anc - 6) // 4)
            def _(q):
                c = 4 * q + 2
                phase(c, 2, 0, True, True)
                phase(c + 1, 3, 1, True, True)
                phase(c + 2, 0, 0, True, True)
                phase(c + 3, 1, 1, True, True)

            phase(anc - 4, 2, 0, True, True)
            phase(anc - 3, 3, 1, True, True)
            phase(anc - 2, 0, 0, False, True)
            phase(anc - 1, 1, 1, False, True)
            wait_scatter(0, 0)
            wait_scatter(1, 1)

        plsc.subcore_barrier()

        pltpu.sync_copy(sh_agg.at[pl.ds(rbase, RPT)],
                        agg_out.at[cid, pl.ds(rbase, RPT)])
        if with_deg:
            pltpu.sync_copy(degbuf, deg_out.at[wid])

        @pl.when(sid == 0)
        def _():
            pltpu.sync_copy(sh_agg.at[pl.ds(NS * RPT, 16)],
                            agg_out.at[cid, pl.ds(NS * RPT, 16)])

    return pl.kernel(body, out_type=out_type, mesh=_MESH,
                     scratch_types=scratch, compiler_params=_SC_PARAMS)


_agg_deg = _make_agg(True, 80)
_agg = _make_agg(False, 128)


def _make_decode(base):

    def body(z_hbm, e0_hbm, e1_hbm, zs_out, zd_out, *rest):
        e0b = rest[0:2]
        e1b = rest[2:4]
        ra = rest[4:6]
        rb = rest[6:8]
        semi = rest[8:10]
        semg = rest[10:12]
        semw = rest[12:14]
        cid = lax.axis_index("c")
        sid = lax.axis_index("s")
        wid = sid * NC + cid
        gbase = base + wid * GPWH
        obase = wid * GPWH

        def fill(k, c):
            b0 = gbase + c * GC
            pltpu.async_copy(e0_hbm.at[pl.ds(b0, GC)], e0b[k], semi[k])
            pltpu.async_copy(e1_hbm.at[pl.ds(b0, GC)], e1b[k], semi[k])

        def wait_fill(k):
            pltpu.make_async_copy(e0_hbm.at[pl.ds(0, GC)], e0b[k],
                                  semi[k]).wait()
            pltpu.make_async_copy(e1_hbm.at[pl.ds(0, GC)], e1b[k],
                                  semi[k]).wait()

        def wait_writes(k):
            pltpu.make_async_copy(ra[k], zs_out.at[pl.ds(0, GC)],
                                  semw[k]).wait()
            pltpu.make_async_copy(rb[k], zd_out.at[pl.ds(0, GC)],
                                  semw[k]).wait()

        def phase(c, k, refill, wait_w):
            wait_fill(k)
            if wait_w:
                wait_writes(k)
            ga = pltpu.async_copy(z_hbm.at[e0b[k]], ra[k], semg[k])
            gb = pltpu.async_copy(z_hbm.at[e1b[k]], rb[k], semg[k])
            ga.wait()
            gb.wait()
            if refill:
                fill(k, c + 2)
            b0 = obase + c * GC
            pltpu.async_copy(ra[k], zs_out.at[pl.ds(b0, GC)], semw[k])
            pltpu.async_copy(rb[k], zd_out.at[pl.ds(b0, GC)], semw[k])

        fill(0, 0)
        fill(1, 1)
        phase(0, 0, True, False)
        phase(1, 1, True, False)

        @pl.loop(0, (GNCH - 4) // 2)
        def _(q):
            c = 2 * q + 2
            phase(c, 0, True, True)
            phase(c + 1, 1, True, True)

        phase(GNCH - 2, 0, False, True)
        phase(GNCH - 1, 1, False, True)
        wait_writes(0)
        wait_writes(1)

    return pl.kernel(
        body,
        out_type=[jax.ShapeDtypeStruct((ELPH, D_OUT), jnp.float32),
                  jax.ShapeDtypeStruct((ELPH, D_OUT), jnp.float32)],
        mesh=_MESH,
        scratch_types=(
            [pltpu.VMEM((GC,), jnp.int32) for _ in range(2)]
            + [pltpu.VMEM((GC,), jnp.int32) for _ in range(2)]
            + [pltpu.VMEM((GC, D_OUT), jnp.float32) for _ in range(2)]
            + [pltpu.VMEM((GC, D_OUT), jnp.float32) for _ in range(2)]
            + [pltpu.SemaphoreType.DMA for _ in range(6)]
        ),
        compiler_params=_SC_PARAMS,
    )


_decode_h0 = _make_decode(0)
_decode_h1 = _make_decode(ELPH)


_RA = 1000


def _dinv_of(degp_ref):
    deg = jnp.sum(degp_ref[...], axis=1)
    return jnp.where(deg > 0, 1.0 / deg, 0.0)


def _mm_body(a_ref, w_ref, o_ref):
    o_ref[...] = jnp.dot(a_ref[...], w_ref[...],
                         preferred_element_type=jnp.float32)


def _make_mm(d_in, d_out):
    return pl.pallas_call(
        _mm_body,
        grid=(N // _RA,),
        in_specs=[pl.BlockSpec((_RA, d_in), lambda i: (i, 0)),
                  pl.BlockSpec((d_in, d_out), lambda i: (0, 0))],
        out_specs=pl.BlockSpec((_RA, d_out), lambda i: (i, 0)),
        out_shape=jax.ShapeDtypeStruct((N, d_out), jnp.float32),
    )


_xr_mm = _make_mm(D_IN, D_H)
_hr_mm = _make_mm(D_H, D_OUT)


def _stage_a_body(aggp_ref, degp_ref, xr_ref, w1l_ref, b1_ref,
                  w2l_ref, h_ref, hw_ref):
    agg = aggp_ref[0] + aggp_ref[1]
    a = agg * _dinv_of(degp_ref)[:, None]
    pre = (jnp.dot(a, w1l_ref[...], preferred_element_type=jnp.float32)
           + xr_ref[...] + b1_ref[...])
    h = jnp.maximum(pre * BNS, 0.0)
    h_ref[...] = h
    hw_ref[...] = jnp.dot(h, w2l_ref[...], preferred_element_type=jnp.float32)


_stage_a = pl.pallas_call(
    _stage_a_body,
    grid=(N // _RA,),
    in_specs=[
        pl.BlockSpec((NC, _RA, D_IN), lambda i: (0, i, 0)),
        pl.BlockSpec((_RA, NW), lambda i: (i, 0)),
        pl.BlockSpec((_RA, D_H), lambda i: (i, 0)),
        pl.BlockSpec((D_IN, D_H), lambda i: (0, 0)),
        pl.BlockSpec((1, D_H), lambda i: (0, 0)),
        pl.BlockSpec((D_H, D_OUT), lambda i: (0, 0)),
    ],
    out_specs=[
        pl.BlockSpec((_RA, D_H), lambda i: (i, 0)),
        pl.BlockSpec((_RA, D_OUT), lambda i: (i, 0)),
    ],
    out_shape=[
        jax.ShapeDtypeStruct((N, D_H), jnp.float32),
        jax.ShapeDtypeStruct((N, D_OUT), jnp.float32),
    ],
)


def _stage_b_body(aggp_ref, degp_ref, hr_ref, b2_ref, z_ref):
    agg = aggp_ref[0] + aggp_ref[1]
    a = agg * _dinv_of(degp_ref)[:, None]
    pre = a + hr_ref[...] + b2_ref[...]
    z_ref[...] = pre * BNS


_stage_b = pl.pallas_call(
    _stage_b_body,
    grid=(N // _RA,),
    in_specs=[
        pl.BlockSpec((NC, _RA, D_OUT), lambda i: (0, i, 0)),
        pl.BlockSpec((_RA, NW), lambda i: (i, 0)),
        pl.BlockSpec((_RA, D_OUT), lambda i: (i, 0)),
        pl.BlockSpec((1, D_OUT), lambda i: (0, 0)),
    ],
    out_specs=pl.BlockSpec((_RA, D_OUT), lambda i: (i, 0)),
    out_shape=jax.ShapeDtypeStruct((N, D_OUT), jnp.float32),
)


_BC = 1024


def _stage_c_body(zs_ref, zd_ref, wa_ref, wb_ref, bm1_ref, wm2_ref, bm2_ref,
                  o_ref):
    a = zs_ref[...].astype(jnp.bfloat16)
    b = zd_ref[...].astype(jnp.bfloat16)
    wa = wa_ref[...].astype(jnp.bfloat16)
    wb = wb_ref[...].astype(jnp.bfloat16)
    hd = (jnp.dot(a, wa, preferred_element_type=jnp.float32)
          + jnp.dot(b, wb, preferred_element_type=jnp.float32)
          + bm1_ref[...])
    hd = jnp.maximum(hd, 0.0)
    o_ref[...] = (jnp.dot(hd, wm2_ref[...], preferred_element_type=jnp.float32)
                  + bm2_ref[...])


_stage_c = pl.pallas_call(
    _stage_c_body,
    grid=(ELPH // _BC,),
    in_specs=[
        pl.BlockSpec((_BC, D_OUT), lambda i: (i, 0)),
        pl.BlockSpec((_BC, D_OUT), lambda i: (i, 0)),
        pl.BlockSpec((D_OUT, D_H), lambda i: (0, 0)),
        pl.BlockSpec((D_OUT, D_H), lambda i: (0, 0)),
        pl.BlockSpec((1, D_H), lambda i: (0, 0)),
        pl.BlockSpec((D_H, 1), lambda i: (0, 0)),
        pl.BlockSpec((1, 1), lambda i: (0, 0)),
    ],
    out_specs=pl.BlockSpec((_BC, 1), lambda i: (i, 0)),
    out_shape=jax.ShapeDtypeStruct((ELPH, 1), jnp.float32),
)


def kernel(x, edge_index, edge_label_index, W1l, W1r, b1, W2l, W2r, b2,
           Wm1, bm1, Wm2, bm2):
    src = edge_index[0]
    dst = edge_index[1]

    xr = _xr_mm(x, W1r)
    aggp, degp = _agg_deg(src, dst, x)
    degt = degp.T
    h, hW = _stage_a(aggp, degt, xr, W1l, b1.reshape(1, -1), W2l)
    hr = _hr_mm(h, W2r)
    (agg2p,) = _agg(src, dst, hW)
    z = _stage_b(agg2p, degt, hr, b2.reshape(1, -1))

    pad = jnp.zeros((ELP - EL,), jnp.int32)
    e0 = jnp.concatenate([edge_label_index[0], pad])
    e1 = jnp.concatenate([edge_label_index[1], pad])

    wa, wb = Wm1[:D_OUT], Wm1[D_OUT:]
    bm1r, bm2r = bm1.reshape(1, -1), bm2.reshape(1, 1)
    zs0, zd0 = _decode_h0(z, e0, e1)
    zs1, zd1 = _decode_h1(z, e0, e1)
    o0 = _stage_c(zs0, zd0, wa, wb, bm1r, Wm2, bm2r)
    o1 = _stage_c(zs1, zd1, wa, wb, bm1r, Wm2, bm2r)
    out = jnp.concatenate([o0, o1], axis=0)
    return out[:EL].reshape(-1)

# --- scband reference (transcript-rebuilt; emitter-appended) ---
"""Pipeline reference for scband-graph-sage-mlp-31172872634623 (READ-ONLY COPY).

The authoritative reference and input builder live on the scoring server;
editing this copy changes nothing except your own understanding.
"""

import jax, jax.numpy as jnp
import numpy as np

N = 10000
E = 320000
EL = 100000
D_IN = 128
D_H = 256
D_OUT = 128
BN_EPS = 1e-5


def _w(key, shape, scale=0.05):
    return jax.random.normal(key, shape, dtype=jnp.float32) * scale


def setup_inputs(seed: int = 0) -> dict:
    key = jax.random.key(seed)
    ks = jax.random.split(key, 14)
    x = jax.random.normal(ks[0], (N, D_IN), dtype=jnp.float32)
    edge_index = jax.random.randint(ks[1], (2, E), 0, N, dtype=jnp.int32)
    edge_label_index = jax.random.randint(ks[2], (2, EL), 0, N, dtype=jnp.int32)
    return {
        "x": x,
        "edge_index": edge_index,
        "edge_label_index": edge_label_index,
        # SAGEConv1: lin_l (aggregated neighbors, with bias) + lin_r (root)
        "W1l": _w(ks[3], (D_IN, D_H)),
        "W1r": _w(ks[4], (D_IN, D_H)),
        "b1": jnp.zeros((D_H,), jnp.float32),
        # SAGEConv2
        "W2l": _w(ks[5], (D_H, D_OUT)),
        "W2r": _w(ks[6], (D_H, D_OUT)),
        "b2": jnp.zeros((D_OUT,), jnp.float32),
        # decoder MLP: Linear(2*D_OUT, D_H) -> ReLU -> Linear(D_H, 1)
        "Wm1": _w(ks[7], (2 * D_OUT, D_H)),
        "bm1": jnp.zeros((D_H,), jnp.float32),
        "Wm2": _w(ks[8], (D_H, 1)),
        "bm2": jnp.zeros((1,), jnp.float32),
    }


def _sage_conv(x, src, dst, Wl, Wr, b):
    # PyG SAGEConv with aggr='mean': out = lin_l(mean_{j in N(i)} x_j) + lin_r(x_i)
    msg = jnp.take(x, src, axis=0)
    agg = jax.ops.segment_sum(msg, dst, num_segments=N)
    deg = jax.ops.segment_sum(jnp.ones((src.shape[0],), jnp.float32), dst, num_segments=N)
    deg_inv = jnp.where(deg > 0, 1.0 / deg, 0.0)
    agg = agg * deg_inv[:, None]
    return agg @ Wl + b + x @ Wr


def _bn_eval(x):
    # fresh BatchNorm1d in eval mode: running_mean=0, running_var=1, gamma=1, beta=0
    return x / jnp.sqrt(1.0 + BN_EPS)


def reference(x, edge_index, edge_label_index, W1l, W1r, b1, W2l, W2r, b2, Wm1, bm1, Wm2, bm2):
    src = edge_index[0]
    dst = edge_index[1]
    # encode (eval mode: dropout is identity)
    h = _sage_conv(x, src, dst, W1l, W1r, b1)
    h = _bn_eval(h)
    h = jax.nn.relu(h)
    z = _sage_conv(h, src, dst, W2l, W2r, b2)
    z = _bn_eval(z)
    # decode
    zs = jnp.take(z, edge_label_index[0], axis=0)
    zd = jnp.take(z, edge_label_index[1], axis=0)
    ef = jnp.concatenate([zs, zd], axis=-1)
    hdec = jax.nn.relu(ef @ Wm1 + bm1)
    out = hdec @ Wm2 + bm2
    return out.reshape(-1)

if __name__ == "__main__":
    import jax
    _d = setup_inputs()
    print(jax.jit(kernel)(*tuple(_d.values())))

</pallas_src>

<mosaic_0001>
#map = affine_map<(d0, d1) -> (0, 0)>
#map1 = affine_map<(d0, d1) -> (0)>
module attributes {stable_mosaic.version = 14 : i64} {
  func.func @body(%arg0: i32, %arg1: i32, %arg2: memref<10000x128xf32, #tpu.memory_space<hbm>>, %arg3: memref<102400xi32, #tpu.memory_space<hbm>>, %arg4: memref<102400xi32, #tpu.memory_space<hbm>>, %arg5: memref<51200x128xf32, #tpu.memory_space<hbm>>, %arg6: memref<51200x128xf32, #tpu.memory_space<hbm>>, %arg7: memref<80xi32, #tpu.memory_space<vmem>>, %arg8: memref<80xi32, #tpu.memory_space<vmem>>, %arg9: memref<80xi32, #tpu.memory_space<vmem>>, %arg10: memref<80xi32, #tpu.memory_space<vmem>>, %arg11: memref<80x128xf32, #tpu.memory_space<vmem>>, %arg12: memref<80x128xf32, #tpu.memory_space<vmem>>, %arg13: memref<80x128xf32, #tpu.memory_space<vmem>>, %arg14: memref<80x128xf32, #tpu.memory_space<vmem>>, %arg15: memref<!tpu.dma_semaphore, #tpu.memory_space<semaphore_mem>>, %arg16: memref<!tpu.dma_semaphore, #tpu.memory_space<semaphore_mem>>, %arg17: memref<!tpu.dma_semaphore, #tpu.memory_space<semaphore_mem>>, %arg18: memref<!tpu.dma_semaphore, #tpu.memory_space<semaphore_mem>>, %arg19: memref<!tpu.dma_semaphore, #tpu.memory_space<semaphore_mem>>, %arg20: memref<!tpu.dma_semaphore, #tpu.memory_space<semaphore_mem>>) attributes {dimension_semantics = [#tpu.dimension_semantics<core_parallel>, #tpu.dimension_semantics<subcore_parallel>], iteration_bounds = array<i64: 2, 16>, scalar_prefetch = 0 : i64, scratch_operands = 14 : i64, tpu.core_type = #tpu.core_type<sc_vector_subcore>, window_params = [{transform_indices = #map}, {transform_indices = #map1}, {transform_indices = #map1}, {transform_indices = #map}, {transform_indices = #map}]} {
    %mul3A = arith.constant 2 : i32
    %mul3A_0 = arith.muli %arg1, %mul3A : i32
    %add3A = arith.addi %mul3A_0, %arg0 : i32
    %mul3A_1 = arith.constant 1600 : i32
    %mul3A_2 = arith.muli %add3A, %mul3A_1 : i32
    %add3A_3 = arith.constant 51200 : i32
    %add3A_4 = arith.addi %add3A_3, %mul3A_2 : i32
    %mul3A_5 = arith.constant 1600 : i32
    %mul3A_6 = arith.muli %add3A, %mul3A_5 : i32
    %add3A_7 = arith.constant 0 : i32
    %add3A_8 = arith.addi %add3A_4, %add3A_7 : i32
    %dma_start3A = tpu.memref_slice %arg3[%add3A_8] : memref<102400xi32, #tpu.memory_space<hbm>> -> memref<80xi32, #tpu.memory_space<hbm>>
    %dma_start3A_9 = tpu.memref_slice %arg3[%add3A_8] : memref<102400xi32, #tpu.memory_space<hbm>> -> memref<80xi32, #tpu.memory_space<hbm>>
    tpu.enqueue_dma source(%dma_start3A_9 : memref<80xi32, #tpu.memory_space<hbm>>) target(%arg7 : memref<80xi32, #tpu.memory_space<vmem>>) target_semaphore(%arg15 : memref<!tpu.dma_semaphore, #tpu.memory_space<semaphore_mem>>)
    %dma_start3A_10 = tpu.memref_slice %arg4[%add3A_8] : memref<102400xi32, #tpu.memory_space<hbm>> -> memref<80xi32, #tpu.memory_space<hbm>>
    %dma_start3A_11 = tpu.memref_slice %arg4[%add3A_8] : memref<102400xi32, #tpu.memory_space<hbm>> -> memref<80xi32, #tpu.memory_space<hbm>>
    tpu.enqueue_dma source(%dma_start3A_11 : memref<80xi32, #tpu.memory_space<hbm>>) target(%arg9 : memref<80xi32, #tpu.memory_space<vmem>>) target_semaphore(%arg15 : memref<!tpu.dma_semaphore, #tpu.memory_space<semaphore_mem>>)
    %add3A_12 = arith.constant 80 : i32
    %add3A_13 = arith.addi %add3A_4, %add3A_12 : i32
    %dma_start3A_14 = tpu.memref_slice %arg3[%add3A_13] : memref<102400xi32, #tpu.memory_space<hbm>> -> memref<80xi32, #tpu.memory_space<hbm>>
    %dma_start3A_15 = tpu.memref_slice %arg3[%add3A_13] : memref<102400xi32, #tpu.memory_space<hbm>> -> memref<80xi32, #tpu.memory_space<hbm>>
    tpu.enqueue_dma source(%dma_start3A_15 : memref<80xi32, #tpu.memory_space<hbm>>) target(%arg8 : memref<80xi32, #tpu.memory_space<vmem>>) target_semaphore(%arg16 : memref<!tpu.dma_semaphore, #tpu.memory_space<semaphore_mem>>)
    %dma_start3A_16 = tpu.memref_slice %arg4[%add3A_13] : memref<102400xi32, #tpu.memory_space<hbm>> -> memref<80xi32, #tpu.memory_space<hbm>>
    %dma_start3A_17 = tpu.memref_slice %arg4[%add3A_13] : memref<102400xi32, #tpu.memory_space<hbm>> -> memref<80xi32, #tpu.memory_space<hbm>>
    tpu.enqueue_dma source(%dma_start3A_17 : memref<80xi32, #tpu.memory_space<hbm>>) target(%arg10 : memref<80xi32, #tpu.memory_space<vmem>>) target_semaphore(%arg16 : memref<!tpu.dma_semaphore, #tpu.memory_space<semaphore_mem>>)
    %dma_wait3A = arith.constant 0 : i32
    %dma_wait3A_18 = tpu.memref_slice %arg3[%dma_wait3A] : memref<102400xi32, #tpu.memory_space<hbm>> -> memref<80xi32, #tpu.memory_space<hbm>>
    %dma_wait3A_19 = arith.constant 0 : i32
    %dma_wait3A_20 = tpu.memref_slice %arg3[%dma_wait3A_19] : memref<102400xi32, #tpu.memory_space<hbm>> -> memref<80xi32, #tpu.memory_space<hbm>>
    tpu.wait_dma2 semaphore(%arg15 : memref<!tpu.dma_semaphore, #tpu.memory_space<semaphore_mem>>) src(%dma_wait3A_20 : memref<80xi32, #tpu.memory_space<hbm>>) dst(%arg7 : memref<80xi32, #tpu.memory_space<vmem>>)
    %dma_wait3A_21 = arith.constant 0 : i32
    %dma_wait3A_22 = tpu.memref_slice %arg4[%dma_wait3A_21] : memref<102400xi32, #tpu.memory_space<hbm>> -> memref<80xi32, #tpu.memory_space<hbm>>
    %dma_wait3A_23 = arith.constant 0 : i32
    %dma_wait3A_24 = tpu.memref_slice %arg4[%dma_wait3A_23] : memref<102400xi32, #tpu.memory_space<hbm>> -> memref<80xi32, #tpu.memory_space<hbm>>
    tpu.wait_dma2 semaphore(%arg15 : memref<!tpu.dma_semaphore, #tpu.memory_space<semaphore_mem>>) src(%dma_wait3A_24 : memref<80xi32, #tpu.memory_space<hbm>>) dst(%arg9 : memref<80xi32, #tpu.memory_space<vmem>>)
    %dma_start3A_25 = arith.constant 0 : i32
    %dma_start3A_26 = arith.constant 0 : i32
    %dma_start3A_27 = tpu.memref_slice %arg2[%dma_start3A_25, %dma_start3A_26] : memref<10000x128xf32, #tpu.memory_space<hbm>> -> memref<10000x128xf32, #tpu.memory_space<hbm>>
    tpu.enqueue_indirect_dma source(%dma_start3A_27 : memref<10000x128xf32, #tpu.memory_space<hbm>>) target(%arg11 : memref<80x128xf32, #tpu.memory_space<vmem>>) offsets(%arg7 : memref<80xi32, #tpu.memory_space<vmem>>) semaphore(%arg17 : memref<!tpu.dma_semaphore, #tpu.memory_space<semaphore_mem>>)
    %dma_start3A_28 = arith.constant 0 : i32
    %dma_start3A_29 = arith.constant 0 : i32
    %dma_start3A_30 = tpu.memref_slice %arg2[%dma_start3A_28, %dma_start3A_29] : memref<10000x128xf32, #tpu.memory_space<hbm>> -> memref<10000x128xf32, #tpu.memory_space<hbm>>
    tpu.enqueue_indirect_dma source(%dma_start3A_30 : memref<10000x128xf32, #tpu.memory_space<hbm>>) target(%arg13 : memref<80x128xf32, #tpu.memory_space<vmem>>) offsets(%arg9 : memref<80xi32, #tpu.memory_space<vmem>>) semaphore(%arg17 : memref<!tpu.dma_semaphore, #tpu.memory_space<semaphore_mem>>)
    %dma_wait3A_31 = arith.constant 0 : i32
    %dma_wait3A_32 = arith.constant 0 : i32
    %dma_wait3A_33 = tpu.memref_slice %arg2[%dma_wait3A_31, %dma_wait3A_32] : memref<10000x128xf32, #tpu.memory_space<hbm>> -> memref<10000x128xf32, #tpu.memory_space<hbm>>
    tpu.wait_indirect_dma semaphore(%arg17 : memref<!tpu.dma_semaphore, #tpu.memory_space<semaphore_mem>>) src(%dma_wait3A_33 : memref<10000x128xf32, #tpu.memory_space<hbm>>) dst(%arg11 : memref<80x128xf32, #tpu.memory_space<vmem>>)
    %dma_wait3A_34 = arith.constant 0 : i32
    %dma_wait3A_35 = arith.constant 0 : i32
    %dma_wait3A_36 = tpu.memref_slice %arg2[%dma_wait3A_34, %dma_wait3A_35] : memref<10000x128xf32, #tpu.memory_space<hbm>> -> memref<10000x128xf32, #tpu.memory_space<hbm>>
    tpu.wait_indirect_dma semaphore(%arg17 : memref<!tpu.dma_semaphore, #tpu.memory_space<semaphore_mem>>) src(%dma_wait3A_36 : memref<10000x128xf32, #tpu.memory_space<hbm>>) dst(%arg13 : memref<80x128xf32, #tpu.memory_space<vmem>>)
    %add3A_37 = arith.constant 160 : i32
    %add3A_38 = arith.addi %add3A_4, %add3A_37 : i32
    %dma_start3A_39 = tpu.memref_slice %arg3[%add3A_38] : memref<102400xi32, #tpu.memory_space<hbm>> -> memref<80xi32, #tpu.memory_space<hbm>>
    %dma_start3A_40 = tpu.memref_slice %arg3[%add3A_38] : memref<102400xi32, #tpu.memory_space<hbm>> -> memref<80xi32, #tpu.memory_space<hbm>>
    tpu.enqueue_dma source(%dma_start3A_40 : memref<80xi32, #tpu.memory_space<hbm>>) target(%arg7 : memref<80xi32, #tpu.memory_space<vmem>>) target_semaphore(%arg15 : memref<!tpu.dma_semaphore, #tpu.memory_space<semaphore_mem>>)
    %dma_start3A_41 = tpu.memref_slice %arg4[%add3A_38] : memref<102400xi32, #tpu.memory_space<hbm>> -> memref<80xi32, #tpu.memory_space<hbm>>
    %dma_start3A_42 = tpu.memref_slice %arg4[%add3A_38] : memref<102400xi32, #tpu.memory_space<hbm>> -> memref<80xi32, #tpu.memory_space<hbm>>
    tpu.enqueue_dma source(%dma_start3A_42 : memref<80xi32, #tpu.memory_space<hbm>>) target(%arg9 : memref<80xi32, #tpu.memory_space<vmem>>) target_semaphore(%arg15 : memref<!tpu.dma_semaphore, #tpu.memory_space<semaphore_mem>>)
    %add3A_43 = arith.constant 0 : i32
    %add3A_44 = arith.addi %mul3A_6, %add3A_43 : i32
    %dma_start3A_45 = arith.constant 0 : i32
    %dma_start3A_46 = tpu.memref_slice %arg5[%add3A_44, %dma_start3A_45] : memref<51200x128xf32, #tpu.memory_space<hbm>> -> memref<80x128xf32, #tpu.memory_space<hbm>>
    %dma_start3A_47 = arith.constant 0 : i32
    %dma_start3A_48 = tpu.memref_slice %arg5[%add3A_44, %dma_start3A_47] : memref<51200x128xf32, #tpu.memory_space<hbm>> -> memref<80x128xf32, #tpu.memory_space<hbm>>
    tpu.enqueue_dma source(%arg11 : memref<80x128xf32, #tpu.memory_space<vmem>>) target(%dma_start3A_48 : memref<80x128xf32, #tpu.memory_space<hbm>>) target_semaphore(%arg19 : memref<!tpu.dma_semaphore, #tpu.memory_space<semaphore_mem>>)
    %dma_start3A_49 = arith.constant 0 : i32
    %dma_start3A_50 = tpu.memref_slice %arg6[%add3A_44, %dma_start3A_49] : memref<51200x128xf32, #tpu.memory_space<hbm>> -> memref<80x128xf32, #tpu.memory_space<hbm>>
    %dma_start3A_51 = arith.constant 0 : i32
    %dma_start3A_52 = tpu.memref_slice %arg6[%add3A_44, %dma_start3A_51] : memref<51200x128xf32, #tpu.memory_space<hbm>> -> memref<80x128xf32, #tpu.memory_space<hbm>>
    tpu.enqueue_dma source(%arg13 : memref<80x128xf32, #tpu.memory_space<vmem>>) target(%dma_start3A_52 : memref<80x128xf32, #tpu.memory_space<hbm>>) target_semaphore(%arg19 : memref<!tpu.dma_semaphore, #tpu.memory_space<semaphore_mem>>)
    %dma_wait3A_53 = arith.constant 0 : i32
    %dma_wait3A_54 = tpu.memref_slice %arg3[%dma_wait3A_53] : memref<102400xi32, #tpu.memory_space<hbm>> -> memref<80xi32, #tpu.memory_space<hbm>>
    %dma_wait3A_55 = arith.constant 0 : i32
    %dma_wait3A_56 = tpu.memref_slice %arg3[%dma_wait3A_55] : memref<102400xi32, #tpu.memory_space<hbm>> -> memref<80xi32, #tpu.memory_space<hbm>>
    tpu.wait_dma2 semaphore(%arg16 : memref<!tpu.dma_semaphore, #tpu.memory_space<semaphore_mem>>) src(%dma_wait3A_56 : memref<80xi32, #tpu.memory_space<hbm>>) dst(%arg8 : memref<80xi32, #tpu.memory_space<vmem>>)
    %dma_wait3A_57 = arith.constant 0 : i32
    %dma_wait3A_58 = tpu.memref_slice %arg4[%dma_wait3A_57] : memref<102400xi32, #tpu.memory_space<hbm>> -> memref<80xi32, #tpu.memory_space<hbm>>
    %dma_wait3A_59 = arith.constant 0 : i32
    %dma_wait3A_60 = tpu.memref_slice %arg4[%dma_wait3A_59] : memref<102400xi32, #tpu.memory_space<hbm>> -> memref<80xi32, #tpu.memory_space<hbm>>
    tpu.wait_dma2 semaphore(%arg16 : memref<!tpu.dma_semaphore, #tpu.memory_space<semaphore_mem>>) src(%dma_wait3A_60 : memref<80xi32, #tpu.memory_space<hbm>>) dst(%arg10 : memref<80xi32, #tpu.memory_space<vmem>>)
    %dma_start3A_61 = arith.constant 0 : i32
    %dma_start3A_62 = arith.constant 0 : i32
    %dma_start3A_63 = tpu.memref_slice %arg2[%dma_start3A_61, %dma_start3A_62] : memref<10000x128xf32, #tpu.memory_space<hbm>> -> memref<10000x128xf32, #tpu.memory_space<hbm>>
    tpu.enqueue_indirect_dma source(%dma_start3A_63 : memref<10000x128xf32, #tpu.memory_space<hbm>>) target(%arg12 : memref<80x128xf32, #tpu.memory_space<vmem>>) offsets(%arg8 : memref<80xi32, #tpu.memory_space<vmem>>) semaphore(%arg18 : memref<!tpu.dma_semaphore, #tpu.memory_space<semaphore_mem>>)
    %dma_start3A_64 = arith.constant 0 : i32
    %dma_start3A_65 = arith.constant 0 : i32
    %dma_start3A_66 = tpu.memref_slice %arg2[%dma_start3A_64, %dma_start3A_65] : memref<10000x128xf32, #tpu.memory_space<hbm>> -> memref<10000x128xf32, #tpu.memory_space<hbm>>
    tpu.enqueue_indirect_dma source(%dma_start3A_66 : memref<10000x128xf32, #tpu.memory_space<hbm>>) target(%arg14 : memref<80x128xf32, #tpu.memory_space<vmem>>) offsets(%arg10 : memref<80xi32, #tpu.memory_space<vmem>>) semaphore(%arg18 : memref<!tpu.dma_semaphore, #tpu.memory_space<semaphore_mem>>)
    %dma_wait3A_67 = arith.constant 0 : i32
    %dma_wait3A_68 = arith.constant 0 : i32
    %dma_wait3A_69 = tpu.memref_slice %arg2[%dma_wait3A_67, %dma_wait3A_68] : memref<10000x128xf32, #tpu.memory_space<hbm>> -> memref<10000x128xf32, #tpu.memory_space<hbm>>
    tpu.wait_indirect_dma semaphore(%arg18 : memref<!tpu.dma_semaphore, #tpu.memory_space<semaphore_mem>>) src(%dma_wait3A_69 : memref<10000x128xf32, #tpu.memory_space<hbm>>) dst(%arg12 : memref<80x128xf32, #tpu.memory_space<vmem>>)
    %dma_wait3A_70 = arith.constant 0 : i32
    %dma_wait3A_71 = arith.constant 0 : i32
    %dma_wait3A_72 = tpu.memref_slice %arg2[%dma_wait3A_70, %dma_wait3A_71] : memref<10000x128xf32, #tpu.memory_space<hbm>> -> memref<10000x128xf32, #tpu.memory_space<hbm>>
    tpu.wait_indirect_dma semaphore(%arg18 : memref<!tpu.dma_semaphore, #tpu.memory_space<semaphore_mem>>) src(%dma_wait3A_72 : memref<10000x128xf32, #tpu.memory_space<hbm>>) dst(%arg14 : memref<80x128xf32, #tpu.memory_space<vmem>>)
    %add3A_73 = arith.constant 240 : i32
    %add3A_74 = arith.addi %add3A_4, %add3A_73 : i32
    %dma_start3A_75 = tpu.memref_slice %arg3[%add3A_74] : memref<102400xi32, #tpu.memory_space<hbm>> -> memref<80xi32, #tpu.memory_space<hbm>>
    %dma_start3A_76 = tpu.memref_slice %arg3[%add3A_74] : memref<102400xi32, #tpu.memory_space<hbm>> -> memref<80xi32, #tpu.memory_space<hbm>>
    tpu.enqueue_dma source(%dma_start3A_76 : memref<80xi32, #tpu.memory_space<hbm>>) target(%arg8 : memref<80xi32, #tpu.memory_space<vmem>>) target_semaphore(%arg16 : memref<!tpu.dma_semaphore, #tpu.memory_space<semaphore_mem>>)
    %dma_start3A_77 = tpu.memref_slice %arg4[%add3A_74] : memref<102400xi32, #tpu.memory_space<hbm>> -> memref<80xi32, #tpu.memory_space<hbm>>
    %dma_start3A_78 = tpu.memref_slice %arg4[%add3A_74] : memref<102400xi32, #tpu.memory_space<hbm>> -> memref<80xi32, #tpu.memory_space<hbm>>
    tpu.enqueue_dma source(%dma_start3A_78 : memref<80xi32, #tpu.memory_space<hbm>>) target(%arg10 : memref<80xi32, #tpu.memory_space<vmem>>) target_semaphore(%arg16 : memref<!tpu.dma_semaphore, #tpu.memory_space<semaphore_mem>>)
    %add3A_79 = arith.constant 80 : i32
    %add3A_80 = arith.addi %mul3A_6, %add3A_79 : i32
    %dma_start3A_81 = arith.constant 0 : i32
    %dma_start3A_82 = tpu.memref_slice %arg5[%add3A_80, %dma_start3A_81] : memref<51200x128xf32, #tpu.memory_space<hbm>> -> memref<80x128xf32, #tpu.memory_space<hbm>>
    %dma_start3A_83 = arith.constant 0 : i32
    %dma_start3A_84 = tpu.memref_slice %arg5[%add3A_80, %dma_start3A_83] : memref<51200x128xf32, #tpu.memory_space<hbm>> -> memref<80x128xf32, #tpu.memory_space<hbm>>
    tpu.enqueue_dma source(%arg12 : memref<80x128xf32, #tpu.memory_space<vmem>>) target(%dma_start3A_84 : memref<80x128xf32, #tpu.memory_space<hbm>>) target_semaphore(%arg20 : memref<!tpu.dma_semaphore, #tpu.memory_space<semaphore_mem>>)
    %dma_start3A_85 = arith.constant 0 : i32
    %dma_start3A_86 = tpu.memref_slice %arg6[%add3A_80, %dma_start3A_85] : memref<51200x128xf32, #tpu.memory_space<hbm>> -> memref<80x128xf32, #tpu.memory_space<hbm>>
    %dma_start3A_87 = arith.constant 0 : i32
    %dma_start3A_88 = tpu.memref_slice %arg6[%add3A_80, %dma_start3A_87] : memref<51200x128xf32, #tpu.memory_space<hbm>> -> memref<80x128xf32, #tpu.memory_space<hbm>>
    tpu.enqueue_dma source(%arg14 : memref<80x128xf32, #tpu.memory_space<vmem>>) target(%dma_start3A_88 : memref<80x128xf32, #tpu.memory_space<hbm>>) target_semaphore(%arg20 : memref<!tpu.dma_semaphore, #tpu.memory_space<semaphore_mem>>)
    %scan3A = arith.constant 0 : i32
    %scan3A_89 = arith.constant 8 : i32
    %scan3A_90 = arith.addi %scan3A, %scan3A_89 : i32
    %scan3A_91 = arith.constant 1 : i32
    scf.for %scan3A_201 = %scan3A to %scan3A_90 step %scan3A_91  : i32 {
      %mul3A_202 = arith.constant 1 : i32
      %mul3A_203 = arith.muli %scan3A_201, %mul3A_202 : i32
      %add3A_204 = arith.constant 0 : i32
      %add3A_205 = arith.addi %add3A_204, %mul3A_203 : i32
      %mul3A_206 = arith.constant 2 : i32
      %mul3A_207 = arith.muli %mul3A_206, %add3A_205 : i32
      %add3A_208 = arith.constant 2 : i32
      %add3A_209 = arith.addi %mul3A_207, %add3A_208 : i32
      %dma_wait3A_210 = arith.constant 0 : i32
      %dma_wait3A_211 = tpu.memref_slice %arg3[%dma_wait3A_210] : memref<102400xi32, #tpu.memory_space<hbm>> -> memref<80xi32, #tpu.memory_space<hbm>>
      %dma_wait3A_212 = arith.constant 0 : i32
      %dma_wait3A_213 = tpu.memref_slice %arg3[%dma_wait3A_212] : memref<102400xi32, #tpu.memory_space<hbm>> -> memref<80xi32, #tpu.memory_space<hbm>>
      tpu.wait_dma2 semaphore(%arg15 : memref<!tpu.dma_semaphore, #tpu.memory_space<semaphore_mem>>) src(%dma_wait3A_213 : memref<80xi32, #tpu.memory_space<hbm>>) dst(%arg7 : memref<80xi32, #tpu.memory_space<vmem>>)
      %dma_wait3A_214 = arith.constant 0 : i32
      %dma_wait3A_215 = tpu.memref_slice %arg4[%dma_wait3A_214] : memref<102400xi32, #tpu.memory_space<hbm>> -> memref<80xi32, #tpu.memory_space<hbm>>
      %dma_wait3A_216 = arith.constant 0 : i32
      %dma_wait3A_217 = tpu.memref_slice %arg4[%dma_wait3A_216] : memref<102400xi32, #tpu.memory_space<hbm>> -> memref<80xi32, #tpu.memory_space<hbm>>
      tpu.wait_dma2 semaphore(%arg15 : memref<!tpu.dma_semaphore, #tpu.memory_space<semaphore_mem>>) src(%dma_wait3A_217 : memref<80xi32, #tpu.memory_space<hbm>>) dst(%arg9 : memref<80xi32, #tpu.memory_space<vmem>>)
      %dma_wait3A_218 = arith.constant 0 : i32
      %dma_wait3A_219 = arith.constant 0 : i32
      %dma_wait3A_220 = tpu.memref_slice %arg5[%dma_wait3A_218, %dma_wait3A_219] : memref<51200x128xf32, #tpu.memory_space<hbm>> -> memref<80x128xf32, #tpu.memory_space<hbm>>
      %dma_wait3A_221 = arith.constant 0 : i32
      %dma_wait3A_222 = arith.constant 0 : i32
      %dma_wait3A_223 = tpu.memref_slice %arg5[%dma_wait3A_221, %dma_wait3A_222] : memref<51200x128xf32, #tpu.memory_space<hbm>> -> memref<80x128xf32, #tpu.memory_space<hbm>>
      tpu.wait_dma2 semaphore(%arg19 : memref<!tpu.dma_semaphore, #tpu.memory_space<semaphore_mem>>) src(%arg11 : memref<80x128xf32, #tpu.memory_space<vmem>>) dst(%dma_wait3A_223 : memref<80x128xf32, #tpu.memory_space<hbm>>)
      %dma_wait3A_224 = arith.constant 0 : i32
      %dma_wait3A_225 = arith.constant 0 : i32
      %dma_wait3A_226 = tpu.memref_slice %arg6[%dma_wait3A_224, %dma_wait3A_225] : memref<51200x128xf32, #tpu.memory_space<hbm>> -> memref<80x128xf32, #tpu.memory_space<hbm>>
      %dma_wait3A_227 = arith.constant 0 : i32
      %dma_wait3A_228 = arith.constant 0 : i32
      %dma_wait3A_229 = tpu.memref_slice %arg6[%dma_wait3A_227, %dma_wait3A_228] : memref<51200x128xf32, #tpu.memory_space<hbm>> -> memref<80x128xf32, #tpu.memory_space<hbm>>
      tpu.wait_dma2 semaphore(%arg19 : memref<!tpu.dma_semaphore, #tpu.memory_space<semaphore_mem>>) src(%arg13 : memref<80x128xf32, #tpu.memory_space<vmem>>) dst(%dma_wait3A_229 : memref<80x128xf32, #tpu.memory_space<hbm>>)
      %dma_start3A_230 = arith.constant 0 : i32
      %dma_start3A_231 = arith.constant 0 : i32
      %dma_start3A_232 = tpu.memref_slice %arg2[%dma_start3A_230, %dma_start3A_231] : memref<10000x128xf32, #tpu.memory_space<hbm>> -> memref<10000x128xf32, #tpu.memory_space<hbm>>
      tpu.enqueue_indirect_dma source(%dma_start3A_232 : memref<10000x128xf32, #tpu.memory_space<hbm>>) target(%arg11 : memref<80x128xf32, #tpu.memory_space<vmem>>) offsets(%arg7 : memref<80xi32, #tpu.memory_space<vmem>>) semaphore(%arg17 : memref<!tpu.dma_semaphore, #tpu.memory_space<semaphore_mem>>)
      %dma_start3A_233 = arith.constant 0 : i32
      %dma_start3A_234 = arith.constant 0 : i32
      %dma_start3A_235 = tpu.memref_slice %arg2[%dma_start3A_233, %dma_start3A_234] : memref<10000x128xf32, #tpu.memory_space<hbm>> -> memref<10000x128xf32, #tpu.memory_space<hbm>>
      tpu.enqueue_indirect_dma source(%dma_start3A_235 : memref<10000x128xf32, #tpu.memory_space<hbm>>) target(%arg13 : memref<80x128xf32, #tpu.memory_space<vmem>>) offsets(%arg9 : memref<80xi32, #tpu.memory_space<vmem>>) semaphore(%arg17 : memref<!tpu.dma_semaphore, #tpu.memory_space<semaphore_mem>>)
      %dma_wait3A_236 = arith.constant 0 : i32
      %dma_wait3A_237 = arith.constant 0 : i32
      %dma_wait3A_238 = tpu.memref_slice %arg2[%dma_wait3A_236, %dma_wait3A_237] : memref<10000x128xf32, #tpu.memory_space<hbm>> -> memref<10000x128xf32, #tpu.memory_space<hbm>>
      tpu.wait_indirect_dma semaphore(%arg17 : memref<!tpu.dma_semaphore, #tpu.memory_space<semaphore_mem>>) src(%dma_wait3A_238 : memref<10000x128xf32, #tpu.memory_space<hbm>>) dst(%arg11 : memref<80x128xf32, #tpu.memory_space<vmem>>)
      %dma_wait3A_239 = arith.constant 0 : i32
      %dma_wait3A_240 = arith.constant 0 : i32
      %dma_wait3A_241 = tpu.memref_slice %arg2[%dma_wait3A_239, %dma_wait3A_240] : memref<10000x128xf32, #tpu.memory_space<hbm>> -> memref<10000x128xf32, #tpu.memory_space<hbm>>
      tpu.wait_indirect_dma semaphore(%arg17 : memref<!tpu.dma_semaphore, #tpu.memory_space<semaphore_mem>>) src(%dma_wait3A_241 : memref<10000x128xf32, #tpu.memory_space<hbm>>) dst(%arg13 : memref<80x128xf32, #tpu.memory_space<vmem>>)
      %add3A_242 = arith.constant 2 : i32
      %add3A_243 = arith.addi %add3A_209, %add3A_242 : i32
      %mul3A_244 = arith.constant 80 : i32
      %mul3A_245 = arith.muli %add3A_243, %mul3A_244 : i32
      %add3A_246 = arith.addi %add3A_4, %mul3A_245 : i32
      %dma_start3A_247 = tpu.memref_slice %arg3[%add3A_246] : memref<102400xi32, #tpu.memory_space<hbm>> -> memref<80xi32, #tpu.memory_space<hbm>>
      %dma_start3A_248 = tpu.memref_slice %arg3[%add3A_246] : memref<102400xi32, #tpu.memory_space<hbm>> -> memref<80xi32, #tpu.memory_space<hbm>>
      tpu.enqueue_dma source(%dma_start3A_248 : memref<80xi32, #tpu.memory_space<hbm>>) target(%arg7 : memref<80xi32, #tpu.memory_space<vmem>>) target_semaphore(%arg15 : memref<!tpu.dma_semaphore, #tpu.memory_space<semaphore_mem>>)
      %dma_start3A_249 = tpu.memref_slice %arg4[%add3A_246] : memref<102400xi32, #tpu.memory_space<hbm>> -> memref<80xi32, #tpu.memory_space<hbm>>
      %dma_start3A_250 = tpu.memref_slice %arg4[%add3A_246] : memref<102400xi32, #tpu.memory_space<hbm>> -> memref<80xi32, #tpu.memory_space<hbm>>
      tpu.enqueue_dma source(%dma_start3A_250 : memref<80xi32, #tpu.memory_space<hbm>>) target(%arg9 : memref<80xi32, #tpu.memory_space<vmem>>) target_semaphore(%arg15 : memref<!tpu.dma_semaphore, #tpu.memory_space<semaphore_mem>>)
      %mul3A_251 = arith.constant 80 : i32
      %mul3A_252 = arith.muli %add3A_209, %mul3A_251 : i32
      %add3A_253 = arith.addi %mul3A_6, %mul3A_252 : i32
      %dma_start3A_254 = arith.constant 0 : i32
      %dma_start3A_255 = tpu.memref_slice %arg5[%add3A_253, %dma_start3A_254] : memref<51200x128xf32, #tpu.memory_space<hbm>> -> memref<80x128xf32, #tpu.memory_space<hbm>>
      %dma_start3A_256 = arith.constant 0 : i32
      %dma_start3A_257 = tpu.memref_slice %arg5[%add3A_253, %dma_start3A_256] : memref<51200x128xf32, #tpu.memory_space<hbm>> -> memref<80x128xf32, #tpu.memory_space<hbm>>
      tpu.enqueue_dma source(%arg11 : memref<80x128xf32, #tpu.memory_space<vmem>>) target(%dma_start3A_257 : memref<80x128xf32, #tpu.memory_space<hbm>>) target_semaphore(%arg19 : memref<!tpu.dma_semaphore, #tpu.memory_space<semaphore_mem>>)
      %dma_start3A_258 = arith.constant 0 : i32
      %dma_start3A_259 = tpu.memref_slice %arg6[%add3A_253, %dma_start3A_258] : memref<51200x128xf32, #tpu.memory_space<hbm>> -> memref<80x128xf32, #tpu.memory_space<hbm>>
      %dma_start3A_260 = arith.constant 0 : i32
      %dma_start3A_261 = tpu.memref_slice %arg6[%add3A_253, %dma_start3A_260] : memref<51200x128xf32, #tpu.memory_space<hbm>> -> memref<80x128xf32, #tpu.memory_space<hbm>>
      tpu.enqueue_dma source(%arg13 : memref<80x128xf32, #tpu.memory_space<vmem>>) target(%dma_start3A_261 : memref<80x128xf32, #tpu.memory_space<hbm>>) target_semaphore(%arg19 : memref<!tpu.dma_semaphore, #tpu.memory_space<semaphore_mem>>)
      %add3A_262 = arith.constant 1 : i32
      %add3A_263 = arith.addi %add3A_209, %add3A_262 : i32
      %dma_wait3A_264 = arith.constant 0 : i32
      %dma_wait3A_265 = tpu.memref_slice %arg3[%dma_wait3A_264] : memref<102400xi32, #tpu.memory_space<hbm>> -> memref<80xi32, #tpu.memory_space<hbm>>
      %dma_wait3A_266 = arith.constant 0 : i32
      %dma_wait3A_267 = tpu.memref_slice %arg3[%dma_wait3A_266] : memref<102400xi32, #tpu.memory_space<hbm>> -> memref<80xi32, #tpu.memory_space<hbm>>
      tpu.wait_dma2 semaphore(%arg16 : memref<!tpu.dma_semaphore, #tpu.memory_space<semaphore_mem>>) src(%dma_wait3A_267 : memref<80xi32, #tpu.memory_space<hbm>>) dst(%arg8 : memref<80xi32, #tpu.memory_space<vmem>>)
      %dma_wait3A_268 = arith.constant 0 : i32
      %dma_wait3A_269 = tpu.memref_slice %arg4[%dma_wait3A_268] : memref<102400xi32, #tpu.memory_space<hbm>> -> memref<80xi32, #tpu.memory_space<hbm>>
      %dma_wait3A_270 = arith.constant 0 : i32
      %dma_wait3A_271 = tpu.memref_slice %arg4[%dma_wait3A_270] : memref<102400xi32, #tpu.memory_space<hbm>> -> memref<80xi32, #tpu.memory_space<hbm>>
      tpu.wait_dma2 semaphore(%arg16 : memref<!tpu.dma_semaphore, #tpu.memory_space<semaphore_mem>>) src(%dma_wait3A_271 : memref<80xi32, #tpu.memory_space<hbm>>) dst(%arg10 : memref<80xi32, #tpu.memory_space<vmem>>)
      %dma_wait3A_272 = arith.constant 0 : i32
      %dma_wait3A_273 = arith.constant 0 : i32
      %dma_wait3A_274 = tpu.memref_slice %arg5[%dma_wait3A_272, %dma_wait3A_273] : memref<51200x128xf32, #tpu.memory_space<hbm>> -> memref<80x128xf32, #tpu.memory_space<hbm>>
      %dma_wait3A_275 = arith.constant 0 : i32
      %dma_wait3A_276 = arith.constant 0 : i32
      %dma_wait3A_277 = tpu.memref_slice %arg5[%dma_wait3A_275, %dma_wait3A_276] : memref<51200x128xf32, #tpu.memory_space<hbm>> -> memref<80x128xf32, #tpu.memory_space<hbm>>
      tpu.wait_dma2 semaphore(%arg20 : memref<!tpu.dma_semaphore, #tpu.memory_space<semaphore_mem>>) src(%arg12 : memref<80x128xf32, #tpu.memory_space<vmem>>) dst(%dma_wait3A_277 : memref<80x128xf32, #tpu.memory_space<hbm>>)
      %dma_wait3A_278 = arith.constant 0 : i32
      %dma_wait3A_279 = arith.constant 0 : i32
      %dma_wait3A_280 = tpu.memref_slice %arg6[%dma_wait3A_278, %dma_wait3A_279] : memref<51200x128xf32, #tpu.memory_space<hbm>> -> memref<80x128xf32, #tpu.memory_space<hbm>>
      %dma_wait3A_281 = arith.constant 0 : i32
      %dma_wait3A_282 = arith.constant 0 : i32
      %dma_wait3A_283 = tpu.memref_slice %arg6[%dma_wait3A_281, %dma_wait3A_282] : memref<51200x128xf32, #tpu.memory_space<hbm>> -> memref<80x128xf32, #tpu.memory_space<hbm>>
      tpu.wait_dma2 semaphore(%arg20 : memref<!tpu.dma_semaphore, #tpu.memory_space<semaphore_mem>>) src(%arg14 : memref<80x128xf32, #tpu.memory_space<vmem>>) dst(%dma_wait3A_283 : memref<80x128xf32, #tpu.memory_space<hbm>>)
      %dma_start3A_284 = arith.constant 0 : i32
      %dma_start3A_285 = arith.constant 0 : i32
      %dma_start3A_286 = tpu.memref_slice %arg2[%dma_start3A_284, %dma_start3A_285] : memref<10000x128xf32, #tpu.memory_space<hbm>> -> memref<10000x128xf32, #tpu.memory_space<hbm>>
      tpu.enqueue_indirect_dma source(%dma_start3A_286 : memref<10000x128xf32, #tpu.memory_space<hbm>>) target(%arg12 : memref<80x128xf32, #tpu.memory_space<vmem>>) offsets(%arg8 : memref<80xi32, #tpu.memory_space<vmem>>) semaphore(%arg18 : memref<!tpu.dma_semaphore, #tpu.memory_space<semaphore_mem>>)
      %dma_start3A_287 = arith.constant 0 : i32
      %dma_start3A_288 = arith.constant 0 : i32
      %dma_start3A_289 = tpu.memref_slice %arg2[%dma_start3A_287, %dma_start3A_288] : memref<10000x128xf32, #tpu.memory_space<hbm>> -> memref<10000x128xf32, #tpu.memory_space<hbm>>
      tpu.enqueue_indirect_dma source(%dma_start3A_289 : memref<10000x128xf32, #tpu.memory_space<hbm>>) target(%arg14 : memref<80x128xf32, #tpu.memory_space<vmem>>) offsets(%arg10 : memref<80xi32, #tpu.memory_space<vmem>>) semaphore(%arg18 : memref<!tpu.dma_semaphore, #tpu.memory_space<semaphore_mem>>)
      %dma_wait3A_290 = arith.constant 0 : i32
      %dma_wait3A_291 = arith.constant 0 : i32
      %dma_wait3A_292 = tpu.memref_slice %arg2[%dma_wait3A_290, %dma_wait3A_291] : memref<10000x128xf32, #tpu.memory_space<hbm>> -> memref<10000x128xf32, #tpu.memory_space<hbm>>
      tpu.wait_indirect_dma semaphore(%arg18 : memref<!tpu.dma_semaphore, #tpu.memory_space<semaphore_mem>>) src(%dma_wait3A_292 : memref<10000x128xf32, #tpu.memory_space<hbm>>) dst(%arg12 : memref<80x128xf32, #tpu.memory_space<vmem>>)
      %dma_wait3A_293 = arith.constant 0 : i32
      %dma_wait3A_294 = arith.constant 0 : i32
      %dma_wait3A_295 = tpu.memref_slice %arg2[%dma_wait3A_293, %dma_wait3A_294] : memref<10000x128xf32, #tpu.memory_space<hbm>> -> memref<10000x128xf32, #tpu.memory_space<hbm>>
      tpu.wait_indirect_dma semaphore(%arg18 : memref<!tpu.dma_semaphore, #tpu.memory_space<semaphore_mem>>) src(%dma_wait3A_295 : memref<10000x128xf32, #tpu.memory_space<hbm>>) dst(%arg14 : memref<80x128xf32, #tpu.memory_space<vmem>>)
      %add3A_296 = arith.constant 2 : i32
      %add3A_297 = arith.addi %add3A_263, %add3A_296 : i32
      %mul3A_298 = arith.constant 80 : i32
      %mul3A_299 = arith.muli %add3A_297, %mul3A_298 : i32
      %add3A_300 = arith.addi %add3A_4, %mul3A_299 : i32
      %dma_start3A_301 = tpu.memref_slice %arg3[%add3A_300] : memref<102400xi32, #tpu.memory_space<hbm>> -> memref<80xi32, #tpu.memory_space<hbm>>
      %dma_start3A_302 = tpu.memref_slice %arg3[%add3A_300] : memref<102400xi32, #tpu.memory_space<hbm>> -> memref<80xi32, #tpu.memory_space<hbm>>
      tpu.enqueue_dma source(%dma_start3A_302 : memref<80xi32, #tpu.memory_space<hbm>>) target(%arg8 : memref<80xi32, #tpu.memory_space<vmem>>) target_semaphore(%arg16 : memref<!tpu.dma_semaphore, #tpu.memory_space<semaphore_mem>>)
      %dma_start3A_303 = tpu.memref_slice %arg4[%add3A_300] : memref<102400xi32, #tpu.memory_space<hbm>> -> memref<80xi32, #tpu.memory_space<hbm>>
      %dma_start3A_304 = tpu.memref_slice %arg4[%add3A_300] : memref<102400xi32, #tpu.memory_space<hbm>> -> memref<80xi32, #tpu.memory_space<hbm>>
      tpu.enqueue_dma source(%dma_start3A_304 : memref<80xi32, #tpu.memory_space<hbm>>) target(%arg10 : memref<80xi32, #tpu.memory_space<vmem>>) target_semaphore(%arg16 : memref<!tpu.dma_semaphore, #tpu.memory_space<semaphore_mem>>)
      %mul3A_305 = arith.constant 80 : i32
      %mul3A_306 = arith.muli %add3A_263, %mul3A_305 : i32
      %add3A_307 = arith.addi %mul3A_6, %mul3A_306 : i32
      %dma_start3A_308 = arith.constant 0 : i32
      %dma_start3A_309 = tpu.memref_slice %arg5[%add3A_307, %dma_start3A_308] : memref<51200x128xf32, #tpu.memory_space<hbm>> -> memref<80x128xf32, #tpu.memory_space<hbm>>
      %dma_start3A_310 = arith.constant 0 : i32
      %dma_start3A_311 = tpu.memref_slice %arg5[%add3A_307, %dma_start3A_310] : memref<51200x128xf32, #tpu.memory_space<hbm>> -> memref<80x128xf32, #tpu.memory_space<hbm>>
      tpu.enqueue_dma source(%arg12 : memref<80x128xf32, #tpu.memory_space<vmem>>) target(%dma_start3A_311 : memref<80x128xf32, #tpu.memory_space<hbm>>) target_semaphore(%arg20 : memref<!tpu.dma_semaphore, #tpu.memory_space<semaphore_mem>>)
      %dma_start3A_312 = arith.constant 0 : i32
      %dma_start3A_313 = tpu.memref_slice %arg6[%add3A_307, %dma_start3A_312] : memref<51200x128xf32, #tpu.memory_space<hbm>> -> memref<80x128xf32, #tpu.memory_space<hbm>>
      %dma_start3A_314 = arith.constant 0 : i32
      %dma_start3A_315 = tpu.memref_slice %arg6[%add3A_307, %dma_start3A_314] : memref<51200x128xf32, #tpu.memory_space<hbm>> -> memref<80x128xf32, #tpu.memory_space<hbm>>
      tpu.enqueue_dma source(%arg14 : memref<80x128xf32, #tpu.memory_space<vmem>>) target(%dma_start3A_315 : memref<80x128xf32, #tpu.memory_space<hbm>>) target_semaphore(%arg20 : memref<!tpu.dma_semaphore, #tpu.memory_space<semaphore_mem>>)
    }
    %scan3A_92 = arith.constant 8 : i32
    %dma_wait3A_93 = arith.constant 0 : i32
    %dma_wait3A_94 = tpu.memref_slice %arg3[%dma_wait3A_93] : memref<102400xi32, #tpu.memory_space<hbm>> -> memref<80xi32, #tpu.memory_space<hbm>>
    %dma_wait3A_95 = arith.constant 0 : i32
    %dma_wait3A_96 = tpu.memref_slice %arg3[%dma_wait3A_95] : memref<102400xi32, #tpu.memory_space<hbm>> -> memref<80xi32, #tpu.memory_space<hbm>>
    tpu.wait_dma2 semaphore(%arg15 : memref<!tpu.dma_semaphore, #tpu.memory_space<semaphore_mem>>) src(%dma_wait3A_96 : memref<80xi32, #tpu.memory_space<hbm>>) dst(%arg7 : memref<80xi32, #tpu.memory_space<vmem>>)
    %dma_wait3A_97 = arith.constant 0 : i32
    %dma_wait3A_98 = tpu.memref_slice %arg4[%dma_wait3A_97] : memref<102400xi32, #tpu.memory_space<hbm>> -> memref<80xi32, #tpu.memory_space<hbm>>
    %dma_wait3A_99 = arith.constant 0 : i32
    %dma_wait3A_100 = tpu.memref_slice %arg4[%dma_wait3A_99] : memref<102400xi32, #tpu.memory_space<hbm>> -> memref<80xi32, #tpu.memory_space<hbm>>
    tpu.wait_dma2 semaphore(%arg15 : memref<!tpu.dma_semaphore, #tpu.memory_space<semaphore_mem>>) src(%dma_wait3A_100 : memref<80xi32, #tpu.memory_space<hbm>>) dst(%arg9 : memref<80xi32, #tpu.memory_space<vmem>>)
    %dma_wait3A_101 = arith.constant 0 : i32
    %dma_wait3A_102 = arith.constant 0 : i32
    %dma_wait3A_103 = tpu.memref_slice %arg5[%dma_wait3A_101, %dma_wait3A_102] : memref<51200x128xf32, #tpu.memory_space<hbm>> -> memref<80x128xf32, #tpu.memory_space<hbm>>
    %dma_wait3A_104 = arith.constant 0 : i32
    %dma_wait3A_105 = arith.constant 0 : i32
    %dma_wait3A_106 = tpu.memref_slice %arg5[%dma_wait3A_104, %dma_wait3A_105] : memref<51200x128xf32, #tpu.memory_space<hbm>> -> memref<80x128xf32, #tpu.memory_space<hbm>>
    tpu.wait_dma2 semaphore(%arg19 : memref<!tpu.dma_semaphore, #tpu.memory_space<semaphore_mem>>) src(%arg11 : memref<80x128xf32, #tpu.memory_space<vmem>>) dst(%dma_wait3A_106 : memref<80x128xf32, #tpu.memory_space<hbm>>)
    %dma_wait3A_107 = arith.constant 0 : i32
    %dma_wait3A_108 = arith.constant 0 : i32
    %dma_wait3A_109 = tpu.memref_slice %arg6[%dma_wait3A_107, %dma_wait3A_108] : memref<51200x128xf32, #tpu.memory_space<hbm>> -> memref<80x128xf32, #tpu.memory_space<hbm>>
    %dma_wait3A_110 = arith.constant 0 : i32
    %dma_wait3A_111 = arith.constant 0 : i32
    %dma_wait3A_112 = tpu.memref_slice %arg6[%dma_wait3A_110, %dma_wait3A_111] : memref<51200x128xf32, #tpu.memory_space<hbm>> -> memref<80x128xf32, #tpu.memory_space<hbm>>
    tpu.wait_dma2 semaphore(%arg19 : memref<!tpu.dma_semaphore, #tpu.memory_space<semaphore_mem>>) src(%arg13 : memref<80x128xf32, #tpu.memory_space<vmem>>) dst(%dma_wait3A_112 : memref<80x128xf32, #tpu.memory_space<hbm>>)
    %dma_start3A_113 = arith.constant 0 : i32
    %dma_start3A_114 = arith.constant 0 : i32
    %dma_start3A_115 = tpu.memref_slice %arg2[%dma_start3A_113, %dma_start3A_114] : memref<10000x128xf32, #tpu.memory_space<hbm>> -> memref<10000x128xf32, #tpu.memory_space<hbm>>
    tpu.enqueue_indirect_dma source(%dma_start3A_115 : memref<10000x128xf32, #tpu.memory_space<hbm>>) target(%arg11 : memref<80x128xf32, #tpu.memory_space<vmem>>) offsets(%arg7 : memref<80xi32, #tpu.memory_space<vmem>>) semaphore(%arg17 : memref<!tpu.dma_semaphore, #tpu.memory_space<semaphore_mem>>)
    %dma_start3A_116 = arith.constant 0 : i32
    %dma_start3A_117 = arith.constant 0 : i32
    %dma_start3A_118 = tpu.memref_slice %arg2[%dma_start3A_116, %dma_start3A_117] : memref<10000x128xf32, #tpu.memory_space<hbm>> -> memref<10000x128xf32, #tpu.memory_space<hbm>>
    tpu.enqueue_indirect_dma source(%dma_start3A_118 : memref<10000x128xf32, #tpu.memory_space<hbm>>) target(%arg13 : memref<80x128xf32, #tpu.memory_space<vmem>>) offsets(%arg9 : memref<80xi32, #tpu.memory_space<vmem>>) semaphore(%arg17 : memref<!tpu.dma_semaphore, #tpu.memory_space<semaphore_mem>>)
    %dma_wait3A_119 = arith.constant 0 : i32
    %dma_wait3A_120 = arith.constant 0 : i32
    %dma_wait3A_121 = tpu.memref_slice %arg2[%dma_wait3A_119, %dma_wait3A_120] : memref<10000x128xf32, #tpu.memory_space<hbm>> -> memref<10000x128xf32, #tpu.memory_space<hbm>>
    tpu.wait_indirect_dma semaphore(%arg17 : memref<!tpu.dma_semaphore, #tpu.memory_space<semaphore_mem>>) src(%dma_wait3A_121 : memref<10000x128xf32, #tpu.memory_space<hbm>>) dst(%arg11 : memref<80x128xf32, #tpu.memory_space<vmem>>)
    %dma_wait3A_122 = arith.constant 0 : i32
    %dma_wait3A_123 = arith.constant 0 : i32
    %dma_wait3A_124 = tpu.memref_slice %arg2[%dma_wait3A_122, %dma_wait3A_123] : memref<10000x128xf32, #tpu.memory_space<hbm>> -> memref<10000x128xf32, #tpu.memory_space<hbm>>
    tpu.wait_indirect_dma semaphore(%arg17 : memref<!tpu.dma_semaphore, #tpu.memory_space<semaphore_mem>>) src(%dma_wait3A_124 : memref<10000x128xf32, #tpu.memory_space<hbm>>) dst(%arg13 : memref<80x128xf32, #tpu.memory_space<vmem>>)
    %add3A_125 = arith.constant 1440 : i32
    %add3A_126 = arith.addi %mul3A_6, %add3A_125 : i32
    %dma_start3A_127 = arith.constant 0 : i32
    %dma_start3A_128 = tpu.memref_slice %arg5[%add3A_126, %dma_start3A_127] : memref<51200x128xf32, #tpu.memory_space<hbm>> -> memref<80x128xf32, #tpu.memory_space<hbm>>
    %dma_start3A_129 = arith.constant 0 : i32
    %dma_start3A_130 = tpu.memref_slice %arg5[%add3A_126, %dma_start3A_129] : memref<51200x128xf32, #tpu.memory_space<hbm>> -> memref<80x128xf32, #tpu.memory_space<hbm>>
    tpu.enqueue_dma source(%arg11 : memref<80x128xf32, #tpu.memory_space<vmem>>) target(%dma_start3A_130 : memref<80x128xf32, #tpu.memory_space<hbm>>) target_semaphore(%arg19 : memref<!tpu.dma_semaphore, #tpu.memory_space<semaphore_mem>>)
    %dma_start3A_131 = arith.constant 0 : i32
    %dma_start3A_132 = tpu.memref_slice %arg6[%add3A_126, %dma_start3A_131] : memref<51200x128xf32, #tpu.memory_space<hbm>> -> memref<80x128xf32, #tpu.memory_space<hbm>>
    %dma_start3A_133 = arith.constant 0 : i32
    %dma_start3A_134 = tpu.memref_slice %arg6[%add3A_126, %dma_start3A_133] : memref<51200x128xf32, #tpu.memory_space<hbm>> -> memref<80x128xf32, #tpu.memory_space<hbm>>
    tpu.enqueue_dma source(%arg13 : memref<80x128xf32, #tpu.memory_space<vmem>>) target(%dma_start3A_134 : memref<80x128xf32, #tpu.memory_space<hbm>>) target_semaphore(%arg19 : memref<!tpu.dma_semaphore, #tpu.memory_space<semaphore_mem>>)
    %dma_wait3A_135 = arith.constant 0 : i32
    %dma_wait3A_136 = tpu.memref_slice %arg3[%dma_wait3A_135] : memref<102400xi32, #tpu.memory_space<hbm>> -> memref<80xi32, #tpu.memory_space<hbm>>
    %dma_wait3A_137 = arith.constant 0 : i32
    %dma_wait3A_138 = tpu.memref_slice %arg3[%dma_wait3A_137] : memref<102400xi32, #tpu.memory_space<hbm>> -> memref<80xi32, #tpu.memory_space<hbm>>
    tpu.wait_dma2 semaphore(%arg16 : memref<!tpu.dma_semaphore, #tpu.memory_space<semaphore_mem>>) src(%dma_wait3A_138 : memref<80xi32, #tpu.memory_space<hbm>>) dst(%arg8 : memref<80xi32, #tpu.memory_space<vmem>>)
    %dma_wait3A_139 = arith.constant 0 : i32
    %dma_wait3A_140 = tpu.memref_slice %arg4[%dma_wait3A_139] : memref<102400xi32, #tpu.memory_space<hbm>> -> memref<80xi32, #tpu.memory_space<hbm>>
    %dma_wait3A_141 = arith.constant 0 : i32
    %dma_wait3A_142 = tpu.memref_slice %arg4[%dma_wait3A_141] : memref<102400xi32, #tpu.memory_space<hbm>> -> memref<80xi32, #tpu.memory_space<hbm>>
    tpu.wait_dma2 semaphore(%arg16 : memref<!tpu.dma_semaphore, #tpu.memory_space<semaphore_mem>>) src(%dma_wait3A_142 : memref<80xi32, #tpu.memory_space<hbm>>) dst(%arg10 : memref<80xi32, #tpu.memory_space<vmem>>)
    %dma_wait3A_143 = arith.constant 0 : i32
    %dma_wait3A_144 = arith.constant 0 : i32
    %dma_wait3A_145 = tpu.memref_slice %arg5[%dma_wait3A_143, %dma_wait3A_144] : memref<51200x128xf32, #tpu.memory_space<hbm>> -> memref<80x128xf32, #tpu.memory_space<hbm>>
    %dma_wait3A_146 = arith.constant 0 : i32
    %dma_wait3A_147 = arith.constant 0 : i32
    %dma_wait3A_148 = tpu.memref_slice %arg5[%dma_wait3A_146, %dma_wait3A_147] : memref<51200x128xf32, #tpu.memory_space<hbm>> -> memref<80x128xf32, #tpu.memory_space<hbm>>
    tpu.wait_dma2 semaphore(%arg20 : memref<!tpu.dma_semaphore, #tpu.memory_space<semaphore_mem>>) src(%arg12 : memref<80x128xf32, #tpu.memory_space<vmem>>) dst(%dma_wait3A_148 : memref<80x128xf32, #tpu.memory_space<hbm>>)
    %dma_wait3A_149 = arith.constant 0 : i32
    %dma_wait3A_150 = arith.constant 0 : i32
    %dma_wait3A_151 = tpu.memref_slice %arg6[%dma_wait3A_149, %dma_wait3A_150] : memref<51200x128xf32, #tpu.memory_space<hbm>> -> memref<80x128xf32, #tpu.memory_space<hbm>>
    %dma_wait3A_152 = arith.constant 0 : i32
    %dma_wait3A_153 = arith.constant 0 : i32
    %dma_wait3A_154 = tpu.memref_slice %arg6[%dma_wait3A_152, %dma_wait3A_153] : memref<51200x128xf32, #tpu.memory_space<hbm>> -> memref<80x128xf32, #tpu.memory_space<hbm>>
    tpu.wait_dma2 semaphore(%arg20 : memref<!tpu.dma_semaphore, #tpu.memory_space<semaphore_mem>>) src(%arg14 : memref<80x128xf32, #tpu.memory_space<vmem>>) dst(%dma_wait3A_154 : memref<80x128xf32, #tpu.memory_space<hbm>>)
    %dma_start3A_155 = arith.constant 0 : i32
    %dma_start3A_156 = arith.constant 0 : i32
    %dma_start3A_157 = tpu.memref_slice %arg2[%dma_start3A_155, %dma_start3A_156] : memref<10000x128xf32, #tpu.memory_space<hbm>> -> memref<10000x128xf32, #tpu.memory_space<hbm>>
    tpu.enqueue_indirect_dma source(%dma_start3A_157 : memref<10000x128xf32, #tpu.memory_space<hbm>>) target(%arg12 : memref<80x128xf32, #tpu.memory_space<vmem>>) offsets(%arg8 : memref<80xi32, #tpu.memory_space<vmem>>) semaphore(%arg18 : memref<!tpu.dma_semaphore, #tpu.memory_space<semaphore_mem>>)
    %dma_start3A_158 = arith.constant 0 : i32
    %dma_start3A_159 = arith.constant 0 : i32
    %dma_start3A_160 = tpu.memref_slice %arg2[%dma_start3A_158, %dma_start3A_159] : memref<10000x128xf32, #tpu.memory_space<hbm>> -> memref<10000x128xf32, #tpu.memory_space<hbm>>
    tpu.enqueue_indirect_dma source(%dma_start3A_160 : memref<10000x128xf32, #tpu.memory_space<hbm>>) target(%arg14 : memref<80x128xf32, #tpu.memory_space<vmem>>) offsets(%arg10 : memref<80xi32, #tpu.memory_space<vmem>>) semaphore(%arg18 : memref<!tpu.dma_semaphore, #tpu.memory_space<semaphore_mem>>)
    %dma_wait3A_161 = arith.constant 0 : i32
    %dma_wait3A_162 = arith.constant 0 : i32
    %dma_wait3A_163 = tpu.memref_slice %arg2[%dma_wait3A_161, %dma_wait3A_162] : memref<10000x128xf32, #tpu.memory_space<hbm>> -> memref<10000x128xf32, #tpu.memory_space<hbm>>
    tpu.wait_indirect_dma semaphore(%arg18 : memref<!tpu.dma_semaphore, #tpu.memory_space<semaphore_mem>>) src(%dma_wait3A_163 : memref<10000x128xf32, #tpu.memory_space<hbm>>) dst(%arg12 : memref<80x128xf32, #tpu.memory_space<vmem>>)
    %dma_wait3A_164 = arith.constant 0 : i32
    %dma_wait3A_165 = arith.constant 0 : i32
    %dma_wait3A_166 = tpu.memref_slice %arg2[%dma_wait3A_164, %dma_wait3A_165] : memref<10000x128xf32, #tpu.memory_space<hbm>> -> memref<10000x128xf32, #tpu.memory_space<hbm>>
    tpu.wait_indirect_dma semaphore(%arg18 : memref<!tpu.dma_semaphore, #tpu.memory_space<semaphore_mem>>) src(%dma_wait3A_166 : memref<10000x128xf32, #tpu.memory_space<hbm>>) dst(%arg14 : memref<80x128xf32, #tpu.memory_space<vmem>>)
    %add3A_167 = arith.constant 1520 : i32
    %add3A_168 = arith.addi %mul3A_6, %add3A_167 : i32
    %dma_start3A_169 = arith.constant 0 : i32
    %dma_start3A_170 = tpu.memref_slice %arg5[%add3A_168, %dma_start3A_169] : memref<51200x128xf32, #tpu.memory_space<hbm>> -> memref<80x128xf32, #tpu.memory_space<hbm>>
    %dma_start3A_171 = arith.constant 0 : i32
    %dma_start3A_172 = tpu.memref_slice %arg5[%add3A_168, %dma_start3A_171] : memref<51200x128xf32, #tpu.memory_space<hbm>> -> memref<80x128xf32, #tpu.memory_space<hbm>>
    tpu.enqueue_dma source(%arg12 : memref<80x128xf32, #tpu.memory_space<vmem>>) target(%dma_start3A_172 : memref<80x128xf32, #tpu.memory_space<hbm>>) target_semaphore(%arg20 : memref<!tpu.dma_semaphore, #tpu.memory_space<semaphore_mem>>)
    %dma_start3A_173 = arith.constant 0 : i32
    %dma_start3A_174 = tpu.memref_slice %arg6[%add3A_168, %dma_start3A_173] : memref<51200x128xf32, #tpu.memory_space<hbm>> -> memref<80x128xf32, #tpu.memory_space<hbm>>
    %dma_start3A_175 = arith.constant 0 : i32
    %dma_start3A_176 = tpu.memref_slice %arg6[%add3A_168, %dma_start3A_175] : memref<51200x128xf32, #tpu.memory_space<hbm>> -> memref<80x128xf32, #tpu.memory_space<hbm>>
    tpu.enqueue_dma source(%arg14 : memref<80x128xf32, #tpu.memory_space<vmem>>) target(%dma_start3A_176 : memref<80x128xf32, #tpu.memory_space<hbm>>) target_semaphore(%arg20 : memref<!tpu.dma_semaphore, #tpu.memory_space<semaphore_mem>>)
    %dma_wait3A_177 = arith.constant 0 : i32
    %dma_wait3A_178 = arith.constant 0 : i32
    %dma_wait3A_179 = tpu.memref_slice %arg5[%dma_wait3A_177, %dma_wait3A_178] : memref<51200x128xf32, #tpu.memory_space<hbm>> -> memref<80x128xf32, #tpu.memory_space<hbm>>
    %dma_wait3A_180 = arith.constant 0 : i32
    %dma_wait3A_181 = arith.constant 0 : i32
    %dma_wait3A_182 = tpu.memref_slice %arg5[%dma_wait3A_180, %dma_wait3A_181] : memref<51200x128xf32, #tpu.memory_space<hbm>> -> memref<80x128xf32, #tpu.memory_space<hbm>>
    tpu.wait_dma2 semaphore(%arg19 : memref<!tpu.dma_semaphore, #tpu.memory_space<semaphore_mem>>) src(%arg11 : memref<80x128xf32, #tpu.memory_space<vmem>>) dst(%dma_wait3A_182 : memref<80x128xf32, #tpu.memory_space<hbm>>)
    %dma_wait3A_183 = arith.constant 0 : i32
    %dma_wait3A_184 = arith.constant 0 : i32
    %dma_wait3A_185 = tpu.memref_slice %arg6[%dma_wait3A_183, %dma_wait3A_184] : memref<51200x128xf32, #tpu.memory_space<hbm>> -> memref<80x128xf32, #tpu.memory_space<hbm>>
    %dma_wait3A_186 = arith.constant 0 : i32
    %dma_wait3A_187 = arith.constant 0 : i32
    %dma_wait3A_188 = tpu.memref_slice %arg6[%dma_wait3A_186, %dma_wait3A_187] : memref<51200x128xf32, #tpu.memory_space<hbm>> -> memref<80x128xf32, #tpu.memory_space<hbm>>
    tpu.wait_dma2 semaphore(%arg19 : memref<!tpu.dma_semaphore, #tpu.memory_space<semaphore_mem>>) src(%arg13 : memref<80x128xf32, #tpu.memory_space<vmem>>) dst(%dma_wait3A_188 : memref<80x128xf32, #tpu.memory_space<hbm>>)
    %dma_wait3A_189 = arith.constant 0 : i32
    %dma_wait3A_190 = arith.constant 0 : i32
    %dma_wait3A_191 = tpu.memref_slice %arg5[%dma_wait3A_189, %dma_wait3A_190] : memref<51200x128xf32, #tpu.memory_space<hbm>> -> memref<80x128xf32, #tpu.memory_space<hbm>>
    %dma_wait3A_192 = arith.constant 0 : i32
    %dma_wait3A_193 = arith.constant 0 : i32
    %dma_wait3A_194 = tpu.memref_slice %arg5[%dma_wait3A_192, %dma_wait3A_193] : memref<51200x128xf32, #tpu.memory_space<hbm>> -> memref<80x128xf32, #tpu.memory_space<hbm>>
    tpu.wait_dma2 semaphore(%arg20 : memref<!tpu.dma_semaphore, #tpu.memory_space<semaphore_mem>>) src(%arg12 : memref<80x128xf32, #tpu.memory_space<vmem>>) dst(%dma_wait3A_194 : memref<80x128xf32, #tpu.memory_space<hbm>>)
    %dma_wait3A_195 = arith.constant 0 : i32
    %dma_wait3A_196 = arith.constant 0 : i32
    %dma_wait3A_197 = tpu.memref_slice %arg6[%dma_wait3A_195, %dma_wait3A_196] : memref<51200x128xf32, #tpu.memory_space<hbm>> -> memref<80x128xf32, #tpu.memory_space<hbm>>
    %dma_wait3A_198 = arith.constant 0 : i32
    %dma_wait3A_199 = arith.constant 0 : i32
    %dma_wait3A_200 = tpu.memref_slice %arg6[%dma_wait3A_198, %dma_wait3A_199] : memref<51200x128xf32, #tpu.memory_space<hbm>> -> memref<80x128xf32, #tpu.memory_space<hbm>>
    tpu.wait_dma2 semaphore(%arg20 : memref<!tpu.dma_semaphore, #tpu.memory_space<semaphore_mem>>) src(%arg14 : memref<80x128xf32, #tpu.memory_space<vmem>>) dst(%dma_wait3A_200 : memref<80x128xf32, #tpu.memory_space<hbm>>)
    return
  }
}

#map = affine_map<(d0, d1) -> (0)>
#map1 = affine_map<(d0, d1) -> (0, 0)>
#map2 = affine_map<(d0, d1) -> (0, 0, 0)>
module attributes {stable_mosaic.version = 14 : i64} {
  func.func @body(%arg0: i32, %arg1: i32, %arg2: memref<320000xi32, #tpu.memory_space<hbm>>, %arg3: memref<320000xi32, #tpu.memory_space<hbm>>, %arg4: memref<10000x128xf32, #tpu.memory_space<hbm>>, %arg5: memref<2x10000x128xf32, #tpu.memory_space<hbm>>, %arg6: memref<32x10000xf32, #tpu.memory_space<hbm>>, %arg7: memref<80xi32, #tpu.memory_space<vmem>>, %arg8: memref<80xi32, #tpu.memory_space<vmem>>, %arg9: memref<80xi32, #tpu.memory_space<vmem>>, %arg10: memref<80xi32, #tpu.memory_space<vmem>>, %arg11: memref<80xi32, #tpu.memory_space<vmem>>, %arg12: memref<80xi32, #tpu.memory_space<vmem>>, %arg13: memref<80xi32, #tpu.memory_space<vmem>>, %arg14: memref<80xi32, #tpu.memory_space<vmem>>, %arg15: memref<80x128xf32, #tpu.memory_space<vmem>>, %arg16: memref<80x128xf32, #tpu.memory_space<vmem>>, %arg17: memref<8x128xf32, #tpu.memory_space<vmem>>, %arg18: memref<10000x128xf32, #tpu.memory_space<vmem_shared>>, %arg19: memref<!tpu.dma_semaphore, #tpu.memory_space<semaphore_mem>>, %arg20: memref<!tpu.dma_semaphore, #tpu.memory_space<semaphore_mem>>, %arg21: memref<!tpu.dma_semaphore, #tpu.memory_space<semaphore_mem>>, %arg22: memref<!tpu.dma_semaphore, #tpu.memory_space<semaphore_mem>>, %arg23: memref<!tpu.dma_semaphore, #tpu.memory_space<semaphore_mem>>, %arg24: memref<!tpu.dma_semaphore, #tpu.memory_space<semaphore_mem>>, %arg25: memref<!tpu.dma_semaphore, #tpu.memory_space<semaphore_mem>>, %arg26: memref<!tpu.dma_semaphore, #tpu.memory_space<semaphore_mem>>, %arg27: memref<!tpu.dma_semaphore, #tpu.memory_space<semaphore_mem>>, %arg28: memref<10000xf32, #tpu.memory_space<vmem>>) attributes {dimension_semantics = [#tpu.dimension_semantics<core_parallel>, #tpu.dimension_semantics<subcore_parallel>], iteration_bounds = array<i64: 2, 16>, scalar_prefetch = 0 : i64, scratch_operands = 22 : i64, tpu.core_type = #tpu.core_type<sc_vector_subcore>, window_params = [{transform_indices = #map}, {transform_indices = #map}, {transform_indices = #map1}, {transform_indices = #map2}, {transform_indices = #map1}]} {
    %mul3A = arith.constant 2 : i32
    %mul3A_0 = arith.muli %arg1, %mul3A : i32
    %add3A = arith.addi %mul3A_0, %arg0 : i32
    %broadcast_in_dim3A = arith.constant 0.000000e+00 : f32
    %broadcast_in_dim3A_1 = vector.broadcast %broadcast_in_dim3A : f32 to vector<16xf32>
    %broadcast_in_dim3A_2 = arith.constant 1.000000e+00 : f32
    %broadcast_in_dim3A_3 = vector.broadcast %broadcast_in_dim3A_2 : f32 to vector<16xf32>
    %scan3A = arith.constant 0 : i32
    %scan3A_4 = arith.constant 8 : i32
    %scan3A_5 = arith.addi %scan3A, %scan3A_4 : i32
    %scan3A_6 = arith.constant 1 : i32
    scf.for %scan3A_222 = %scan3A to %scan3A_5 step %scan3A_6  : i32 {
      %mul3A_223 = arith.constant 1 : i32
      %mul3A_224 = arith.muli %scan3A_222, %mul3A_223 : i32
      %add3A_225 = arith.constant 0 : i32
      %add3A_226 = arith.addi %add3A_225, %mul3A_224 : i32
      %scan3A_227 = arith.constant 0 : i32
      %scan3A_228 = arith.constant 8 : i32
      %scan3A_229 = arith.addi %scan3A_227, %scan3A_228 : i32
      %scan3A_230 = arith.constant 1 : i32
      scf.for %scan3A_232 = %scan3A_227 to %scan3A_229 step %scan3A_230  : i32 {
        %mul3A_233 = arith.constant 16 : i32
        %mul3A_234 = arith.muli %scan3A_232, %mul3A_233 : i32
        %add3A_235 = arith.constant 0 : i32
        %add3A_236 = arith.addi %add3A_235, %mul3A_234 : i32
        %swap3A = arith.index_cast %add3A_226 : i32 to index
        %swap3A_237 = arith.index_cast %add3A_236 : i32 to index
        %swap3A_238 = tpu.vector_load %arg17[%swap3A, %swap3A_237] {strides = array<i32>} : memref<8x128xf32, #tpu.memory_space<vmem>>, vector<16xf32>,
        tpu.vector_store %arg17[%swap3A, %swap3A_237], %broadcast_in_dim3A_1 {strides = array<i32>} : memref<8x128xf32, #tpu.memory_space<vmem>>, vector<16xf32>,
      }
      %scan3A_231 = arith.constant 8 : i32
    }
    %scan3A_7 = arith.constant 8 : i32
    %scan3A_8 = arith.constant 0 : i32
    %scan3A_9 = arith.constant 625 : i32
    %scan3A_10 = arith.addi %scan3A_8, %scan3A_9 : i32
    %scan3A_11 = arith.constant 1 : i32
    scf.for %scan3A_222 = %scan3A_8 to %scan3A_10 step %scan3A_11  : i32 {
      %mul3A_223 = arith.constant 16 : i32
      %mul3A_224 = arith.muli %scan3A_222, %mul3A_223 : i32
      %add3A_225 = arith.constant 0 : i32
      %add3A_226 = arith.addi %add3A_225, %mul3A_224 : i32
      %swap3A = arith.index_cast %add3A_226 : i32 to index
      %swap3A_227 = tpu.vector_load %arg28[%swap3A] {strides = array<i32>} : memref<10000xf32, #tpu.memory_space<vmem>>, vector<16xf32>,
      tpu.vector_store %arg28[%swap3A], %broadcast_in_dim3A_1 {strides = array<i32>} : memref<10000xf32, #tpu.memory_space<vmem>>, vector<16xf32>,
    }
    %scan3A_12 = arith.constant 625 : i32
    %mul3A_13 = arith.constant 624 : i32
    %mul3A_14 = arith.muli %arg1, %mul3A_13 : i32
    %scan3A_15 = arith.constant 0 : i32
    %scan3A_16 = arith.constant 78 : i32
    %scan3A_17 = arith.addi %scan3A_15, %scan3A_16 : i32
    %scan3A_18 = arith.constant 1 : i32
    scf.for %scan3A_222 = %scan3A_15 to %scan3A_17 step %scan3A_18  : i32 {
      %mul3A_223 = arith.constant 1 : i32
      %mul3A_224 = arith.muli %scan3A_222, %mul3A_223 : i32
      %add3A_225 = arith.constant 0 : i32
      %add3A_226 = arith.addi %add3A_225, %mul3A_224 : i32
      %mul3A_227 = arith.constant 8 : i32
      %mul3A_228 = arith.muli %add3A_226, %mul3A_227 : i32
      %add3A_229 = arith.addi %mul3A_14, %mul3A_228 : i32
      %dma_start3A_230 = arith.constant 0 : i32
      %dma_start3A_231 = tpu.memref_slice %arg18[%add3A_229, %dma_start3A_230] : memref<10000x128xf32, #tpu.memory_space<vmem_shared>> -> memref<8x128xf32, #tpu.memory_space<vmem_shared>>
      %dma_start3A_232 = arith.constant 0 : i32
      %dma_start3A_233 = tpu.memref_slice %arg18[%add3A_229, %dma_start3A_232] : memref<10000x128xf32, #tpu.memory_space<vmem_shared>> -> memref<8x128xf32, #tpu.memory_space<vmem_shared>>
      tpu.enqueue_dma source(%arg17 : memref<8x128xf32, #tpu.memory_space<vmem>>) target(%dma_start3A_233 : memref<8x128xf32, #tpu.memory_space<vmem_shared>>) target_semaphore(%arg27 : memref<!tpu.dma_semaphore, #tpu.memory_space<semaphore_mem>>)
    }
    %scan3A_19 = arith.constant 78 : i32
    %eq3A = arith.constant 0 : i32
    %eq3A_20 = arith.cmpi eq, %arg1, %eq3A : i32
    %convert_element_type3A = arith.extui %eq3A_20 : i1 to i32
    %cond3A = arith.constant 0 : i32
    %cond3A_21 = arith.cmpi ne, %convert_element_type3A, %cond3A : i32
    scf.if %cond3A_21 {
      %dma_start3A_222 = arith.constant 9984 : i32
      %dma_start3A_223 = arith.constant 0 : i32
      %dma_start3A_224 = tpu.memref_slice %arg18[%dma_start3A_222, %dma_start3A_223] : memref<10000x128xf32, #tpu.memory_space<vmem_shared>> -> memref<8x128xf32, #tpu.memory_space<vmem_shared>>
      %dma_start3A_225 = arith.constant 9984 : i32
      %dma_start3A_226 = arith.constant 0 : i32
      %dma_start3A_227 = tpu.memref_slice %arg18[%dma_start3A_225, %dma_start3A_226] : memref<10000x128xf32, #tpu.memory_space<vmem_shared>> -> memref<8x128xf32, #tpu.memory_space<vmem_shared>>
      tpu.enqueue_dma source(%arg17 : memref<8x128xf32, #tpu.memory_space<vmem>>) target(%dma_start3A_227 : memref<8x128xf32, #tpu.memory_space<vmem_shared>>) target_semaphore(%arg27 : memref<!tpu.dma_semaphore, #tpu.memory_space<semaphore_mem>>)
      %dma_start3A_228 = arith.constant 9992 : i32
      %dma_start3A_229 = arith.constant 0 : i32
      %dma_start3A_230 = tpu.memref_slice %arg18[%dma_start3A_228, %dma_start3A_229] : memref<10000x128xf32, #tpu.memory_space<vmem_shared>> -> memref<8x128xf32, #tpu.memory_space<vmem_shared>>
      %dma_start3A_231 = arith.constant 9992 : i32
      %dma_start3A_232 = arith.constant 0 : i32
      %dma_start3A_233 = tpu.memref_slice %arg18[%dma_start3A_231, %dma_start3A_232] : memref<10000x128xf32, #tpu.memory_space<vmem_shared>> -> memref<8x128xf32, #tpu.memory_space<vmem_shared>>
      tpu.enqueue_dma source(%arg17 : memref<8x128xf32, #tpu.memory_space<vmem>>) target(%dma_start3A_233 : memref<8x128xf32, #tpu.memory_space<vmem_shared>>) target_semaphore(%arg27 : memref<!tpu.dma_semaphore, #tpu.memory_space<semaphore_mem>>)
    } else {
    }
    %scan3A_22 = arith.constant 0 : i32
    %scan3A_23 = arith.constant 78 : i32
    %scan3A_24 = arith.addi %scan3A_22, %scan3A_23 : i32
    %scan3A_25 = arith.constant 1 : i32
    scf.for %scan3A_222 = %scan3A_22 to %scan3A_24 step %scan3A_25  : i32 {
      %mul3A_223 = arith.constant 1 : i32
      %mul3A_224 = arith.muli %scan3A_222, %mul3A_223 : i32
      %add3A_225 = arith.constant 0 : i32
      %add3A_226 = arith.addi %add3A_225, %mul3A_224 : i32
      %dma_wait3A_227 = arith.constant 0 : i32
      %dma_wait3A_228 = arith.constant 0 : i32
      %dma_wait3A_229 = tpu.memref_slice %arg18[%dma_wait3A_227, %dma_wait3A_228] : memref<10000x128xf32, #tpu.memory_space<vmem_shared>> -> memref<8x128xf32, #tpu.memory_space<vmem_shared>>
      %dma_wait3A_230 = arith.constant 0 : i32
      %dma_wait3A_231 = arith.constant 0 : i32
      %dma_wait3A_232 = tpu.memref_slice %arg18[%dma_wait3A_230, %dma_wait3A_231] : memref<10000x128xf32, #tpu.memory_space<vmem_shared>> -> memref<8x128xf32, #tpu.memory_space<vmem_shared>>
      tpu.wait_dma2 semaphore(%arg27 : memref<!tpu.dma_semaphore, #tpu.memory_space<semaphore_mem>>) src(%arg17 : memref<8x128xf32, #tpu.memory_space<vmem>>) dst(%dma_wait3A_232 : memref<8x128xf32, #tpu.memory_space<vmem_shared>>)
    }
    %scan3A_26 = arith.constant 78 : i32
    %eq3A_27 = arith.constant 0 : i32
    %eq3A_28 = arith.cmpi eq, %arg1, %eq3A_27 : i32
    %convert_element_type3A_29 = arith.extui %eq3A_28 : i1 to i32
    %cond3A_30 = arith.constant 0 : i32
    %cond3A_31 = arith.cmpi ne, %convert_element_type3A_29, %cond3A_30 : i32
    scf.if %cond3A_31 {
      %dma_wait3A_222 = arith.constant 0 : i32
      %dma_wait3A_223 = arith.constant 0 : i32
      %dma_wait3A_224 = tpu.memref_slice %arg18[%dma_wait3A_222, %dma_wait3A_223] : memref<10000x128xf32, #tpu.memory_space<vmem_shared>> -> memref<8x128xf32, #tpu.memory_space<vmem_shared>>
      %dma_wait3A_225 = arith.constant 0 : i32
      %dma_wait3A_226 = arith.constant 0 : i32
      %dma_wait3A_227 = tpu.memref_slice %arg18[%dma_wait3A_225, %dma_wait3A_226] : memref<10000x128xf32, #tpu.memory_space<vmem_shared>> -> memref<8x128xf32, #tpu.memory_space<vmem_shared>>
      tpu.wait_dma2 semaphore(%arg27 : memref<!tpu.dma_semaphore, #tpu.memory_space<semaphore_mem>>) src(%arg17 : memref<8x128xf32, #tpu.memory_space<vmem>>) dst(%dma_wait3A_227 : memref<8x128xf32, #tpu.memory_space<vmem_shared>>)
      %dma_wait3A_228 = arith.constant 0 : i32
      %dma_wait3A_229 = arith.constant 0 : i32
      %dma_wait3A_230 = tpu.memref_slice %arg18[%dma_wait3A_228, %dma_wait3A_229] : memref<10000x128xf32, #tpu.memory_space<vmem_shared>> -> memref<8x128xf32, #tpu.memory_space<vmem_shared>>
      %dma_wait3A_231 = arith.constant 0 : i32
      %dma_wait3A_232 = arith.constant 0 : i32
      %dma_wait3A_233 = tpu.memref_slice %arg18[%dma_wait3A_231, %dma_wait3A_232] : memref<10000x128xf32, #tpu.memory_space<vmem_shared>> -> memref<8x128xf32, #tpu.memory_space<vmem_shared>>
      tpu.wait_dma2 semaphore(%arg27 : memref<!tpu.dma_semaphore, #tpu.memory_space<semaphore_mem>>) src(%arg17 : memref<8x128xf32, #tpu.memory_space<vmem>>) dst(%dma_wait3A_233 : memref<8x128xf32, #tpu.memory_space<vmem_shared>>)
    } else {
    }
    %barrier3A = arith.constant 0 : index
    tpu.barrier barrier_id(%barrier3A)
    %mul3A_32 = arith.constant 10000 : i32
    %mul3A_33 = arith.muli %add3A, %mul3A_32 : i32
    %add3A_34 = arith.constant 0 : i32
    %add3A_35 = arith.addi %mul3A_33, %add3A_34 : i32
    %dma_start3A = tpu.memref_slice %arg2[%add3A_35] : memref<320000xi32, #tpu.memory_space<hbm>> -> memref<80xi32, #tpu.memory_space<hbm>>
    %dma_start3A_36 = tpu.memref_slice %arg2[%add3A_35] : memref<320000xi32, #tpu.memory_space<hbm>> -> memref<80xi32, #tpu.memory_space<hbm>>
    tpu.enqueue_dma source(%dma_start3A_36 : memref<80xi32, #tpu.memory_space<hbm>>) target(%arg7 : memref<80xi32, #tpu.memory_space<vmem>>) target_semaphore(%arg19 : memref<!tpu.dma_semaphore, #tpu.memory_space<semaphore_mem>>)
    %dma_start3A_37 = tpu.memref_slice %arg3[%add3A_35] : memref<320000xi32, #tpu.memory_space<hbm>> -> memref<80xi32, #tpu.memory_space<hbm>>
    %dma_start3A_38 = tpu.memref_slice %arg3[%add3A_35] : memref<320000xi32, #tpu.memory_space<hbm>> -> memref<80xi32, #tpu.memory_space<hbm>>
    tpu.enqueue_dma source(%dma_start3A_38 : memref<80xi32, #tpu.memory_space<hbm>>) target(%arg11 : memref<80xi32, #tpu.memory_space<vmem>>) target_semaphore(%arg19 : memref<!tpu.dma_semaphore, #tpu.memory_space<semaphore_mem>>)
    %add3A_39 = arith.constant 80 : i32
    %add3A_40 = arith.addi %mul3A_33, %add3A_39 : i32
    %dma_start3A_41 = tpu.memref_slice %arg2[%add3A_40] : memref<320000xi32, #tpu.memory_space<hbm>> -> memref<80xi32, #tpu.memory_space<hbm>>
    %dma_start3A_42 = tpu.memref_slice %arg2[%add3A_40] : memref<320000xi32, #tpu.memory_space<hbm>> -> memref<80xi32, #tpu.memory_space<hbm>>
    tpu.enqueue_dma source(%dma_start3A_42 : memref<80xi32, #tpu.memory_space<hbm>>) target(%arg8 : memref<80xi32, #tpu.memory_space<vmem>>) target_semaphore(%arg20 : memref<!tpu.dma_semaphore, #tpu.memory_space<semaphore_mem>>)
    %dma_start3A_43 = tpu.memref_slice %arg3[%add3A_40] : memref<320000xi32, #tpu.memory_space<hbm>> -> memref<80xi32, #tpu.memory_space<hbm>>
    %dma_start3A_44 = tpu.memref_slice %arg3[%add3A_40] : memref<320000xi32, #tpu.memory_space<hbm>> -> memref<80xi32, #tpu.memory_space<hbm>>
    tpu.enqueue_dma source(%dma_start3A_44 : memref<80xi32, #tpu.memory_space<hbm>>) target(%arg12 : memref<80xi32, #tpu.memory_space<vmem>>) target_semaphore(%arg20 : memref<!tpu.dma_semaphore, #tpu.memory_space<semaphore_mem>>)
    %dma_wait3A = arith.constant 0 : i32
    %dma_wait3A_45 = tpu.memref_slice %arg2[%dma_wait3A] : memref<320000xi32, #tpu.memory_space<hbm>> -> memref<80xi32, #tpu.memory_space<hbm>>
    %dma_wait3A_46 = arith.constant 0 : i32
    %dma_wait3A_47 = tpu.memref_slice %arg2[%dma_wait3A_46] : memref<320000xi32, #tpu.memory_space<hbm>> -> memref<80xi32, #tpu.memory_space<hbm>>
    tpu.wait_dma2 semaphore(%arg19 : memref<!tpu.dma_semaphore, #tpu.memory_space<semaphore_mem>>) src(%dma_wait3A_47 : memref<80xi32, #tpu.memory_space<hbm>>) dst(%arg7 : memref<80xi32, #tpu.memory_space<vmem>>)
    %dma_wait3A_48 = arith.constant 0 : i32
    %dma_wait3A_49 = tpu.memref_slice %arg3[%dma_wait3A_48] : memref<320000xi32, #tpu.memory_space<hbm>> -> memref<80xi32, #tpu.memory_space<hbm>>
    %dma_wait3A_50 = arith.constant 0 : i32
    %dma_wait3A_51 = tpu.memref_slice %arg3[%dma_wait3A_50] : memref<320000xi32, #tpu.memory_space<hbm>> -> memref<80xi32, #tpu.memory_space<hbm>>
    tpu.wait_dma2 semaphore(%arg19 : memref<!tpu.dma_semaphore, #tpu.memory_space<semaphore_mem>>) src(%dma_wait3A_51 : memref<80xi32, #tpu.memory_space<hbm>>) dst(%arg11 : memref<80xi32, #tpu.memory_space<vmem>>)
    %add3A_52 = arith.constant 160 : i32
    %add3A_53 = arith.addi %mul3A_33, %add3A_52 : i32
    %dma_start3A_54 = tpu.memref_slice %arg2[%add3A_53] : memref<320000xi32, #tpu.memory_space<hbm>> -> memref<80xi32, #tpu.memory_space<hbm>>
    %dma_start3A_55 = tpu.memref_slice %arg2[%add3A_53] : memref<320000xi32, #tpu.memory_space<hbm>> -> memref<80xi32, #tpu.memory_space<hbm>>
    tpu.enqueue_dma source(%dma_start3A_55 : memref<80xi32, #tpu.memory_space<hbm>>) target(%arg9 : memref<80xi32, #tpu.memory_space<vmem>>) target_semaphore(%arg21 : memref<!tpu.dma_semaphore, #tpu.memory_space<semaphore_mem>>)
    %dma_start3A_56 = tpu.memref_slice %arg3[%add3A_53] : memref<320000xi32, #tpu.memory_space<hbm>> -> memref<80xi32, #tpu.memory_space<hbm>>
    %dma_start3A_57 = tpu.memref_slice %arg3[%add3A_53] : memref<320000xi32, #tpu.memory_space<hbm>> -> memref<80xi32, #tpu.memory_space<hbm>>
    tpu.enqueue_dma source(%dma_start3A_57 : memref<80xi32, #tpu.memory_space<hbm>>) target(%arg13 : memref<80xi32, #tpu.memory_space<vmem>>) target_semaphore(%arg21 : memref<!tpu.dma_semaphore, #tpu.memory_space<semaphore_mem>>)
    %dma_start3A_58 = arith.constant 0 : i32
    %dma_start3A_59 = arith.constant 0 : i32
    %dma_start3A_60 = tpu.memref_slice %arg4[%dma_start3A_58, %dma_start3A_59] : memref<10000x128xf32, #tpu.memory_space<hbm>> -> memref<10000x128xf32, #tpu.memory_space<hbm>>
    tpu.enqueue_indirect_dma source(%dma_start3A_60 : memref<10000x128xf32, #tpu.memory_space<hbm>>) target(%arg15 : memref<80x128xf32, #tpu.memory_space<vmem>>) offsets(%arg7 : memref<80xi32, #tpu.memory_space<vmem>>) semaphore(%arg23 : memref<!tpu.dma_semaphore, #tpu.memory_space<semaphore_mem>>)
    %dma_wait3A_61 = arith.constant 0 : i32
    %dma_wait3A_62 = arith.constant 0 : i32
    %dma_wait3A_63 = tpu.memref_slice %arg4[%dma_wait3A_61, %dma_wait3A_62] : memref<10000x128xf32, #tpu.memory_space<hbm>> -> memref<10000x128xf32, #tpu.memory_space<hbm>>
    tpu.wait_indirect_dma semaphore(%arg23 : memref<!tpu.dma_semaphore, #tpu.memory_space<semaphore_mem>>) src(%dma_wait3A_63 : memref<10000x128xf32, #tpu.memory_space<hbm>>) dst(%arg15 : memref<80x128xf32, #tpu.memory_space<vmem>>)
    %get3A = arith.constant 0 : index
    %get3A_64 = tpu.vector_load %arg11[%get3A] {strides = array<i32>} : memref<80xi32, #tpu.memory_space<vmem>>, vector<16xi32>,
    tpu.vector_store_idx %arg28[%get3A_64], %broadcast_in_dim3A_3 {add = true} : memref<10000xf32, #tpu.memory_space<vmem>>[vector<16xi32>], vector<16xf32>,
    %get3A_65 = arith.constant 16 : index
    %get3A_66 = tpu.vector_load %arg11[%get3A_65] {strides = array<i32>} : memref<80xi32, #tpu.memory_space<vmem>>, vector<16xi32>,
    tpu.vector_store_idx %arg28[%get3A_66], %broadcast_in_dim3A_3 {add = true} : memref<10000xf32, #tpu.memory_space<vmem>>[vector<16xi32>], vector<16xf32>,
    %get3A_67 = arith.constant 32 : index
    %get3A_68 = tpu.vector_load %arg11[%get3A_67] {strides = array<i32>} : memref<80xi32, #tpu.memory_space<vmem>>, vector<16xi32>,
    tpu.vector_store_idx %arg28[%get3A_68], %broadcast_in_dim3A_3 {add = true} : memref<10000xf32, #tpu.memory_space<vmem>>[vector<16xi32>], vector<16xf32>,
    %get3A_69 = arith.constant 48 : index
    %get3A_70 = tpu.vector_load %arg11[%get3A_69] {strides = array<i32>} : memref<80xi32, #tpu.memory_space<vmem>>, vector<16xi32>,
    tpu.vector_store_idx %arg28[%get3A_70], %broadcast_in_dim3A_3 {add = true} : memref<10000xf32, #tpu.memory_space<vmem>>[vector<16xi32>], vector<16xf32>,
    %get3A_71 = arith.constant 64 : index
    %get3A_72 = tpu.vector_load %arg11[%get3A_71] {strides = array<i32>} : memref<80xi32, #tpu.memory_space<vmem>>, vector<16xi32>,
    tpu.vector_store_idx %arg28[%get3A_72], %broadcast_in_dim3A_3 {add = true} : memref<10000xf32, #tpu.memory_space<vmem>>[vector<16xi32>], vector<16xf32>,
    %dma_start3A_73 = arith.constant 0 : i32
    %dma_start3A_74 = arith.constant 0 : i32
    %dma_start3A_75 = tpu.memref_slice %arg18[%dma_start3A_73, %dma_start3A_74] : memref<10000x128xf32, #tpu.memory_space<vmem_shared>> -> memref<10000x128xf32, #tpu.memory_space<vmem_shared>>
    tpu.enqueue_indirect_dma source(%arg15 : memref<80x128xf32, #tpu.memory_space<vmem>>) target(%dma_start3A_75 : memref<10000x128xf32, #tpu.memory_space<vmem_shared>>) offsets(%arg11 : memref<80xi32, #tpu.memory_space<vmem>>) semaphore(%arg25 : memref<!tpu.dma_semaphore, #tpu.memory_space<semaphore_mem>>) {add = true}
    %dma_wait3A_76 = arith.constant 0 : i32
    %dma_wait3A_77 = tpu.memref_slice %arg2[%dma_wait3A_76] : memref<320000xi32, #tpu.memory_space<hbm>> -> memref<80xi32, #tpu.memory_space<hbm>>
    %dma_wait3A_78 = arith.constant 0 : i32
    %dma_wait3A_79 = tpu.memref_slice %arg2[%dma_wait3A_78] : memref<320000xi32, #tpu.memory_space<hbm>> -> memref<80xi32, #tpu.memory_space<hbm>>
    tpu.wait_dma2 semaphore(%arg20 : memref<!tpu.dma_semaphore, #tpu.memory_space<semaphore_mem>>) src(%dma_wait3A_79 : memref<80xi32, #tpu.memory_space<hbm>>) dst(%arg8 : memref<80xi32, #tpu.memory_space<vmem>>)
    %dma_wait3A_80 = arith.constant 0 : i32
    %dma_wait3A_81 = tpu.memref_slice %arg3[%dma_wait3A_80] : memref<320000xi32, #tpu.memory_space<hbm>> -> memref<80xi32, #tpu.memory_space<hbm>>
    %dma_wait3A_82 = arith.constant 0 : i32
    %dma_wait3A_83 = tpu.memref_slice %arg3[%dma_wait3A_82] : memref<320000xi32, #tpu.memory_space<hbm>> -> memref<80xi32, #tpu.memory_space<hbm>>
    tpu.wait_dma2 semaphore(%arg20 : memref<!tpu.dma_semaphore, #tpu.memory_space<semaphore_mem>>) src(%dma_wait3A_83 : memref<80xi32, #tpu.memory_space<hbm>>) dst(%arg12 : memref<80xi32, #tpu.memory_space<vmem>>)
    %add3A_84 = arith.constant 240 : i32
    %add3A_85 = arith.addi %mul3A_33, %add3A_84 : i32
    %dma_start3A_86 = tpu.memref_slice %arg2[%add3A_85] : memref<320000xi32, #tpu.memory_space<hbm>> -> memref<80xi32, #tpu.memory_space<hbm>>
    %dma_start3A_87 = tpu.memref_slice %arg2[%add3A_85] : memref<320000xi32, #tpu.memory_space<hbm>> -> memref<80xi32, #tpu.memory_space<hbm>>
    tpu.enqueue_dma source(%dma_start3A_87 : memref<80xi32, #tpu.memory_space<hbm>>) target(%arg10 : memref<80xi32, #tpu.memory_space<vmem>>) target_semaphore(%arg22 : memref<!tpu.dma_semaphore, #tpu.memory_space<semaphore_mem>>)
    %dma_start3A_88 = tpu.memref_slice %arg3[%add3A_85] : memref<320000xi32, #tpu.memory_space<hbm>> -> memref<80xi32, #tpu.memory_space<hbm>>
    %dma_start3A_89 = tpu.memref_slice %arg3[%add3A_85] : memref<320000xi32, #tpu.memory_space<hbm>> -> memref<80xi32, #tpu.memory_space<hbm>>
    tpu.enqueue_dma source(%dma_start3A_89 : memref<80xi32, #tpu.memory_space<hbm>>) target(%arg14 : memref<80xi32, #tpu.memory_space<vmem>>) target_semaphore(%arg22 : memref<!tpu.dma_semaphore, #tpu.memory_space<semaphore_mem>>)
    %dma_start3A_90 = arith.constant 0 : i32
    %dma_start3A_91 = arith.constant 0 : i32
    %dma_start3A_92 = tpu.memref_slice %arg4[%dma_start3A_90, %dma_start3A_91] : memref<10000x128xf32, #tpu.memory_space<hbm>> -> memref<10000x128xf32, #tpu.memory_space<hbm>>
    tpu.enqueue_indirect_dma source(%dma_start3A_92 : memref<10000x128xf32, #tpu.memory_space<hbm>>) target(%arg16 : memref<80x128xf32, #tpu.memory_space<vmem>>) offsets(%arg8 : memref<80xi32, #tpu.memory_space<vmem>>) semaphore(%arg24 : memref<!tpu.dma_semaphore, #tpu.memory_space<semaphore_mem>>)
    %dma_wait3A_93 = arith.constant 0 : i32
    %dma_wait3A_94 = arith.constant 0 : i32
    %dma_wait3A_95 = tpu.memref_slice %arg4[%dma_wait3A_93, %dma_wait3A_94] : memref<10000x128xf32, #tpu.memory_space<hbm>> -> memref<10000x128xf32, #tpu.memory_space<hbm>>
    tpu.wait_indirect_dma semaphore(%arg24 : memref<!tpu.dma_semaphore, #tpu.memory_space<semaphore_mem>>) src(%dma_wait3A_95 : memref<10000x128xf32, #tpu.memory_space<hbm>>) dst(%arg16 : memref<80x128xf32, #tpu.memory_space<vmem>>)
    %get3A_96 = arith.constant 0 : index
    %get3A_97 = tpu.vector_load %arg12[%get3A_96] {strides = array<i32>} : memref<80xi32, #tpu.memory_space<vmem>>, vector<16xi32>,
    tpu.vector_store_idx %arg28[%get3A_97], %broadcast_in_dim3A_3 {add = true} : memref<10000xf32, #tpu.memory_space<vmem>>[vector<16xi32>], vector<16xf32>,
    %get3A_98 = arith.constant 16 : index
    %get3A_99 = tpu.vector_load %arg12[%get3A_98] {strides = array<i32>} : memref<80xi32, #tpu.memory_space<vmem>>, vector<16xi32>,
    tpu.vector_store_idx %arg28[%get3A_99], %broadcast_in_dim3A_3 {add = true} : memref<10000xf32, #tpu.memory_space<vmem>>[vector<16xi32>], vector<16xf32>,
    %get3A_100 = arith.constant 32 : index
    %get3A_101 = tpu.vector_load %arg12[%get3A_100] {strides = array<i32>} : memref<80xi32, #tpu.memory_space<vmem>>, vector<16xi32>,
    tpu.vector_store_idx %arg28[%get3A_101], %broadcast_in_dim3A_3 {add = true} : memref<10000xf32, #tpu.memory_space<vmem>>[vector<16xi32>], vector<16xf32>,
    %get3A_102 = arith.constant 48 : index
    %get3A_103 = tpu.vector_load %arg12[%get3A_102] {strides = array<i32>} : memref<80xi32, #tpu.memory_space<vmem>>, vector<16xi32>,
    tpu.vector_store_idx %arg28[%get3A_103], %broadcast_in_dim3A_3 {add = true} : memref<10000xf32, #tpu.memory_space<vmem>>[vector<16xi32>], vector<16xf32>,
    %get3A_104 = arith.constant 64 : index
    %get3A_105 = tpu.vector_load %arg12[%get3A_104] {strides = array<i32>} : memref<80xi32, #tpu.memory_space<vmem>>, vector<16xi32>,
    tpu.vector_store_idx %arg28[%get3A_105], %broadcast_in_dim3A_3 {add = true} : memref<10000xf32, #tpu.memory_space<vmem>>[vector<16xi32>], vector<16xf32>,
    %dma_start3A_106 = arith.constant 0 : i32
    %dma_start3A_107 = arith.constant 0 : i32
    %dma_start3A_108 = tpu.memref_slice %arg18[%dma_start3A_106, %dma_start3A_107] : memref<10000x128xf32, #tpu.memory_space<vmem_shared>> -> memref<10000x128xf32, #tpu.memory_space<vmem_shared>>
    tpu.enqueue_indirect_dma source(%arg16 : memref<80x128xf32, #tpu.memory_space<vmem>>) target(%dma_start3A_108 : memref<10000x128xf32, #tpu.memory_space<vmem_shared>>) offsets(%arg12 : memref<80xi32, #tpu.memory_space<vmem>>) semaphore(%arg26 : memref<!tpu.dma_semaphore, #tpu.memory_space<semaphore_mem>>) {add = true}
    %scan3A_109 = arith.constant 0 : i32
    %scan3A_110 = arith.constant 30 : i32
    %scan3A_111 = arith.addi %scan3A_109, %scan3A_110 : i32
    %scan3A_112 = arith.constant 1 : i32
    scf.for %scan3A_222 = %scan3A_109 to %scan3A_111 step %scan3A_112  : i32 {
      %mul3A_223 = arith.constant 1 : i32
      %mul3A_224 = arith.muli %scan3A_222, %mul3A_223 : i32
      %add3A_225 = arith.constant 0 : i32
      %add3A_226 = arith.addi %add3A_225, %mul3A_224 : i32
      %mul3A_227 = arith.constant 4 : i32
      %mul3A_228 = arith.muli %mul3A_227, %add3A_226 : i32
      %add3A_229 = arith.constant 2 : i32
      %add3A_230 = arith.addi %mul3A_228, %add3A_229 : i32
      %dma_wait3A_231 = arith.constant 0 : i32
      %dma_wait3A_232 = tpu.memref_slice %arg2[%dma_wait3A_231] : memref<320000xi32, #tpu.memory_space<hbm>> -> memref<80xi32, #tpu.memory_space<hbm>>
      %dma_wait3A_233 = arith.constant 0 : i32
      %dma_wait3A_234 = tpu.memref_slice %arg2[%dma_wait3A_233] : memref<320000xi32, #tpu.memory_space<hbm>> -> memref<80xi32, #tpu.memory_space<hbm>>
      tpu.wait_dma2 semaphore(%arg21 : memref<!tpu.dma_semaphore, #tpu.memory_space<semaphore_mem>>) src(%dma_wait3A_234 : memref<80xi32, #tpu.memory_space<hbm>>) dst(%arg9 : memref<80xi32, #tpu.memory_space<vmem>>)
      %dma_wait3A_235 = arith.constant 0 : i32
      %dma_wait3A_236 = tpu.memref_slice %arg3[%dma_wait3A_235] : memref<320000xi32, #tpu.memory_space<hbm>> -> memref<80xi32, #tpu.memory_space<hbm>>
      %dma_wait3A_237 = arith.constant 0 : i32
      %dma_wait3A_238 = tpu.memref_slice %arg3[%dma_wait3A_237] : memref<320000xi32, #tpu.memory_space<hbm>> -> memref<80xi32, #tpu.memory_space<hbm>>
      tpu.wait_dma2 semaphore(%arg21 : memref<!tpu.dma_semaphore, #tpu.memory_space<semaphore_mem>>) src(%dma_wait3A_238 : memref<80xi32, #tpu.memory_space<hbm>>) dst(%arg13 : memref<80xi32, #tpu.memory_space<vmem>>)
      %dma_wait3A_239 = arith.constant 0 : i32
      %dma_wait3A_240 = arith.constant 0 : i32
      %dma_wait3A_241 = tpu.memref_slice %arg18[%dma_wait3A_239, %dma_wait3A_240] : memref<10000x128xf32, #tpu.memory_space<vmem_shared>> -> memref<10000x128xf32, #tpu.memory_space<vmem_shared>>
      tpu.wait_indirect_dma semaphore(%arg25 : memref<!tpu.dma_semaphore, #tpu.memory_space<semaphore_mem>>) src(%arg15 : memref<80x128xf32, #tpu.memory_space<vmem>>) dst(%dma_wait3A_241 : memref<10000x128xf32, #tpu.memory_space<vmem_shared>>)
      %add3A_242 = arith.constant 2 : i32
      %add3A_243 = arith.addi %add3A_230, %add3A_242 : i32
      %mul3A_244 = arith.constant 80 : i32
      %mul3A_245 = arith.muli %add3A_243, %mul3A_244 : i32
      %add3A_246 = arith.addi %mul3A_33, %mul3A_245 : i32
      %dma_start3A_247 = tpu.memref_slice %arg2[%add3A_246] : memref<320000xi32, #tpu.memory_space<hbm>> -> memref<80xi32, #tpu.memory_space<hbm>>
      %dma_start3A_248 = tpu.memref_slice %arg2[%add3A_246] : memref<320000xi32, #tpu.memory_space<hbm>> -> memref<80xi32, #tpu.memory_space<hbm>>
      tpu.enqueue_dma source(%dma_start3A_248 : memref<80xi32, #tpu.memory_space<hbm>>) target(%arg7 : memref<80xi32, #tpu.memory_space<vmem>>) target_semaphore(%arg19 : memref<!tpu.dma_semaphore, #tpu.memory_space<semaphore_mem>>)
      %dma_start3A_249 = tpu.memref_slice %arg3[%add3A_246] : memref<320000xi32, #tpu.memory_space<hbm>> -> memref<80xi32, #tpu.memory_space<hbm>>
      %dma_start3A_250 = tpu.memref_slice %arg3[%add3A_246] : memref<320000xi32, #tpu.memory_space<hbm>> -> memref<80xi32, #tpu.memory_space<hbm>>
      tpu.enqueue_dma source(%dma_start3A_250 : memref<80xi32, #tpu.memory_space<hbm>>) target(%arg11 : memref<80xi32, #tpu.memory_space<vmem>>) target_semaphore(%arg19 : memref<!tpu.dma_semaphore, #tpu.memory_space<semaphore_mem>>)
      %dma_start3A_251 = arith.constant 0 : i32
      %dma_start3A_252 = arith.constant 0 : i32
      %dma_start3A_253 = tpu.memref_slice %arg4[%dma_start3A_251, %dma_start3A_252] : memref<10000x128xf32, #tpu.memory_space<hbm>> -> memref<10000x128xf32, #tpu.memory_space<hbm>>
      tpu.enqueue_indirect_dma source(%dma_start3A_253 : memref<10000x128xf32, #tpu.memory_space<hbm>>) target(%arg15 : memref<80x128xf32, #tpu.memory_space<vmem>>) offsets(%arg9 : memref<80xi32, #tpu.memory_space<vmem>>) semaphore(%arg23 : memref<!tpu.dma_semaphore, #tpu.memory_space<semaphore_mem>>)
      %dma_wait3A_254 = arith.constant 0 : i32
      %dma_wait3A_255 = arith.constant 0 : i32
      %dma_wait3A_256 = tpu.memref_slice %arg4[%dma_wait3A_254, %dma_wait3A_255] : memref<10000x128xf32, #tpu.memory_space<hbm>> -> memref<10000x128xf32, #tpu.memory_space<hbm>>
      tpu.wait_indirect_dma semaphore(%arg23 : memref<!tpu.dma_semaphore, #tpu.memory_space<semaphore_mem>>) src(%dma_wait3A_256 : memref<10000x128xf32, #tpu.memory_space<hbm>>) dst(%arg15 : memref<80x128xf32, #tpu.memory_space<vmem>>)
      %get3A_257 = arith.constant 0 : index
      %get3A_258 = tpu.vector_load %arg13[%get3A_257] {strides = array<i32>} : memref<80xi32, #tpu.memory_space<vmem>>, vector<16xi32>,
      tpu.vector_store_idx %arg28[%get3A_258], %broadcast_in_dim3A_3 {add = true} : memref<10000xf32, #tpu.memory_space<vmem>>[vector<16xi32>], vector<16xf32>,
      %get3A_259 = arith.constant 16 : index
      %get3A_260 = tpu.vector_load %arg13[%get3A_259] {strides = array<i32>} : memref<80xi32, #tpu.memory_space<vmem>>, vector<16xi32>,
      tpu.vector_store_idx %arg28[%get3A_260], %broadcast_in_dim3A_3 {add = true} : memref<10000xf32, #tpu.memory_space<vmem>>[vector<16xi32>], vector<16xf32>,
      %get3A_261 = arith.constant 32 : index
      %get3A_262 = tpu.vector_load %arg13[%get3A_261] {strides = array<i32>} : memref<80xi32, #tpu.memory_space<vmem>>, vector<16xi32>,
      tpu.vector_store_idx %arg28[%get3A_262], %broadcast_in_dim3A_3 {add = true} : memref<10000xf32, #tpu.memory_space<vmem>>[vector<16xi32>], vector<16xf32>,
      %get3A_263 = arith.constant 48 : index
      %get3A_264 = tpu.vector_load %arg13[%get3A_263] {strides = array<i32>} : memref<80xi32, #tpu.memory_space<vmem>>, vector<16xi32>,
      tpu.vector_store_idx %arg28[%get3A_264], %broadcast_in_dim3A_3 {add = true} : memref<10000xf32, #tpu.memory_space<vmem>>[vector<16xi32>], vector<16xf32>,
      %get3A_265 = arith.constant 64 : index
      %get3A_266 = tpu.vector_load %arg13[%get3A_265] {strides = array<i32>} : memref<80xi32, #tpu.memory_space<vmem>>, vector<16xi32>,
      tpu.vector_store_idx %arg28[%get3A_266], %broadcast_in_dim3A_3 {add = true} : memref<10000xf32, #tpu.memory_space<vmem>>[vector<16xi32>], vector<16xf32>,
      %dma_start3A_267 = arith.constant 0 : i32
      %dma_start3A_268 = arith.constant 0 : i32
      %dma_start3A_269 = tpu.memref_slice %arg18[%dma_start3A_267, %dma_start3A_268] : memref<10000x128xf32, #tpu.memory_space<vmem_shared>> -> memref<10000x128xf32, #tpu.memory_space<vmem_shared>>
      tpu.enqueue_indirect_dma source(%arg15 : memref<80x128xf32, #tpu.memory_space<vmem>>) target(%dma_start3A_269 : memref<10000x128xf32, #tpu.memory_space<vmem_shared>>) offsets(%arg13 : memref<80xi32, #tpu.memory_space<vmem>>) semaphore(%arg25 : memref<!tpu.dma_semaphore, #tpu.memory_space<semaphore_mem>>) {add = true}
      %add3A_270 = arith.constant 1 : i32
      %add3A_271 = arith.addi %add3A_230, %add3A_270 : i32
      %dma_wait3A_272 = arith.constant 0 : i32
      %dma_wait3A_273 = tpu.memref_slice %arg2[%dma_wait3A_272] : memref<320000xi32, #tpu.memory_space<hbm>> -> memref<80xi32, #tpu.memory_space<hbm>>
      %dma_wait3A_274 = arith.constant 0 : i32
      %dma_wait3A_275 = tpu.memref_slice %arg2[%dma_wait3A_274] : memref<320000xi32, #tpu.memory_space<hbm>> -> memref<80xi32, #tpu.memory_space<hbm>>
      tpu.wait_dma2 semaphore(%arg22 : memref<!tpu.dma_semaphore, #tpu.memory_space<semaphore_mem>>) src(%dma_wait3A_275 : memref<80xi32, #tpu.memory_space<hbm>>) dst(%arg10 : memref<80xi32, #tpu.memory_space<vmem>>)
      %dma_wait3A_276 = arith.constant 0 : i32
      %dma_wait3A_277 = tpu.memref_slice %arg3[%dma_wait3A_276] : memref<320000xi32, #tpu.memory_space<hbm>> -> memref<80xi32, #tpu.memory_space<hbm>>
      %dma_wait3A_278 = arith.constant 0 : i32
      %dma_wait3A_279 = tpu.memref_slice %arg3[%dma_wait3A_278] : memref<320000xi32, #tpu.memory_space<hbm>> -> memref<80xi32, #tpu.memory_space<hbm>>
      tpu.wait_dma2 semaphore(%arg22 : memref<!tpu.dma_semaphore, #tpu.memory_space<semaphore_mem>>) src(%dma_wait3A_279 : memref<80xi32, #tpu.memory_space<hbm>>) dst(%arg14 : memref<80xi32, #tpu.memory_space<vmem>>)
      %dma_wait3A_280 = arith.constant 0 : i32
      %dma_wait3A_281 = arith.constant 0 : i32
      %dma_wait3A_282 = tpu.memref_slice %arg18[%dma_wait3A_280, %dma_wait3A_281] : memref<10000x128xf32, #tpu.memory_space<vmem_shared>> -> memref<10000x128xf32, #tpu.memory_space<vmem_shared>>
      tpu.wait_indirect_dma semaphore(%arg26 : memref<!tpu.dma_semaphore, #tpu.memory_space<semaphore_mem>>) src(%arg16 : memref<80x128xf32, #tpu.memory_space<vmem>>) dst(%dma_wait3A_282 : memref<10000x128xf32, #tpu.memory_space<vmem_shared>>)
      %add3A_283 = arith.constant 2 : i32
      %add3A_284 = arith.addi %add3A_271, %add3A_283 : i32
      %mul3A_285 = arith.constant 80 : i32
      %mul3A_286 = arith.muli %add3A_284, %mul3A_285 : i32
      %add3A_287 = arith.addi %mul3A_33, %mul3A_286 : i32
      %dma_start3A_288 = tpu.memref_slice %arg2[%add3A_287] : memref<320000xi32, #tpu.memory_space<hbm>> -> memref<80xi32, #tpu.memory_space<hbm>>
      %dma_start3A_289 = tpu.memref_slice %arg2[%add3A_287] : memref<320000xi32, #tpu.memory_space<hbm>> -> memref<80xi32, #tpu.memory_space<hbm>>
      tpu.enqueue_dma source(%dma_start3A_289 : memref<80xi32, #tpu.memory_space<hbm>>) target(%arg8 : memref<80xi32, #tpu.memory_space<vmem>>) target_semaphore(%arg20 : memref<!tpu.dma_semaphore, #tpu.memory_space<semaphore_mem>>)
      %dma_start3A_290 = tpu.memref_slice %arg3[%add3A_287] : memref<320000xi32, #tpu.memory_space<hbm>> -> memref<80xi32, #tpu.memory_space<hbm>>
      %dma_start3A_291 = tpu.memref_slice %arg3[%add3A_287] : memref<320000xi32, #tpu.memory_space<hbm>> -> memref<80xi32, #tpu.memory_space<hbm>>
      tpu.enqueue_dma source(%dma_start3A_291 : memref<80xi32, #tpu.memory_space<hbm>>) target(%arg12 : memref<80xi32, #tpu.memory_space<vmem>>) target_semaphore(%arg20 : memref<!tpu.dma_semaphore, #tpu.memory_space<semaphore_mem>>)
      %dma_start3A_292 = arith.constant 0 : i32
      %dma_start3A_293 = arith.constant 0 : i32
      %dma_start3A_294 = tpu.memref_slice %arg4[%dma_start3A_292, %dma_start3A_293] : memref<10000x128xf32, #tpu.memory_space<hbm>> -> memref<10000x128xf32, #tpu.memory_space<hbm>>
      tpu.enqueue_indirect_dma source(%dma_start3A_294 : memref<10000x128xf32, #tpu.memory_space<hbm>>) target(%arg16 : memref<80x128xf32, #tpu.memory_space<vmem>>) offsets(%arg10 : memref<80xi32, #tpu.memory_space<vmem>>) semaphore(%arg24 : memref<!tpu.dma_semaphore, #tpu.memory_space<semaphore_mem>>)
      %dma_wait3A_295 = arith.constant 0 : i32
      %dma_wait3A_296 = arith.constant 0 : i32
      %dma_wait3A_297 = tpu.memref_slice %arg4[%dma_wait3A_295, %dma_wait3A_296] : memref<10000x128xf32, #tpu.memory_space<hbm>> -> memref<10000x128xf32, #tpu.memory_space<hbm>>
      tpu.wait_indirect_dma semaphore(%arg24 : memref<!tpu.dma_semaphore, #tpu.memory_space<semaphore_mem>>) src(%dma_wait3A_297 : memref<10000x128xf32, #tpu.memory_space<hbm>>) dst(%arg16 : memref<80x128xf32, #tpu.memory_space<vmem>>)
      %get3A_298 = arith.constant 0 : index
      %get3A_299 = tpu.vector_load %arg14[%get3A_298] {strides = array<i32>} : memref<80xi32, #tpu.memory_space<vmem>>, vector<16xi32>,
      tpu.vector_store_idx %arg28[%get3A_299], %broadcast_in_dim3A_3 {add = true} : memref<10000xf32, #tpu.memory_space<vmem>>[vector<16xi32>], vector<16xf32>,
      %get3A_300 = arith.constant 16 : index
      %get3A_301 = tpu.vector_load %arg14[%get3A_300] {strides = array<i32>} : memref<80xi32, #tpu.memory_space<vmem>>, vector<16xi32>,
      tpu.vector_store_idx %arg28[%get3A_301], %broadcast_in_dim3A_3 {add = true} : memref<10000xf32, #tpu.memory_space<vmem>>[vector<16xi32>], vector<16xf32>,
      %get3A_302 = arith.constant 32 : index
      %get3A_303 = tpu.vector_load %arg14[%get3A_302] {strides = array<i32>} : memref<80xi32, #tpu.memory_space<vmem>>, vector<16xi32>,
      tpu.vector_store_idx %arg28[%get3A_303], %broadcast_in_dim3A_3 {add = true} : memref<10000xf32, #tpu.memory_space<vmem>>[vector<16xi32>], vector<16xf32>,
      %get3A_304 = arith.constant 48 : index
      %get3A_305 = tpu.vector_load %arg14[%get3A_304] {strides = array<i32>} : memref<80xi32, #tpu.memory_space<vmem>>, vector<16xi32>,
      tpu.vector_store_idx %arg28[%get3A_305], %broadcast_in_dim3A_3 {add = true} : memref<10000xf32, #tpu.memory_space<vmem>>[vector<16xi32>], vector<16xf32>,
      %get3A_306 = arith.constant 64 : index
      %get3A_307 = tpu.vector_load %arg14[%get3A_306] {strides = array<i32>} : memref<80xi32, #tpu.memory_space<vmem>>, vector<16xi32>,
      tpu.vector_store_idx %arg28[%get3A_307], %broadcast_in_dim3A_3 {add = true} : memref<10000xf32, #tpu.memory_space<vmem>>[vector<16xi32>], vector<16xf32>,
      %dma_start3A_308 = arith.constant 0 : i32
      %dma_start3A_309 = arith.constant 0 : i32
      %dma_start3A_310 = tpu.memref_slice %arg18[%dma_start3A_308, %dma_start3A_309] : memref<10000x128xf32, #tpu.memory_space<vmem_shared>> -> memref<10000x128xf32, #tpu.memory_space<vmem_shared>>
      tpu.enqueue_indirect_dma source(%arg16 : memref<80x128xf32, #tpu.memory_space<vmem>>) target(%dma_start3A_310 : memref<10000x128xf32, #tpu.memory_space<vmem_shared>>) offsets(%arg14 : memref<80xi32, #tpu.memory_space<vmem>>) semaphore(%arg26 : memref<!tpu.dma_semaphore, #tpu.memory_space<semaphore_mem>>) {add = true}
      %add3A_311 = arith.constant 2 : i32
      %add3A_312 = arith.addi %add3A_230, %add3A_311 : i32
      %dma_wait3A_313 = arith.constant 0 : i32
      %dma_wait3A_314 = tpu.memref_slice %arg2[%dma_wait3A_313] : memref<320000xi32, #tpu.memory_space<hbm>> -> memref<80xi32, #tpu.memory_space<hbm>>
      %dma_wait3A_315 = arith.constant 0 : i32
      %dma_wait3A_316 = tpu.memref_slice %arg2[%dma_wait3A_315] : memref<320000xi32, #tpu.memory_space<hbm>> -> memref<80xi32, #tpu.memory_space<hbm>>
      tpu.wait_dma2 semaphore(%arg19 : memref<!tpu.dma_semaphore, #tpu.memory_space<semaphore_mem>>) src(%dma_wait3A_316 : memref<80xi32, #tpu.memory_space<hbm>>) dst(%arg7 : memref<80xi32, #tpu.memory_space<vmem>>)
      %dma_wait3A_317 = arith.constant 0 : i32
      %dma_wait3A_318 = tpu.memref_slice %arg3[%dma_wait3A_317] : memref<320000xi32, #tpu.memory_space<hbm>> -> memref<80xi32, #tpu.memory_space<hbm>>
      %dma_wait3A_319 = arith.constant 0 : i32
      %dma_wait3A_320 = tpu.memref_slice %arg3[%dma_wait3A_319] : memref<320000xi32, #tpu.memory_space<hbm>> -> memref<80xi32, #tpu.memory_space<hbm>>
      tpu.wait_dma2 semaphore(%arg19 : memref<!tpu.dma_semaphore, #tpu.memory_space<semaphore_mem>>) src(%dma_wait3A_320 : memref<80xi32, #tpu.memory_space<hbm>>) dst(%arg11 : memref<80xi32, #tpu.memory_space<vmem>>)
      %dma_wait3A_321 = arith.constant 0 : i32
      %dma_wait3A_322 = arith.constant 0 : i32
      %dma_wait3A_323 = tpu.memref_slice %arg18[%dma_wait3A_321, %dma_wait3A_322] : memref<10000x128xf32, #tpu.memory_space<vmem_shared>> -> memref<10000x128xf32, #tpu.memory_space<vmem_shared>>
      tpu.wait_indirect_dma semaphore(%arg25 : memref<!tpu.dma_semaphore, #tpu.memory_space<semaphore_mem>>) src(%arg15 : memref<80x128xf32, #tpu.memory_space<vmem>>) dst(%dma_wait3A_323 : memref<10000x128xf32, #tpu.memory_space<vmem_shared>>)
      %add3A_324 = arith.constant 2 : i32
      %add3A_325 = arith.addi %add3A_312, %add3A_324 : i32
      %mul3A_326 = arith.constant 80 : i32
      %mul3A_327 = arith.muli %add3A_325, %mul3A_326 : i32
      %add3A_328 = arith.addi %mul3A_33, %mul3A_327 : i32
      %dma_start3A_329 = tpu.memref_slice %arg2[%add3A_328] : memref<320000xi32, #tpu.memory_space<hbm>> -> memref<80xi32, #tpu.memory_space<hbm>>
      %dma_start3A_330 = tpu.memref_slice %arg2[%add3A_328] : memref<320000xi32, #tpu.memory_space<hbm>> -> memref<80xi32, #tpu.memory_space<hbm>>
      tpu.enqueue_dma source(%dma_start3A_330 : memref<80xi32, #tpu.memory_space<hbm>>) target(%arg9 : memref<80xi32, #tpu.memory_space<vmem>>) target_semaphore(%arg21 : memref<!tpu.dma_semaphore, #tpu.memory_space<semaphore_mem>>)
      %dma_start3A_331 = tpu.memref_slice %arg3[%add3A_328] : memref<320000xi32, #tpu.memory_space<hbm>> -> memref<80xi32, #tpu.memory_space<hbm>>
      %dma_start3A_332 = tpu.memref_slice %arg3[%add3A_328] : memref<320000xi32, #tpu.memory_space<hbm>> -> memref<80xi32, #tpu.memory_space<hbm>>
      tpu.enqueue_dma source(%dma_start3A_332 : memref<80xi32, #tpu.memory_space<hbm>>) target(%arg13 : memref<80xi32, #tpu.memory_space<vmem>>) target_semaphore(%arg21 : memref<!tpu.dma_semaphore, #tpu.memory_space<semaphore_mem>>)
      %dma_start3A_333 = arith.constant 0 : i32
      %dma_start3A_334 = arith.constant 0 : i32
      %dma_start3A_335 = tpu.memref_slice %arg4[%dma_start3A_333, %dma_start3A_334] : memref<10000x128xf32, #tpu.memory_space<hbm>> -> memref<10000x128xf32, #tpu.memory_space<hbm>>
      tpu.enqueue_indirect_dma source(%dma_start3A_335 : memref<10000x128xf32, #tpu.memory_space<hbm>>) target(%arg15 : memref<80x128xf32, #tpu.memory_space<vmem>>) offsets(%arg7 : memref<80xi32, #tpu.memory_space<vmem>>) semaphore(%arg23 : memref<!tpu.dma_semaphore, #tpu.memory_space<semaphore_mem>>)
      %dma_wait3A_336 = arith.constant 0 : i32
      %dma_wait3A_337 = arith.constant 0 : i32
      %dma_wait3A_338 = tpu.memref_slice %arg4[%dma_wait3A_336, %dma_wait3A_337] : memref<10000x128xf32, #tpu.memory_space<hbm>> -> memref<10000x128xf32, #tpu.memory_space<hbm>>
      tpu.wait_indirect_dma semaphore(%arg23 : memref<!tpu.dma_semaphore, #tpu.memory_space<semaphore_mem>>) src(%dma_wait3A_338 : memref<10000x128xf32, #tpu.memory_space<hbm>>) dst(%arg15 : memref<80x128xf32, #tpu.memory_space<vmem>>)
      %get3A_339 = arith.constant 0 : index
      %get3A_340 = tpu.vector_load %arg11[%get3A_339] {strides = array<i32>} : memref<80xi32, #tpu.memory_space<vmem>>, vector<16xi32>,
      tpu.vector_store_idx %arg28[%get3A_340], %broadcast_in_dim3A_3 {add = true} : memref<10000xf32, #tpu.memory_space<vmem>>[vector<16xi32>], vector<16xf32>,
      %get3A_341 = arith.constant 16 : index
      %get3A_342 = tpu.vector_load %arg11[%get3A_341] {strides = array<i32>} : memref<80xi32, #tpu.memory_space<vmem>>, vector<16xi32>,
      tpu.vector_store_idx %arg28[%get3A_342], %broadcast_in_dim3A_3 {add = true} : memref<10000xf32, #tpu.memory_space<vmem>>[vector<16xi32>], vector<16xf32>,
      %get3A_343 = arith.constant 32 : index
      %get3A_344 = tpu.vector_load %arg11[%get3A_343] {strides = array<i32>} : memref<80xi32, #tpu.memory_space<vmem>>, vector<16xi32>,
      tpu.vector_store_idx %arg28[%get3A_344], %broadcast_in_dim3A_3 {add = true} : memref<10000xf32, #tpu.memory_space<vmem>>[vector<16xi32>], vector<16xf32>,
      %get3A_345 = arith.constant 48 : index
      %get3A_346 = tpu.vector_load %arg11[%get3A_345] {strides = array<i32>} : memref<80xi32, #tpu.memory_space<vmem>>, vector<16xi32>,
      tpu.vector_store_idx %arg28[%get3A_346], %broadcast_in_dim3A_3 {add = true} : memref<10000xf32, #tpu.memory_space<vmem>>[vector<16xi32>], vector<16xf32>,
      %get3A_347 = arith.constant 64 : index
      %get3A_348 = tpu.vector_load %arg11[%get3A_347] {strides = array<i32>} : memref<80xi32, #tpu.memory_space<vmem>>, vector<16xi32>,
      tpu.vector_store_idx %arg28[%get3A_348], %broadcast_in_dim3A_3 {add = true} : memref<10000xf32, #tpu.memory_space<vmem>>[vector<16xi32>], vector<16xf32>,
      %dma_start3A_349 = arith.constant 0 : i32
      %dma_start3A_350 = arith.constant 0 : i32
      %dma_start3A_351 = tpu.memref_slice %arg18[%dma_start3A_349, %dma_start3A_350] : memref<10000x128xf32, #tpu.memory_space<vmem_shared>> -> memref<10000x128xf32, #tpu.memory_space<vmem_shared>>
      tpu.enqueue_indirect_dma source(%arg15 : memref<80x128xf32, #tpu.memory_space<vmem>>) target(%dma_start3A_351 : memref<10000x128xf32, #tpu.memory_space<vmem_shared>>) offsets(%arg11 : memref<80xi32, #tpu.memory_space<vmem>>) semaphore(%arg25 : memref<!tpu.dma_semaphore, #tpu.memory_space<semaphore_mem>>) {add = true}
      %add3A_352 = arith.constant 3 : i32
      %add3A_353 = arith.addi %add3A_230, %add3A_352 : i32
      %dma_wait3A_354 = arith.constant 0 : i32
      %dma_wait3A_355 = tpu.memref_slice %arg2[%dma_wait3A_354] : memref<320000xi32, #tpu.memory_space<hbm>> -> memref<80xi32, #tpu.memory_space<hbm>>
      %dma_wait3A_356 = arith.constant 0 : i32
      %dma_wait3A_357 = tpu.memref_slice %arg2[%dma_wait3A_356] : memref<320000xi32, #tpu.memory_space<hbm>> -> memref<80xi32, #tpu.memory_space<hbm>>
      tpu.wait_dma2 semaphore(%arg20 : memref<!tpu.dma_semaphore, #tpu.memory_space<semaphore_mem>>) src(%dma_wait3A_357 : memref<80xi32, #tpu.memory_space<hbm>>) dst(%arg8 : memref<80xi32, #tpu.memory_space<vmem>>)
      %dma_wait3A_358 = arith.constant 0 : i32
      %dma_wait3A_359 = tpu.memref_slice %arg3[%dma_wait3A_358] : memref<320000xi32, #tpu.memory_space<hbm>> -> memref<80xi32, #tpu.memory_space<hbm>>
      %dma_wait3A_360 = arith.constant 0 : i32
      %dma_wait3A_361 = tpu.memref_slice %arg3[%dma_wait3A_360] : memref<320000xi32, #tpu.memory_space<hbm>> -> memref<80xi32, #tpu.memory_space<hbm>>
      tpu.wait_dma2 semaphore(%arg20 : memref<!tpu.dma_semaphore, #tpu.memory_space<semaphore_mem>>) src(%dma_wait3A_361 : memref<80xi32, #tpu.memory_space<hbm>>) dst(%arg12 : memref<80xi32, #tpu.memory_space<vmem>>)
      %dma_wait3A_362 = arith.constant 0 : i32
      %dma_wait3A_363 = arith.constant 0 : i32
      %dma_wait3A_364 = tpu.memref_slice %arg18[%dma_wait3A_362, %dma_wait3A_363] : memref<10000x128xf32, #tpu.memory_space<vmem_shared>> -> memref<10000x128xf32, #tpu.memory_space<vmem_shared>>
      tpu.wait_indirect_dma semaphore(%arg26 : memref<!tpu.dma_semaphore, #tpu.memory_space<semaphore_mem>>) src(%arg16 : memref<80x128xf32, #tpu.memory_space<vmem>>) dst(%dma_wait3A_364 : memref<10000x128xf32, #tpu.memory_space<vmem_shared>>)
      %add3A_365 = arith.constant 2 : i32
      %add3A_366 = arith.addi %add3A_353, %add3A_365 : i32
      %mul3A_367 = arith.constant 80 : i32
      %mul3A_368 = arith.muli %add3A_366, %mul3A_367 : i32
      %add3A_369 = arith.addi %mul3A_33, %mul3A_368 : i32
      %dma_start3A_370 = tpu.memref_slice %arg2[%add3A_369] : memref<320000xi32, #tpu.memory_space<hbm>> -> memref<80xi32, #tpu.memory_space<hbm>>
      %dma_start3A_371 = tpu.memref_slice %arg2[%add3A_369] : memref<320000xi32, #tpu.memory_space<hbm>> -> memref<80xi32, #tpu.memory_space<hbm>>
      tpu.enqueue_dma source(%dma_start3A_371 : memref<80xi32, #tpu.memory_space<hbm>>) target(%arg10 : memref<80xi32, #tpu.memory_space<vmem>>) target_semaphore(%arg22 : memref<!tpu.dma_semaphore, #tpu.memory_space<semaphore_mem>>)
      %dma_start3A_372 = tpu.memref_slice %arg3[%add3A_369] : memref<320000xi32, #tpu.memory_space<hbm>> -> memref<80xi32, #tpu.memory_space<hbm>>
      %dma_start3A_373 = tpu.memref_slice %arg3[%add3A_369] : memref<320000xi32, #tpu.memory_space<hbm>> -> memref<80xi32, #tpu.memory_space<hbm>>
      tpu.enqueue_dma source(%dma_start3A_373 : memref<80xi32, #tpu.memory_space<hbm>>) target(%arg14 : memref<80xi32, #tpu.memory_space<vmem>>) target_semaphore(%arg22 : memref<!tpu.dma_semaphore, #tpu.memory_space<semaphore_mem>>)
      %dma_start3A_374 = arith.constant 0 : i32
      %dma_start3A_375 = arith.constant 0 : i32
      %dma_start3A_376 = tpu.memref_slice %arg4[%dma_start3A_374, %dma_start3A_375] : memref<10000x128xf32, #tpu.memory_space<hbm>> -> memref<10000x128xf32, #tpu.memory_space<hbm>>
      tpu.enqueue_indirect_dma source(%dma_start3A_376 : memref<10000x128xf32, #tpu.memory_space<hbm>>) target(%arg16 : memref<80x128xf32, #tpu.memory_space<vmem>>) offsets(%arg8 : memref<80xi32, #tpu.memory_space<vmem>>) semaphore(%arg24 : memref<!tpu.dma_semaphore, #tpu.memory_space<semaphore_mem>>)
      %dma_wait3A_377 = arith.constant 0 : i32
      %dma_wait3A_378 = arith.constant 0 : i32
      %dma_wait3A_379 = tpu.memref_slice %arg4[%dma_wait3A_377, %dma_wait3A_378] : memref<10000x128xf32, #tpu.memory_space<hbm>> -> memref<10000x128xf32, #tpu.memory_space<hbm>>
      tpu.wait_indirect_dma semaphore(%arg24 : memref<!tpu.dma_semaphore, #tpu.memory_space<semaphore_mem>>) src(%dma_wait3A_379 : memref<10000x128xf32, #tpu.memory_space<hbm>>) dst(%arg16 : memref<80x128xf32, #tpu.memory_space<vmem>>)
      %get3A_380 = arith.constant 0 : index
      %get3A_381 = tpu.vector_load %arg12[%get3A_380] {strides = array<i32>} : memref<80xi32, #tpu.memory_space<vmem>>, vector<16xi32>,
      tpu.vector_store_idx %arg28[%get3A_381], %broadcast_in_dim3A_3 {add = true} : memref<10000xf32, #tpu.memory_space<vmem>>[vector<16xi32>], vector<16xf32>,
      %get3A_382 = arith.constant 16 : index
      %get3A_383 = tpu.vector_load %arg12[%get3A_382] {strides = array<i32>} : memref<80xi32, #tpu.memory_space<vmem>>, vector<16xi32>,
      tpu.vector_store_idx %arg28[%get3A_383], %broadcast_in_dim3A_3 {add = true} : memref<10000xf32, #tpu.memory_space<vmem>>[vector<16xi32>], vector<16xf32>,
      %get3A_384 = arith.constant 32 : index
      %get3A_385 = tpu.vector_load %arg12[%get3A_384] {strides = array<i32>} : memref<80xi32, #tpu.memory_space<vmem>>, vector<16xi32>,
      tpu.vector_store_idx %arg28[%get3A_385], %broadcast_in_dim3A_3 {add = true} : memref<10000xf32, #tpu.memory_space<vmem>>[vector<16xi32>], vector<16xf32>,
      %get3A_386 = arith.constant 48 : index
      %get3A_387 = tpu.vector_load %arg12[%get3A_386] {strides = array<i32>} : memref<80xi32, #tpu.memory_space<vmem>>, vector<16xi32>,
      tpu.vector_store_idx %arg28[%get3A_387], %broadcast_in_dim3A_3 {add = true} : memref<10000xf32, #tpu.memory_space<vmem>>[vector<16xi32>], vector<16xf32>,
      %get3A_388 = arith.constant 64 : index
      %get3A_389 = tpu.vector_load %arg12[%get3A_388] {strides = array<i32>} : memref<80xi32, #tpu.memory_space<vmem>>, vector<16xi32>,
      tpu.vector_store_idx %arg28[%get3A_389], %broadcast_in_dim3A_3 {add = true} : memref<10000xf32, #tpu.memory_space<vmem>>[vector<16xi32>], vector<16xf32>,
      %dma_start3A_390 = arith.constant 0 : i32
      %dma_start3A_391 = arith.constant 0 : i32
      %dma_start3A_392 = tpu.memref_slice %arg18[%dma_start3A_390, %dma_start3A_391] : memref<10000x128xf32, #tpu.memory_space<vmem_shared>> -> memref<10000x128xf32, #tpu.memory_space<vmem_shared>>
      tpu.enqueue_indirect_dma source(%arg16 : memref<80x128xf32, #tpu.memory_space<vmem>>) target(%dma_start3A_392 : memref<10000x128xf32, #tpu.memory_space<vmem_shared>>) offsets(%arg12 : memref<80xi32, #tpu.memory_space<vmem>>) semaphore(%arg26 : memref<!tpu.dma_semaphore, #tpu.memory_space<semaphore_mem>>) {add = true}
    }
    %scan3A_113 = arith.constant 30 : i32
    %dma_wait3A_114 = arith.constant 0 : i32
    %dma_wait3A_115 = tpu.memref_slice %arg2[%dma_wait3A_114] : memref<320000xi32, #tpu.memory_space<hbm>> -> memref<80xi32, #tpu.memory_space<hbm>>
    %dma_wait3A_116 = arith.constant 0 : i32
    %dma_wait3A_117 = tpu.memref_slice %arg2[%dma_wait3A_116] : memref<320000xi32, #tpu.memory_space<hbm>> -> memref<80xi32, #tpu.memory_space<hbm>>
    tpu.wait_dma2 semaphore(%arg21 : memref<!tpu.dma_semaphore, #tpu.memory_space<semaphore_mem>>) src(%dma_wait3A_117 : memref<80xi32, #tpu.memory_space<hbm>>) dst(%arg9 : memref<80xi32, #tpu.memory_space<vmem>>)
    %dma_wait3A_118 = arith.constant 0 : i32
    %dma_wait3A_119 = tpu.memref_slice %arg3[%dma_wait3A_118] : memref<320000xi32, #tpu.memory_space<hbm>> -> memref<80xi32, #tpu.memory_space<hbm>>
    %dma_wait3A_120 = arith.constant 0 : i32
    %dma_wait3A_121 = tpu.memref_slice %arg3[%dma_wait3A_120] : memref<320000xi32, #tpu.memory_space<hbm>> -> memref<80xi32, #tpu.memory_space<hbm>>
    tpu.wait_dma2 semaphore(%arg21 : memref<!tpu.dma_semaphore, #tpu.memory_space<semaphore_mem>>) src(%dma_wait3A_121 : memref<80xi32, #tpu.memory_space<hbm>>) dst(%arg13 : memref<80xi32, #tpu.memory_space<vmem>>)
    %dma_wait3A_122 = arith.constant 0 : i32
    %dma_wait3A_123 = arith.constant 0 : i32
    %dma_wait3A_124 = tpu.memref_slice %arg18[%dma_wait3A_122, %dma_wait3A_123] : memref<10000x128xf32, #tpu.memory_space<vmem_shared>> -> memref<10000x128xf32, #tpu.memory_space<vmem_shared>>
    tpu.wait_indirect_dma semaphore(%arg25 : memref<!tpu.dma_semaphore, #tpu.memory_space<semaphore_mem>>) src(%arg15 : memref<80x128xf32, #tpu.memory_space<vmem>>) dst(%dma_wait3A_124 : memref<10000x128xf32, #tpu.memory_space<vmem_shared>>)
    %add3A_125 = arith.constant 9920 : i32
    %add3A_126 = arith.addi %mul3A_33, %add3A_125 : i32
    %dma_start3A_127 = tpu.memref_slice %arg2[%add3A_126] : memref<320000xi32, #tpu.memory_space<hbm>> -> memref<80xi32, #tpu.memory_space<hbm>>
    %dma_start3A_128 = tpu.memref_slice %arg2[%add3A_126] : memref<320000xi32, #tpu.memory_space<hbm>> -> memref<80xi32, #tpu.memory_space<hbm>>
    tpu.enqueue_dma source(%dma_start3A_128 : memref<80xi32, #tpu.memory_space<hbm>>) target(%arg7 : memref<80xi32, #tpu.memory_space<vmem>>) target_semaphore(%arg19 : memref<!tpu.dma_semaphore, #tpu.memory_space<semaphore_mem>>)
    %dma_start3A_129 = tpu.memref_slice %arg3[%add3A_126] : memref<320000xi32, #tpu.memory_space<hbm>> -> memref<80xi32, #tpu.memory_space<hbm>>
    %dma_start3A_130 = tpu.memref_slice %arg3[%add3A_126] : memref<320000xi32, #tpu.memory_space<hbm>> -> memref<80xi32, #tpu.memory_space<hbm>>
    tpu.enqueue_dma source(%dma_start3A_130 : memref<80xi32, #tpu.memory_space<hbm>>) target(%arg11 : memref<80xi32, #tpu.memory_space<vmem>>) target_semaphore(%arg19 : memref<!tpu.dma_semaphore, #tpu.memory_space<semaphore_mem>>)
    %dma_start3A_131 = arith.constant 0 : i32
    %dma_start3A_132 = arith.constant 0 : i32
    %dma_start3A_133 = tpu.memref_slice %arg4[%dma_start3A_131, %dma_start3A_132] : memref<10000x128xf32, #tpu.memory_space<hbm>> -> memref<10000x128xf32, #tpu.memory_space<hbm>>
    tpu.enqueue_indirect_dma source(%dma_start3A_133 : memref<10000x128xf32, #tpu.memory_space<hbm>>) target(%arg15 : memref<80x128xf32, #tpu.memory_space<vmem>>) offsets(%arg9 : memref<80xi32, #tpu.memory_space<vmem>>) semaphore(%arg23 : memref<!tpu.dma_semaphore, #tpu.memory_space<semaphore_mem>>)
    %dma_wait3A_134 = arith.constant 0 : i32
    %dma_wait3A_135 = arith.constant 0 : i32
    %dma_wait3A_136 = tpu.memref_slice %arg4[%dma_wait3A_134, %dma_wait3A_135] : memref<10000x128xf32, #tpu.memory_space<hbm>> -> memref<10000x128xf32, #tpu.memory_space<hbm>>
    tpu.wait_indirect_dma semaphore(%arg23 : memref<!tpu.dma_semaphore, #tpu.memory_space<semaphore_mem>>) src(%dma_wait3A_136 : memref<10000x128xf32, #tpu.memory_space<hbm>>) dst(%arg15 : memref<80x128xf32, #tpu.memory_space<vmem>>)
    %get3A_137 = arith.constant 0 : index
    %get3A_138 = tpu.vector_load %arg13[%get3A_137] {strides = array<i32>} : memref<80xi32, #tpu.memory_space<vmem>>, vector<16xi32>,
    tpu.vector_store_idx %arg28[%get3A_138], %broadcast_in_dim3A_3 {add = true} : memref<10000xf32, #tpu.memory_space<vmem>>[vector<16xi32>], vector<16xf32>,
    %get3A_139 = arith.constant 16 : index
    %get3A_140 = tpu.vector_load %arg13[%get3A_139] {strides = array<i32>} : memref<80xi32, #tpu.memory_space<vmem>>, vector<16xi32>,
    tpu.vector_store_idx %arg28[%get3A_140], %broadcast_in_dim3A_3 {add = true} : memref<10000xf32, #tpu.memory_space<vmem>>[vector<16xi32>], vector<16xf32>,
    %get3A_141 = arith.constant 32 : index
    %get3A_142 = tpu.vector_load %arg13[%get3A_141] {strides = array<i32>} : memref<80xi32, #tpu.memory_space<vmem>>, vector<16xi32>,
    tpu.vector_store_idx %arg28[%get3A_142], %broadcast_in_dim3A_3 {add = true} : memref<10000xf32, #tpu.memory_space<vmem>>[vector<16xi32>], vector<16xf32>,
    %get3A_143 = arith.constant 48 : index
    %get3A_144 = tpu.vector_load %arg13[%get3A_143] {strides = array<i32>} : memref<80xi32, #tpu.memory_space<vmem>>, vector<16xi32>,
    tpu.vector_store_idx %arg28[%get3A_144], %broadcast_in_dim3A_3 {add = true} : memref<10000xf32, #tpu.memory_space<vmem>>[vector<16xi32>], vector<16xf32>,
    %get3A_145 = arith.constant 64 : index
    %get3A_146 = tpu.vector_load %arg13[%get3A_145] {strides = array<i32>} : memref<80xi32, #tpu.memory_space<vmem>>, vector<16xi32>,
    tpu.vector_store_idx %arg28[%get3A_146], %broadcast_in_dim3A_3 {add = true} : memref<10000xf32, #tpu.memory_space<vmem>>[vector<16xi32>], vector<16xf32>,
    %dma_start3A_147 = arith.constant 0 : i32
    %dma_start3A_148 = arith.constant 0 : i32
    %dma_start3A_149 = tpu.memref_slice %arg18[%dma_start3A_147, %dma_start3A_148] : memref<10000x128xf32, #tpu.memory_space<vmem_shared>> -> memref<10000x128xf32, #tpu.memory_space<vmem_shared>>
    tpu.enqueue_indirect_dma source(%arg15 : memref<80x128xf32, #tpu.memory_space<vmem>>) target(%dma_start3A_149 : memref<10000x128xf32, #tpu.memory_space<vmem_shared>>) offsets(%arg13 : memref<80xi32, #tpu.memory_space<vmem>>) semaphore(%arg25 : memref<!tpu.dma_semaphore, #tpu.memory_space<semaphore_mem>>) {add = true}
    %dma_wait3A_150 = arith.constant 0 : i32
    %dma_wait3A_151 = tpu.memref_slice %arg2[%dma_wait3A_150] : memref<320000xi32, #tpu.memory_space<hbm>> -> memref<80xi32, #tpu.memory_space<hbm>>
    %dma_wait3A_152 = arith.constant 0 : i32
    %dma_wait3A_153 = tpu.memref_slice %arg2[%dma_wait3A_152] : memref<320000xi32, #tpu.memory_space<hbm>> -> memref<80xi32, #tpu.memory_space<hbm>>
    tpu.wait_dma2 semaphore(%arg22 : memref<!tpu.dma_semaphore, #tpu.memory_space<semaphore_mem>>) src(%dma_wait3A_153 : memref<80xi32, #tpu.memory_space<hbm>>) dst(%arg10 : memref<80xi32, #tpu.memory_space<vmem>>)
    %dma_wait3A_154 = arith.constant 0 : i32
    %dma_wait3A_155 = tpu.memref_slice %arg3[%dma_wait3A_154] : memref<320000xi32, #tpu.memory_space<hbm>> -> memref<80xi32, #tpu.memory_space<hbm>>
    %dma_wait3A_156 = arith.constant 0 : i32
    %dma_wait3A_157 = tpu.memref_slice %arg3[%dma_wait3A_156] : memref<320000xi32, #tpu.memory_space<hbm>> -> memref<80xi32, #tpu.memory_space<hbm>>
    tpu.wait_dma2 semaphore(%arg22 : memref<!tpu.dma_semaphore, #tpu.memory_space<semaphore_mem>>) src(%dma_wait3A_157 : memref<80xi32, #tpu.memory_space<hbm>>) dst(%arg14 : memref<80xi32, #tpu.memory_space<vmem>>)
    %dma_wait3A_158 = arith.constant 0 : i32
    %dma_wait3A_159 = arith.constant 0 : i32
    %dma_wait3A_160 = tpu.memref_slice %arg18[%dma_wait3A_158, %dma_wait3A_159] : memref<10000x128xf32, #tpu.memory_space<vmem_shared>> -> memref<10000x128xf32, #tpu.memory_space<vmem_shared>>
    tpu.wait_indirect_dma semaphore(%arg26 : memref<!tpu.dma_semaphore, #tpu.memory_space<semaphore_mem>>) src(%arg16 : memref<80x128xf32, #tpu.memory_space<vmem>>) dst(%dma_wait3A_160 : memref<10000x128xf32, #tpu.memory_space<vmem_shared>>)
    %dma_start3A_161 = arith.constant 0 : i32
    %dma_start3A_162 = arith.constant 0 : i32
    %dma_start3A_163 = tpu.memref_slice %arg4[%dma_start3A_161, %dma_start3A_162] : memref<10000x128xf32, #tpu.memory_space<hbm>> -> memref<10000x128xf32, #tpu.memory_space<hbm>>
    tpu.enqueue_indirect_dma source(%dma_start3A_163 : memref<10000x128xf32, #tpu.memory_space<hbm>>) target(%arg16 : memref<80x128xf32, #tpu.memory_space<vmem>>) offsets(%arg10 : memref<80xi32, #tpu.memory_space<vmem>>) semaphore(%arg24 : memref<!tpu.dma_semaphore, #tpu.memory_space<semaphore_mem>>)
    %dma_wait3A_164 = arith.constant 0 : i32
    %dma_wait3A_165 = arith.constant 0 : i32
    %dma_wait3A_166 = tpu.memref_slice %arg4[%dma_wait3A_164, %dma_wait3A_165] : memref<10000x128xf32, #tpu.memory_space<hbm>> -> memref<10000x128xf32, #tpu.memory_space<hbm>>
    tpu.wait_indirect_dma semaphore(%arg24 : memref<!tpu.dma_semaphore, #tpu.memory_space<semaphore_mem>>) src(%dma_wait3A_166 : memref<10000x128xf32, #tpu.memory_space<hbm>>) dst(%arg16 : memref<80x128xf32, #tpu.memory_space<vmem>>)
    %get3A_167 = arith.constant 0 : index
    %get3A_168 = tpu.vector_load %arg14[%get3A_167] {strides = array<i32>} : memref<80xi32, #tpu.memory_space<vmem>>, vector<16xi32>,
    tpu.vector_store_idx %arg28[%get3A_168], %broadcast_in_dim3A_3 {add = true} : memref<10000xf32, #tpu.memory_space<vmem>>[vector<16xi32>], vector<16xf32>,
    %get3A_169 = arith.constant 16 : index
    %get3A_170 = tpu.vector_load %arg14[%get3A_169] {strides = array<i32>} : memref<80xi32, #tpu.memory_space<vmem>>, vector<16xi32>,
    tpu.vector_store_idx %arg28[%get3A_170], %broadcast_in_dim3A_3 {add = true} : memref<10000xf32, #tpu.memory_space<vmem>>[vector<16xi32>], vector<16xf32>,
    %get3A_171 = arith.constant 32 : index
    %get3A_172 = tpu.vector_load %arg14[%get3A_171] {strides = array<i32>} : memref<80xi32, #tpu.memory_space<vmem>>, vector<16xi32>,
    tpu.vector_store_idx %arg28[%get3A_172], %broadcast_in_dim3A_3 {add = true} : memref<10000xf32, #tpu.memory_space<vmem>>[vector<16xi32>], vector<16xf32>,
    %get3A_173 = arith.constant 48 : index
    %get3A_174 = tpu.vector_load %arg14[%get3A_173] {strides = array<i32>} : memref<80xi32, #tpu.memory_space<vmem>>, vector<16xi32>,
    tpu.vector_store_idx %arg28[%get3A_174], %broadcast_in_dim3A_3 {add = true} : memref<10000xf32, #tpu.memory_space<vmem>>[vector<16xi32>], vector<16xf32>,
    %get3A_175 = arith.constant 64 : index
    %get3A_176 = tpu.vector_load %arg14[%get3A_175] {strides = array<i32>} : memref<80xi32, #tpu.memory_space<vmem>>, vector<16xi32>,
    tpu.vector_store_idx %arg28[%get3A_176], %broadcast_in_dim3A_3 {add = true} : memref<10000xf32, #tpu.memory_space<vmem>>[vector<16xi32>], vector<16xf32>,
    %dma_start3A_177 = arith.constant 0 : i32
    %dma_start3A_178 = arith.constant 0 : i32
    %dma_start3A_179 = tpu.memref_slice %arg18[%dma_start3A_177, %dma_start3A_178] : memref<10000x128xf32, #tpu.memory_space<vmem_shared>> -> memref<10000x128xf32, #tpu.memory_space<vmem_shared>>
    tpu.enqueue_indirect_dma source(%arg16 : memref<80x128xf32, #tpu.memory_space<vmem>>) target(%dma_start3A_179 : memref<10000x128xf32, #tpu.memory_space<vmem_shared>>) offsets(%arg14 : memref<80xi32, #tpu.memory_space<vmem>>) semaphore(%arg26 : memref<!tpu.dma_semaphore, #tpu.memory_space<semaphore_mem>>) {add = true}
    %dma_wait3A_180 = arith.constant 0 : i32
    %dma_wait3A_181 = tpu.memref_slice %arg2[%dma_wait3A_180] : memref<320000xi32, #tpu.memory_space<hbm>> -> memref<80xi32, #tpu.memory_space<hbm>>
    %dma_wait3A_182 = arith.constant 0 : i32
    %dma_wait3A_183 = tpu.memref_slice %arg2[%dma_wait3A_182] : memref<320000xi32, #tpu.memory_space<hbm>> -> memref<80xi32, #tpu.memory_space<hbm>>
    tpu.wait_dma2 semaphore(%arg19 : memref<!tpu.dma_semaphore, #tpu.memory_space<semaphore_mem>>) src(%dma_wait3A_183 : memref<80xi32, #tpu.memory_space<hbm>>) dst(%arg7 : memref<80xi32, #tpu.memory_space<vmem>>)
    %dma_wait3A_184 = arith.constant 0 : i32
    %dma_wait3A_185 = tpu.memref_slice %arg3[%dma_wait3A_184] : memref<320000xi32, #tpu.memory_space<hbm>> -> memref<80xi32, #tpu.memory_space<hbm>>
    %dma_wait3A_186 = arith.constant 0 : i32
    %dma_wait3A_187 = tpu.memref_slice %arg3[%dma_wait3A_186] : memref<320000xi32, #tpu.memory_space<hbm>> -> memref<80xi32, #tpu.memory_space<hbm>>
    tpu.wait_dma2 semaphore(%arg19 : memref<!tpu.dma_semaphore, #tpu.memory_space<semaphore_mem>>) src(%dma_wait3A_187 : memref<80xi32, #tpu.memory_space<hbm>>) dst(%arg11 : memref<80xi32, #tpu.memory_space<vmem>>)
    %dma_wait3A_188 = arith.constant 0 : i32
    %dma_wait3A_189 = arith.constant 0 : i32
    %dma_wait3A_190 = tpu.memref_slice %arg18[%dma_wait3A_188, %dma_wait3A_189] : memref<10000x128xf32, #tpu.memory_space<vmem_shared>> -> memref<10000x128xf32, #tpu.memory_space<vmem_shared>>
    tpu.wait_indirect_dma semaphore(%arg25 : memref<!tpu.dma_semaphore, #tpu.memory_space<semaphore_mem>>) src(%arg15 : memref<80x128xf32, #tpu.memory_space<vmem>>) dst(%dma_wait3A_190 : memref<10000x128xf32, #tpu.memory_space<vmem_shared>>)
    %dma_start3A_191 = arith.constant 0 : i32
    %dma_start3A_192 = arith.constant 0 : i32
    %dma_start3A_193 = tpu.memref_slice %arg4[%dma_start3A_191, %dma_start3A_192] : memref<10000x128xf32, #tpu.memory_space<hbm>> -> memref<10000x128xf32, #tpu.memory_space<hbm>>
    tpu.enqueue_indirect_dma source(%dma_start3A_193 : memref<10000x128xf32, #tpu.memory_space<hbm>>) target(%arg15 : memref<80x128xf32, #tpu.memory_space<vmem>>) offsets(%arg7 : memref<80xi32, #tpu.memory_space<vmem>>) semaphore(%arg23 : memref<!tpu.dma_semaphore, #tpu.memory_space<semaphore_mem>>)
    %dma_wait3A_194 = arith.constant 0 : i32
    %dma_wait3A_195 = arith.constant 0 : i32
    %dma_wait3A_196 = tpu.memref_slice %arg4[%dma_wait3A_194, %dma_wait3A_195] : memref<10000x128xf32, #tpu.memory_space<hbm>> -> memref<10000x128xf32, #tpu.memory_space<hbm>>
    tpu.wait_indirect_dma semaphore(%arg23 : memref<!tpu.dma_semaphore, #tpu.memory_space<semaphore_mem>>) src(%dma_wait3A_196 : memref<10000x128xf32, #tpu.memory_space<hbm>>) dst(%arg15 : memref<80x128xf32, #tpu.memory_space<vmem>>)
    %get3A_197 = arith.constant 0 : index
    %get3A_198 = tpu.vector_load %arg11[%get3A_197] {strides = array<i32>} : memref<80xi32, #tpu.memory_space<vmem>>, vector<16xi32>,
    tpu.vector_store_idx %arg28[%get3A_198], %broadcast_in_dim3A_3 {add = true} : memref<10000xf32, #tpu.memory_space<vmem>>[vector<16xi32>], vector<16xf32>,
    %get3A_199 = arith.constant 16 : index
    %get3A_200 = tpu.vector_load %arg11[%get3A_199] {strides = array<i32>} : memref<80xi32, #tpu.memory_space<vmem>>, vector<16xi32>,
    tpu.vector_store_idx %arg28[%get3A_200], %broadcast_in_dim3A_3 {add = true} : memref<10000xf32, #tpu.memory_space<vmem>>[vector<16xi32>], vector<16xf32>,
    %get3A_201 = arith.constant 32 : index
    %get3A_202 = tpu.vector_load %arg11[%get3A_201] {strides = array<i32>} : memref<80xi32, #tpu.memory_space<vmem>>, vector<16xi32>,
    tpu.vector_store_idx %arg28[%get3A_202], %broadcast_in_dim3A_3 {add = true} : memref<10000xf32, #tpu.memory_space<vmem>>[vector<16xi32>], vector<16xf32>,
    %get3A_203 = arith.constant 48 : index
    %get3A_204 = tpu.vector_load %arg11[%get3A_203] {strides = array<i32>} : memref<80xi32, #tpu.memory_space<vmem>>, vector<16xi32>,
    tpu.vector_store_idx %arg28[%get3A_204], %broadcast_in_dim3A_3 {add = true} : memref<10000xf32, #tpu.memory_space<vmem>>[vector<16xi32>], vector<16xf32>,
    %get3A_205 = arith.constant 64 : index
    %get3A_206 = tpu.vector_load %arg11[%get3A_205] {strides = array<i32>} : memref<80xi32, #tpu.memory_space<vmem>>, vector<16xi32>,
    tpu.vector_store_idx %arg28[%get3A_206], %broadcast_in_dim3A_3 {add = true} : memref<10000xf32, #tpu.memory_space<vmem>>[vector<16xi32>], vector<16xf32>,
    %dma_start3A_207 = arith.constant 0 : i32
    %dma_start3A_208 = arith.constant 0 : i32
    %dma_start3A_209 = tpu.memref_slice %arg18[%dma_start3A_207, %dma_start3A_208] : memref<10000x128xf32, #tpu.memory_space<vmem_shared>> -> memref<10000x128xf32, #tpu.memory_space<vmem_shared>>
    tpu.enqueue_indirect_dma source(%arg15 : memref<80x128xf32, #tpu.memory_space<vmem>>) target(%dma_start3A_209 : memref<10000x128xf32, #tpu.memory_space<vmem_shared>>) offsets(%arg11 : memref<80xi32, #tpu.memory_space<vmem>>) semaphore(%arg25 : memref<!tpu.dma_semaphore, #tpu.memory_space<semaphore_mem>>) {add = true}
    %dma_wait3A_210 = arith.constant 0 : i32
    %dma_wait3A_211 = arith.constant 0 : i32
    %dma_wait3A_212 = tpu.memref_slice %arg18[%dma_wait3A_210, %dma_wait3A_211] : memref<10000x128xf32, #tpu.memory_space<vmem_shared>> -> memref<10000x128xf32, #tpu.memory_space<vmem_shared>>
    tpu.wait_indirect_dma semaphore(%arg26 : memref<!tpu.dma_semaphore, #tpu.memory_space<semaphore_mem>>) src(%arg16 : memref<80x128xf32, #tpu.memory_space<vmem>>) dst(%dma_wait3A_212 : memref<10000x128xf32, #tpu.memory_space<vmem_shared>>)
    %dma_wait3A_213 = arith.constant 0 : i32
    %dma_wait3A_214 = arith.constant 0 : i32
    %dma_wait3A_215 = tpu.memref_slice %arg18[%dma_wait3A_213, %dma_wait3A_214] : memref<10000x128xf32, #tpu.memory_space<vmem_shared>> -> memref<10000x128xf32, #tpu.memory_space<vmem_shared>>
    tpu.wait_indirect_dma semaphore(%arg25 : memref<!tpu.dma_semaphore, #tpu.memory_space<semaphore_mem>>) src(%arg15 : memref<80x128xf32, #tpu.memory_space<vmem>>) dst(%dma_wait3A_215 : memref<10000x128xf32, #tpu.memory_space<vmem_shared>>)
    %barrier3A_216 = arith.constant 0 : index
    tpu.barrier barrier_id(%barrier3A_216)
    "tpu.region"() ({
      %run_scoped3A = tpu.sem_alloc : memref<!tpu.dma_semaphore, #tpu.memory_space<semaphore_mem>>
      %dma_start3A_222 = arith.constant 0 : i32
      %dma_start3A_223 = tpu.memref_slice %arg5[%arg0, %mul3A_14, %dma_start3A_222] : memref<2x10000x128xf32, #tpu.memory_space<hbm>> -> memref<1x624x128xf32, #tpu.memory_space<hbm>>
      %dma_start3A_224 = tpu.memref_squeeze %dma_start3A_223 : memref<1x624x128xf32, #tpu.memory_space<hbm>> -> memref<624x128xf32, #tpu.memory_space<hbm>>
      %dma_start3A_225 = arith.constant 0 : i32
      %dma_start3A_226 = tpu.memref_slice %arg18[%mul3A_14, %dma_start3A_225] : memref<10000x128xf32, #tpu.memory_space<vmem_shared>> -> memref<624x128xf32, #tpu.memory_space<vmem_shared>>
      tpu.enqueue_dma source(%dma_start3A_226 : memref<624x128xf32, #tpu.memory_space<vmem_shared>>) target(%dma_start3A_224 : memref<624x128xf32, #tpu.memory_space<hbm>>) target_semaphore(%run_scoped3A : memref<!tpu.dma_semaphore, #tpu.memory_space<semaphore_mem>>)
      %dma_wait3A_227 = arith.constant 0 : i32
      %dma_wait3A_228 = tpu.memref_slice %arg5[%arg0, %mul3A_14, %dma_wait3A_227] : memref<2x10000x128xf32, #tpu.memory_space<hbm>> -> memref<1x624x128xf32, #tpu.memory_space<hbm>>
      %dma_wait3A_229 = tpu.memref_squeeze %dma_wait3A_228 : memref<1x624x128xf32, #tpu.memory_space<hbm>> -> memref<624x128xf32, #tpu.memory_space<hbm>>
      %dma_wait3A_230 = arith.constant 0 : i32
      %dma_wait3A_231 = tpu.memref_slice %arg18[%mul3A_14, %dma_wait3A_230] : memref<10000x128xf32, #tpu.memory_space<vmem_shared>> -> memref<624x128xf32, #tpu.memory_space<vmem_shared>>
      tpu.wait_dma2 semaphore(%run_scoped3A : memref<!tpu.dma_semaphore, #tpu.memory_space<semaphore_mem>>) src(%dma_wait3A_231 : memref<624x128xf32, #tpu.memory_space<vmem_shared>>) dst(%dma_wait3A_229 : memref<624x128xf32, #tpu.memory_space<hbm>>)
      tpu.yield
    }) : () -> ()
    "tpu.region"() ({
      %run_scoped3A = tpu.sem_alloc : memref<!tpu.dma_semaphore, #tpu.memory_space<semaphore_mem>>
      %dma_start3A_222 = arith.constant 0 : i32
      %dma_start3A_223 = tpu.memref_slice %arg6[%add3A, %dma_start3A_222] : memref<32x10000xf32, #tpu.memory_space<hbm>> -> memref<1x10000xf32, #tpu.memory_space<hbm>>
      %dma_start3A_224 = tpu.memref_squeeze %dma_start3A_223 : memref<1x10000xf32, #tpu.memory_space<hbm>> -> memref<10000xf32, #tpu.memory_space<hbm>>
      %dma_start3A_225 = arith.constant 0 : i32
      %dma_start3A_226 = tpu.memref_slice %arg6[%add3A, %dma_start3A_225] : memref<32x10000xf32, #tpu.memory_space<hbm>> -> memref<1x10000xf32, #tpu.memory_space<hbm>>
      %dma_start3A_227 = tpu.memref_squeeze %dma_start3A_226 : memref<1x10000xf32, #tpu.memory_space<hbm>> -> memref<10000xf32, #tpu.memory_space<hbm>>
      tpu.enqueue_dma source(%arg28 : memref<10000xf32, #tpu.memory_space<vmem>>) target(%dma_start3A_227 : memref<10000xf32, #tpu.memory_space<hbm>>) target_semaphore(%run_scoped3A : memref<!tpu.dma_semaphore, #tpu.memory_space<semaphore_mem>>)
      %dma_wait3A_228 = arith.constant 0 : i32
      %dma_wait3A_229 = tpu.memref_slice %arg6[%add3A, %dma_wait3A_228] : memref<32x10000xf32, #tpu.memory_space<hbm>> -> memref<1x10000xf32, #tpu.memory_space<hbm>>
      %dma_wait3A_230 = tpu.memref_squeeze %dma_wait3A_229 : memref<1x10000xf32, #tpu.memory_space<hbm>> -> memref<10000xf32, #tpu.memory_space<hbm>>
      %dma_wait3A_231 = arith.constant 0 : i32
      %dma_wait3A_232 = tpu.memref_slice %arg6[%add3A, %dma_wait3A_231] : memref<32x10000xf32, #tpu.memory_space<hbm>> -> memref<1x10000xf32, #tpu.memory_space<hbm>>
      %dma_wait3A_233 = tpu.memref_squeeze %dma_wait3A_232 : memref<1x10000xf32, #tpu.memory_space<hbm>> -> memref<10000xf32, #tpu.memory_space<hbm>>
      tpu.wait_dma2 semaphore(%run_scoped3A : memref<!tpu.dma_semaphore, #tpu.memory_space<semaphore_mem>>) src(%arg28 : memref<10000xf32, #tpu.memory_space<vmem>>) dst(%dma_wait3A_233 : memref<10000xf32, #tpu.memory_space<hbm>>)
      tpu.yield
    }) : () -> ()
    %eq3A_217 = arith.constant 0 : i32
    %eq3A_218 = arith.cmpi eq, %arg1, %eq3A_217 : i32
    %convert_element_type3A_219 = arith.extui %eq3A_218 : i1 to i32
    %cond3A_220 = arith.constant 0 : i32
    %cond3A_221 = arith.cmpi ne, %convert_element_type3A_219, %cond3A_220 : i32
    scf.if %cond3A_221 {
      "tpu.region"() ({
        %run_scoped3A = tpu.sem_alloc : memref<!tpu.dma_semaphore, #tpu.memory_space<semaphore_mem>>
        %dma_start3A_222 = arith.constant 9984 : i32
        %dma_start3A_223 = arith.constant 0 : i32
        %dma_start3A_224 = tpu.memref_slice %arg5[%arg0, %dma_start3A_222, %dma_start3A_223] : memref<2x10000x128xf32, #tpu.memory_space<hbm>> -> memref<1x16x128xf32, #tpu.memory_space<hbm>>
        %dma_start3A_225 = tpu.memref_squeeze %dma_start3A_224 : memref<1x16x128xf32, #tpu.memory_space<hbm>> -> memref<16x128xf32, #tpu.memory_space<hbm>>
        %dma_start3A_226 = arith.constant 9984 : i32
        %dma_start3A_227 = arith.constant 0 : i32
        %dma_start3A_228 = tpu.memref_slice %arg18[%dma_start3A_226, %dma_start3A_227] : memref<10000x128xf32, #tpu.memory_space<vmem_shared>> -> memref<16x128xf32, #tpu.memory_space<vmem_shared>>
        tpu.enqueue_dma source(%dma_start3A_228 : memref<16x128xf32, #tpu.memory_space<vmem_shared>>) target(%dma_start3A_225 : memref<16x128xf32, #tpu.memory_space<hbm>>) target_semaphore(%run_scoped3A : memref<!tpu.dma_semaphore, #tpu.memory_space<semaphore_mem>>)
        %dma_wait3A_229 = arith.constant 9984 : i32
        %dma_wait3A_230 = arith.constant 0 : i32
        %dma_wait3A_231 = tpu.memref_slice %arg5[%arg0, %dma_wait3A_229, %dma_wait3A_230] : memref<2x10000x128xf32, #tpu.memory_space<hbm>> -> memref<1x16x128xf32, #tpu.memory_space<hbm>>
        %dma_wait3A_232 = tpu.memref_squeeze %dma_wait3A_231 : memref<1x16x128xf32, #tpu.memory_space<hbm>> -> memref<16x128xf32, #tpu.memory_space<hbm>>
        %dma_wait3A_233 = arith.constant 9984 : i32
        %dma_wait3A_234 = arith.constant 0 : i32
        %dma_wait3A_235 = tpu.memref_slice %arg18[%dma_wait3A_233, %dma_wait3A_234] : memref<10000x128xf32, #tpu.memory_space<vmem_shared>> -> memref<16x128xf32, #tpu.memory_space<vmem_shared>>
        tpu.wait_dma2 semaphore(%run_scoped3A : memref<!tpu.dma_semaphore, #tpu.memory_space<semaphore_mem>>) src(%dma_wait3A_235 : memref<16x128xf32, #tpu.memory_space<vmem_shared>>) dst(%dma_wait3A_232 : memref<16x128xf32, #tpu.memory_space<hbm>>)
        tpu.yield
      }) : () -> ()
    } else {
    }
    return
  }
}

#map = affine_map<(d0, d1) -> (0)>
#map1 = affine_map<(d0, d1) -> (0, 0)>
#map2 = affine_map<(d0, d1) -> (0, 0, 0)>
module attributes {stable_mosaic.version = 14 : i64} {
  func.func @body(%arg0: i32, %arg1: i32, %arg2: memref<320000xi32, #tpu.memory_space<hbm>>, %arg3: memref<320000xi32, #tpu.memory_space<hbm>>, %arg4: memref<10000x128xf32, #tpu.memory_space<hbm>>, %arg5: memref<2x10000x128xf32, #tpu.memory_space<hbm>>, %arg6: memref<128xi32, #tpu.memory_space<vmem>>, %arg7: memref<128xi32, #tpu.memory_space<vmem>>, %arg8: memref<128xi32, #tpu.memory_space<vmem>>, %arg9: memref<128xi32, #tpu.memory_space<vmem>>, %arg10: memref<128xi32, #tpu.memory_space<vmem>>, %arg11: memref<128xi32, #tpu.memory_space<vmem>>, %arg12: memref<128xi32, #tpu.memory_space<vmem>>, %arg13: memref<128xi32, #tpu.memory_space<vmem>>, %arg14: memref<128x128xf32, #tpu.memory_space<vmem>>, %arg15: memref<128x128xf32, #tpu.memory_space<vmem>>, %arg16: memref<8x128xf32, #tpu.memory_space<vmem>>, %arg17: memref<10000x128xf32, #tpu.memory_space<vmem_shared>>, %arg18: memref<!tpu.dma_semaphore, #tpu.memory_space<semaphore_mem>>, %arg19: memref<!tpu.dma_semaphore, #tpu.memory_space<semaphore_mem>>, %arg20: memref<!tpu.dma_semaphore, #tpu.memory_space<semaphore_mem>>, %arg21: memref<!tpu.dma_semaphore, #tpu.memory_space<semaphore_mem>>, %arg22: memref<!tpu.dma_semaphore, #tpu.memory_space<semaphore_mem>>, %arg23: memref<!tpu.dma_semaphore, #tpu.memory_space<semaphore_mem>>, %arg24: memref<!tpu.dma_semaphore, #tpu.memory_space<semaphore_mem>>, %arg25: memref<!tpu.dma_semaphore, #tpu.memory_space<semaphore_mem>>, %arg26: memref<!tpu.dma_semaphore, #tpu.memory_space<semaphore_mem>>, %arg27: memref<16xi32, #tpu.memory_space<vmem>>, %arg28: memref<16xi32, #tpu.memory_space<vmem>>, %arg29: memref<16x128xf32, #tpu.memory_space<vmem>>) attributes {dimension_semantics = [#tpu.dimension_semantics<core_parallel>, #tpu.dimension_semantics<subcore_parallel>], iteration_bounds = array<i64: 2, 16>, scalar_prefetch = 0 : i64, scratch_operands = 24 : i64, tpu.core_type = #tpu.core_type<sc_vector_subcore>, window_params = [{transform_indices = #map}, {transform_indices = #map}, {transform_indices = #map1}, {transform_indices = #map2}]} {
    %mul3A = arith.constant 2 : i32
    %mul3A_0 = arith.muli %arg1, %mul3A : i32
    %add3A = arith.addi %mul3A_0, %arg0 : i32
    %broadcast_in_dim3A = arith.constant 0.000000e+00 : f32
    %broadcast_in_dim3A_1 = vector.broadcast %broadcast_in_dim3A : f32 to vector<16xf32>
    %broadcast_in_dim3A_2 = arith.constant 1.000000e+00 : f32
    %broadcast_in_dim3A_3 = vector.broadcast %broadcast_in_dim3A_2 : f32 to vector<16xf32>
    %scan3A = arith.constant 0 : i32
    %scan3A_4 = arith.constant 8 : i32
    %scan3A_5 = arith.addi %scan3A, %scan3A_4 : i32
    %scan3A_6 = arith.constant 1 : i32
    scf.for %scan3A_196 = %scan3A to %scan3A_5 step %scan3A_6  : i32 {
      %mul3A_197 = arith.constant 1 : i32
      %mul3A_198 = arith.muli %scan3A_196, %mul3A_197 : i32
      %add3A_199 = arith.constant 0 : i32
      %add3A_200 = arith.addi %add3A_199, %mul3A_198 : i32
      %scan3A_201 = arith.constant 0 : i32
      %scan3A_202 = arith.constant 8 : i32
      %scan3A_203 = arith.addi %scan3A_201, %scan3A_202 : i32
      %scan3A_204 = arith.constant 1 : i32
      scf.for %scan3A_206 = %scan3A_201 to %scan3A_203 step %scan3A_204  : i32 {
        %mul3A_207 = arith.constant 16 : i32
        %mul3A_208 = arith.muli %scan3A_206, %mul3A_207 : i32
        %add3A_209 = arith.constant 0 : i32
        %add3A_210 = arith.addi %add3A_209, %mul3A_208 : i32
        %swap3A = arith.index_cast %add3A_200 : i32 to index
        %swap3A_211 = arith.index_cast %add3A_210 : i32 to index
        %swap3A_212 = tpu.vector_load %arg16[%swap3A, %swap3A_211] {strides = array<i32>} : memref<8x128xf32, #tpu.memory_space<vmem>>, vector<16xf32>,
        tpu.vector_store %arg16[%swap3A, %swap3A_211], %broadcast_in_dim3A_1 {strides = array<i32>} : memref<8x128xf32, #tpu.memory_space<vmem>>, vector<16xf32>,
      }
      %scan3A_205 = arith.constant 8 : i32
    }
    %scan3A_7 = arith.constant 8 : i32
    %mul3A_8 = arith.constant 624 : i32
    %mul3A_9 = arith.muli %arg1, %mul3A_8 : i32
    %scan3A_10 = arith.constant 0 : i32
    %scan3A_11 = arith.constant 78 : i32
    %scan3A_12 = arith.addi %scan3A_10, %scan3A_11 : i32
    %scan3A_13 = arith.constant 1 : i32
    scf.for %scan3A_196 = %scan3A_10 to %scan3A_12 step %scan3A_13  : i32 {
      %mul3A_197 = arith.constant 1 : i32
      %mul3A_198 = arith.muli %scan3A_196, %mul3A_197 : i32
      %add3A_199 = arith.constant 0 : i32
      %add3A_200 = arith.addi %add3A_199, %mul3A_198 : i32
      %mul3A_201 = arith.constant 8 : i32
      %mul3A_202 = arith.muli %add3A_200, %mul3A_201 : i32
      %add3A_203 = arith.addi %mul3A_9, %mul3A_202 : i32
      %dma_start3A_204 = arith.constant 0 : i32
      %dma_start3A_205 = tpu.memref_slice %arg17[%add3A_203, %dma_start3A_204] : memref<10000x128xf32, #tpu.memory_space<vmem_shared>> -> memref<8x128xf32, #tpu.memory_space<vmem_shared>>
      %dma_start3A_206 = arith.constant 0 : i32
      %dma_start3A_207 = tpu.memref_slice %arg17[%add3A_203, %dma_start3A_206] : memref<10000x128xf32, #tpu.memory_space<vmem_shared>> -> memref<8x128xf32, #tpu.memory_space<vmem_shared>>
      tpu.enqueue_dma source(%arg16 : memref<8x128xf32, #tpu.memory_space<vmem>>) target(%dma_start3A_207 : memref<8x128xf32, #tpu.memory_space<vmem_shared>>) target_semaphore(%arg26 : memref<!tpu.dma_semaphore, #tpu.memory_space<semaphore_mem>>)
    }
    %scan3A_14 = arith.constant 78 : i32
    %eq3A = arith.constant 0 : i32
    %eq3A_15 = arith.cmpi eq, %arg1, %eq3A : i32
    %convert_element_type3A = arith.extui %eq3A_15 : i1 to i32
    %cond3A = arith.constant 0 : i32
    %cond3A_16 = arith.cmpi ne, %convert_element_type3A, %cond3A : i32
    scf.if %cond3A_16 {
      %dma_start3A_196 = arith.constant 9984 : i32
      %dma_start3A_197 = arith.constant 0 : i32
      %dma_start3A_198 = tpu.memref_slice %arg17[%dma_start3A_196, %dma_start3A_197] : memref<10000x128xf32, #tpu.memory_space<vmem_shared>> -> memref<8x128xf32, #tpu.memory_space<vmem_shared>>
      %dma_start3A_199 = arith.constant 9984 : i32
      %dma_start3A_200 = arith.constant 0 : i32
      %dma_start3A_201 = tpu.memref_slice %arg17[%dma_start3A_199, %dma_start3A_200] : memref<10000x128xf32, #tpu.memory_space<vmem_shared>> -> memref<8x128xf32, #tpu.memory_space<vmem_shared>>
      tpu.enqueue_dma source(%arg16 : memref<8x128xf32, #tpu.memory_space<vmem>>) target(%dma_start3A_201 : memref<8x128xf32, #tpu.memory_space<vmem_shared>>) target_semaphore(%arg26 : memref<!tpu.dma_semaphore, #tpu.memory_space<semaphore_mem>>)
      %dma_start3A_202 = arith.constant 9992 : i32
      %dma_start3A_203 = arith.constant 0 : i32
      %dma_start3A_204 = tpu.memref_slice %arg17[%dma_start3A_202, %dma_start3A_203] : memref<10000x128xf32, #tpu.memory_space<vmem_shared>> -> memref<8x128xf32, #tpu.memory_space<vmem_shared>>
      %dma_start3A_205 = arith.constant 9992 : i32
      %dma_start3A_206 = arith.constant 0 : i32
      %dma_start3A_207 = tpu.memref_slice %arg17[%dma_start3A_205, %dma_start3A_206] : memref<10000x128xf32, #tpu.memory_space<vmem_shared>> -> memref<8x128xf32, #tpu.memory_space<vmem_shared>>
      tpu.enqueue_dma source(%arg16 : memref<8x128xf32, #tpu.memory_space<vmem>>) target(%dma_start3A_207 : memref<8x128xf32, #tpu.memory_space<vmem_shared>>) target_semaphore(%arg26 : memref<!tpu.dma_semaphore, #tpu.memory_space<semaphore_mem>>)
    } else {
    }
    %scan3A_17 = arith.constant 0 : i32
    %scan3A_18 = arith.constant 78 : i32
    %scan3A_19 = arith.addi %scan3A_17, %scan3A_18 : i32
    %scan3A_20 = arith.constant 1 : i32
    scf.for %scan3A_196 = %scan3A_17 to %scan3A_19 step %scan3A_20  : i32 {
      %mul3A_197 = arith.constant 1 : i32
      %mul3A_198 = arith.muli %scan3A_196, %mul3A_197 : i32
      %add3A_199 = arith.constant 0 : i32
      %add3A_200 = arith.addi %add3A_199, %mul3A_198 : i32
      %dma_wait3A_201 = arith.constant 0 : i32
      %dma_wait3A_202 = arith.constant 0 : i32
      %dma_wait3A_203 = tpu.memref_slice %arg17[%dma_wait3A_201, %dma_wait3A_202] : memref<10000x128xf32, #tpu.memory_space<vmem_shared>> -> memref<8x128xf32, #tpu.memory_space<vmem_shared>>
      %dma_wait3A_204 = arith.constant 0 : i32
      %dma_wait3A_205 = arith.constant 0 : i32
      %dma_wait3A_206 = tpu.memref_slice %arg17[%dma_wait3A_204, %dma_wait3A_205] : memref<10000x128xf32, #tpu.memory_space<vmem_shared>> -> memref<8x128xf32, #tpu.memory_space<vmem_shared>>
      tpu.wait_dma2 semaphore(%arg26 : memref<!tpu.dma_semaphore, #tpu.memory_space<semaphore_mem>>) src(%arg16 : memref<8x128xf32, #tpu.memory_space<vmem>>) dst(%dma_wait3A_206 : memref<8x128xf32, #tpu.memory_space<vmem_shared>>)
    }
    %scan3A_21 = arith.constant 78 : i32
    %eq3A_22 = arith.constant 0 : i32
    %eq3A_23 = arith.cmpi eq, %arg1, %eq3A_22 : i32
    %convert_element_type3A_24 = arith.extui %eq3A_23 : i1 to i32
    %cond3A_25 = arith.constant 0 : i32
    %cond3A_26 = arith.cmpi ne, %convert_element_type3A_24, %cond3A_25 : i32
    scf.if %cond3A_26 {
      %dma_wait3A_196 = arith.constant 0 : i32
      %dma_wait3A_197 = arith.constant 0 : i32
      %dma_wait3A_198 = tpu.memref_slice %arg17[%dma_wait3A_196, %dma_wait3A_197] : memref<10000x128xf32, #tpu.memory_space<vmem_shared>> -> memref<8x128xf32, #tpu.memory_space<vmem_shared>>
      %dma_wait3A_199 = arith.constant 0 : i32
      %dma_wait3A_200 = arith.constant 0 : i32
      %dma_wait3A_201 = tpu.memref_slice %arg17[%dma_wait3A_199, %dma_wait3A_200] : memref<10000x128xf32, #tpu.memory_space<vmem_shared>> -> memref<8x128xf32, #tpu.memory_space<vmem_shared>>
      tpu.wait_dma2 semaphore(%arg26 : memref<!tpu.dma_semaphore, #tpu.memory_space<semaphore_mem>>) src(%arg16 : memref<8x128xf32, #tpu.memory_space<vmem>>) dst(%dma_wait3A_201 : memref<8x128xf32, #tpu.memory_space<vmem_shared>>)
      %dma_wait3A_202 = arith.constant 0 : i32
      %dma_wait3A_203 = arith.constant 0 : i32
      %dma_wait3A_204 = tpu.memref_slice %arg17[%dma_wait3A_202, %dma_wait3A_203] : memref<10000x128xf32, #tpu.memory_space<vmem_shared>> -> memref<8x128xf32, #tpu.memory_space<vmem_shared>>
      %dma_wait3A_205 = arith.constant 0 : i32
      %dma_wait3A_206 = arith.constant 0 : i32
      %dma_wait3A_207 = tpu.memref_slice %arg17[%dma_wait3A_205, %dma_wait3A_206] : memref<10000x128xf32, #tpu.memory_space<vmem_shared>> -> memref<8x128xf32, #tpu.memory_space<vmem_shared>>
      tpu.wait_dma2 semaphore(%arg26 : memref<!tpu.dma_semaphore, #tpu.memory_space<semaphore_mem>>) src(%arg16 : memref<8x128xf32, #tpu.memory_space<vmem>>) dst(%dma_wait3A_207 : memref<8x128xf32, #tpu.memory_space<vmem_shared>>)
    } else {
    }
    %barrier3A = arith.constant 0 : index
    tpu.barrier barrier_id(%barrier3A)
    %mul3A_27 = arith.constant 10000 : i32
    %mul3A_28 = arith.muli %add3A, %mul3A_27 : i32
    %add3A_29 = arith.constant 9984 : i32
    %add3A_30 = arith.addi %mul3A_28, %add3A_29 : i32
    "tpu.region"() ({
      %run_scoped3A = tpu.sem_alloc : memref<!tpu.dma_semaphore, #tpu.memory_space<semaphore_mem>>
      %dma_start3A_196 = tpu.memref_slice %arg2[%add3A_30] : memref<320000xi32, #tpu.memory_space<hbm>> -> memref<16xi32, #tpu.memory_space<hbm>>
      %dma_start3A_197 = tpu.memref_slice %arg2[%add3A_30] : memref<320000xi32, #tpu.memory_space<hbm>> -> memref<16xi32, #tpu.memory_space<hbm>>
      tpu.enqueue_dma source(%dma_start3A_197 : memref<16xi32, #tpu.memory_space<hbm>>) target(%arg27 : memref<16xi32, #tpu.memory_space<vmem>>) target_semaphore(%run_scoped3A : memref<!tpu.dma_semaphore, #tpu.memory_space<semaphore_mem>>)
      %dma_wait3A_198 = tpu.memref_slice %arg2[%add3A_30] : memref<320000xi32, #tpu.memory_space<hbm>> -> memref<16xi32, #tpu.memory_space<hbm>>
      %dma_wait3A_199 = tpu.memref_slice %arg2[%add3A_30] : memref<320000xi32, #tpu.memory_space<hbm>> -> memref<16xi32, #tpu.memory_space<hbm>>
      tpu.wait_dma2 semaphore(%run_scoped3A : memref<!tpu.dma_semaphore, #tpu.memory_space<semaphore_mem>>) src(%dma_wait3A_199 : memref<16xi32, #tpu.memory_space<hbm>>) dst(%arg27 : memref<16xi32, #tpu.memory_space<vmem>>)
      tpu.yield
    }) : () -> ()
    "tpu.region"() ({
      %run_scoped3A = tpu.sem_alloc : memref<!tpu.dma_semaphore, #tpu.memory_space<semaphore_mem>>
      %dma_start3A_196 = tpu.memref_slice %arg3[%add3A_30] : memref<320000xi32, #tpu.memory_space<hbm>> -> memref<16xi32, #tpu.memory_space<hbm>>
      %dma_start3A_197 = tpu.memref_slice %arg3[%add3A_30] : memref<320000xi32, #tpu.memory_space<hbm>> -> memref<16xi32, #tpu.memory_space<hbm>>
      tpu.enqueue_dma source(%dma_start3A_197 : memref<16xi32, #tpu.memory_space<hbm>>) target(%arg28 : memref<16xi32, #tpu.memory_space<vmem>>) target_semaphore(%run_scoped3A : memref<!tpu.dma_semaphore, #tpu.memory_space<semaphore_mem>>)
      %dma_wait3A_198 = tpu.memref_slice %arg3[%add3A_30] : memref<320000xi32, #tpu.memory_space<hbm>> -> memref<16xi32, #tpu.memory_space<hbm>>
      %dma_wait3A_199 = tpu.memref_slice %arg3[%add3A_30] : memref<320000xi32, #tpu.memory_space<hbm>> -> memref<16xi32, #tpu.memory_space<hbm>>
      tpu.wait_dma2 semaphore(%run_scoped3A : memref<!tpu.dma_semaphore, #tpu.memory_space<semaphore_mem>>) src(%dma_wait3A_199 : memref<16xi32, #tpu.memory_space<hbm>>) dst(%arg28 : memref<16xi32, #tpu.memory_space<vmem>>)
      tpu.yield
    }) : () -> ()
    "tpu.region"() ({
      %run_scoped3A = tpu.sem_alloc : memref<!tpu.dma_semaphore, #tpu.memory_space<semaphore_mem>>
      %dma_start3A_196 = arith.constant 0 : i32
      %dma_start3A_197 = arith.constant 0 : i32
      %dma_start3A_198 = tpu.memref_slice %arg4[%dma_start3A_196, %dma_start3A_197] : memref<10000x128xf32, #tpu.memory_space<hbm>> -> memref<10000x128xf32, #tpu.memory_space<hbm>>
      tpu.enqueue_indirect_dma source(%dma_start3A_198 : memref<10000x128xf32, #tpu.memory_space<hbm>>) target(%arg29 : memref<16x128xf32, #tpu.memory_space<vmem>>) offsets(%arg27 : memref<16xi32, #tpu.memory_space<vmem>>) semaphore(%run_scoped3A : memref<!tpu.dma_semaphore, #tpu.memory_space<semaphore_mem>>)
      %dma_wait3A_199 = arith.constant 0 : i32
      %dma_wait3A_200 = arith.constant 0 : i32
      %dma_wait3A_201 = tpu.memref_slice %arg4[%dma_wait3A_199, %dma_wait3A_200] : memref<10000x128xf32, #tpu.memory_space<hbm>> -> memref<10000x128xf32, #tpu.memory_space<hbm>>
      tpu.wait_indirect_dma semaphore(%run_scoped3A : memref<!tpu.dma_semaphore, #tpu.memory_space<semaphore_mem>>) src(%dma_wait3A_201 : memref<10000x128xf32, #tpu.memory_space<hbm>>) dst(%arg29 : memref<16x128xf32, #tpu.memory_space<vmem>>)
      tpu.yield
    }) : () -> ()
    "tpu.region"() ({
      %run_scoped3A = tpu.sem_alloc : memref<!tpu.dma_semaphore, #tpu.memory_space<semaphore_mem>>
      %dma_start3A_196 = arith.constant 0 : i32
      %dma_start3A_197 = arith.constant 0 : i32
      %dma_start3A_198 = tpu.memref_slice %arg17[%dma_start3A_196, %dma_start3A_197] : memref<10000x128xf32, #tpu.memory_space<vmem_shared>> -> memref<10000x128xf32, #tpu.memory_space<vmem_shared>>
      tpu.enqueue_indirect_dma source(%arg29 : memref<16x128xf32, #tpu.memory_space<vmem>>) target(%dma_start3A_198 : memref<10000x128xf32, #tpu.memory_space<vmem_shared>>) offsets(%arg28 : memref<16xi32, #tpu.memory_space<vmem>>) semaphore(%run_scoped3A : memref<!tpu.dma_semaphore, #tpu.memory_space<semaphore_mem>>) {add = true}
      %dma_wait3A_199 = arith.constant 0 : i32
      %dma_wait3A_200 = arith.constant 0 : i32
      %dma_wait3A_201 = tpu.memref_slice %arg17[%dma_wait3A_199, %dma_wait3A_200] : memref<10000x128xf32, #tpu.memory_space<vmem_shared>> -> memref<10000x128xf32, #tpu.memory_space<vmem_shared>>
      tpu.wait_indirect_dma semaphore(%run_scoped3A : memref<!tpu.dma_semaphore, #tpu.memory_space<semaphore_mem>>) src(%arg29 : memref<16x128xf32, #tpu.memory_space<vmem>>) dst(%dma_wait3A_201 : memref<10000x128xf32, #tpu.memory_space<vmem_shared>>)
      tpu.yield
    }) : () -> ()
    %add3A_31 = arith.constant 0 : i32
    %add3A_32 = arith.addi %mul3A_28, %add3A_31 : i32
    %dma_start3A = tpu.memref_slice %arg2[%add3A_32] : memref<320000xi32, #tpu.memory_space<hbm>> -> memref<128xi32, #tpu.memory_space<hbm>>
    %dma_start3A_33 = tpu.memref_slice %arg2[%add3A_32] : memref<320000xi32, #tpu.memory_space<hbm>> -> memref<128xi32, #tpu.memory_space<hbm>>
    tpu.enqueue_dma source(%dma_start3A_33 : memref<128xi32, #tpu.memory_space<hbm>>) target(%arg6 : memref<128xi32, #tpu.memory_space<vmem>>) target_semaphore(%arg18 : memref<!tpu.dma_semaphore, #tpu.memory_space<semaphore_mem>>)
    %dma_start3A_34 = tpu.memref_slice %arg3[%add3A_32] : memref<320000xi32, #tpu.memory_space<hbm>> -> memref<128xi32, #tpu.memory_space<hbm>>
    %dma_start3A_35 = tpu.memref_slice %arg3[%add3A_32] : memref<320000xi32, #tpu.memory_space<hbm>> -> memref<128xi32, #tpu.memory_space<hbm>>
    tpu.enqueue_dma source(%dma_start3A_35 : memref<128xi32, #tpu.memory_space<hbm>>) target(%arg10 : memref<128xi32, #tpu.memory_space<vmem>>) target_semaphore(%arg18 : memref<!tpu.dma_semaphore, #tpu.memory_space<semaphore_mem>>)
    %add3A_36 = arith.constant 128 : i32
    %add3A_37 = arith.addi %mul3A_28, %add3A_36 : i32
    %dma_start3A_38 = tpu.memref_slice %arg2[%add3A_37] : memref<320000xi32, #tpu.memory_space<hbm>> -> memref<128xi32, #tpu.memory_space<hbm>>
    %dma_start3A_39 = tpu.memref_slice %arg2[%add3A_37] : memref<320000xi32, #tpu.memory_space<hbm>> -> memref<128xi32, #tpu.memory_space<hbm>>
    tpu.enqueue_dma source(%dma_start3A_39 : memref<128xi32, #tpu.memory_space<hbm>>) target(%arg7 : memref<128xi32, #tpu.memory_space<vmem>>) target_semaphore(%arg19 : memref<!tpu.dma_semaphore, #tpu.memory_space<semaphore_mem>>)
    %dma_start3A_40 = tpu.memref_slice %arg3[%add3A_37] : memref<320000xi32, #tpu.memory_space<hbm>> -> memref<128xi32, #tpu.memory_space<hbm>>
    %dma_start3A_41 = tpu.memref_slice %arg3[%add3A_37] : memref<320000xi32, #tpu.memory_space<hbm>> -> memref<128xi32, #tpu.memory_space<hbm>>
    tpu.enqueue_dma source(%dma_start3A_41 : memref<128xi32, #tpu.memory_space<hbm>>) target(%arg11 : memref<128xi32, #tpu.memory_space<vmem>>) target_semaphore(%arg19 : memref<!tpu.dma_semaphore, #tpu.memory_space<semaphore_mem>>)
    %dma_wait3A = arith.constant 0 : i32
    %dma_wait3A_42 = tpu.memref_slice %arg2[%dma_wait3A] : memref<320000xi32, #tpu.memory_space<hbm>> -> memref<128xi32, #tpu.memory_space<hbm>>
    %dma_wait3A_43 = arith.constant 0 : i32
    %dma_wait3A_44 = tpu.memref_slice %arg2[%dma_wait3A_43] : memref<320000xi32, #tpu.memory_space<hbm>> -> memref<128xi32, #tpu.memory_space<hbm>>
    tpu.wait_dma2 semaphore(%arg18 : memref<!tpu.dma_semaphore, #tpu.memory_space<semaphore_mem>>) src(%dma_wait3A_44 : memref<128xi32, #tpu.memory_space<hbm>>) dst(%arg6 : memref<128xi32, #tpu.memory_space<vmem>>)
    %dma_wait3A_45 = arith.constant 0 : i32
    %dma_wait3A_46 = tpu.memref_slice %arg3[%dma_wait3A_45] : memref<320000xi32, #tpu.memory_space<hbm>> -> memref<128xi32, #tpu.memory_space<hbm>>
    %dma_wait3A_47 = arith.constant 0 : i32
    %dma_wait3A_48 = tpu.memref_slice %arg3[%dma_wait3A_47] : memref<320000xi32, #tpu.memory_space<hbm>> -> memref<128xi32, #tpu.memory_space<hbm>>
    tpu.wait_dma2 semaphore(%arg18 : memref<!tpu.dma_semaphore, #tpu.memory_space<semaphore_mem>>) src(%dma_wait3A_48 : memref<128xi32, #tpu.memory_space<hbm>>) dst(%arg10 : memref<128xi32, #tpu.memory_space<vmem>>)
    %add3A_49 = arith.constant 256 : i32
    %add3A_50 = arith.addi %mul3A_28, %add3A_49 : i32
    %dma_start3A_51 = tpu.memref_slice %arg2[%add3A_50] : memref<320000xi32, #tpu.memory_space<hbm>> -> memref<128xi32, #tpu.memory_space<hbm>>
    %dma_start3A_52 = tpu.memref_slice %arg2[%add3A_50] : memref<320000xi32, #tpu.memory_space<hbm>> -> memref<128xi32, #tpu.memory_space<hbm>>
    tpu.enqueue_dma source(%dma_start3A_52 : memref<128xi32, #tpu.memory_space<hbm>>) target(%arg8 : memref<128xi32, #tpu.memory_space<vmem>>) target_semaphore(%arg20 : memref<!tpu.dma_semaphore, #tpu.memory_space<semaphore_mem>>)
    %dma_start3A_53 = tpu.memref_slice %arg3[%add3A_50] : memref<320000xi32, #tpu.memory_space<hbm>> -> memref<128xi32, #tpu.memory_space<hbm>>
    %dma_start3A_54 = tpu.memref_slice %arg3[%add3A_50] : memref<320000xi32, #tpu.memory_space<hbm>> -> memref<128xi32, #tpu.memory_space<hbm>>
    tpu.enqueue_dma source(%dma_start3A_54 : memref<128xi32, #tpu.memory_space<hbm>>) target(%arg12 : memref<128xi32, #tpu.memory_space<vmem>>) target_semaphore(%arg20 : memref<!tpu.dma_semaphore, #tpu.memory_space<semaphore_mem>>)
    %dma_start3A_55 = arith.constant 0 : i32
    %dma_start3A_56 = arith.constant 0 : i32
    %dma_start3A_57 = tpu.memref_slice %arg4[%dma_start3A_55, %dma_start3A_56] : memref<10000x128xf32, #tpu.memory_space<hbm>> -> memref<10000x128xf32, #tpu.memory_space<hbm>>
    tpu.enqueue_indirect_dma source(%dma_start3A_57 : memref<10000x128xf32, #tpu.memory_space<hbm>>) target(%arg14 : memref<128x128xf32, #tpu.memory_space<vmem>>) offsets(%arg6 : memref<128xi32, #tpu.memory_space<vmem>>) semaphore(%arg22 : memref<!tpu.dma_semaphore, #tpu.memory_space<semaphore_mem>>)
    %dma_wait3A_58 = arith.constant 0 : i32
    %dma_wait3A_59 = arith.constant 0 : i32
    %dma_wait3A_60 = tpu.memref_slice %arg4[%dma_wait3A_58, %dma_wait3A_59] : memref<10000x128xf32, #tpu.memory_space<hbm>> -> memref<10000x128xf32, #tpu.memory_space<hbm>>
    tpu.wait_indirect_dma semaphore(%arg22 : memref<!tpu.dma_semaphore, #tpu.memory_space<semaphore_mem>>) src(%dma_wait3A_60 : memref<10000x128xf32, #tpu.memory_space<hbm>>) dst(%arg14 : memref<128x128xf32, #tpu.memory_space<vmem>>)
    %dma_start3A_61 = arith.constant 0 : i32
    %dma_start3A_62 = arith.constant 0 : i32
    %dma_start3A_63 = tpu.memref_slice %arg17[%dma_start3A_61, %dma_start3A_62] : memref<10000x128xf32, #tpu.memory_space<vmem_shared>> -> memref<10000x128xf32, #tpu.memory_space<vmem_shared>>
    tpu.enqueue_indirect_dma source(%arg14 : memref<128x128xf32, #tpu.memory_space<vmem>>) target(%dma_start3A_63 : memref<10000x128xf32, #tpu.memory_space<vmem_shared>>) offsets(%arg10 : memref<128xi32, #tpu.memory_space<vmem>>) semaphore(%arg24 : memref<!tpu.dma_semaphore, #tpu.memory_space<semaphore_mem>>) {add = true}
    %dma_wait3A_64 = arith.constant 0 : i32
    %dma_wait3A_65 = tpu.memref_slice %arg2[%dma_wait3A_64] : memref<320000xi32, #tpu.memory_space<hbm>> -> memref<128xi32, #tpu.memory_space<hbm>>
    %dma_wait3A_66 = arith.constant 0 : i32
    %dma_wait3A_67 = tpu.memref_slice %arg2[%dma_wait3A_66] : memref<320000xi32, #tpu.memory_space<hbm>> -> memref<128xi32, #tpu.memory_space<hbm>>
    tpu.wait_dma2 semaphore(%arg19 : memref<!tpu.dma_semaphore, #tpu.memory_space<semaphore_mem>>) src(%dma_wait3A_67 : memref<128xi32, #tpu.memory_space<hbm>>) dst(%arg7 : memref<128xi32, #tpu.memory_space<vmem>>)
    %dma_wait3A_68 = arith.constant 0 : i32
    %dma_wait3A_69 = tpu.memref_slice %arg3[%dma_wait3A_68] : memref<320000xi32, #tpu.memory_space<hbm>> -> memref<128xi32, #tpu.memory_space<hbm>>
    %dma_wait3A_70 = arith.constant 0 : i32
    %dma_wait3A_71 = tpu.memref_slice %arg3[%dma_wait3A_70] : memref<320000xi32, #tpu.memory_space<hbm>> -> memref<128xi32, #tpu.memory_space<hbm>>
    tpu.wait_dma2 semaphore(%arg19 : memref<!tpu.dma_semaphore, #tpu.memory_space<semaphore_mem>>) src(%dma_wait3A_71 : memref<128xi32, #tpu.memory_space<hbm>>) dst(%arg11 : memref<128xi32, #tpu.memory_space<vmem>>)
    %add3A_72 = arith.constant 384 : i32
    %add3A_73 = arith.addi %mul3A_28, %add3A_72 : i32
    %dma_start3A_74 = tpu.memref_slice %arg2[%add3A_73] : memref<320000xi32, #tpu.memory_space<hbm>> -> memref<128xi32, #tpu.memory_space<hbm>>
    %dma_start3A_75 = tpu.memref_slice %arg2[%add3A_73] : memref<320000xi32, #tpu.memory_space<hbm>> -> memref<128xi32, #tpu.memory_space<hbm>>
    tpu.enqueue_dma source(%dma_start3A_75 : memref<128xi32, #tpu.memory_space<hbm>>) target(%arg9 : memref<128xi32, #tpu.memory_space<vmem>>) target_semaphore(%arg21 : memref<!tpu.dma_semaphore, #tpu.memory_space<semaphore_mem>>)
    %dma_start3A_76 = tpu.memref_slice %arg3[%add3A_73] : memref<320000xi32, #tpu.memory_space<hbm>> -> memref<128xi32, #tpu.memory_space<hbm>>
    %dma_start3A_77 = tpu.memref_slice %arg3[%add3A_73] : memref<320000xi32, #tpu.memory_space<hbm>> -> memref<128xi32, #tpu.memory_space<hbm>>
    tpu.enqueue_dma source(%dma_start3A_77 : memref<128xi32, #tpu.memory_space<hbm>>) target(%arg13 : memref<128xi32, #tpu.memory_space<vmem>>) target_semaphore(%arg21 : memref<!tpu.dma_semaphore, #tpu.memory_space<semaphore_mem>>)
    %dma_start3A_78 = arith.constant 0 : i32
    %dma_start3A_79 = arith.constant 0 : i32
    %dma_start3A_80 = tpu.memref_slice %arg4[%dma_start3A_78, %dma_start3A_79] : memref<10000x128xf32, #tpu.memory_space<hbm>> -> memref<10000x128xf32, #tpu.memory_space<hbm>>
    tpu.enqueue_indirect_dma source(%dma_start3A_80 : memref<10000x128xf32, #tpu.memory_space<hbm>>) target(%arg15 : memref<128x128xf32, #tpu.memory_space<vmem>>) offsets(%arg7 : memref<128xi32, #tpu.memory_space<vmem>>) semaphore(%arg23 : memref<!tpu.dma_semaphore, #tpu.memory_space<semaphore_mem>>)
    %dma_wait3A_81 = arith.constant 0 : i32
    %dma_wait3A_82 = arith.constant 0 : i32
    %dma_wait3A_83 = tpu.memref_slice %arg4[%dma_wait3A_81, %dma_wait3A_82] : memref<10000x128xf32, #tpu.memory_space<hbm>> -> memref<10000x128xf32, #tpu.memory_space<hbm>>
    tpu.wait_indirect_dma semaphore(%arg23 : memref<!tpu.dma_semaphore, #tpu.memory_space<semaphore_mem>>) src(%dma_wait3A_83 : memref<10000x128xf32, #tpu.memory_space<hbm>>) dst(%arg15 : memref<128x128xf32, #tpu.memory_space<vmem>>)
    %dma_start3A_84 = arith.constant 0 : i32
    %dma_start3A_85 = arith.constant 0 : i32
    %dma_start3A_86 = tpu.memref_slice %arg17[%dma_start3A_84, %dma_start3A_85] : memref<10000x128xf32, #tpu.memory_space<vmem_shared>> -> memref<10000x128xf32, #tpu.memory_space<vmem_shared>>
    tpu.enqueue_indirect_dma source(%arg15 : memref<128x128xf32, #tpu.memory_space<vmem>>) target(%dma_start3A_86 : memref<10000x128xf32, #tpu.memory_space<vmem_shared>>) offsets(%arg11 : memref<128xi32, #tpu.memory_space<vmem>>) semaphore(%arg25 : memref<!tpu.dma_semaphore, #tpu.memory_space<semaphore_mem>>) {add = true}
    %scan3A_87 = arith.constant 0 : i32
    %scan3A_88 = arith.constant 18 : i32
    %scan3A_89 = arith.addi %scan3A_87, %scan3A_88 : i32
    %scan3A_90 = arith.constant 1 : i32
    scf.for %scan3A_196 = %scan3A_87 to %scan3A_89 step %scan3A_90  : i32 {
      %mul3A_197 = arith.constant 1 : i32
      %mul3A_198 = arith.muli %scan3A_196, %mul3A_197 : i32
      %add3A_199 = arith.constant 0 : i32
      %add3A_200 = arith.addi %add3A_199, %mul3A_198 : i32
      %mul3A_201 = arith.constant 4 : i32
      %mul3A_202 = arith.muli %mul3A_201, %add3A_200 : i32
      %add3A_203 = arith.constant 2 : i32
      %add3A_204 = arith.addi %mul3A_202, %add3A_203 : i32
      %dma_wait3A_205 = arith.constant 0 : i32
      %dma_wait3A_206 = tpu.memref_slice %arg2[%dma_wait3A_205] : memref<320000xi32, #tpu.memory_space<hbm>> -> memref<128xi32, #tpu.memory_space<hbm>>
      %dma_wait3A_207 = arith.constant 0 : i32
      %dma_wait3A_208 = tpu.memref_slice %arg2[%dma_wait3A_207] : memref<320000xi32, #tpu.memory_space<hbm>> -> memref<128xi32, #tpu.memory_space<hbm>>
      tpu.wait_dma2 semaphore(%arg20 : memref<!tpu.dma_semaphore, #tpu.memory_space<semaphore_mem>>) src(%dma_wait3A_208 : memref<128xi32, #tpu.memory_space<hbm>>) dst(%arg8 : memref<128xi32, #tpu.memory_space<vmem>>)
      %dma_wait3A_209 = arith.constant 0 : i32
      %dma_wait3A_210 = tpu.memref_slice %arg3[%dma_wait3A_209] : memref<320000xi32, #tpu.memory_space<hbm>> -> memref<128xi32, #tpu.memory_space<hbm>>
      %dma_wait3A_211 = arith.constant 0 : i32
      %dma_wait3A_212 = tpu.memref_slice %arg3[%dma_wait3A_211] : memref<320000xi32, #tpu.memory_space<hbm>> -> memref<128xi32, #tpu.memory_space<hbm>>
      tpu.wait_dma2 semaphore(%arg20 : memref<!tpu.dma_semaphore, #tpu.memory_space<semaphore_mem>>) src(%dma_wait3A_212 : memref<128xi32, #tpu.memory_space<hbm>>) dst(%arg12 : memref<128xi32, #tpu.memory_space<vmem>>)
      %dma_wait3A_213 = arith.constant 0 : i32
      %dma_wait3A_214 = arith.constant 0 : i32
      %dma_wait3A_215 = tpu.memref_slice %arg17[%dma_wait3A_213, %dma_wait3A_214] : memref<10000x128xf32, #tpu.memory_space<vmem_shared>> -> memref<10000x128xf32, #tpu.memory_space<vmem_shared>>
      tpu.wait_indirect_dma semaphore(%arg24 : memref<!tpu.dma_semaphore, #tpu.memory_space<semaphore_mem>>) src(%arg14 : memref<128x128xf32, #tpu.memory_space<vmem>>) dst(%dma_wait3A_215 : memref<10000x128xf32, #tpu.memory_space<vmem_shared>>)
      %add3A_216 = arith.constant 2 : i32
      %add3A_217 = arith.addi %add3A_204, %add3A_216 : i32
      %mul3A_218 = arith.constant 128 : i32
      %mul3A_219 = arith.muli %add3A_217, %mul3A_218 : i32
      %add3A_220 = arith.addi %mul3A_28, %mul3A_219 : i32
      %dma_start3A_221 = tpu.memref_slice %arg2[%add3A_220] : memref<320000xi32, #tpu.memory_space<hbm>> -> memref<128xi32, #tpu.memory_space<hbm>>
      %dma_start3A_222 = tpu.memref_slice %arg2[%add3A_220] : memref<320000xi32, #tpu.memory_space<hbm>> -> memref<128xi32, #tpu.memory_space<hbm>>
      tpu.enqueue_dma source(%dma_start3A_222 : memref<128xi32, #tpu.memory_space<hbm>>) target(%arg6 : memref<128xi32, #tpu.memory_space<vmem>>) target_semaphore(%arg18 : memref<!tpu.dma_semaphore, #tpu.memory_space<semaphore_mem>>)
      %dma_start3A_223 = tpu.memref_slice %arg3[%add3A_220] : memref<320000xi32, #tpu.memory_space<hbm>> -> memref<128xi32, #tpu.memory_space<hbm>>
      %dma_start3A_224 = tpu.memref_slice %arg3[%add3A_220] : memref<320000xi32, #tpu.memory_space<hbm>> -> memref<128xi32, #tpu.memory_space<hbm>>
      tpu.enqueue_dma source(%dma_start3A_224 : memref<128xi32, #tpu.memory_space<hbm>>) target(%arg10 : memref<128xi32, #tpu.memory_space<vmem>>) target_semaphore(%arg18 : memref<!tpu.dma_semaphore, #tpu.memory_space<semaphore_mem>>)
      %dma_start3A_225 = arith.constant 0 : i32
      %dma_start3A_226 = arith.constant 0 : i32
      %dma_start3A_227 = tpu.memref_slice %arg4[%dma_start3A_225, %dma_start3A_226] : memref<10000x128xf32, #tpu.memory_space<hbm>> -> memref<10000x128xf32, #tpu.memory_space<hbm>>
      tpu.enqueue_indirect_dma source(%dma_start3A_227 : memref<10000x128xf32, #tpu.memory_space<hbm>>) target(%arg14 : memref<128x128xf32, #tpu.memory_space<vmem>>) offsets(%arg8 : memref<128xi32, #tpu.memory_space<vmem>>) semaphore(%arg22 : memref<!tpu.dma_semaphore, #tpu.memory_space<semaphore_mem>>)
      %dma_wait3A_228 = arith.constant 0 : i32
      %dma_wait3A_229 = arith.constant 0 : i32
      %dma_wait3A_230 = tpu.memref_slice %arg4[%dma_wait3A_228, %dma_wait3A_229] : memref<10000x128xf32, #tpu.memory_space<hbm>> -> memref<10000x128xf32, #tpu.memory_space<hbm>>
      tpu.wait_indirect_dma semaphore(%arg22 : memref<!tpu.dma_semaphore, #tpu.memory_space<semaphore_mem>>) src(%dma_wait3A_230 : memref<10000x128xf32, #tpu.memory_space<hbm>>) dst(%arg14 : memref<128x128xf32, #tpu.memory_space<vmem>>)
      %dma_start3A_231 = arith.constant 0 : i32
      %dma_start3A_232 = arith.constant 0 : i32
      %dma_start3A_233 = tpu.memref_slice %arg17[%dma_start3A_231, %dma_start3A_232] : memref<10000x128xf32, #tpu.memory_space<vmem_shared>> -> memref<10000x128xf32, #tpu.memory_space<vmem_shared>>
      tpu.enqueue_indirect_dma source(%arg14 : memref<128x128xf32, #tpu.memory_space<vmem>>) target(%dma_start3A_233 : memref<10000x128xf32, #tpu.memory_space<vmem_shared>>) offsets(%arg12 : memref<128xi32, #tpu.memory_space<vmem>>) semaphore(%arg24 : memref<!tpu.dma_semaphore, #tpu.memory_space<semaphore_mem>>) {add = true}
      %add3A_234 = arith.constant 1 : i32
      %add3A_235 = arith.addi %add3A_204, %add3A_234 : i32
      %dma_wait3A_236 = arith.constant 0 : i32
      %dma_wait3A_237 = tpu.memref_slice %arg2[%dma_wait3A_236] : memref<320000xi32, #tpu.memory_space<hbm>> -> memref<128xi32, #tpu.memory_space<hbm>>
      %dma_wait3A_238 = arith.constant 0 : i32
      %dma_wait3A_239 = tpu.memref_slice %arg2[%dma_wait3A_238] : memref<320000xi32, #tpu.memory_space<hbm>> -> memref<128xi32, #tpu.memory_space<hbm>>
      tpu.wait_dma2 semaphore(%arg21 : memref<!tpu.dma_semaphore, #tpu.memory_space<semaphore_mem>>) src(%dma_wait3A_239 : memref<128xi32, #tpu.memory_space<hbm>>) dst(%arg9 : memref<128xi32, #tpu.memory_space<vmem>>)
      %dma_wait3A_240 = arith.constant 0 : i32
      %dma_wait3A_241 = tpu.memref_slice %arg3[%dma_wait3A_240] : memref<320000xi32, #tpu.memory_space<hbm>> -> memref<128xi32, #tpu.memory_space<hbm>>
      %dma_wait3A_242 = arith.constant 0 : i32
      %dma_wait3A_243 = tpu.memref_slice %arg3[%dma_wait3A_242] : memref<320000xi32, #tpu.memory_space<hbm>> -> memref<128xi32, #tpu.memory_space<hbm>>
      tpu.wait_dma2 semaphore(%arg21 : memref<!tpu.dma_semaphore, #tpu.memory_space<semaphore_mem>>) src(%dma_wait3A_243 : memref<128xi32, #tpu.memory_space<hbm>>) dst(%arg13 : memref<128xi32, #tpu.memory_space<vmem>>)
      %dma_wait3A_244 = arith.constant 0 : i32
      %dma_wait3A_245 = arith.constant 0 : i32
      %dma_wait3A_246 = tpu.memref_slice %arg17[%dma_wait3A_244, %dma_wait3A_245] : memref<10000x128xf32, #tpu.memory_space<vmem_shared>> -> memref<10000x128xf32, #tpu.memory_space<vmem_shared>>
      tpu.wait_indirect_dma semaphore(%arg25 : memref<!tpu.dma_semaphore, #tpu.memory_space<semaphore_mem>>) src(%arg15 : memref<128x128xf32, #tpu.memory_space<vmem>>) dst(%dma_wait3A_246 : memref<10000x128xf32, #tpu.memory_space<vmem_shared>>)
      %add3A_247 = arith.constant 2 : i32
      %add3A_248 = arith.addi %add3A_235, %add3A_247 : i32
      %mul3A_249 = arith.constant 128 : i32
      %mul3A_250 = arith.muli %add3A_248, %mul3A_249 : i32
      %add3A_251 = arith.addi %mul3A_28, %mul3A_250 : i32
      %dma_start3A_252 = tpu.memref_slice %arg2[%add3A_251] : memref<320000xi32, #tpu.memory_space<hbm>> -> memref<128xi32, #tpu.memory_space<hbm>>
      %dma_start3A_253 = tpu.memref_slice %arg2[%add3A_251] : memref<320000xi32, #tpu.memory_space<hbm>> -> memref<128xi32, #tpu.memory_space<hbm>>
      tpu.enqueue_dma source(%dma_start3A_253 : memref<128xi32, #tpu.memory_space<hbm>>) target(%arg7 : memref<128xi32, #tpu.memory_space<vmem>>) target_semaphore(%arg19 : memref<!tpu.dma_semaphore, #tpu.memory_space<semaphore_mem>>)
      %dma_start3A_254 = tpu.memref_slice %arg3[%add3A_251] : memref<320000xi32, #tpu.memory_space<hbm>> -> memref<128xi32, #tpu.memory_space<hbm>>
      %dma_start3A_255 = tpu.memref_slice %arg3[%add3A_251] : memref<320000xi32, #tpu.memory_space<hbm>> -> memref<128xi32, #tpu.memory_space<hbm>>
      tpu.enqueue_dma source(%dma_start3A_255 : memref<128xi32, #tpu.memory_space<hbm>>) target(%arg11 : memref<128xi32, #tpu.memory_space<vmem>>) target_semaphore(%arg19 : memref<!tpu.dma_semaphore, #tpu.memory_space<semaphore_mem>>)
      %dma_start3A_256 = arith.constant 0 : i32
      %dma_start3A_257 = arith.constant 0 : i32
      %dma_start3A_258 = tpu.memref_slice %arg4[%dma_start3A_256, %dma_start3A_257] : memref<10000x128xf32, #tpu.memory_space<hbm>> -> memref<10000x128xf32, #tpu.memory_space<hbm>>
      tpu.enqueue_indirect_dma source(%dma_start3A_258 : memref<10000x128xf32, #tpu.memory_space<hbm>>) target(%arg15 : memref<128x128xf32, #tpu.memory_space<vmem>>) offsets(%arg9 : memref<128xi32, #tpu.memory_space<vmem>>) semaphore(%arg23 : memref<!tpu.dma_semaphore, #tpu.memory_space<semaphore_mem>>)
      %dma_wait3A_259 = arith.constant 0 : i32
      %dma_wait3A_260 = arith.constant 0 : i32
      %dma_wait3A_261 = tpu.memref_slice %arg4[%dma_wait3A_259, %dma_wait3A_260] : memref<10000x128xf32, #tpu.memory_space<hbm>> -> memref<10000x128xf32, #tpu.memory_space<hbm>>
      tpu.wait_indirect_dma semaphore(%arg23 : memref<!tpu.dma_semaphore, #tpu.memory_space<semaphore_mem>>) src(%dma_wait3A_261 : memref<10000x128xf32, #tpu.memory_space<hbm>>) dst(%arg15 : memref<128x128xf32, #tpu.memory_space<vmem>>)
      %dma_start3A_262 = arith.constant 0 : i32
      %dma_start3A_263 = arith.constant 0 : i32
      %dma_start3A_264 = tpu.memref_slice %arg17[%dma_start3A_262, %dma_start3A_263] : memref<10000x128xf32, #tpu.memory_space<vmem_shared>> -> memref<10000x128xf32, #tpu.memory_space<vmem_shared>>
      tpu.enqueue_indirect_dma source(%arg15 : memref<128x128xf32, #tpu.memory_space<vmem>>) target(%dma_start3A_264 : memref<10000x128xf32, #tpu.memory_space<vmem_shared>>) offsets(%arg13 : memref<128xi32, #tpu.memory_space<vmem>>) semaphore(%arg25 : memref<!tpu.dma_semaphore, #tpu.memory_space<semaphore_mem>>) {add = true}
      %add3A_265 = arith.constant 2 : i32
      %add3A_266 = arith.addi %add3A_204, %add3A_265 : i32
      %dma_wait3A_267 = arith.constant 0 : i32
      %dma_wait3A_268 = tpu.memref_slice %arg2[%dma_wait3A_267] : memref<320000xi32, #tpu.memory_space<hbm>> -> memref<128xi32, #tpu.memory_space<hbm>>
      %dma_wait3A_269 = arith.constant 0 : i32
      %dma_wait3A_270 = tpu.memref_slice %arg2[%dma_wait3A_269] : memref<320000xi32, #tpu.memory_space<hbm>> -> memref<128xi32, #tpu.memory_space<hbm>>
      tpu.wait_dma2 semaphore(%arg18 : memref<!tpu.dma_semaphore, #tpu.memory_space<semaphore_mem>>) src(%dma_wait3A_270 : memref<128xi32, #tpu.memory_space<hbm>>) dst(%arg6 : memref<128xi32, #tpu.memory_space<vmem>>)
      %dma_wait3A_271 = arith.constant 0 : i32
      %dma_wait3A_272 = tpu.memref_slice %arg3[%dma_wait3A_271] : memref<320000xi32, #tpu.memory_space<hbm>> -> memref<128xi32, #tpu.memory_space<hbm>>
      %dma_wait3A_273 = arith.constant 0 : i32
      %dma_wait3A_274 = tpu.memref_slice %arg3[%dma_wait3A_273] : memref<320000xi32, #tpu.memory_space<hbm>> -> memref<128xi32, #tpu.memory_space<hbm>>
      tpu.wait_dma2 semaphore(%arg18 : memref<!tpu.dma_semaphore, #tpu.memory_space<semaphore_mem>>) src(%dma_wait3A_274 : memref<128xi32, #tpu.memory_space<hbm>>) dst(%arg10 : memref<128xi32, #tpu.memory_space<vmem>>)
      %dma_wait3A_275 = arith.constant 0 : i32
      %dma_wait3A_276 = arith.constant 0 : i32
      %dma_wait3A_277 = tpu.memref_slice %arg17[%dma_wait3A_275, %dma_wait3A_276] : memref<10000x128xf32, #tpu.memory_space<vmem_shared>> -> memref<10000x128xf32, #tpu.memory_space<vmem_shared>>
      tpu.wait_indirect_dma semaphore(%arg24 : memref<!tpu.dma_semaphore, #tpu.memory_space<semaphore_mem>>) src(%arg14 : memref<128x128xf32, #tpu.memory_space<vmem>>) dst(%dma_wait3A_277 : memref<10000x128xf32, #tpu.memory_space<vmem_shared>>)
      %add3A_278 = arith.constant 2 : i32
      %add3A_279 = arith.addi %add3A_266, %add3A_278 : i32
      %mul3A_280 = arith.constant 128 : i32
      %mul3A_281 = arith.muli %add3A_279, %mul3A_280 : i32
      %add3A_282 = arith.addi %mul3A_28, %mul3A_281 : i32
      %dma_start3A_283 = tpu.memref_slice %arg2[%add3A_282] : memref<320000xi32, #tpu.memory_space<hbm>> -> memref<128xi32, #tpu.memory_space<hbm>>
      %dma_start3A_284 = tpu.memref_slice %arg2[%add3A_282] : memref<320000xi32, #tpu.memory_space<hbm>> -> memref<128xi32, #tpu.memory_space<hbm>>
      tpu.enqueue_dma source(%dma_start3A_284 : memref<128xi32, #tpu.memory_space<hbm>>) target(%arg8 : memref<128xi32, #tpu.memory_space<vmem>>) target_semaphore(%arg20 : memref<!tpu.dma_semaphore, #tpu.memory_space<semaphore_mem>>)
      %dma_start3A_285 = tpu.memref_slice %arg3[%add3A_282] : memref<320000xi32, #tpu.memory_space<hbm>> -> memref<128xi32, #tpu.memory_space<hbm>>
      %dma_start3A_286 = tpu.memref_slice %arg3[%add3A_282] : memref<320000xi32, #tpu.memory_space<hbm>> -> memref<128xi32, #tpu.memory_space<hbm>>
      tpu.enqueue_dma source(%dma_start3A_286 : memref<128xi32, #tpu.memory_space<hbm>>) target(%arg12 : memref<128xi32, #tpu.memory_space<vmem>>) target_semaphore(%arg20 : memref<!tpu.dma_semaphore, #tpu.memory_space<semaphore_mem>>)
      %dma_start3A_287 = arith.constant 0 : i32
      %dma_start3A_288 = arith.constant 0 : i32
      %dma_start3A_289 = tpu.memref_slice %arg4[%dma_start3A_287, %dma_start3A_288] : memref<10000x128xf32, #tpu.memory_space<hbm>> -> memref<10000x128xf32, #tpu.memory_space<hbm>>
      tpu.enqueue_indirect_dma source(%dma_start3A_289 : memref<10000x128xf32, #tpu.memory_space<hbm>>) target(%arg14 : memref<128x128xf32, #tpu.memory_space<vmem>>) offsets(%arg6 : memref<128xi32, #tpu.memory_space<vmem>>) semaphore(%arg22 : memref<!tpu.dma_semaphore, #tpu.memory_space<semaphore_mem>>)
      %dma_wait3A_290 = arith.constant 0 : i32
      %dma_wait3A_291 = arith.constant 0 : i32
      %dma_wait3A_292 = tpu.memref_slice %arg4[%dma_wait3A_290, %dma_wait3A_291] : memref<10000x128xf32, #tpu.memory_space<hbm>> -> memref<10000x128xf32, #tpu.memory_space<hbm>>
      tpu.wait_indirect_dma semaphore(%arg22 : memref<!tpu.dma_semaphore, #tpu.memory_space<semaphore_mem>>) src(%dma_wait3A_292 : memref<10000x128xf32, #tpu.memory_space<hbm>>) dst(%arg14 : memref<128x128xf32, #tpu.memory_space<vmem>>)
      %dma_start3A_293 = arith.constant 0 : i32
      %dma_start3A_294 = arith.constant 0 : i32
      %dma_start3A_295 = tpu.memref_slice %arg17[%dma_start3A_293, %dma_start3A_294] : memref<10000x128xf32, #tpu.memory_space<vmem_shared>> -> memref<10000x128xf32, #tpu.memory_space<vmem_shared>>
      tpu.enqueue_indirect_dma source(%arg14 : memref<128x128xf32, #tpu.memory_space<vmem>>) target(%dma_start3A_295 : memref<10000x128xf32, #tpu.memory_space<vmem_shared>>) offsets(%arg10 : memref<128xi32, #tpu.memory_space<vmem>>) semaphore(%arg24 : memref<!tpu.dma_semaphore, #tpu.memory_space<semaphore_mem>>) {add = true}
      %add3A_296 = arith.constant 3 : i32
      %add3A_297 = arith.addi %add3A_204, %add3A_296 : i32
      %dma_wait3A_298 = arith.constant 0 : i32
      %dma_wait3A_299 = tpu.memref_slice %arg2[%dma_wait3A_298] : memref<320000xi32, #tpu.memory_space<hbm>> -> memref<128xi32, #tpu.memory_space<hbm>>
      %dma_wait3A_300 = arith.constant 0 : i32
      %dma_wait3A_301 = tpu.memref_slice %arg2[%dma_wait3A_300] : memref<320000xi32, #tpu.memory_space<hbm>> -> memref<128xi32, #tpu.memory_space<hbm>>
      tpu.wait_dma2 semaphore(%arg19 : memref<!tpu.dma_semaphore, #tpu.memory_space<semaphore_mem>>) src(%dma_wait3A_301 : memref<128xi32, #tpu.memory_space<hbm>>) dst(%arg7 : memref<128xi32, #tpu.memory_space<vmem>>)
      %dma_wait3A_302 = arith.constant 0 : i32
      %dma_wait3A_303 = tpu.memref_slice %arg3[%dma_wait3A_302] : memref<320000xi32, #tpu.memory_space<hbm>> -> memref<128xi32, #tpu.memory_space<hbm>>
      %dma_wait3A_304 = arith.constant 0 : i32
      %dma_wait3A_305 = tpu.memref_slice %arg3[%dma_wait3A_304] : memref<320000xi32, #tpu.memory_space<hbm>> -> memref<128xi32, #tpu.memory_space<hbm>>
      tpu.wait_dma2 semaphore(%arg19 : memref<!tpu.dma_semaphore, #tpu.memory_space<semaphore_mem>>) src(%dma_wait3A_305 : memref<128xi32, #tpu.memory_space<hbm>>) dst(%arg11 : memref<128xi32, #tpu.memory_space<vmem>>)
      %dma_wait3A_306 = arith.constant 0 : i32
      %dma_wait3A_307 = arith.constant 0 : i32
      %dma_wait3A_308 = tpu.memref_slice %arg17[%dma_wait3A_306, %dma_wait3A_307] : memref<10000x128xf32, #tpu.memory_space<vmem_shared>> -> memref<10000x128xf32, #tpu.memory_space<vmem_shared>>
      tpu.wait_indirect_dma semaphore(%arg25 : memref<!tpu.dma_semaphore, #tpu.memory_space<semaphore_mem>>) src(%arg15 : memref<128x128xf32, #tpu.memory_space<vmem>>) dst(%dma_wait3A_308 : memref<10000x128xf32, #tpu.memory_space<vmem_shared>>)
      %add3A_309 = arith.constant 2 : i32
      %add3A_310 = arith.addi %add3A_297, %add3A_309 : i32
      %mul3A_311 = arith.constant 128 : i32
      %mul3A_312 = arith.muli %add3A_310, %mul3A_311 : i32
      %add3A_313 = arith.addi %mul3A_28, %mul3A_312 : i32
      %dma_start3A_314 = tpu.memref_slice %arg2[%add3A_313] : memref<320000xi32, #tpu.memory_space<hbm>> -> memref<128xi32, #tpu.memory_space<hbm>>
      %dma_start3A_315 = tpu.memref_slice %arg2[%add3A_313] : memref<320000xi32, #tpu.memory_space<hbm>> -> memref<128xi32, #tpu.memory_space<hbm>>
      tpu.enqueue_dma source(%dma_start3A_315 : memref<128xi32, #tpu.memory_space<hbm>>) target(%arg9 : memref<128xi32, #tpu.memory_space<vmem>>) target_semaphore(%arg21 : memref<!tpu.dma_semaphore, #tpu.memory_space<semaphore_mem>>)
      %dma_start3A_316 = tpu.memref_slice %arg3[%add3A_313] : memref<320000xi32, #tpu.memory_space<hbm>> -> memref<128xi32, #tpu.memory_space<hbm>>
      %dma_start3A_317 = tpu.memref_slice %arg3[%add3A_313] : memref<320000xi32, #tpu.memory_space<hbm>> -> memref<128xi32, #tpu.memory_space<hbm>>
      tpu.enqueue_dma source(%dma_start3A_317 : memref<128xi32, #tpu.memory_space<hbm>>) target(%arg13 : memref<128xi32, #tpu.memory_space<vmem>>) target_semaphore(%arg21 : memref<!tpu.dma_semaphore, #tpu.memory_space<semaphore_mem>>)
      %dma_start3A_318 = arith.constant 0 : i32
      %dma_start3A_319 = arith.constant 0 : i32
      %dma_start3A_320 = tpu.memref_slice %arg4[%dma_start3A_318, %dma_start3A_319] : memref<10000x128xf32, #tpu.memory_space<hbm>> -> memref<10000x128xf32, #tpu.memory_space<hbm>>
      tpu.enqueue_indirect_dma source(%dma_start3A_320 : memref<10000x128xf32, #tpu.memory_space<hbm>>) target(%arg15 : memref<128x128xf32, #tpu.memory_space<vmem>>) offsets(%arg7 : memref<128xi32, #tpu.memory_space<vmem>>) semaphore(%arg23 : memref<!tpu.dma_semaphore, #tpu.memory_space<semaphore_mem>>)
      %dma_wait3A_321 = arith.constant 0 : i32
      %dma_wait3A_322 = arith.constant 0 : i32
      %dma_wait3A_323 = tpu.memref_slice %arg4[%dma_wait3A_321, %dma_wait3A_322] : memref<10000x128xf32, #tpu.memory_space<hbm>> -> memref<10000x128xf32, #tpu.memory_space<hbm>>
      tpu.wait_indirect_dma semaphore(%arg23 : memref<!tpu.dma_semaphore, #tpu.memory_space<semaphore_mem>>) src(%dma_wait3A_323 : memref<10000x128xf32, #tpu.memory_space<hbm>>) dst(%arg15 : memref<128x128xf32, #tpu.memory_space<vmem>>)
      %dma_start3A_324 = arith.constant 0 : i32
      %dma_start3A_325 = arith.constant 0 : i32
      %dma_start3A_326 = tpu.memref_slice %arg17[%dma_start3A_324, %dma_start3A_325] : memref<10000x128xf32, #tpu.memory_space<vmem_shared>> -> memref<10000x128xf32, #tpu.memory_space<vmem_shared>>
      tpu.enqueue_indirect_dma source(%arg15 : memref<128x128xf32, #tpu.memory_space<vmem>>) target(%dma_start3A_326 : memref<10000x128xf32, #tpu.memory_space<vmem_shared>>) offsets(%arg11 : memref<128xi32, #tpu.memory_space<vmem>>) semaphore(%arg25 : memref<!tpu.dma_semaphore, #tpu.memory_space<semaphore_mem>>) {add = true}
    }
    %scan3A_91 = arith.constant 18 : i32
    %dma_wait3A_92 = arith.constant 0 : i32
    %dma_wait3A_93 = tpu.memref_slice %arg2[%dma_wait3A_92] : memref<320000xi32, #tpu.memory_space<hbm>> -> memref<128xi32, #tpu.memory_space<hbm>>
    %dma_wait3A_94 = arith.constant 0 : i32
    %dma_wait3A_95 = tpu.memref_slice %arg2[%dma_wait3A_94] : memref<320000xi32, #tpu.memory_space<hbm>> -> memref<128xi32, #tpu.memory_space<hbm>>
    tpu.wait_dma2 semaphore(%arg20 : memref<!tpu.dma_semaphore, #tpu.memory_space<semaphore_mem>>) src(%dma_wait3A_95 : memref<128xi32, #tpu.memory_space<hbm>>) dst(%arg8 : memref<128xi32, #tpu.memory_space<vmem>>)
    %dma_wait3A_96 = arith.constant 0 : i32
    %dma_wait3A_97 = tpu.memref_slice %arg3[%dma_wait3A_96] : memref<320000xi32, #tpu.memory_space<hbm>> -> memref<128xi32, #tpu.memory_space<hbm>>
    %dma_wait3A_98 = arith.constant 0 : i32
    %dma_wait3A_99 = tpu.memref_slice %arg3[%dma_wait3A_98] : memref<320000xi32, #tpu.memory_space<hbm>> -> memref<128xi32, #tpu.memory_space<hbm>>
    tpu.wait_dma2 semaphore(%arg20 : memref<!tpu.dma_semaphore, #tpu.memory_space<semaphore_mem>>) src(%dma_wait3A_99 : memref<128xi32, #tpu.memory_space<hbm>>) dst(%arg12 : memref<128xi32, #tpu.memory_space<vmem>>)
    %dma_wait3A_100 = arith.constant 0 : i32
    %dma_wait3A_101 = arith.constant 0 : i32
    %dma_wait3A_102 = tpu.memref_slice %arg17[%dma_wait3A_100, %dma_wait3A_101] : memref<10000x128xf32, #tpu.memory_space<vmem_shared>> -> memref<10000x128xf32, #tpu.memory_space<vmem_shared>>
    tpu.wait_indirect_dma semaphore(%arg24 : memref<!tpu.dma_semaphore, #tpu.memory_space<semaphore_mem>>) src(%arg14 : memref<128x128xf32, #tpu.memory_space<vmem>>) dst(%dma_wait3A_102 : memref<10000x128xf32, #tpu.memory_space<vmem_shared>>)
    %add3A_103 = arith.constant 9728 : i32
    %add3A_104 = arith.addi %mul3A_28, %add3A_103 : i32
    %dma_start3A_105 = tpu.memref_slice %arg2[%add3A_104] : memref<320000xi32, #tpu.memory_space<hbm>> -> memref<128xi32, #tpu.memory_space<hbm>>
    %dma_start3A_106 = tpu.memref_slice %arg2[%add3A_104] : memref<320000xi32, #tpu.memory_space<hbm>> -> memref<128xi32, #tpu.memory_space<hbm>>
    tpu.enqueue_dma source(%dma_start3A_106 : memref<128xi32, #tpu.memory_space<hbm>>) target(%arg6 : memref<128xi32, #tpu.memory_space<vmem>>) target_semaphore(%arg18 : memref<!tpu.dma_semaphore, #tpu.memory_space<semaphore_mem>>)
    %dma_start3A_107 = tpu.memref_slice %arg3[%add3A_104] : memref<320000xi32, #tpu.memory_space<hbm>> -> memref<128xi32, #tpu.memory_space<hbm>>
    %dma_start3A_108 = tpu.memref_slice %arg3[%add3A_104] : memref<320000xi32, #tpu.memory_space<hbm>> -> memref<128xi32, #tpu.memory_space<hbm>>
    tpu.enqueue_dma source(%dma_start3A_108 : memref<128xi32, #tpu.memory_space<hbm>>) target(%arg10 : memref<128xi32, #tpu.memory_space<vmem>>) target_semaphore(%arg18 : memref<!tpu.dma_semaphore, #tpu.memory_space<semaphore_mem>>)
    %dma_start3A_109 = arith.constant 0 : i32
    %dma_start3A_110 = arith.constant 0 : i32
    %dma_start3A_111 = tpu.memref_slice %arg4[%dma_start3A_109, %dma_start3A_110] : memref<10000x128xf32, #tpu.memory_space<hbm>> -> memref<10000x128xf32, #tpu.memory_space<hbm>>
    tpu.enqueue_indirect_dma source(%dma_start3A_111 : memref<10000x128xf32, #tpu.memory_space<hbm>>) target(%arg14 : memref<128x128xf32, #tpu.memory_space<vmem>>) offsets(%arg8 : memref<128xi32, #tpu.memory_space<vmem>>) semaphore(%arg22 : memref<!tpu.dma_semaphore, #tpu.memory_space<semaphore_mem>>)
    %dma_wait3A_112 = arith.constant 0 : i32
    %dma_wait3A_113 = arith.constant 0 : i32
    %dma_wait3A_114 = tpu.memref_slice %arg4[%dma_wait3A_112, %dma_wait3A_113] : memref<10000x128xf32, #tpu.memory_space<hbm>> -> memref<10000x128xf32, #tpu.memory_space<hbm>>
    tpu.wait_indirect_dma semaphore(%arg22 : memref<!tpu.dma_semaphore, #tpu.memory_space<semaphore_mem>>) src(%dma_wait3A_114 : memref<10000x128xf32, #tpu.memory_space<hbm>>) dst(%arg14 : memref<128x128xf32, #tpu.memory_space<vmem>>)
    %dma_start3A_115 = arith.constant 0 : i32
    %dma_start3A_116 = arith.constant 0 : i32
    %dma_start3A_117 = tpu.memref_slice %arg17[%dma_start3A_115, %dma_start3A_116] : memref<10000x128xf32, #tpu.memory_space<vmem_shared>> -> memref<10000x128xf32, #tpu.memory_space<vmem_shared>>
    tpu.enqueue_indirect_dma source(%arg14 : memref<128x128xf32, #tpu.memory_space<vmem>>) target(%dma_start3A_117 : memref<10000x128xf32, #tpu.memory_space<vmem_shared>>) offsets(%arg12 : memref<128xi32, #tpu.memory_space<vmem>>) semaphore(%arg24 : memref<!tpu.dma_semaphore, #tpu.memory_space<semaphore_mem>>) {add = true}
    %dma_wait3A_118 = arith.constant 0 : i32
    %dma_wait3A_119 = tpu.memref_slice %arg2[%dma_wait3A_118] : memref<320000xi32, #tpu.memory_space<hbm>> -> memref<128xi32, #tpu.memory_space<hbm>>
    %dma_wait3A_120 = arith.constant 0 : i32
    %dma_wait3A_121 = tpu.memref_slice %arg2[%dma_wait3A_120] : memref<320000xi32, #tpu.memory_space<hbm>> -> memref<128xi32, #tpu.memory_space<hbm>>
    tpu.wait_dma2 semaphore(%arg21 : memref<!tpu.dma_semaphore, #tpu.memory_space<semaphore_mem>>) src(%dma_wait3A_121 : memref<128xi32, #tpu.memory_space<hbm>>) dst(%arg9 : memref<128xi32, #tpu.memory_space<vmem>>)
    %dma_wait3A_122 = arith.constant 0 : i32
    %dma_wait3A_123 = tpu.memref_slice %arg3[%dma_wait3A_122] : memref<320000xi32, #tpu.memory_space<hbm>> -> memref<128xi32, #tpu.memory_space<hbm>>
    %dma_wait3A_124 = arith.constant 0 : i32
    %dma_wait3A_125 = tpu.memref_slice %arg3[%dma_wait3A_124] : memref<320000xi32, #tpu.memory_space<hbm>> -> memref<128xi32, #tpu.memory_space<hbm>>
    tpu.wait_dma2 semaphore(%arg21 : memref<!tpu.dma_semaphore, #tpu.memory_space<semaphore_mem>>) src(%dma_wait3A_125 : memref<128xi32, #tpu.memory_space<hbm>>) dst(%arg13 : memref<128xi32, #tpu.memory_space<vmem>>)
    %dma_wait3A_126 = arith.constant 0 : i32
    %dma_wait3A_127 = arith.constant 0 : i32
    %dma_wait3A_128 = tpu.memref_slice %arg17[%dma_wait3A_126, %dma_wait3A_127] : memref<10000x128xf32, #tpu.memory_space<vmem_shared>> -> memref<10000x128xf32, #tpu.memory_space<vmem_shared>>
    tpu.wait_indirect_dma semaphore(%arg25 : memref<!tpu.dma_semaphore, #tpu.memory_space<semaphore_mem>>) src(%arg15 : memref<128x128xf32, #tpu.memory_space<vmem>>) dst(%dma_wait3A_128 : memref<10000x128xf32, #tpu.memory_space<vmem_shared>>)
    %add3A_129 = arith.constant 9856 : i32
    %add3A_130 = arith.addi %mul3A_28, %add3A_129 : i32
    %dma_start3A_131 = tpu.memref_slice %arg2[%add3A_130] : memref<320000xi32, #tpu.memory_space<hbm>> -> memref<128xi32, #tpu.memory_space<hbm>>
    %dma_start3A_132 = tpu.memref_slice %arg2[%add3A_130] : memref<320000xi32, #tpu.memory_space<hbm>> -> memref<128xi32, #tpu.memory_space<hbm>>
    tpu.enqueue_dma source(%dma_start3A_132 : memref<128xi32, #tpu.memory_space<hbm>>) target(%arg7 : memref<128xi32, #tpu.memory_space<vmem>>) target_semaphore(%arg19 : memref<!tpu.dma_semaphore, #tpu.memory_space<semaphore_mem>>)
    %dma_start3A_133 = tpu.memref_slice %arg3[%add3A_130] : memref<320000xi32, #tpu.memory_space<hbm>> -> memref<128xi32, #tpu.memory_space<hbm>>
    %dma_start3A_134 = tpu.memref_slice %arg3[%add3A_130] : memref<320000xi32, #tpu.memory_space<hbm>> -> memref<128xi32, #tpu.memory_space<hbm>>
    tpu.enqueue_dma source(%dma_start3A_134 : memref<128xi32, #tpu.memory_space<hbm>>) target(%arg11 : memref<128xi32, #tpu.memory_space<vmem>>) target_semaphore(%arg19 : memref<!tpu.dma_semaphore, #tpu.memory_space<semaphore_mem>>)
    %dma_start3A_135 = arith.constant 0 : i32
    %dma_start3A_136 = arith.constant 0 : i32
    %dma_start3A_137 = tpu.memref_slice %arg4[%dma_start3A_135, %dma_start3A_136] : memref<10000x128xf32, #tpu.memory_space<hbm>> -> memref<10000x128xf32, #tpu.memory_space<hbm>>
    tpu.enqueue_indirect_dma source(%dma_start3A_137 : memref<10000x128xf32, #tpu.memory_space<hbm>>) target(%arg15 : memref<128x128xf32, #tpu.memory_space<vmem>>) offsets(%arg9 : memref<128xi32, #tpu.memory_space<vmem>>) semaphore(%arg23 : memref<!tpu.dma_semaphore, #tpu.memory_space<semaphore_mem>>)
    %dma_wait3A_138 = arith.constant 0 : i32
    %dma_wait3A_139 = arith.constant 0 : i32
    %dma_wait3A_140 = tpu.memref_slice %arg4[%dma_wait3A_138, %dma_wait3A_139] : memref<10000x128xf32, #tpu.memory_space<hbm>> -> memref<10000x128xf32, #tpu.memory_space<hbm>>
    tpu.wait_indirect_dma semaphore(%arg23 : memref<!tpu.dma_semaphore, #tpu.memory_space<semaphore_mem>>) src(%dma_wait3A_140 : memref<10000x128xf32, #tpu.memory_space<hbm>>) dst(%arg15 : memref<128x128xf32, #tpu.memory_space<vmem>>)
    %dma_start3A_141 = arith.constant 0 : i32
    %dma_start3A_142 = arith.constant 0 : i32
    %dma_start3A_143 = tpu.memref_slice %arg17[%dma_start3A_141, %dma_start3A_142] : memref<10000x128xf32, #tpu.memory_space<vmem_shared>> -> memref<10000x128xf32, #tpu.memory_space<vmem_shared>>
    tpu.enqueue_indirect_dma source(%arg15 : memref<128x128xf32, #tpu.memory_space<vmem>>) target(%dma_start3A_143 : memref<10000x128xf32, #tpu.memory_space<vmem_shared>>) offsets(%arg13 : memref<128xi32, #tpu.memory_space<vmem>>) semaphore(%arg25 : memref<!tpu.dma_semaphore, #tpu.memory_space<semaphore_mem>>) {add = true}
    %dma_wait3A_144 = arith.constant 0 : i32
    %dma_wait3A_145 = tpu.memref_slice %arg2[%dma_wait3A_144] : memref<320000xi32, #tpu.memory_space<hbm>> -> memref<128xi32, #tpu.memory_space<hbm>>
    %dma_wait3A_146 = arith.constant 0 : i32
    %dma_wait3A_147 = tpu.memref_slice %arg2[%dma_wait3A_146] : memref<320000xi32, #tpu.memory_space<hbm>> -> memref<128xi32, #tpu.memory_space<hbm>>
    tpu.wait_dma2 semaphore(%arg18 : memref<!tpu.dma_semaphore, #tpu.memory_space<semaphore_mem>>) src(%dma_wait3A_147 : memref<128xi32, #tpu.memory_space<hbm>>) dst(%arg6 : memref<128xi32, #tpu.memory_space<vmem>>)
    %dma_wait3A_148 = arith.constant 0 : i32
    %dma_wait3A_149 = tpu.memref_slice %arg3[%dma_wait3A_148] : memref<320000xi32, #tpu.memory_space<hbm>> -> memref<128xi32, #tpu.memory_space<hbm>>
    %dma_wait3A_150 = arith.constant 0 : i32
    %dma_wait3A_151 = tpu.memref_slice %arg3[%dma_wait3A_150] : memref<320000xi32, #tpu.memory_space<hbm>> -> memref<128xi32, #tpu.memory_space<hbm>>
    tpu.wait_dma2 semaphore(%arg18 : memref<!tpu.dma_semaphore, #tpu.memory_space<semaphore_mem>>) src(%dma_wait3A_151 : memref<128xi32, #tpu.memory_space<hbm>>) dst(%arg10 : memref<128xi32, #tpu.memory_space<vmem>>)
    %dma_wait3A_152 = arith.constant 0 : i32
    %dma_wait3A_153 = arith.constant 0 : i32
    %dma_wait3A_154 = tpu.memref_slice %arg17[%dma_wait3A_152, %dma_wait3A_153] : memref<10000x128xf32, #tpu.memory_space<vmem_shared>> -> memref<10000x128xf32, #tpu.memory_space<vmem_shared>>
    tpu.wait_indirect_dma semaphore(%arg24 : memref<!tpu.dma_semaphore, #tpu.memory_space<semaphore_mem>>) src(%arg14 : memref<128x128xf32, #tpu.memory_space<vmem>>) dst(%dma_wait3A_154 : memref<10000x128xf32, #tpu.memory_space<vmem_shared>>)
    %dma_start3A_155 = arith.constant 0 : i32
    %dma_start3A_156 = arith.constant 0 : i32
    %dma_start3A_157 = tpu.memref_slice %arg4[%dma_start3A_155, %dma_start3A_156] : memref<10000x128xf32, #tpu.memory_space<hbm>> -> memref<10000x128xf32, #tpu.memory_space<hbm>>
    tpu.enqueue_indirect_dma source(%dma_start3A_157 : memref<10000x128xf32, #tpu.memory_space<hbm>>) target(%arg14 : memref<128x128xf32, #tpu.memory_space<vmem>>) offsets(%arg6 : memref<128xi32, #tpu.memory_space<vmem>>) semaphore(%arg22 : memref<!tpu.dma_semaphore, #tpu.memory_space<semaphore_mem>>)
    %dma_wait3A_158 = arith.constant 0 : i32
    %dma_wait3A_159 = arith.constant 0 : i32
    %dma_wait3A_160 = tpu.memref_slice %arg4[%dma_wait3A_158, %dma_wait3A_159] : memref<10000x128xf32, #tpu.memory_space<hbm>> -> memref<10000x128xf32, #tpu.memory_space<hbm>>
    tpu.wait_indirect_dma semaphore(%arg22 : memref<!tpu.dma_semaphore, #tpu.memory_space<semaphore_mem>>) src(%dma_wait3A_160 : memref<10000x128xf32, #tpu.memory_space<hbm>>) dst(%arg14 : memref<128x128xf32, #tpu.memory_space<vmem>>)
    %dma_start3A_161 = arith.constant 0 : i32
    %dma_start3A_162 = arith.constant 0 : i32
    %dma_start3A_163 = tpu.memref_slice %arg17[%dma_start3A_161, %dma_start3A_162] : memref<10000x128xf32, #tpu.memory_space<vmem_shared>> -> memref<10000x128xf32, #tpu.memory_space<vmem_shared>>
    tpu.enqueue_indirect_dma source(%arg14 : memref<128x128xf32, #tpu.memory_space<vmem>>) target(%dma_start3A_163 : memref<10000x128xf32, #tpu.memory_space<vmem_shared>>) offsets(%arg10 : memref<128xi32, #tpu.memory_space<vmem>>) semaphore(%arg24 : memref<!tpu.dma_semaphore, #tpu.memory_space<semaphore_mem>>) {add = true}
    %dma_wait3A_164 = arith.constant 0 : i32
    %dma_wait3A_165 = tpu.memref_slice %arg2[%dma_wait3A_164] : memref<320000xi32, #tpu.memory_space<hbm>> -> memref<128xi32, #tpu.memory_space<hbm>>
    %dma_wait3A_166 = arith.constant 0 : i32
    %dma_wait3A_167 = tpu.memref_slice %arg2[%dma_wait3A_166] : memref<320000xi32, #tpu.memory_space<hbm>> -> memref<128xi32, #tpu.memory_space<hbm>>
    tpu.wait_dma2 semaphore(%arg19 : memref<!tpu.dma_semaphore, #tpu.memory_space<semaphore_mem>>) src(%dma_wait3A_167 : memref<128xi32, #tpu.memory_space<hbm>>) dst(%arg7 : memref<128xi32, #tpu.memory_space<vmem>>)
    %dma_wait3A_168 = arith.constant 0 : i32
    %dma_wait3A_169 = tpu.memref_slice %arg3[%dma_wait3A_168] : memref<320000xi32, #tpu.memory_space<hbm>> -> memref<128xi32, #tpu.memory_space<hbm>>
    %dma_wait3A_170 = arith.constant 0 : i32
    %dma_wait3A_171 = tpu.memref_slice %arg3[%dma_wait3A_170] : memref<320000xi32, #tpu.memory_space<hbm>> -> memref<128xi32, #tpu.memory_space<hbm>>
    tpu.wait_dma2 semaphore(%arg19 : memref<!tpu.dma_semaphore, #tpu.memory_space<semaphore_mem>>) src(%dma_wait3A_171 : memref<128xi32, #tpu.memory_space<hbm>>) dst(%arg11 : memref<128xi32, #tpu.memory_space<vmem>>)
    %dma_wait3A_172 = arith.constant 0 : i32
    %dma_wait3A_173 = arith.constant 0 : i32
    %dma_wait3A_174 = tpu.memref_slice %arg17[%dma_wait3A_172, %dma_wait3A_173] : memref<10000x128xf32, #tpu.memory_space<vmem_shared>> -> memref<10000x128xf32, #tpu.memory_space<vmem_shared>>
    tpu.wait_indirect_dma semaphore(%arg25 : memref<!tpu.dma_semaphore, #tpu.memory_space<semaphore_mem>>) src(%arg15 : memref<128x128xf32, #tpu.memory_space<vmem>>) dst(%dma_wait3A_174 : memref<10000x128xf32, #tpu.memory_space<vmem_shared>>)
    %dma_start3A_175 = arith.constant 0 : i32
    %dma_start3A_176 = arith.constant 0 : i32
    %dma_start3A_177 = tpu.memref_slice %arg4[%dma_start3A_175, %dma_start3A_176] : memref<10000x128xf32, #tpu.memory_space<hbm>> -> memref<10000x128xf32, #tpu.memory_space<hbm>>
    tpu.enqueue_indirect_dma source(%dma_start3A_177 : memref<10000x128xf32, #tpu.memory_space<hbm>>) target(%arg15 : memref<128x128xf32, #tpu.memory_space<vmem>>) offsets(%arg7 : memref<128xi32, #tpu.memory_space<vmem>>) semaphore(%arg23 : memref<!tpu.dma_semaphore, #tpu.memory_space<semaphore_mem>>)
    %dma_wait3A_178 = arith.constant 0 : i32
    %dma_wait3A_179 = arith.constant 0 : i32
    %dma_wait3A_180 = tpu.memref_slice %arg4[%dma_wait3A_178, %dma_wait3A_179] : memref<10000x128xf32, #tpu.memory_space<hbm>> -> memref<10000x128xf32, #tpu.memory_space<hbm>>
    tpu.wait_indirect_dma semaphore(%arg23 : memref<!tpu.dma_semaphore, #tpu.memory_space<semaphore_mem>>) src(%dma_wait3A_180 : memref<10000x128xf32, #tpu.memory_space<hbm>>) dst(%arg15 : memref<128x128xf32, #tpu.memory_space<vmem>>)
    %dma_start3A_181 = arith.constant 0 : i32
    %dma_start3A_182 = arith.constant 0 : i32
    %dma_start3A_183 = tpu.memref_slice %arg17[%dma_start3A_181, %dma_start3A_182] : memref<10000x128xf32, #tpu.memory_space<vmem_shared>> -> memref<10000x128xf32, #tpu.memory_space<vmem_shared>>
    tpu.enqueue_indirect_dma source(%arg15 : memref<128x128xf32, #tpu.memory_space<vmem>>) target(%dma_start3A_183 : memref<10000x128xf32, #tpu.memory_space<vmem_shared>>) offsets(%arg11 : memref<128xi32, #tpu.memory_space<vmem>>) semaphore(%arg25 : memref<!tpu.dma_semaphore, #tpu.memory_space<semaphore_mem>>) {add = true}
    %dma_wait3A_184 = arith.constant 0 : i32
    %dma_wait3A_185 = arith.constant 0 : i32
    %dma_wait3A_186 = tpu.memref_slice %arg17[%dma_wait3A_184, %dma_wait3A_185] : memref<10000x128xf32, #tpu.memory_space<vmem_shared>> -> memref<10000x128xf32, #tpu.memory_space<vmem_shared>>
    tpu.wait_indirect_dma semaphore(%arg24 : memref<!tpu.dma_semaphore, #tpu.memory_space<semaphore_mem>>) src(%arg14 : memref<128x128xf32, #tpu.memory_space<vmem>>) dst(%dma_wait3A_186 : memref<10000x128xf32, #tpu.memory_space<vmem_shared>>)
    %dma_wait3A_187 = arith.constant 0 : i32
    %dma_wait3A_188 = arith.constant 0 : i32
    %dma_wait3A_189 = tpu.memref_slice %arg17[%dma_wait3A_187, %dma_wait3A_188] : memref<10000x128xf32, #tpu.memory_space<vmem_shared>> -> memref<10000x128xf32, #tpu.memory_space<vmem_shared>>
    tpu.wait_indirect_dma semaphore(%arg25 : memref<!tpu.dma_semaphore, #tpu.memory_space<semaphore_mem>>) src(%arg15 : memref<128x128xf32, #tpu.memory_space<vmem>>) dst(%dma_wait3A_189 : memref<10000x128xf32, #tpu.memory_space<vmem_shared>>)
    %barrier3A_190 = arith.constant 0 : index
    tpu.barrier barrier_id(%barrier3A_190)
    "tpu.region"() ({
      %run_scoped3A = tpu.sem_alloc : memref<!tpu.dma_semaphore, #tpu.memory_space<semaphore_mem>>
      %dma_start3A_196 = arith.constant 0 : i32
      %dma_start3A_197 = tpu.memref_slice %arg5[%arg0, %mul3A_9, %dma_start3A_196] : memref<2x10000x128xf32, #tpu.memory_space<hbm>> -> memref<1x624x128xf32, #tpu.memory_space<hbm>>
      %dma_start3A_198 = tpu.memref_squeeze %dma_start3A_197 : memref<1x624x128xf32, #tpu.memory_space<hbm>> -> memref<624x128xf32, #tpu.memory_space<hbm>>
      %dma_start3A_199 = arith.constant 0 : i32
      %dma_start3A_200 = tpu.memref_slice %arg17[%mul3A_9, %dma_start3A_199] : memref<10000x128xf32, #tpu.memory_space<vmem_shared>> -> memref<624x128xf32, #tpu.memory_space<vmem_shared>>
      tpu.enqueue_dma source(%dma_start3A_200 : memref<624x128xf32, #tpu.memory_space<vmem_shared>>) target(%dma_start3A_198 : memref<624x128xf32, #tpu.memory_space<hbm>>) target_semaphore(%run_scoped3A : memref<!tpu.dma_semaphore, #tpu.memory_space<semaphore_mem>>)
      %dma_wait3A_201 = arith.constant 0 : i32
      %dma_wait3A_202 = tpu.memref_slice %arg5[%arg0, %mul3A_9, %dma_wait3A_201] : memref<2x10000x128xf32, #tpu.memory_space<hbm>> -> memref<1x624x128xf32, #tpu.memory_space<hbm>>
      %dma_wait3A_203 = tpu.memref_squeeze %dma_wait3A_202 : memref<1x624x128xf32, #tpu.memory_space<hbm>> -> memref<624x128xf32, #tpu.memory_space<hbm>>
      %dma_wait3A_204 = arith.constant 0 : i32
      %dma_wait3A_205 = tpu.memref_slice %arg17[%mul3A_9, %dma_wait3A_204] : memref<10000x128xf32, #tpu.memory_space<vmem_shared>> -> memref<624x128xf32, #tpu.memory_space<vmem_shared>>
      tpu.wait_dma2 semaphore(%run_scoped3A : memref<!tpu.dma_semaphore, #tpu.memory_space<semaphore_mem>>) src(%dma_wait3A_205 : memref<624x128xf32, #tpu.memory_space<vmem_shared>>) dst(%dma_wait3A_203 : memref<624x128xf32, #tpu.memory_space<hbm>>)
      tpu.yield
    }) : () -> ()
    %eq3A_191 = arith.constant 0 : i32
    %eq3A_192 = arith.cmpi eq, %arg1, %eq3A_191 : i32
    %convert_element_type3A_193 = arith.extui %eq3A_192 : i1 to i32
    %cond3A_194 = arith.constant 0 : i32
    %cond3A_195 = arith.cmpi ne, %convert_element_type3A_193, %cond3A_194 : i32
    scf.if %cond3A_195 {
      "tpu.region"() ({
        %run_scoped3A = tpu.sem_alloc : memref<!tpu.dma_semaphore, #tpu.memory_space<semaphore_mem>>
        %dma_start3A_196 = arith.constant 9984 : i32
        %dma_start3A_197 = arith.constant 0 : i32
        %dma_start3A_198 = tpu.memref_slice %arg5[%arg0, %dma_start3A_196, %dma_start3A_197] : memref<2x10000x128xf32, #tpu.memory_space<hbm>> -> memref<1x16x128xf32, #tpu.memory_space<hbm>>
        %dma_start3A_199 = tpu.memref_squeeze %dma_start3A_198 : memref<1x16x128xf32, #tpu.memory_space<hbm>> -> memref<16x128xf32, #tpu.memory_space<hbm>>
        %dma_start3A_200 = arith.constant 9984 : i32
        %dma_start3A_201 = arith.constant 0 : i32
        %dma_start3A_202 = tpu.memref_slice %arg17[%dma_start3A_200, %dma_start3A_201] : memref<10000x128xf32, #tpu.memory_space<vmem_shared>> -> memref<16x128xf32, #tpu.memory_space<vmem_shared>>
        tpu.enqueue_dma source(%dma_start3A_202 : memref<16x128xf32, #tpu.memory_space<vmem_shared>>) target(%dma_start3A_199 : memref<16x128xf32, #tpu.memory_space<hbm>>) target_semaphore(%run_scoped3A : memref<!tpu.dma_semaphore, #tpu.memory_space<semaphore_mem>>)
        %dma_wait3A_203 = arith.constant 9984 : i32
        %dma_wait3A_204 = arith.constant 0 : i32
        %dma_wait3A_205 = tpu.memref_slice %arg5[%arg0, %dma_wait3A_203, %dma_wait3A_204] : memref<2x10000x128xf32, #tpu.memory_space<hbm>> -> memref<1x16x128xf32, #tpu.memory_space<hbm>>
        %dma_wait3A_206 = tpu.memref_squeeze %dma_wait3A_205 : memref<1x16x128xf32, #tpu.memory_space<hbm>> -> memref<16x128xf32, #tpu.memory_space<hbm>>
        %dma_wait3A_207 = arith.constant 9984 : i32
        %dma_wait3A_208 = arith.constant 0 : i32
        %dma_wait3A_209 = tpu.memref_slice %arg17[%dma_wait3A_207, %dma_wait3A_208] : memref<10000x128xf32, #tpu.memory_space<vmem_shared>> -> memref<16x128xf32, #tpu.memory_space<vmem_shared>>
        tpu.wait_dma2 semaphore(%run_scoped3A : memref<!tpu.dma_semaphore, #tpu.memory_space<semaphore_mem>>) src(%dma_wait3A_209 : memref<16x128xf32, #tpu.memory_space<vmem_shared>>) dst(%dma_wait3A_206 : memref<16x128xf32, #tpu.memory_space<hbm>>)
        tpu.yield
      }) : () -> ()
    } else {
    }
    return
  }
}

#map = affine_map<(d0, d1) -> (0, 0)>
#map1 = affine_map<(d0, d1) -> (0)>
module attributes {stable_mosaic.version = 14 : i64} {
  func.func @body(%arg0: i32, %arg1: i32, %arg2: memref<10000x128xf32, #tpu.memory_space<hbm>>, %arg3: memref<102400xi32, #tpu.memory_space<hbm>>, %arg4: memref<102400xi32, #tpu.memory_space<hbm>>, %arg5: memref<51200x128xf32, #tpu.memory_space<hbm>>, %arg6: memref<51200x128xf32, #tpu.memory_space<hbm>>, %arg7: memref<80xi32, #tpu.memory_space<vmem>>, %arg8: memref<80xi32, #tpu.memory_space<vmem>>, %arg9: memref<80xi32, #tpu.memory_space<vmem>>, %arg10: memref<80xi32, #tpu.memory_space<vmem>>, %arg11: memref<80x128xf32, #tpu.memory_space<vmem>>, %arg12: memref<80x128xf32, #tpu.memory_space<vmem>>, %arg13: memref<80x128xf32, #tpu.memory_space<vmem>>, %arg14: memref<80x128xf32, #tpu.memory_space<vmem>>, %arg15: memref<!tpu.dma_semaphore, #tpu.memory_space<semaphore_mem>>, %arg16: memref<!tpu.dma_semaphore, #tpu.memory_space<semaphore_mem>>, %arg17: memref<!tpu.dma_semaphore, #tpu.memory_space<semaphore_mem>>, %arg18: memref<!tpu.dma_semaphore, #tpu.memory_space<semaphore_mem>>, %arg19: memref<!tpu.dma_semaphore, #tpu.memory_space<semaphore_mem>>, %arg20: memref<!tpu.dma_semaphore, #tpu.memory_space<semaphore_mem>>) attributes {dimension_semantics = [#tpu.dimension_semantics<core_parallel>, #tpu.dimension_semantics<subcore_parallel>], iteration_bounds = array<i64: 2, 16>, scalar_prefetch = 0 : i64, scratch_operands = 14 : i64, tpu.core_type = #tpu.core_type<sc_vector_subcore>, window_params = [{transform_indices = #map}, {transform_indices = #map1}, {transform_indices = #map1}, {transform_indices = #map}, {transform_indices = #map}]} {
    %mul3A = arith.constant 2 : i32
    %mul3A_0 = arith.muli %arg1, %mul3A : i32
    %add3A = arith.addi %mul3A_0, %arg0 : i32
    %mul3A_1 = arith.constant 1600 : i32
    %mul3A_2 = arith.muli %add3A, %mul3A_1 : i32
    %add3A_3 = arith.constant 0 : i32
    %add3A_4 = arith.addi %add3A_3, %mul3A_2 : i32
    %mul3A_5 = arith.constant 1600 : i32
    %mul3A_6 = arith.muli %add3A, %mul3A_5 : i32
    %add3A_7 = arith.constant 0 : i32
    %add3A_8 = arith.addi %add3A_4, %add3A_7 : i32
    %dma_start3A = tpu.memref_slice %arg3[%add3A_8] : memref<102400xi32, #tpu.memory_space<hbm>> -> memref<80xi32, #tpu.memory_space<hbm>>
    %dma_start3A_9 = tpu.memref_slice %arg3[%add3A_8] : memref<102400xi32, #tpu.memory_space<hbm>> -> memref<80xi32, #tpu.memory_space<hbm>>
    tpu.enqueue_dma source(%dma_start3A_9 : memref<80xi32, #tpu.memory_space<hbm>>) target(%arg7 : memref<80xi32, #tpu.memory_space<vmem>>) target_semaphore(%arg15 : memref<!tpu.dma_semaphore, #tpu.memory_space<semaphore_mem>>)
    %dma_start3A_10 = tpu.memref_slice %arg4[%add3A_8] : memref<102400xi32, #tpu.memory_space<hbm>> -> memref<80xi32, #tpu.memory_space<hbm>>
    %dma_start3A_11 = tpu.memref_slice %arg4[%add3A_8] : memref<102400xi32, #tpu.memory_space<hbm>> -> memref<80xi32, #tpu.memory_space<hbm>>
    tpu.enqueue_dma source(%dma_start3A_11 : memref<80xi32, #tpu.memory_space<hbm>>) target(%arg9 : memref<80xi32, #tpu.memory_space<vmem>>) target_semaphore(%arg15 : memref<!tpu.dma_semaphore, #tpu.memory_space<semaphore_mem>>)
    %add3A_12 = arith.constant 80 : i32
    %add3A_13 = arith.addi %add3A_4, %add3A_12 : i32
    %dma_start3A_14 = tpu.memref_slice %arg3[%add3A_13] : memref<102400xi32, #tpu.memory_space<hbm>> -> memref<80xi32, #tpu.memory_space<hbm>>
    %dma_start3A_15 = tpu.memref_slice %arg3[%add3A_13] : memref<102400xi32, #tpu.memory_space<hbm>> -> memref<80xi32, #tpu.memory_space<hbm>>
    tpu.enqueue_dma source(%dma_start3A_15 : memref<80xi32, #tpu.memory_space<hbm>>) target(%arg8 : memref<80xi32, #tpu.memory_space<vmem>>) target_semaphore(%arg16 : memref<!tpu.dma_semaphore, #tpu.memory_space<semaphore_mem>>)
    %dma_start3A_16 = tpu.memref_slice %arg4[%add3A_13] : memref<102400xi32, #tpu.memory_space<hbm>> -> memref<80xi32, #tpu.memory_space<hbm>>
    %dma_start3A_17 = tpu.memref_slice %arg4[%add3A_13] : memref<102400xi32, #tpu.memory_space<hbm>> -> memref<80xi32, #tpu.memory_space<hbm>>
    tpu.enqueue_dma source(%dma_start3A_17 : memref<80xi32, #tpu.memory_space<hbm>>) target(%arg10 : memref<80xi32, #tpu.memory_space<vmem>>) target_semaphore(%arg16 : memref<!tpu.dma_semaphore, #tpu.memory_space<semaphore_mem>>)
    %dma_wait3A = arith.constant 0 : i32
    %dma_wait3A_18 = tpu.memref_slice %arg3[%dma_wait3A] : memref<102400xi32, #tpu.memory_space<hbm>> -> memref<80xi32, #tpu.memory_space<hbm>>
    %dma_wait3A_19 = arith.constant 0 : i32
    %dma_wait3A_20 = tpu.memref_slice %arg3[%dma_wait3A_19] : memref<102400xi32, #tpu.memory_space<hbm>> -> memref<80xi32, #tpu.memory_space<hbm>>
    tpu.wait_dma2 semaphore(%arg15 : memref<!tpu.dma_semaphore, #tpu.memory_space<semaphore_mem>>) src(%dma_wait3A_20 : memref<80xi32, #tpu.memory_space<hbm>>) dst(%arg7 : memref<80xi32, #tpu.memory_space<vmem>>)
    %dma_wait3A_21 = arith.constant 0 : i32
    %dma_wait3A_22 = tpu.memref_slice %arg4[%dma_wait3A_21] : memref<102400xi32, #tpu.memory_space<hbm>> -> memref<80xi32, #tpu.memory_space<hbm>>
    %dma_wait3A_23 = arith.constant 0 : i32
    %dma_wait3A_24 = tpu.memref_slice %arg4[%dma_wait3A_23] : memref<102400xi32, #tpu.memory_space<hbm>> -> memref<80xi32, #tpu.memory_space<hbm>>
    tpu.wait_dma2 semaphore(%arg15 : memref<!tpu.dma_semaphore, #tpu.memory_space<semaphore_mem>>) src(%dma_wait3A_24 : memref<80xi32, #tpu.memory_space<hbm>>) dst(%arg9 : memref<80xi32, #tpu.memory_space<vmem>>)
    %dma_start3A_25 = arith.constant 0 : i32
    %dma_start3A_26 = arith.constant 0 : i32
    %dma_start3A_27 = tpu.memref_slice %arg2[%dma_start3A_25, %dma_start3A_26] : memref<10000x128xf32, #tpu.memory_space<hbm>> -> memref<10000x128xf32, #tpu.memory_space<hbm>>
    tpu.enqueue_indirect_dma source(%dma_start3A_27 : memref<10000x128xf32, #tpu.memory_space<hbm>>) target(%arg11 : memref<80x128xf32, #tpu.memory_space<vmem>>) offsets(%arg7 : memref<80xi32, #tpu.memory_space<vmem>>) semaphore(%arg17 : memref<!tpu.dma_semaphore, #tpu.memory_space<semaphore_mem>>)
    %dma_start3A_28 = arith.constant 0 : i32
    %dma_start3A_29 = arith.constant 0 : i32
    %dma_start3A_30 = tpu.memref_slice %arg2[%dma_start3A_28, %dma_start3A_29] : memref<10000x128xf32, #tpu.memory_space<hbm>> -> memref<10000x128xf32, #tpu.memory_space<hbm>>
    tpu.enqueue_indirect_dma source(%dma_start3A_30 : memref<10000x128xf32, #tpu.memory_space<hbm>>) target(%arg13 : memref<80x128xf32, #tpu.memory_space<vmem>>) offsets(%arg9 : memref<80xi32, #tpu.memory_space<vmem>>) semaphore(%arg17 : memref<!tpu.dma_semaphore, #tpu.memory_space<semaphore_mem>>)
    %dma_wait3A_31 = arith.constant 0 : i32
    %dma_wait3A_32 = arith.constant 0 : i32
    %dma_wait3A_33 = tpu.memref_slice %arg2[%dma_wait3A_31, %dma_wait3A_32] : memref<10000x128xf32, #tpu.memory_space<hbm>> -> memref<10000x128xf32, #tpu.memory_space<hbm>>
    tpu.wait_indirect_dma semaphore(%arg17 : memref<!tpu.dma_semaphore, #tpu.memory_space<semaphore_mem>>) src(%dma_wait3A_33 : memref<10000x128xf32, #tpu.memory_space<hbm>>) dst(%arg11 : memref<80x128xf32, #tpu.memory_space<vmem>>)
    %dma_wait3A_34 = arith.constant 0 : i32
    %dma_wait3A_35 = arith.constant 0 : i32
    %dma_wait3A_36 = tpu.memref_slice %arg2[%dma_wait3A_34, %dma_wait3A_35] : memref<10000x128xf32, #tpu.memory_space<hbm>> -> memref<10000x128xf32, #tpu.memory_space<hbm>>
    tpu.wait_indirect_dma semaphore(%arg17 : memref<!tpu.dma_semaphore, #tpu.memory_space<semaphore_mem>>) src(%dma_wait3A_36 : memref<10000x128xf32, #tpu.memory_space<hbm>>) dst(%arg13 : memref<80x128xf32, #tpu.memory_space<vmem>>)
    %add3A_37 = arith.constant 160 : i32
    %add3A_38 = arith.addi %add3A_4, %add3A_37 : i32
    %dma_start3A_39 = tpu.memref_slice %arg3[%add3A_38] : memref<102400xi32, #tpu.memory_space<hbm>> -> memref<80xi32, #tpu.memory_space<hbm>>
    %dma_start3A_40 = tpu.memref_slice %arg3[%add3A_38] : memref<102400xi32, #tpu.memory_space<hbm>> -> memref<80xi32, #tpu.memory_space<hbm>>
    tpu.enqueue_dma source(%dma_start3A_40 : memref<80xi32, #tpu.memory_space<hbm>>) target(%arg7 : memref<80xi32, #tpu.memory_space<vmem>>) target_semaphore(%arg15 : memref<!tpu.dma_semaphore, #tpu.memory_space<semaphore_mem>>)
    %dma_start3A_41 = tpu.memref_slice %arg4[%add3A_38] : memref<102400xi32, #tpu.memory_space<hbm>> -> memref<80xi32, #tpu.memory_space<hbm>>
    %dma_start3A_42 = tpu.memref_slice %arg4[%add3A_38] : memref<102400xi32, #tpu.memory_space<hbm>> -> memref<80xi32, #tpu.memory_space<hbm>>
    tpu.enqueue_dma source(%dma_start3A_42 : memref<80xi32, #tpu.memory_space<hbm>>) target(%arg9 : memref<80xi32, #tpu.memory_space<vmem>>) target_semaphore(%arg15 : memref<!tpu.dma_semaphore, #tpu.memory_space<semaphore_mem>>)
    %add3A_43 = arith.constant 0 : i32
    %add3A_44 = arith.addi %mul3A_6, %add3A_43 : i32
    %dma_start3A_45 = arith.constant 0 : i32
    %dma_start3A_46 = tpu.memref_slice %arg5[%add3A_44, %dma_start3A_45] : memref<51200x128xf32, #tpu.memory_space<hbm>> -> memref<80x128xf32, #tpu.memory_space<hbm>>
    %dma_start3A_47 = arith.constant 0 : i32
    %dma_start3A_48 = tpu.memref_slice %arg5[%add3A_44, %dma_start3A_47] : memref<51200x128xf32, #tpu.memory_space<hbm>> -> memref<80x128xf32, #tpu.memory_space<hbm>>
    tpu.enqueue_dma source(%arg11 : memref<80x128xf32, #tpu.memory_space<vmem>>) target(%dma_start3A_48 : memref<80x128xf32, #tpu.memory_space<hbm>>) target_semaphore(%arg19 : memref<!tpu.dma_semaphore, #tpu.memory_space<semaphore_mem>>)
    %dma_start3A_49 = arith.constant 0 : i32
    %dma_start3A_50 = tpu.memref_slice %arg6[%add3A_44, %dma_start3A_49] : memref<51200x128xf32, #tpu.memory_space<hbm>> -> memref<80x128xf32, #tpu.memory_space<hbm>>
    %dma_start3A_51 = arith.constant 0 : i32
    %dma_start3A_52 = tpu.memref_slice %arg6[%add3A_44, %dma_start3A_51] : memref<51200x128xf32, #tpu.memory_space<hbm>> -> memref<80x128xf32, #tpu.memory_space<hbm>>
    tpu.enqueue_dma source(%arg13 : memref<80x128xf32, #tpu.memory_space<vmem>>) target(%dma_start3A_52 : memref<80x128xf32, #tpu.memory_space<hbm>>) target_semaphore(%arg19 : memref<!tpu.dma_semaphore, #tpu.memory_space<semaphore_mem>>)
    %dma_wait3A_53 = arith.constant 0 : i32
    %dma_wait3A_54 = tpu.memref_slice %arg3[%dma_wait3A_53] : memref<102400xi32, #tpu.memory_space<hbm>> -> memref<80xi32, #tpu.memory_space<hbm>>
    %dma_wait3A_55 = arith.constant 0 : i32
    %dma_wait3A_56 = tpu.memref_slice %arg3[%dma_wait3A_55] : memref<102400xi32, #tpu.memory_space<hbm>> -> memref<80xi32, #tpu.memory_space<hbm>>
    tpu.wait_dma2 semaphore(%arg16 : memref<!tpu.dma_semaphore, #tpu.memory_space<semaphore_mem>>) src(%dma_wait3A_56 : memref<80xi32, #tpu.memory_space<hbm>>) dst(%arg8 : memref<80xi32, #tpu.memory_space<vmem>>)
    %dma_wait3A_57 = arith.constant 0 : i32
    %dma_wait3A_58 = tpu.memref_slice %arg4[%dma_wait3A_57] : memref<102400xi32, #tpu.memory_space<hbm>> -> memref<80xi32, #tpu.memory_space<hbm>>
    %dma_wait3A_59 = arith.constant 0 : i32
    %dma_wait3A_60 = tpu.memref_slice %arg4[%dma_wait3A_59] : memref<102400xi32, #tpu.memory_space<hbm>> -> memref<80xi32, #tpu.memory_space<hbm>>
    tpu.wait_dma2 semaphore(%arg16 : memref<!tpu.dma_semaphore, #tpu.memory_space<semaphore_mem>>) src(%dma_wait3A_60 : memref<80xi32, #tpu.memory_space<hbm>>) dst(%arg10 : memref<80xi32, #tpu.memory_space<vmem>>)
    %dma_start3A_61 = arith.constant 0 : i32
    %dma_start3A_62 = arith.constant 0 : i32
    %dma_start3A_63 = tpu.memref_slice %arg2[%dma_start3A_61, %dma_start3A_62] : memref<10000x128xf32, #tpu.memory_space<hbm>> -> memref<10000x128xf32, #tpu.memory_space<hbm>>
    tpu.enqueue_indirect_dma source(%dma_start3A_63 : memref<10000x128xf32, #tpu.memory_space<hbm>>) target(%arg12 : memref<80x128xf32, #tpu.memory_space<vmem>>) offsets(%arg8 : memref<80xi32, #tpu.memory_space<vmem>>) semaphore(%arg18 : memref<!tpu.dma_semaphore, #tpu.memory_space<semaphore_mem>>)
    %dma_start3A_64 = arith.constant 0 : i32
    %dma_start3A_65 = arith.constant 0 : i32
    %dma_start3A_66 = tpu.memref_slice %arg2[%dma_start3A_64, %dma_start3A_65] : memref<10000x128xf32, #tpu.memory_space<hbm>> -> memref<10000x128xf32, #tpu.memory_space<hbm>>
    tpu.enqueue_indirect_dma source(%dma_start3A_66 : memref<10000x128xf32, #tpu.memory_space<hbm>>) target(%arg14 : memref<80x128xf32, #tpu.memory_space<vmem>>) offsets(%arg10 : memref<80xi32, #tpu.memory_space<vmem>>) semaphore(%arg18 : memref<!tpu.dma_semaphore, #tpu.memory_space<semaphore_mem>>)
    %dma_wait3A_67 = arith.constant 0 : i32
    %dma_wait3A_68 = arith.constant 0 : i32
    %dma_wait3A_69 = tpu.memref_slice %arg2[%dma_wait3A_67, %dma_wait3A_68] : memref<10000x128xf32, #tpu.memory_space<hbm>> -> memref<10000x128xf32, #tpu.memory_space<hbm>>
    tpu.wait_indirect_dma semaphore(%arg18 : memref<!tpu.dma_semaphore, #tpu.memory_space<semaphore_mem>>) src(%dma_wait3A_69 : memref<10000x128xf32, #tpu.memory_space<hbm>>) dst(%arg12 : memref<80x128xf32, #tpu.memory_space<vmem>>)
    %dma_wait3A_70 = arith.constant 0 : i32
    %dma_wait3A_71 = arith.constant 0 : i32
    %dma_wait3A_72 = tpu.memref_slice %arg2[%dma_wait3A_70, %dma_wait3A_71] : memref<10000x128xf32, #tpu.memory_space<hbm>> -> memref<10000x128xf32, #tpu.memory_space<hbm>>
    tpu.wait_indirect_dma semaphore(%arg18 : memref<!tpu.dma_semaphore, #tpu.memory_space<semaphore_mem>>) src(%dma_wait3A_72 : memref<10000x128xf32, #tpu.memory_space<hbm>>) dst(%arg14 : memref<80x128xf32, #tpu.memory_space<vmem>>)
    %add3A_73 = arith.constant 240 : i32
    %add3A_74 = arith.addi %add3A_4, %add3A_73 : i32
    %dma_start3A_75 = tpu.memref_slice %arg3[%add3A_74] : memref<102400xi32, #tpu.memory_space<hbm>> -> memref<80xi32, #tpu.memory_space<hbm>>
    %dma_start3A_76 = tpu.memref_slice %arg3[%add3A_74] : memref<102400xi32, #tpu.memory_space<hbm>> -> memref<80xi32, #tpu.memory_space<hbm>>
    tpu.enqueue_dma source(%dma_start3A_76 : memref<80xi32, #tpu.memory_space<hbm>>) target(%arg8 : memref<80xi32, #tpu.memory_space<vmem>>) target_semaphore(%arg16 : memref<!tpu.dma_semaphore, #tpu.memory_space<semaphore_mem>>)
    %dma_start3A_77 = tpu.memref_slice %arg4[%add3A_74] : memref<102400xi32, #tpu.memory_space<hbm>> -> memref<80xi32, #tpu.memory_space<hbm>>
    %dma_start3A_78 = tpu.memref_slice %arg4[%add3A_74] : memref<102400xi32, #tpu.memory_space<hbm>> -> memref<80xi32, #tpu.memory_space<hbm>>
    tpu.enqueue_dma source(%dma_start3A_78 : memref<80xi32, #tpu.memory_space<hbm>>) target(%arg10 : memref<80xi32, #tpu.memory_space<vmem>>) target_semaphore(%arg16 : memref<!tpu.dma_semaphore, #tpu.memory_space<semaphore_mem>>)
    %add3A_79 = arith.constant 80 : i32
    %add3A_80 = arith.addi %mul3A_6, %add3A_79 : i32
    %dma_start3A_81 = arith.constant 0 : i32
    %dma_start3A_82 = tpu.memref_slice %arg5[%add3A_80, %dma_start3A_81] : memref<51200x128xf32, #tpu.memory_space<hbm>> -> memref<80x128xf32, #tpu.memory_space<hbm>>
    %dma_start3A_83 = arith.constant 0 : i32
    %dma_start3A_84 = tpu.memref_slice %arg5[%add3A_80, %dma_start3A_83] : memref<51200x128xf32, #tpu.memory_space<hbm>> -> memref<80x128xf32, #tpu.memory_space<hbm>>
    tpu.enqueue_dma source(%arg12 : memref<80x128xf32, #tpu.memory_space<vmem>>) target(%dma_start3A_84 : memref<80x128xf32, #tpu.memory_space<hbm>>) target_semaphore(%arg20 : memref<!tpu.dma_semaphore, #tpu.memory_space<semaphore_mem>>)
    %dma_start3A_85 = arith.constant 0 : i32
    %dma_start3A_86 = tpu.memref_slice %arg6[%add3A_80, %dma_start3A_85] : memref<51200x128xf32, #tpu.memory_space<hbm>> -> memref<80x128xf32, #tpu.memory_space<hbm>>
    %dma_start3A_87 = arith.constant 0 : i32
    %dma_start3A_88 = tpu.memref_slice %arg6[%add3A_80, %dma_start3A_87] : memref<51200x128xf32, #tpu.memory_space<hbm>> -> memref<80x128xf32, #tpu.memory_space<hbm>>
    tpu.enqueue_dma source(%arg14 : memref<80x128xf32, #tpu.memory_space<vmem>>) target(%dma_start3A_88 : memref<80x128xf32, #tpu.memory_space<hbm>>) target_semaphore(%arg20 : memref<!tpu.dma_semaphore, #tpu.memory_space<semaphore_mem>>)
    %scan3A = arith.constant 0 : i32
    %scan3A_89 = arith.constant 8 : i32
    %scan3A_90 = arith.addi %scan3A, %scan3A_89 : i32
    %scan3A_91 = arith.constant 1 : i32
    scf.for %scan3A_201 = %scan3A to %scan3A_90 step %scan3A_91  : i32 {
      %mul3A_202 = arith.constant 1 : i32
      %mul3A_203 = arith.muli %scan3A_201, %mul3A_202 : i32
      %add3A_204 = arith.constant 0 : i32
      %add3A_205 = arith.addi %add3A_204, %mul3A_203 : i32
      %mul3A_206 = arith.constant 2 : i32
      %mul3A_207 = arith.muli %mul3A_206, %add3A_205 : i32
      %add3A_208 = arith.constant 2 : i32
      %add3A_209 = arith.addi %mul3A_207, %add3A_208 : i32
      %dma_wait3A_210 = arith.constant 0 : i32
      %dma_wait3A_211 = tpu.memref_slice %arg3[%dma_wait3A_210] : memref<102400xi32, #tpu.memory_space<hbm>> -> memref<80xi32, #tpu.memory_space<hbm>>
      %dma_wait3A_212 = arith.constant 0 : i32
      %dma_wait3A_213 = tpu.memref_slice %arg3[%dma_wait3A_212] : memref<102400xi32, #tpu.memory_space<hbm>> -> memref<80xi32, #tpu.memory_space<hbm>>
      tpu.wait_dma2 semaphore(%arg15 : memref<!tpu.dma_semaphore, #tpu.memory_space<semaphore_mem>>) src(%dma_wait3A_213 : memref<80xi32, #tpu.memory_space<hbm>>) dst(%arg7 : memref<80xi32, #tpu.memory_space<vmem>>)
      %dma_wait3A_214 = arith.constant 0 : i32
      %dma_wait3A_215 = tpu.memref_slice %arg4[%dma_wait3A_214] : memref<102400xi32, #tpu.memory_space<hbm>> -> memref<80xi32, #tpu.memory_space<hbm>>
      %dma_wait3A_216 = arith.constant 0 : i32
      %dma_wait3A_217 = tpu.memref_slice %arg4[%dma_wait3A_216] : memref<102400xi32, #tpu.memory_space<hbm>> -> memref<80xi32, #tpu.memory_space<hbm>>
      tpu.wait_dma2 semaphore(%arg15 : memref<!tpu.dma_semaphore, #tpu.memory_space<semaphore_mem>>) src(%dma_wait3A_217 : memref<80xi32, #tpu.memory_space<hbm>>) dst(%arg9 : memref<80xi32, #tpu.memory_space<vmem>>)
      %dma_wait3A_218 = arith.constant 0 : i32
      %dma_wait3A_219 = arith.constant 0 : i32
      %dma_wait3A_220 = tpu.memref_slice %arg5[%dma_wait3A_218, %dma_wait3A_219] : memref<51200x128xf32, #tpu.memory_space<hbm>> -> memref<80x128xf32, #tpu.memory_space<hbm>>
      %dma_wait3A_221 = arith.constant 0 : i32
      %dma_wait3A_222 = arith.constant 0 : i32
      %dma_wait3A_223 = tpu.memref_slice %arg5[%dma_wait3A_221, %dma_wait3A_222] : memref<51200x128xf32, #tpu.memory_space<hbm>> -> memref<80x128xf32, #tpu.memory_space<hbm>>
      tpu.wait_dma2 semaphore(%arg19 : memref<!tpu.dma_semaphore, #tpu.memory_space<semaphore_mem>>) src(%arg11 : memref<80x128xf32, #tpu.memory_space<vmem>>) dst(%dma_wait3A_223 : memref<80x128xf32, #tpu.memory_space<hbm>>)
      %dma_wait3A_224 = arith.constant 0 : i32
      %dma_wait3A_225 = arith.constant 0 : i32
      %dma_wait3A_226 = tpu.memref_slice %arg6[%dma_wait3A_224, %dma_wait3A_225] : memref<51200x128xf32, #tpu.memory_space<hbm>> -> memref<80x128xf32, #tpu.memory_space<hbm>>
      %dma_wait3A_227 = arith.constant 0 : i32
      %dma_wait3A_228 = arith.constant 0 : i32
      %dma_wait3A_229 = tpu.memref_slice %arg6[%dma_wait3A_227, %dma_wait3A_228] : memref<51200x128xf32, #tpu.memory_space<hbm>> -> memref<80x128xf32, #tpu.memory_space<hbm>>
      tpu.wait_dma2 semaphore(%arg19 : memref<!tpu.dma_semaphore, #tpu.memory_space<semaphore_mem>>) src(%arg13 : memref<80x128xf32, #tpu.memory_space<vmem>>) dst(%dma_wait3A_229 : memref<80x128xf32, #tpu.memory_space<hbm>>)
      %dma_start3A_230 = arith.constant 0 : i32
      %dma_start3A_231 = arith.constant 0 : i32
      %dma_start3A_232 = tpu.memref_slice %arg2[%dma_start3A_230, %dma_start3A_231] : memref<10000x128xf32, #tpu.memory_space<hbm>> -> memref<10000x128xf32, #tpu.memory_space<hbm>>
      tpu.enqueue_indirect_dma source(%dma_start3A_232 : memref<10000x128xf32, #tpu.memory_space<hbm>>) target(%arg11 : memref<80x128xf32, #tpu.memory_space<vmem>>) offsets(%arg7 : memref<80xi32, #tpu.memory_space<vmem>>) semaphore(%arg17 : memref<!tpu.dma_semaphore, #tpu.memory_space<semaphore_mem>>)
      %dma_start3A_233 = arith.constant 0 : i32
      %dma_start3A_234 = arith.constant 0 : i32
      %dma_start3A_235 = tpu.memref_slice %arg2[%dma_start3A_233, %dma_start3A_234] : memref<10000x128xf32, #tpu.memory_space<hbm>> -> memref<10000x128xf32, #tpu.memory_space<hbm>>
      tpu.enqueue_indirect_dma source(%dma_start3A_235 : memref<10000x128xf32, #tpu.memory_space<hbm>>) target(%arg13 : memref<80x128xf32, #tpu.memory_space<vmem>>) offsets(%arg9 : memref<80xi32, #tpu.memory_space<vmem>>) semaphore(%arg17 : memref<!tpu.dma_semaphore, #tpu.memory_space<semaphore_mem>>)
      %dma_wait3A_236 = arith.constant 0 : i32
      %dma_wait3A_237 = arith.constant 0 : i32
      %dma_wait3A_238 = tpu.memref_slice %arg2[%dma_wait3A_236, %dma_wait3A_237] : memref<10000x128xf32, #tpu.memory_space<hbm>> -> memref<10000x128xf32, #tpu.memory_space<hbm>>
      tpu.wait_indirect_dma semaphore(%arg17 : memref<!tpu.dma_semaphore, #tpu.memory_space<semaphore_mem>>) src(%dma_wait3A_238 : memref<10000x128xf32, #tpu.memory_space<hbm>>) dst(%arg11 : memref<80x128xf32, #tpu.memory_space<vmem>>)
      %dma_wait3A_239 = arith.constant 0 : i32
      %dma_wait3A_240 = arith.constant 0 : i32
      %dma_wait3A_241 = tpu.memref_slice %arg2[%dma_wait3A_239, %dma_wait3A_240] : memref<10000x128xf32, #tpu.memory_space<hbm>> -> memref<10000x128xf32, #tpu.memory_space<hbm>>
      tpu.wait_indirect_dma semaphore(%arg17 : memref<!tpu.dma_semaphore, #tpu.memory_space<semaphore_mem>>) src(%dma_wait3A_241 : memref<10000x128xf32, #tpu.memory_space<hbm>>) dst(%arg13 : memref<80x128xf32, #tpu.memory_space<vmem>>)
      %add3A_242 = arith.constant 2 : i32
      %add3A_243 = arith.addi %add3A_209, %add3A_242 : i32
      %mul3A_244 = arith.constant 80 : i32
      %mul3A_245 = arith.muli %add3A_243, %mul3A_244 : i32
      %add3A_246 = arith.addi %add3A_4, %mul3A_245 : i32
      %dma_start3A_247 = tpu.memref_slice %arg3[%add3A_246] : memref<102400xi32, #tpu.memory_space<hbm>> -> memref<80xi32, #tpu.memory_space<hbm>>
      %dma_start3A_248 = tpu.memref_slice %arg3[%add3A_246] : memref<102400xi32, #tpu.memory_space<hbm>> -> memref<80xi32, #tpu.memory_space<hbm>>
      tpu.enqueue_dma source(%dma_start3A_248 : memref<80xi32, #tpu.memory_space<hbm>>) target(%arg7 : memref<80xi32, #tpu.memory_space<vmem>>) target_semaphore(%arg15 : memref<!tpu.dma_semaphore, #tpu.memory_space<semaphore_mem>>)
      %dma_start3A_249 = tpu.memref_slice %arg4[%add3A_246] : memref<102400xi32, #tpu.memory_space<hbm>> -> memref<80xi32, #tpu.memory_space<hbm>>
      %dma_start3A_250 = tpu.memref_slice %arg4[%add3A_246] : memref<102400xi32, #tpu.memory_space<hbm>> -> memref<80xi32, #tpu.memory_space<hbm>>
      tpu.enqueue_dma source(%dma_start3A_250 : memref<80xi32, #tpu.memory_space<hbm>>) target(%arg9 : memref<80xi32, #tpu.memory_space<vmem>>) target_semaphore(%arg15 : memref<!tpu.dma_semaphore, #tpu.memory_space<semaphore_mem>>)
      %mul3A_251 = arith.constant 80 : i32
      %mul3A_252 = arith.muli %add3A_209, %mul3A_251 : i32
      %add3A_253 = arith.addi %mul3A_6, %mul3A_252 : i32
      %dma_start3A_254 = arith.constant 0 : i32
      %dma_start3A_255 = tpu.memref_slice %arg5[%add3A_253, %dma_start3A_254] : memref<51200x128xf32, #tpu.memory_space<hbm>> -> memref<80x128xf32, #tpu.memory_space<hbm>>
      %dma_start3A_256 = arith.constant 0 : i32
      %dma_start3A_257 = tpu.memref_slice %arg5[%add3A_253, %dma_start3A_256] : memref<51200x128xf32, #tpu.memory_space<hbm>> -> memref<80x128xf32, #tpu.memory_space<hbm>>
      tpu.enqueue_dma source(%arg11 : memref<80x128xf32, #tpu.memory_space<vmem>>) target(%dma_start3A_257 : memref<80x128xf32, #tpu.memory_space<hbm>>) target_semaphore(%arg19 : memref<!tpu.dma_semaphore, #tpu.memory_space<semaphore_mem>>)
      %dma_start3A_258 = arith.constant 0 : i32
      %dma_start3A_259 = tpu.memref_slice %arg6[%add3A_253, %dma_start3A_258] : memref<51200x128xf32, #tpu.memory_space<hbm>> -> memref<80x128xf32, #tpu.memory_space<hbm>>
      %dma_start3A_260 = arith.constant 0 : i32
      %dma_start3A_261 = tpu.memref_slice %arg6[%add3A_253, %dma_start3A_260] : memref<51200x128xf32, #tpu.memory_space<hbm>> -> memref<80x128xf32, #tpu.memory_space<hbm>>
      tpu.enqueue_dma source(%arg13 : memref<80x128xf32, #tpu.memory_space<vmem>>) target(%dma_start3A_261 : memref<80x128xf32, #tpu.memory_space<hbm>>) target_semaphore(%arg19 : memref<!tpu.dma_semaphore, #tpu.memory_space<semaphore_mem>>)
      %add3A_262 = arith.constant 1 : i32
      %add3A_263 = arith.addi %add3A_209, %add3A_262 : i32
      %dma_wait3A_264 = arith.constant 0 : i32
      %dma_wait3A_265 = tpu.memref_slice %arg3[%dma_wait3A_264] : memref<102400xi32, #tpu.memory_space<hbm>> -> memref<80xi32, #tpu.memory_space<hbm>>
      %dma_wait3A_266 = arith.constant 0 : i32
      %dma_wait3A_267 = tpu.memref_slice %arg3[%dma_wait3A_266] : memref<102400xi32, #tpu.memory_space<hbm>> -> memref<80xi32, #tpu.memory_space<hbm>>
      tpu.wait_dma2 semaphore(%arg16 : memref<!tpu.dma_semaphore, #tpu.memory_space<semaphore_mem>>) src(%dma_wait3A_267 : memref<80xi32, #tpu.memory_space<hbm>>) dst(%arg8 : memref<80xi32, #tpu.memory_space<vmem>>)
      %dma_wait3A_268 = arith.constant 0 : i32
      %dma_wait3A_269 = tpu.memref_slice %arg4[%dma_wait3A_268] : memref<102400xi32, #tpu.memory_space<hbm>> -> memref<80xi32, #tpu.memory_space<hbm>>
      %dma_wait3A_270 = arith.constant 0 : i32
      %dma_wait3A_271 = tpu.memref_slice %arg4[%dma_wait3A_270] : memref<102400xi32, #tpu.memory_space<hbm>> -> memref<80xi32, #tpu.memory_space<hbm>>
      tpu.wait_dma2 semaphore(%arg16 : memref<!tpu.dma_semaphore, #tpu.memory_space<semaphore_mem>>) src(%dma_wait3A_271 : memref<80xi32, #tpu.memory_space<hbm>>) dst(%arg10 : memref<80xi32, #tpu.memory_space<vmem>>)
      %dma_wait3A_272 = arith.constant 0 : i32
      %dma_wait3A_273 = arith.constant 0 : i32
      %dma_wait3A_274 = tpu.memref_slice %arg5[%dma_wait3A_272, %dma_wait3A_273] : memref<51200x128xf32, #tpu.memory_space<hbm>> -> memref<80x128xf32, #tpu.memory_space<hbm>>
      %dma_wait3A_275 = arith.constant 0 : i32
      %dma_wait3A_276 = arith.constant 0 : i32
      %dma_wait3A_277 = tpu.memref_slice %arg5[%dma_wait3A_275, %dma_wait3A_276] : memref<51200x128xf32, #tpu.memory_space<hbm>> -> memref<80x128xf32, #tpu.memory_space<hbm>>
      tpu.wait_dma2 semaphore(%arg20 : memref<!tpu.dma_semaphore, #tpu.memory_space<semaphore_mem>>) src(%arg12 : memref<80x128xf32, #tpu.memory_space<vmem>>) dst(%dma_wait3A_277 : memref<80x128xf32, #tpu.memory_space<hbm>>)
      %dma_wait3A_278 = arith.constant 0 : i32
      %dma_wait3A_279 = arith.constant 0 : i32
      %dma_wait3A_280 = tpu.memref_slice %arg6[%dma_wait3A_278, %dma_wait3A_279] : memref<51200x128xf32, #tpu.memory_space<hbm>> -> memref<80x128xf32, #tpu.memory_space<hbm>>
      %dma_wait3A_281 = arith.constant 0 : i32
      %dma_wait3A_282 = arith.constant 0 : i32
      %dma_wait3A_283 = tpu.memref_slice %arg6[%dma_wait3A_281, %dma_wait3A_282] : memref<51200x128xf32, #tpu.memory_space<hbm>> -> memref<80x128xf32, #tpu.memory_space<hbm>>
      tpu.wait_dma2 semaphore(%arg20 : memref<!tpu.dma_semaphore, #tpu.memory_space<semaphore_mem>>) src(%arg14 : memref<80x128xf32, #tpu.memory_space<vmem>>) dst(%dma_wait3A_283 : memref<80x128xf32, #tpu.memory_space<hbm>>)
      %dma_start3A_284 = arith.constant 0 : i32
      %dma_start3A_285 = arith.constant 0 : i32
      %dma_start3A_286 = tpu.memref_slice %arg2[%dma_start3A_284, %dma_start3A_285] : memref<10000x128xf32, #tpu.memory_space<hbm>> -> memref<10000x128xf32, #tpu.memory_space<hbm>>
      tpu.enqueue_indirect_dma source(%dma_start3A_286 : memref<10000x128xf32, #tpu.memory_space<hbm>>) target(%arg12 : memref<80x128xf32, #tpu.memory_space<vmem>>) offsets(%arg8 : memref<80xi32, #tpu.memory_space<vmem>>) semaphore(%arg18 : memref<!tpu.dma_semaphore, #tpu.memory_space<semaphore_mem>>)
      %dma_start3A_287 = arith.constant 0 : i32
      %dma_start3A_288 = arith.constant 0 : i32
      %dma_start3A_289 = tpu.memref_slice %arg2[%dma_start3A_287, %dma_start3A_288] : memref<10000x128xf32, #tpu.memory_space<hbm>> -> memref<10000x128xf32, #tpu.memory_space<hbm>>
      tpu.enqueue_indirect_dma source(%dma_start3A_289 : memref<10000x128xf32, #tpu.memory_space<hbm>>) target(%arg14 : memref<80x128xf32, #tpu.memory_space<vmem>>) offsets(%arg10 : memref<80xi32, #tpu.memory_space<vmem>>) semaphore(%arg18 : memref<!tpu.dma_semaphore, #tpu.memory_space<semaphore_mem>>)
      %dma_wait3A_290 = arith.constant 0 : i32
      %dma_wait3A_291 = arith.constant 0 : i32
      %dma_wait3A_292 = tpu.memref_slice %arg2[%dma_wait3A_290, %dma_wait3A_291] : memref<10000x128xf32, #tpu.memory_space<hbm>> -> memref<10000x128xf32, #tpu.memory_space<hbm>>
      tpu.wait_indirect_dma semaphore(%arg18 : memref<!tpu.dma_semaphore, #tpu.memory_space<semaphore_mem>>) src(%dma_wait3A_292 : memref<10000x128xf32, #tpu.memory_space<hbm>>) dst(%arg12 : memref<80x128xf32, #tpu.memory_space<vmem>>)
      %dma_wait3A_293 = arith.constant 0 : i32
      %dma_wait3A_294 = arith.constant 0 : i32
      %dma_wait3A_295 = tpu.memref_slice %arg2[%dma_wait3A_293, %dma_wait3A_294] : memref<10000x128xf32, #tpu.memory_space<hbm>> -> memref<10000x128xf32, #tpu.memory_space<hbm>>
      tpu.wait_indirect_dma semaphore(%arg18 : memref<!tpu.dma_semaphore, #tpu.memory_space<semaphore_mem>>) src(%dma_wait3A_295 : memref<10000x128xf32, #tpu.memory_space<hbm>>) dst(%arg14 : memref<80x128xf32, #tpu.memory_space<vmem>>)
      %add3A_296 = arith.constant 2 : i32
      %add3A_297 = arith.addi %add3A_263, %add3A_296 : i32
      %mul3A_298 = arith.constant 80 : i32
      %mul3A_299 = arith.muli %add3A_297, %mul3A_298 : i32
      %add3A_300 = arith.addi %add3A_4, %mul3A_299 : i32
      %dma_start3A_301 = tpu.memref_slice %arg3[%add3A_300] : memref<102400xi32, #tpu.memory_space<hbm>> -> memref<80xi32, #tpu.memory_space<hbm>>
      %dma_start3A_302 = tpu.memref_slice %arg3[%add3A_300] : memref<102400xi32, #tpu.memory_space<hbm>> -> memref<80xi32, #tpu.memory_space<hbm>>
      tpu.enqueue_dma source(%dma_start3A_302 : memref<80xi32, #tpu.memory_space<hbm>>) target(%arg8 : memref<80xi32, #tpu.memory_space<vmem>>) target_semaphore(%arg16 : memref<!tpu.dma_semaphore, #tpu.memory_space<semaphore_mem>>)
      %dma_start3A_303 = tpu.memref_slice %arg4[%add3A_300] : memref<102400xi32, #tpu.memory_space<hbm>> -> memref<80xi32, #tpu.memory_space<hbm>>
      %dma_start3A_304 = tpu.memref_slice %arg4[%add3A_300] : memref<102400xi32, #tpu.memory_space<hbm>> -> memref<80xi32, #tpu.memory_space<hbm>>
      tpu.enqueue_dma source(%dma_start3A_304 : memref<80xi32, #tpu.memory_space<hbm>>) target(%arg10 : memref<80xi32, #tpu.memory_space<vmem>>) target_semaphore(%arg16 : memref<!tpu.dma_semaphore, #tpu.memory_space<semaphore_mem>>)
      %mul3A_305 = arith.constant 80 : i32
      %mul3A_306 = arith.muli %add3A_263, %mul3A_305 : i32
      %add3A_307 = arith.addi %mul3A_6, %mul3A_306 : i32
      %dma_start3A_308 = arith.constant 0 : i32
      %dma_start3A_309 = tpu.memref_slice %arg5[%add3A_307, %dma_start3A_308] : memref<51200x128xf32, #tpu.memory_space<hbm>> -> memref<80x128xf32, #tpu.memory_space<hbm>>
      %dma_start3A_310 = arith.constant 0 : i32
      %dma_start3A_311 = tpu.memref_slice %arg5[%add3A_307, %dma_start3A_310] : memref<51200x128xf32, #tpu.memory_space<hbm>> -> memref<80x128xf32, #tpu.memory_space<hbm>>
      tpu.enqueue_dma source(%arg12 : memref<80x128xf32, #tpu.memory_space<vmem>>) target(%dma_start3A_311 : memref<80x128xf32, #tpu.memory_space<hbm>>) target_semaphore(%arg20 : memref<!tpu.dma_semaphore, #tpu.memory_space<semaphore_mem>>)
      %dma_start3A_312 = arith.constant 0 : i32
      %dma_start3A_313 = tpu.memref_slice %arg6[%add3A_307, %dma_start3A_312] : memref<51200x128xf32, #tpu.memory_space<hbm>> -> memref<80x128xf32, #tpu.memory_space<hbm>>
      %dma_start3A_314 = arith.constant 0 : i32
      %dma_start3A_315 = tpu.memref_slice %arg6[%add3A_307, %dma_start3A_314] : memref<51200x128xf32, #tpu.memory_space<hbm>> -> memref<80x128xf32, #tpu.memory_space<hbm>>
      tpu.enqueue_dma source(%arg14 : memref<80x128xf32, #tpu.memory_space<vmem>>) target(%dma_start3A_315 : memref<80x128xf32, #tpu.memory_space<hbm>>) target_semaphore(%arg20 : memref<!tpu.dma_semaphore, #tpu.memory_space<semaphore_mem>>)
    }
    %scan3A_92 = arith.constant 8 : i32
    %dma_wait3A_93 = arith.constant 0 : i32
    %dma_wait3A_94 = tpu.memref_slice %arg3[%dma_wait3A_93] : memref<102400xi32, #tpu.memory_space<hbm>> -> memref<80xi32, #tpu.memory_space<hbm>>
    %dma_wait3A_95 = arith.constant 0 : i32
    %dma_wait3A_96 = tpu.memref_slice %arg3[%dma_wait3A_95] : memref<102400xi32, #tpu.memory_space<hbm>> -> memref<80xi32, #tpu.memory_space<hbm>>
    tpu.wait_dma2 semaphore(%arg15 : memref<!tpu.dma_semaphore, #tpu.memory_space<semaphore_mem>>) src(%dma_wait3A_96 : memref<80xi32, #tpu.memory_space<hbm>>) dst(%arg7 : memref<80xi32, #tpu.memory_space<vmem>>)
    %dma_wait3A_97 = arith.constant 0 : i32
    %dma_wait3A_98 = tpu.memref_slice %arg4[%dma_wait3A_97] : memref<102400xi32, #tpu.memory_space<hbm>> -> memref<80xi32, #tpu.memory_space<hbm>>
    %dma_wait3A_99 = arith.constant 0 : i32
    %dma_wait3A_100 = tpu.memref_slice %arg4[%dma_wait3A_99] : memref<102400xi32, #tpu.memory_space<hbm>> -> memref<80xi32, #tpu.memory_space<hbm>>
    tpu.wait_dma2 semaphore(%arg15 : memref<!tpu.dma_semaphore, #tpu.memory_space<semaphore_mem>>) src(%dma_wait3A_100 : memref<80xi32, #tpu.memory_space<hbm>>) dst(%arg9 : memref<80xi32, #tpu.memory_space<vmem>>)
    %dma_wait3A_101 = arith.constant 0 : i32
    %dma_wait3A_102 = arith.constant 0 : i32
    %dma_wait3A_103 = tpu.memref_slice %arg5[%dma_wait3A_101, %dma_wait3A_102] : memref<51200x128xf32, #tpu.memory_space<hbm>> -> memref<80x128xf32, #tpu.memory_space<hbm>>
    %dma_wait3A_104 = arith.constant 0 : i32
    %dma_wait3A_105 = arith.constant 0 : i32
    %dma_wait3A_106 = tpu.memref_slice %arg5[%dma_wait3A_104, %dma_wait3A_105] : memref<51200x128xf32, #tpu.memory_space<hbm>> -> memref<80x128xf32, #tpu.memory_space<hbm>>
    tpu.wait_dma2 semaphore(%arg19 : memref<!tpu.dma_semaphore, #tpu.memory_space<semaphore_mem>>) src(%arg11 : memref<80x128xf32, #tpu.memory_space<vmem>>) dst(%dma_wait3A_106 : memref<80x128xf32, #tpu.memory_space<hbm>>)
    %dma_wait3A_107 = arith.constant 0 : i32
    %dma_wait3A_108 = arith.constant 0 : i32
    %dma_wait3A_109 = tpu.memref_slice %arg6[%dma_wait3A_107, %dma_wait3A_108] : memref<51200x128xf32, #tpu.memory_space<hbm>> -> memref<80x128xf32, #tpu.memory_space<hbm>>
    %dma_wait3A_110 = arith.constant 0 : i32
    %dma_wait3A_111 = arith.constant 0 : i32
    %dma_wait3A_112 = tpu.memref_slice %arg6[%dma_wait3A_110, %dma_wait3A_111] : memref<51200x128xf32, #tpu.memory_space<hbm>> -> memref<80x128xf32, #tpu.memory_space<hbm>>
    tpu.wait_dma2 semaphore(%arg19 : memref<!tpu.dma_semaphore, #tpu.memory_space<semaphore_mem>>) src(%arg13 : memref<80x128xf32, #tpu.memory_space<vmem>>) dst(%dma_wait3A_112 : memref<80x128xf32, #tpu.memory_space<hbm>>)
    %dma_start3A_113 = arith.constant 0 : i32
    %dma_start3A_114 = arith.constant 0 : i32
    %dma_start3A_115 = tpu.memref_slice %arg2[%dma_start3A_113, %dma_start3A_114] : memref<10000x128xf32, #tpu.memory_space<hbm>> -> memref<10000x128xf32, #tpu.memory_space<hbm>>
    tpu.enqueue_indirect_dma source(%dma_start3A_115 : memref<10000x128xf32, #tpu.memory_space<hbm>>) target(%arg11 : memref<80x128xf32, #tpu.memory_space<vmem>>) offsets(%arg7 : memref<80xi32, #tpu.memory_space<vmem>>) semaphore(%arg17 : memref<!tpu.dma_semaphore, #tpu.memory_space<semaphore_mem>>)
    %dma_start3A_116 = arith.constant 0 : i32
    %dma_start3A_117 = arith.constant 0 : i32
    %dma_start3A_118 = tpu.memref_slice %arg2[%dma_start3A_116, %dma_start3A_117] : memref<10000x128xf32, #tpu.memory_space<hbm>> -> memref<10000x128xf32, #tpu.memory_space<hbm>>
    tpu.enqueue_indirect_dma source(%dma_start3A_118 : memref<10000x128xf32, #tpu.memory_space<hbm>>) target(%arg13 : memref<80x128xf32, #tpu.memory_space<vmem>>) offsets(%arg9 : memref<80xi32, #tpu.memory_space<vmem>>) semaphore(%arg17 : memref<!tpu.dma_semaphore, #tpu.memory_space<semaphore_mem>>)
    %dma_wait3A_119 = arith.constant 0 : i32
    %dma_wait3A_120 = arith.constant 0 : i32
    %dma_wait3A_121 = tpu.memref_slice %arg2[%dma_wait3A_119, %dma_wait3A_120] : memref<10000x128xf32, #tpu.memory_space<hbm>> -> memref<10000x128xf32, #tpu.memory_space<hbm>>
    tpu.wait_indirect_dma semaphore(%arg17 : memref<!tpu.dma_semaphore, #tpu.memory_space<semaphore_mem>>) src(%dma_wait3A_121 : memref<10000x128xf32, #tpu.memory_space<hbm>>) dst(%arg11 : memref<80x128xf32, #tpu.memory_space<vmem>>)
    %dma_wait3A_122 = arith.constant 0 : i32
    %dma_wait3A_123 = arith.constant 0 : i32
    %dma_wait3A_124 = tpu.memref_slice %arg2[%dma_wait3A_122, %dma_wait3A_123] : memref<10000x128xf32, #tpu.memory_space<hbm>> -> memref<10000x128xf32, #tpu.memory_space<hbm>>
    tpu.wait_indirect_dma semaphore(%arg17 : memref<!tpu.dma_semaphore, #tpu.memory_space<semaphore_mem>>) src(%dma_wait3A_124 : memref<10000x128xf32, #tpu.memory_space<hbm>>) dst(%arg13 : memref<80x128xf32, #tpu.memory_space<vmem>>)
    %add3A_125 = arith.constant 1440 : i32
    %add3A_126 = arith.addi %mul3A_6, %add3A_125 : i32
    %dma_start3A_127 = arith.constant 0 : i32
    %dma_start3A_128 = tpu.memref_slice %arg5[%add3A_126, %dma_start3A_127] : memref<51200x128xf32, #tpu.memory_space<hbm>> -> memref<80x128xf32, #tpu.memory_space<hbm>>
    %dma_start3A_129 = arith.constant 0 : i32
    %dma_start3A_130 = tpu.memref_slice %arg5[%add3A_126, %dma_start3A_129] : memref<51200x128xf32, #tpu.memory_space<hbm>> -> memref<80x128xf32, #tpu.memory_space<hbm>>
    tpu.enqueue_dma source(%arg11 : memref<80x128xf32, #tpu.memory_space<vmem>>) target(%dma_start3A_130 : memref<80x128xf32, #tpu.memory_space<hbm>>) target_semaphore(%arg19 : memref<!tpu.dma_semaphore, #tpu.memory_space<semaphore_mem>>)
    %dma_start3A_131 = arith.constant 0 : i32
    %dma_start3A_132 = tpu.memref_slice %arg6[%add3A_126, %dma_start3A_131] : memref<51200x128xf32, #tpu.memory_space<hbm>> -> memref<80x128xf32, #tpu.memory_space<hbm>>
    %dma_start3A_133 = arith.constant 0 : i32
    %dma_start3A_134 = tpu.memref_slice %arg6[%add3A_126, %dma_start3A_133] : memref<51200x128xf32, #tpu.memory_space<hbm>> -> memref<80x128xf32, #tpu.memory_space<hbm>>
    tpu.enqueue_dma source(%arg13 : memref<80x128xf32, #tpu.memory_space<vmem>>) target(%dma_start3A_134 : memref<80x128xf32, #tpu.memory_space<hbm>>) target_semaphore(%arg19 : memref<!tpu.dma_semaphore, #tpu.memory_space<semaphore_mem>>)
    %dma_wait3A_135 = arith.constant 0 : i32
    %dma_wait3A_136 = tpu.memref_slice %arg3[%dma_wait3A_135] : memref<102400xi32, #tpu.memory_space<hbm>> -> memref<80xi32, #tpu.memory_space<hbm>>
    %dma_wait3A_137 = arith.constant 0 : i32
    %dma_wait3A_138 = tpu.memref_slice %arg3[%dma_wait3A_137] : memref<102400xi32, #tpu.memory_space<hbm>> -> memref<80xi32, #tpu.memory_space<hbm>>
    tpu.wait_dma2 semaphore(%arg16 : memref<!tpu.dma_semaphore, #tpu.memory_space<semaphore_mem>>) src(%dma_wait3A_138 : memref<80xi32, #tpu.memory_space<hbm>>) dst(%arg8 : memref<80xi32, #tpu.memory_space<vmem>>)
    %dma_wait3A_139 = arith.constant 0 : i32
    %dma_wait3A_140 = tpu.memref_slice %arg4[%dma_wait3A_139] : memref<102400xi32, #tpu.memory_space<hbm>> -> memref<80xi32, #tpu.memory_space<hbm>>
    %dma_wait3A_141 = arith.constant 0 : i32
    %dma_wait3A_142 = tpu.memref_slice %arg4[%dma_wait3A_141] : memref<102400xi32, #tpu.memory_space<hbm>> -> memref<80xi32, #tpu.memory_space<hbm>>
    tpu.wait_dma2 semaphore(%arg16 : memref<!tpu.dma_semaphore, #tpu.memory_space<semaphore_mem>>) src(%dma_wait3A_142 : memref<80xi32, #tpu.memory_space<hbm>>) dst(%arg10 : memref<80xi32, #tpu.memory_space<vmem>>)
    %dma_wait3A_143 = arith.constant 0 : i32
    %dma_wait3A_144 = arith.constant 0 : i32
    %dma_wait3A_145 = tpu.memref_slice %arg5[%dma_wait3A_143, %dma_wait3A_144] : memref<51200x128xf32, #tpu.memory_space<hbm>> -> memref<80x128xf32, #tpu.memory_space<hbm>>
    %dma_wait3A_146 = arith.constant 0 : i32
    %dma_wait3A_147 = arith.constant 0 : i32
    %dma_wait3A_148 = tpu.memref_slice %arg5[%dma_wait3A_146, %dma_wait3A_147] : memref<51200x128xf32, #tpu.memory_space<hbm>> -> memref<80x128xf32, #tpu.memory_space<hbm>>
    tpu.wait_dma2 semaphore(%arg20 : memref<!tpu.dma_semaphore, #tpu.memory_space<semaphore_mem>>) src(%arg12 : memref<80x128xf32, #tpu.memory_space<vmem>>) dst(%dma_wait3A_148 : memref<80x128xf32, #tpu.memory_space<hbm>>)
    %dma_wait3A_149 = arith.constant 0 : i32
    %dma_wait3A_150 = arith.constant 0 : i32
    %dma_wait3A_151 = tpu.memref_slice %arg6[%dma_wait3A_149, %dma_wait3A_150] : memref<51200x128xf32, #tpu.memory_space<hbm>> -> memref<80x128xf32, #tpu.memory_space<hbm>>
    %dma_wait3A_152 = arith.constant 0 : i32
    %dma_wait3A_153 = arith.constant 0 : i32
    %dma_wait3A_154 = tpu.memref_slice %arg6[%dma_wait3A_152, %dma_wait3A_153] : memref<51200x128xf32, #tpu.memory_space<hbm>> -> memref<80x128xf32, #tpu.memory_space<hbm>>
    tpu.wait_dma2 semaphore(%arg20 : memref<!tpu.dma_semaphore, #tpu.memory_space<semaphore_mem>>) src(%arg14 : memref<80x128xf32, #tpu.memory_space<vmem>>) dst(%dma_wait3A_154 : memref<80x128xf32, #tpu.memory_space<hbm>>)
    %dma_start3A_155 = arith.constant 0 : i32
    %dma_start3A_156 = arith.constant 0 : i32
    %dma_start3A_157 = tpu.memref_slice %arg2[%dma_start3A_155, %dma_start3A_156] : memref<10000x128xf32, #tpu.memory_space<hbm>> -> memref<10000x128xf32, #tpu.memory_space<hbm>>
    tpu.enqueue_indirect_dma source(%dma_start3A_157 : memref<10000x128xf32, #tpu.memory_space<hbm>>) target(%arg12 : memref<80x128xf32, #tpu.memory_space<vmem>>) offsets(%arg8 : memref<80xi32, #tpu.memory_space<vmem>>) semaphore(%arg18 : memref<!tpu.dma_semaphore, #tpu.memory_space<semaphore_mem>>)
    %dma_start3A_158 = arith.constant 0 : i32
    %dma_start3A_159 = arith.constant 0 : i32
    %dma_start3A_160 = tpu.memref_slice %arg2[%dma_start3A_158, %dma_start3A_159] : memref<10000x128xf32, #tpu.memory_space<hbm>> -> memref<10000x128xf32, #tpu.memory_space<hbm>>
    tpu.enqueue_indirect_dma source(%dma_start3A_160 : memref<10000x128xf32, #tpu.memory_space<hbm>>) target(%arg14 : memref<80x128xf32, #tpu.memory_space<vmem>>) offsets(%arg10 : memref<80xi32, #tpu.memory_space<vmem>>) semaphore(%arg18 : memref<!tpu.dma_semaphore, #tpu.memory_space<semaphore_mem>>)
    %dma_wait3A_161 = arith.constant 0 : i32
    %dma_wait3A_162 = arith.constant 0 : i32
    %dma_wait3A_163 = tpu.memref_slice %arg2[%dma_wait3A_161, %dma_wait3A_162] : memref<10000x128xf32, #tpu.memory_space<hbm>> -> memref<10000x128xf32, #tpu.memory_space<hbm>>
    tpu.wait_indirect_dma semaphore(%arg18 : memref<!tpu.dma_semaphore, #tpu.memory_space<semaphore_mem>>) src(%dma_wait3A_163 : memref<10000x128xf32, #tpu.memory_space<hbm>>) dst(%arg12 : memref<80x128xf32, #tpu.memory_space<vmem>>)
    %dma_wait3A_164 = arith.constant 0 : i32
    %dma_wait3A_165 = arith.constant 0 : i32
    %dma_wait3A_166 = tpu.memref_slice %arg2[%dma_wait3A_164, %dma_wait3A_165] : memref<10000x128xf32, #tpu.memory_space<hbm>> -> memref<10000x128xf32, #tpu.memory_space<hbm>>
    tpu.wait_indirect_dma semaphore(%arg18 : memref<!tpu.dma_semaphore, #tpu.memory_space<semaphore_mem>>) src(%dma_wait3A_166 : memref<10000x128xf32, #tpu.memory_space<hbm>>) dst(%arg14 : memref<80x128xf32, #tpu.memory_space<vmem>>)
    %add3A_167 = arith.constant 1520 : i32
    %add3A_168 = arith.addi %mul3A_6, %add3A_167 : i32
    %dma_start3A_169 = arith.constant 0 : i32
    %dma_start3A_170 = tpu.memref_slice %arg5[%add3A_168, %dma_start3A_169] : memref<51200x128xf32, #tpu.memory_space<hbm>> -> memref<80x128xf32, #tpu.memory_space<hbm>>
    %dma_start3A_171 = arith.constant 0 : i32
    %dma_start3A_172 = tpu.memref_slice %arg5[%add3A_168, %dma_start3A_171] : memref<51200x128xf32, #tpu.memory_space<hbm>> -> memref<80x128xf32, #tpu.memory_space<hbm>>
    tpu.enqueue_dma source(%arg12 : memref<80x128xf32, #tpu.memory_space<vmem>>) target(%dma_start3A_172 : memref<80x128xf32, #tpu.memory_space<hbm>>) target_semaphore(%arg20 : memref<!tpu.dma_semaphore, #tpu.memory_space<semaphore_mem>>)
    %dma_start3A_173 = arith.constant 0 : i32
    %dma_start3A_174 = tpu.memref_slice %arg6[%add3A_168, %dma_start3A_173] : memref<51200x128xf32, #tpu.memory_space<hbm>> -> memref<80x128xf32, #tpu.memory_space<hbm>>
    %dma_start3A_175 = arith.constant 0 : i32
    %dma_start3A_176 = tpu.memref_slice %arg6[%add3A_168, %dma_start3A_175] : memref<51200x128xf32, #tpu.memory_space<hbm>> -> memref<80x128xf32, #tpu.memory_space<hbm>>
    tpu.enqueue_dma source(%arg14 : memref<80x128xf32, #tpu.memory_space<vmem>>) target(%dma_start3A_176 : memref<80x128xf32, #tpu.memory_space<hbm>>) target_semaphore(%arg20 : memref<!tpu.dma_semaphore, #tpu.memory_space<semaphore_mem>>)
    %dma_wait3A_177 = arith.constant 0 : i32
    %dma_wait3A_178 = arith.constant 0 : i32
    %dma_wait3A_179 = tpu.memref_slice %arg5[%dma_wait3A_177, %dma_wait3A_178] : memref<51200x128xf32, #tpu.memory_space<hbm>> -> memref<80x128xf32, #tpu.memory_space<hbm>>
    %dma_wait3A_180 = arith.constant 0 : i32
    %dma_wait3A_181 = arith.constant 0 : i32
    %dma_wait3A_182 = tpu.memref_slice %arg5[%dma_wait3A_180, %dma_wait3A_181] : memref<51200x128xf32, #tpu.memory_space<hbm>> -> memref<80x128xf32, #tpu.memory_space<hbm>>
    tpu.wait_dma2 semaphore(%arg19 : memref<!tpu.dma_semaphore, #tpu.memory_space<semaphore_mem>>) src(%arg11 : memref<80x128xf32, #tpu.memory_space<vmem>>) dst(%dma_wait3A_182 : memref<80x128xf32, #tpu.memory_space<hbm>>)
    %dma_wait3A_183 = arith.constant 0 : i32
    %dma_wait3A_184 = arith.constant 0 : i32
    %dma_wait3A_185 = tpu.memref_slice %arg6[%dma_wait3A_183, %dma_wait3A_184] : memref<51200x128xf32, #tpu.memory_space<hbm>> -> memref<80x128xf32, #tpu.memory_space<hbm>>
    %dma_wait3A_186 = arith.constant 0 : i32
    %dma_wait3A_187 = arith.constant 0 : i32
    %dma_wait3A_188 = tpu.memref_slice %arg6[%dma_wait3A_186, %dma_wait3A_187] : memref<51200x128xf32, #tpu.memory_space<hbm>> -> memref<80x128xf32, #tpu.memory_space<hbm>>
    tpu.wait_dma2 semaphore(%arg19 : memref<!tpu.dma_semaphore, #tpu.memory_space<semaphore_mem>>) src(%arg13 : memref<80x128xf32, #tpu.memory_space<vmem>>) dst(%dma_wait3A_188 : memref<80x128xf32, #tpu.memory_space<hbm>>)
    %dma_wait3A_189 = arith.constant 0 : i32
    %dma_wait3A_190 = arith.constant 0 : i32
    %dma_wait3A_191 = tpu.memref_slice %arg5[%dma_wait3A_189, %dma_wait3A_190] : memref<51200x128xf32, #tpu.memory_space<hbm>> -> memref<80x128xf32, #tpu.memory_space<hbm>>
    %dma_wait3A_192 = arith.constant 0 : i32
    %dma_wait3A_193 = arith.constant 0 : i32
    %dma_wait3A_194 = tpu.memref_slice %arg5[%dma_wait3A_192, %dma_wait3A_193] : memref<51200x128xf32, #tpu.memory_space<hbm>> -> memref<80x128xf32, #tpu.memory_space<hbm>>
    tpu.wait_dma2 semaphore(%arg20 : memref<!tpu.dma_semaphore, #tpu.memory_space<semaphore_mem>>) src(%arg12 : memref<80x128xf32, #tpu.memory_space<vmem>>) dst(%dma_wait3A_194 : memref<80x128xf32, #tpu.memory_space<hbm>>)
    %dma_wait3A_195 = arith.constant 0 : i32
    %dma_wait3A_196 = arith.constant 0 : i32
    %dma_wait3A_197 = tpu.memref_slice %arg6[%dma_wait3A_195, %dma_wait3A_196] : memref<51200x128xf32, #tpu.memory_space<hbm>> -> memref<80x128xf32, #tpu.memory_space<hbm>>
    %dma_wait3A_198 = arith.constant 0 : i32
    %dma_wait3A_199 = arith.constant 0 : i32
    %dma_wait3A_200 = tpu.memref_slice %arg6[%dma_wait3A_198, %dma_wait3A_199] : memref<51200x128xf32, #tpu.memory_space<hbm>> -> memref<80x128xf32, #tpu.memory_space<hbm>>
    tpu.wait_dma2 semaphore(%arg20 : memref<!tpu.dma_semaphore, #tpu.memory_space<semaphore_mem>>) src(%arg14 : memref<80x128xf32, #tpu.memory_space<vmem>>) dst(%dma_wait3A_200 : memref<80x128xf32, #tpu.memory_space<hbm>>)
    return
  }
}

module attributes {stable_mosaic.version = 14 : i64} {
  func.func @_stage_a_body(%arg0: i32, %arg1: memref<2x1000x128xf32, #tpu.memory_space<vmem>>, %arg2: memref<1000x32xf32, #tpu.memory_space<vmem>>, %arg3: memref<1000x256xf32, #tpu.memory_space<vmem>>, %arg4: memref<128x256xf32, #tpu.memory_space<vmem>>, %arg5: memref<1x256xf32, #tpu.memory_space<vmem>>, %arg6: memref<256x128xf32, #tpu.memory_space<vmem>>, %arg7: memref<1000x256xf32, #tpu.memory_space<vmem>>, %arg8: memref<1000x128xf32, #tpu.memory_space<vmem>>) attributes {dimension_semantics = [#tpu.dimension_semantics<arbitrary>], iteration_bounds = array<i64: 10>, scalar_prefetch = 0 : i64, scratch_operands = 0 : i64, tpu.core_type = #tpu.core_type<tc>, window_params = [{transform_indices = @transform_0, window_bounds = array<i64: 2, 1000, 128>}, {transform_indices = @transform_1, window_bounds = array<i64: 1000, 32>}, {transform_indices = @transform_2, window_bounds = array<i64: 1000, 256>}, {pipeline_mode = #tpu.pipeline_mode<synchronous>, transform_indices = @transform_3, window_bounds = array<i64: 128, 256>}, {pipeline_mode = #tpu.pipeline_mode<synchronous>, transform_indices = @transform_4, window_bounds = array<i64: 1, 256>}, {pipeline_mode = #tpu.pipeline_mode<synchronous>, transform_indices = @transform_5, window_bounds = array<i64: 256, 128>}, {transform_indices = @transform_6, window_bounds = array<i64: 1000, 256>}, {transform_indices = @transform_7, window_bounds = array<i64: 1000, 128>}]} {
    %get3A = arith.constant 0 : index
    %get3A_0 = arith.constant 0 : index
    %get3A_1 = arith.constant 0 : index
    %get3A_2 = vector.load %arg1[%get3A, %get3A_0, %get3A_1] : memref<2x1000x128xf32, #tpu.memory_space<vmem>>, vector<1x1000x128xf32>
    %get3A_3 = vector.shape_cast %get3A_2 : vector<1x1000x128xf32> to vector<1000x128xf32>
    %get3A_4 = arith.constant 1 : index
    %get3A_5 = arith.constant 0 : index
    %get3A_6 = arith.constant 0 : index
    %get3A_7 = vector.load %arg1[%get3A_4, %get3A_5, %get3A_6] : memref<2x1000x128xf32, #tpu.memory_space<vmem>>, vector<1x1000x128xf32>
    %get3A_8 = vector.shape_cast %get3A_7 : vector<1x1000x128xf32> to vector<1000x128xf32>
    %add3A = arith.addf %get3A_3, %get3A_8 : vector<1000x128xf32>
    %get3A_9 = arith.constant 0 : index
    %get3A_10 = arith.constant 0 : index
    %get3A_11 = vector.load %arg2[%get3A_9, %get3A_10] : memref<1000x32xf32, #tpu.memory_space<vmem>>, vector<1000x32xf32>
    %reduce_sum3A = arith.constant dense<0.000000e+00> : vector<1000xf32>
    %reduce_sum3A_12 = vector.multi_reduction <add>, %get3A_11, %reduce_sum3A [1] : vector<1000x32xf32> to vector<1000xf32>
    %gt3A = arith.constant 0.000000e+00 : f32
    %gt3A_13 = vector.broadcast %gt3A : f32 to vector<1000xf32>
    %gt3A_14 = arith.cmpf ogt, %reduce_sum3A_12, %gt3A_13 : vector<1000xf32>
    %div3A = arith.constant 1.000000e+00 : f32
    %div3A_15 = vector.broadcast %div3A : f32 to vector<1000xf32>
    %div3A_16 = arith.divf %div3A_15, %reduce_sum3A_12 : vector<1000xf32>
    %jit3A = arith.constant 0.000000e+00 : f32
    %broadcast_in_dim3A = vector.broadcast %jit3A : f32 to vector<1000xf32>
    %select_n3A = arith.select %gt3A_14, %div3A_16, %broadcast_in_dim3A : vector<1000xi1>, vector<1000xf32>
    %broadcast_in_dim3A_17 = vector.shape_cast %select_n3A : vector<1000xf32> to vector<1000x1xf32>
    %mul3A = vector.broadcast %broadcast_in_dim3A_17 : vector<1000x1xf32> to vector<1000x128xf32>
    %mul3A_18 = arith.mulf %add3A, %mul3A : vector<1000x128xf32>
    %get3A_19 = arith.constant 0 : index
    %get3A_20 = arith.constant 0 : index
    %get3A_21 = vector.load %arg4[%get3A_19, %get3A_20] : memref<128x256xf32, #tpu.memory_space<vmem>>, vector<128x256xf32>
    %dot_general3A = arith.constant dense<0.000000e+00> : vector<1000x256xf32>
    %dot_general3A_22 = tpu.matmul %mul3A_18, %get3A_21, %dot_general3A {dimension_numbers = #tpu.dot_dimension_numbers<[1], [0], [0], [1], [0, 0, 1, 1], [], []>, transpose_lhs_hint = false} : vector<1000x128xf32>, vector<128x256xf32>, vector<1000x256xf32> -> vector<1000x256xf32>
    %get3A_23 = arith.constant 0 : index
    %get3A_24 = arith.constant 0 : index
    %get3A_25 = vector.load %arg3[%get3A_23, %get3A_24] : memref<1000x256xf32, #tpu.memory_space<vmem>>, vector<1000x256xf32>
    %add3A_26 = arith.addf %dot_general3A_22, %get3A_25 : vector<1000x256xf32>
    %get3A_27 = arith.constant 0 : index
    %get3A_28 = arith.constant 0 : index
    %get3A_29 = vector.load %arg5[%get3A_27, %get3A_28] : memref<1x256xf32, #tpu.memory_space<vmem>>, vector<1x256xf32>
    %add3A_30 = vector.broadcast %get3A_29 : vector<1x256xf32> to vector<1000x256xf32>
    %add3A_31 = arith.addf %add3A_26, %add3A_30 : vector<1000x256xf32>
    %mul3A_32 = arith.constant 0.999994993 : f32
    %mul3A_33 = vector.broadcast %mul3A_32 : f32 to vector<1000x256xf32>
    %mul3A_34 = arith.mulf %add3A_31, %mul3A_33 : vector<1000x256xf32>
    %max3A = arith.constant 0.000000e+00 : f32
    %max3A_35 = vector.broadcast %max3A : f32 to vector<1000x256xf32>
    %max3A_36 = arith.maximumf %mul3A_34, %max3A_35 : vector<1000x256xf32>
    %swap3A = arith.constant 0 : index
    %swap3A_37 = arith.constant 0 : index
    %swap3A_38 = vector.load %arg7[%swap3A, %swap3A_37] : memref<1000x256xf32, #tpu.memory_space<vmem>>, vector<1000x256xf32>
    tpu.vector_store %arg7[%swap3A, %swap3A_37], %max3A_36 {strides = array<i32>} : memref<1000x256xf32, #tpu.memory_space<vmem>>, vector<1000x256xf32>,
    %get3A_39 = arith.constant 0 : index
    %get3A_40 = arith.constant 0 : index
    %get3A_41 = vector.load %arg6[%get3A_39, %get3A_40] : memref<256x128xf32, #tpu.memory_space<vmem>>, vector<256x128xf32>
    %dot_general3A_42 = arith.constant dense<0.000000e+00> : vector<1000x128xf32>
    %dot_general3A_43 = tpu.matmul %max3A_36, %get3A_41, %dot_general3A_42 {dimension_numbers = #tpu.dot_dimension_numbers<[1], [0], [0], [1], [0, 0, 1, 1], [], []>, transpose_lhs_hint = false} : vector<1000x256xf32>, vector<256x128xf32>, vector<1000x128xf32> -> vector<1000x128xf32>
    %swap3A_44 = arith.constant 0 : index
    %swap3A_45 = arith.constant 0 : index
    %swap3A_46 = vector.load %arg8[%swap3A_44, %swap3A_45] : memref<1000x128xf32, #tpu.memory_space<vmem>>, vector<1000x128xf32>
    tpu.vector_store %arg8[%swap3A_44, %swap3A_45], %dot_general3A_43 {strides = array<i32>} : memref<1000x128xf32, #tpu.memory_space<vmem>>, vector<1000x128xf32>,
    return
  }
  func.func @transform_0(%arg0: i32) -> (i32, i32, i32) {
    %c0_i32 = arith.constant 0 : i32
    %c0_i32_0 = arith.constant 0 : i32
    %c0_i32_1 = arith.constant 0 : i32
    return %c0_i32, %arg0, %c0_i32_0 : i32, i32, i32
  }
  func.func @transform_1(%arg0: i32) -> (i32, i32) {
    %c0_i32 = arith.constant 0 : i32
    %c0_i32_0 = arith.constant 0 : i32
    return %arg0, %c0_i32 : i32, i32
  }
  func.func @transform_2(%arg0: i32) -> (i32, i32) {
    %c0_i32 = arith.constant 0 : i32
    %c0_i32_0 = arith.constant 0 : i32
    return %arg0, %c0_i32 : i32, i32
  }
  func.func @transform_3(%arg0: i32) -> (i32, i32) {
    %c0_i32 = arith.constant 0 : i32
    %c0_i32_0 = arith.constant 0 : i32
    %c0_i32_1 = arith.constant 0 : i32
    return %c0_i32, %c0_i32_0 : i32, i32
  }
  func.func @transform_4(%arg0: i32) -> (i32, i32) {
    %c0_i32 = arith.constant 0 : i32
    %c0_i32_0 = arith.constant 0 : i32
    %c0_i32_1 = arith.constant 0 : i32
    return %c0_i32, %c0_i32_0 : i32, i32
  }
  func.func @transform_5(%arg0: i32) -> (i32, i32) {
    %c0_i32 = arith.constant 0 : i32
    %c0_i32_0 = arith.constant 0 : i32
    %c0_i32_1 = arith.constant 0 : i32
    return %c0_i32, %c0_i32_0 : i32, i32
  }
  func.func @transform_6(%arg0: i32) -> (i32, i32) {
    %c0_i32 = arith.constant 0 : i32
    %c0_i32_0 = arith.constant 0 : i32
    return %arg0, %c0_i32 : i32, i32
  }
  func.func @transform_7(%arg0: i32) -> (i32, i32) {
    %c0_i32 = arith.constant 0 : i32
    %c0_i32_0 = arith.constant 0 : i32
    return %arg0, %c0_i32 : i32, i32
  }
}

module attributes {stable_mosaic.version = 14 : i64} {
  func.func @_mm_body(%arg0: i32, %arg1: memref<1000x128xf32, #tpu.memory_space<vmem>>, %arg2: memref<128x256xf32, #tpu.memory_space<vmem>>, %arg3: memref<1000x256xf32, #tpu.memory_space<vmem>>) attributes {dimension_semantics = [#tpu.dimension_semantics<arbitrary>], iteration_bounds = array<i64: 10>, scalar_prefetch = 0 : i64, scratch_operands = 0 : i64, tpu.core_type = #tpu.core_type<tc>, window_params = [{transform_indices = @transform_0, window_bounds = array<i64: 1000, 128>}, {pipeline_mode = #tpu.pipeline_mode<synchronous>, transform_indices = @transform_1, window_bounds = array<i64: 128, 256>}, {transform_indices = @transform_2, window_bounds = array<i64: 1000, 256>}]} {
    %get3A = arith.constant 0 : index
    %get3A_0 = arith.constant 0 : index
    %get3A_1 = vector.load %arg1[%get3A, %get3A_0] : memref<1000x128xf32, #tpu.memory_space<vmem>>, vector<1000x128xf32>
    %get3A_2 = arith.constant 0 : index
    %get3A_3 = arith.constant 0 : index
    %get3A_4 = vector.load %arg2[%get3A_2, %get3A_3] : memref<128x256xf32, #tpu.memory_space<vmem>>, vector<128x256xf32>
    %dot_general3A = arith.constant dense<0.000000e+00> : vector<1000x256xf32>
    %dot_general3A_5 = tpu.matmul %get3A_1, %get3A_4, %dot_general3A {dimension_numbers = #tpu.dot_dimension_numbers<[1], [0], [0], [1], [0, 0, 1, 1], [], []>, transpose_lhs_hint = false} : vector<1000x128xf32>, vector<128x256xf32>, vector<1000x256xf32> -> vector<1000x256xf32>
    %swap3A = arith.constant 0 : index
    %swap3A_6 = arith.constant 0 : index
    %swap3A_7 = vector.load %arg3[%swap3A, %swap3A_6] : memref<1000x256xf32, #tpu.memory_space<vmem>>, vector<1000x256xf32>
    tpu.vector_store %arg3[%swap3A, %swap3A_6], %dot_general3A_5 {strides = array<i32>} : memref<1000x256xf32, #tpu.memory_space<vmem>>, vector<1000x256xf32>,
    return
  }
  func.func @transform_0(%arg0: i32) -> (i32, i32) {
    %c0_i32 = arith.constant 0 : i32
    %c0_i32_0 = arith.constant 0 : i32
    return %arg0, %c0_i32 : i32, i32
  }
  func.func @transform_1(%arg0: i32) -> (i32, i32) {
    %c0_i32 = arith.constant 0 : i32
    %c0_i32_0 = arith.constant 0 : i32
    %c0_i32_1 = arith.constant 0 : i32
    return %c0_i32, %c0_i32_0 : i32, i32
  }
  func.func @transform_2(%arg0: i32) -> (i32, i32) {
    %c0_i32 = arith.constant 0 : i32
    %c0_i32_0 = arith.constant 0 : i32
    return %arg0, %c0_i32 : i32, i32
  }
}

module attributes {stable_mosaic.version = 14 : i64} {
  func.func @_mm_body(%arg0: i32, %arg1: memref<1000x256xf32, #tpu.memory_space<vmem>>, %arg2: memref<256x128xf32, #tpu.memory_space<vmem>>, %arg3: memref<1000x128xf32, #tpu.memory_space<vmem>>) attributes {dimension_semantics = [#tpu.dimension_semantics<arbitrary>], iteration_bounds = array<i64: 10>, scalar_prefetch = 0 : i64, scratch_operands = 0 : i64, tpu.core_type = #tpu.core_type<tc>, window_params = [{transform_indices = @transform_0, window_bounds = array<i64: 1000, 256>}, {pipeline_mode = #tpu.pipeline_mode<synchronous>, transform_indices = @transform_1, window_bounds = array<i64: 256, 128>}, {transform_indices = @transform_2, window_bounds = array<i64: 1000, 128>}]} {
    %get3A = arith.constant 0 : index
    %get3A_0 = arith.constant 0 : index
    %get3A_1 = vector.load %arg1[%get3A, %get3A_0] : memref<1000x256xf32, #tpu.memory_space<vmem>>, vector<1000x256xf32>
    %get3A_2 = arith.constant 0 : index
    %get3A_3 = arith.constant 0 : index
    %get3A_4 = vector.load %arg2[%get3A_2, %get3A_3] : memref<256x128xf32, #tpu.memory_space<vmem>>, vector<256x128xf32>
    %dot_general3A = arith.constant dense<0.000000e+00> : vector<1000x128xf32>
    %dot_general3A_5 = tpu.matmul %get3A_1, %get3A_4, %dot_general3A {dimension_numbers = #tpu.dot_dimension_numbers<[1], [0], [0], [1], [0, 0, 1, 1], [], []>, transpose_lhs_hint = false} : vector<1000x256xf32>, vector<256x128xf32>, vector<1000x128xf32> -> vector<1000x128xf32>
    %swap3A = arith.constant 0 : index
    %swap3A_6 = arith.constant 0 : index
    %swap3A_7 = vector.load %arg3[%swap3A, %swap3A_6] : memref<1000x128xf32, #tpu.memory_space<vmem>>, vector<1000x128xf32>
    tpu.vector_store %arg3[%swap3A, %swap3A_6], %dot_general3A_5 {strides = array<i32>} : memref<1000x128xf32, #tpu.memory_space<vmem>>, vector<1000x128xf32>,
    return
  }
  func.func @transform_0(%arg0: i32) -> (i32, i32) {
    %c0_i32 = arith.constant 0 : i32
    %c0_i32_0 = arith.constant 0 : i32
    return %arg0, %c0_i32 : i32, i32
  }
  func.func @transform_1(%arg0: i32) -> (i32, i32) {
    %c0_i32 = arith.constant 0 : i32
    %c0_i32_0 = arith.constant 0 : i32
    %c0_i32_1 = arith.constant 0 : i32
    return %c0_i32, %c0_i32_0 : i32, i32
  }
  func.func @transform_2(%arg0: i32) -> (i32, i32) {
    %c0_i32 = arith.constant 0 : i32
    %c0_i32_0 = arith.constant 0 : i32
    return %arg0, %c0_i32 : i32, i32
  }
}

module attributes {stable_mosaic.version = 14 : i64} {
  func.func @_stage_b_body(%arg0: i32, %arg1: memref<2x1000x128xf32, #tpu.memory_space<vmem>>, %arg2: memref<1000x32xf32, #tpu.memory_space<vmem>>, %arg3: memref<1000x128xf32, #tpu.memory_space<vmem>>, %arg4: memref<1x128xf32, #tpu.memory_space<vmem>>, %arg5: memref<1000x128xf32, #tpu.memory_space<vmem>>) attributes {dimension_semantics = [#tpu.dimension_semantics<arbitrary>], iteration_bounds = array<i64: 10>, scalar_prefetch = 0 : i64, scratch_operands = 0 : i64, tpu.core_type = #tpu.core_type<tc>, window_params = [{transform_indices = @transform_0, window_bounds = array<i64: 2, 1000, 128>}, {transform_indices = @transform_1, window_bounds = array<i64: 1000, 32>}, {transform_indices = @transform_2, window_bounds = array<i64: 1000, 128>}, {pipeline_mode = #tpu.pipeline_mode<synchronous>, transform_indices = @transform_3, window_bounds = array<i64: 1, 128>}, {transform_indices = @transform_4, window_bounds = array<i64: 1000, 128>}]} {
    %get3A = arith.constant 0 : index
    %get3A_0 = arith.constant 0 : index
    %get3A_1 = arith.constant 0 : index
    %get3A_2 = vector.load %arg1[%get3A, %get3A_0, %get3A_1] : memref<2x1000x128xf32, #tpu.memory_space<vmem>>, vector<1x1000x128xf32>
    %get3A_3 = vector.shape_cast %get3A_2 : vector<1x1000x128xf32> to vector<1000x128xf32>
    %get3A_4 = arith.constant 1 : index
    %get3A_5 = arith.constant 0 : index
    %get3A_6 = arith.constant 0 : index
    %get3A_7 = vector.load %arg1[%get3A_4, %get3A_5, %get3A_6] : memref<2x1000x128xf32, #tpu.memory_space<vmem>>, vector<1x1000x128xf32>
    %get3A_8 = vector.shape_cast %get3A_7 : vector<1x1000x128xf32> to vector<1000x128xf32>
    %add3A = arith.addf %get3A_3, %get3A_8 : vector<1000x128xf32>
    %get3A_9 = arith.constant 0 : index
    %get3A_10 = arith.constant 0 : index
    %get3A_11 = vector.load %arg2[%get3A_9, %get3A_10] : memref<1000x32xf32, #tpu.memory_space<vmem>>, vector<1000x32xf32>
    %reduce_sum3A = arith.constant dense<0.000000e+00> : vector<1000xf32>
    %reduce_sum3A_12 = vector.multi_reduction <add>, %get3A_11, %reduce_sum3A [1] : vector<1000x32xf32> to vector<1000xf32>
    %gt3A = arith.constant 0.000000e+00 : f32
    %gt3A_13 = vector.broadcast %gt3A : f32 to vector<1000xf32>
    %gt3A_14 = arith.cmpf ogt, %reduce_sum3A_12, %gt3A_13 : vector<1000xf32>
    %div3A = arith.constant 1.000000e+00 : f32
    %div3A_15 = vector.broadcast %div3A : f32 to vector<1000xf32>
    %div3A_16 = arith.divf %div3A_15, %reduce_sum3A_12 : vector<1000xf32>
    %jit3A = arith.constant 0.000000e+00 : f32
    %broadcast_in_dim3A = vector.broadcast %jit3A : f32 to vector<1000xf32>
    %select_n3A = arith.select %gt3A_14, %div3A_16, %broadcast_in_dim3A : vector<1000xi1>, vector<1000xf32>
    %broadcast_in_dim3A_17 = vector.shape_cast %select_n3A : vector<1000xf32> to vector<1000x1xf32>
    %mul3A = vector.broadcast %broadcast_in_dim3A_17 : vector<1000x1xf32> to vector<1000x128xf32>
    %mul3A_18 = arith.mulf %add3A, %mul3A : vector<1000x128xf32>
    %get3A_19 = arith.constant 0 : index
    %get3A_20 = arith.constant 0 : index
    %get3A_21 = vector.load %arg3[%get3A_19, %get3A_20] : memref<1000x128xf32, #tpu.memory_space<vmem>>, vector<1000x128xf32>
    %add3A_22 = arith.addf %mul3A_18, %get3A_21 : vector<1000x128xf32>
    %get3A_23 = arith.constant 0 : index
    %get3A_24 = arith.constant 0 : index
    %get3A_25 = vector.load %arg4[%get3A_23, %get3A_24] : memref<1x128xf32, #tpu.memory_space<vmem>>, vector<1x128xf32>
    %add3A_26 = vector.broadcast %get3A_25 : vector<1x128xf32> to vector<1000x128xf32>
    %add3A_27 = arith.addf %add3A_22, %add3A_26 : vector<1000x128xf32>
    %mul3A_28 = arith.constant 0.999994993 : f32
    %mul3A_29 = vector.broadcast %mul3A_28 : f32 to vector<1000x128xf32>
    %mul3A_30 = arith.mulf %add3A_27, %mul3A_29 : vector<1000x128xf32>
    %swap3A = arith.constant 0 : index
    %swap3A_31 = arith.constant 0 : index
    %swap3A_32 = vector.load %arg5[%swap3A, %swap3A_31] : memref<1000x128xf32, #tpu.memory_space<vmem>>, vector<1000x128xf32>
    tpu.vector_store %arg5[%swap3A, %swap3A_31], %mul3A_30 {strides = array<i32>} : memref<1000x128xf32, #tpu.memory_space<vmem>>, vector<1000x128xf32>,
    return
  }
  func.func @transform_0(%arg0: i32) -> (i32, i32, i32) {
    %c0_i32 = arith.constant 0 : i32
    %c0_i32_0 = arith.constant 0 : i32
    %c0_i32_1 = arith.constant 0 : i32
    return %c0_i32, %arg0, %c0_i32_0 : i32, i32, i32
  }
  func.func @transform_1(%arg0: i32) -> (i32, i32) {
    %c0_i32 = arith.constant 0 : i32
    %c0_i32_0 = arith.constant 0 : i32
    return %arg0, %c0_i32 : i32, i32
  }
  func.func @transform_2(%arg0: i32) -> (i32, i32) {
    %c0_i32 = arith.constant 0 : i32
    %c0_i32_0 = arith.constant 0 : i32
    return %arg0, %c0_i32 : i32, i32
  }
  func.func @transform_3(%arg0: i32) -> (i32, i32) {
    %c0_i32 = arith.constant 0 : i32
    %c0_i32_0 = arith.constant 0 : i32
    %c0_i32_1 = arith.constant 0 : i32
    return %c0_i32, %c0_i32_0 : i32, i32
  }
  func.func @transform_4(%arg0: i32) -> (i32, i32) {
    %c0_i32 = arith.constant 0 : i32
    %c0_i32_0 = arith.constant 0 : i32
    return %arg0, %c0_i32 : i32, i32
  }
}

module attributes {stable_mosaic.version = 14 : i64} {
  func.func @_stage_c_body(%arg0: i32, %arg1: memref<1024x128xf32, #tpu.memory_space<vmem>>, %arg2: memref<1024x128xf32, #tpu.memory_space<vmem>>, %arg3: memref<128x256xf32, #tpu.memory_space<vmem>>, %arg4: memref<128x256xf32, #tpu.memory_space<vmem>>, %arg5: memref<1x256xf32, #tpu.memory_space<vmem>>, %arg6: memref<256x1xf32, #tpu.memory_space<vmem>>, %arg7: memref<1x1xf32, #tpu.memory_space<vmem>>, %arg8: memref<1024x1xf32, #tpu.memory_space<vmem>>) attributes {dimension_semantics = [#tpu.dimension_semantics<arbitrary>], iteration_bounds = array<i64: 50>, scalar_prefetch = 0 : i64, scratch_operands = 0 : i64, tpu.core_type = #tpu.core_type<tc>, window_params = [{transform_indices = @transform_0, window_bounds = array<i64: 1024, 128>}, {transform_indices = @transform_1, window_bounds = array<i64: 1024, 128>}, {pipeline_mode = #tpu.pipeline_mode<synchronous>, transform_indices = @transform_2, window_bounds = array<i64: 128, 256>}, {pipeline_mode = #tpu.pipeline_mode<synchronous>, transform_indices = @transform_3, window_bounds = array<i64: 128, 256>}, {pipeline_mode = #tpu.pipeline_mode<synchronous>, transform_indices = @transform_4, window_bounds = array<i64: 1, 256>}, {pipeline_mode = #tpu.pipeline_mode<synchronous>, transform_indices = @transform_5, window_bounds = array<i64: 256, 1>}, {pipeline_mode = #tpu.pipeline_mode<synchronous>, transform_indices = @transform_6, window_bounds = array<i64: 1, 1>}, {transform_indices = @transform_7, window_bounds = array<i64: 1024, 1>}]} {
    %get3A = arith.constant 0 : index
    %get3A_0 = arith.constant 0 : index
    %get3A_1 = vector.load %arg1[%get3A, %get3A_0] : memref<1024x128xf32, #tpu.memory_space<vmem>>, vector<1024x128xf32>
    %convert_element_type3A = arith.truncf %get3A_1 : vector<1024x128xf32> to vector<1024x128xbf16>
    %get3A_2 = arith.constant 0 : index
    %get3A_3 = arith.constant 0 : index
    %get3A_4 = vector.load %arg2[%get3A_2, %get3A_3] : memref<1024x128xf32, #tpu.memory_space<vmem>>, vector<1024x128xf32>
    %convert_element_type3A_5 = arith.truncf %get3A_4 : vector<1024x128xf32> to vector<1024x128xbf16>
    %get3A_6 = arith.constant 0 : index
    %get3A_7 = arith.constant 0 : index
    %get3A_8 = vector.load %arg3[%get3A_6, %get3A_7] : memref<128x256xf32, #tpu.memory_space<vmem>>, vector<128x256xf32>
    %convert_element_type3A_9 = arith.truncf %get3A_8 : vector<128x256xf32> to vector<128x256xbf16>
    %get3A_10 = arith.constant 0 : index
    %get3A_11 = arith.constant 0 : index
    %get3A_12 = vector.load %arg4[%get3A_10, %get3A_11] : memref<128x256xf32, #tpu.memory_space<vmem>>, vector<128x256xf32>
    %convert_element_type3A_13 = arith.truncf %get3A_12 : vector<128x256xf32> to vector<128x256xbf16>
    %dot_general3A = arith.constant dense<0.000000e+00> : vector<1024x256xf32>
    %dot_general3A_14 = tpu.matmul %convert_element_type3A, %convert_element_type3A_9, %dot_general3A {dimension_numbers = #tpu.dot_dimension_numbers<[1], [0], [0], [1], [0, 0, 1, 1], [], []>, transpose_lhs_hint = false} : vector<1024x128xbf16>, vector<128x256xbf16>, vector<1024x256xf32> -> vector<1024x256xf32>
    %dot_general3A_15 = arith.constant dense<0.000000e+00> : vector<1024x256xf32>
    %dot_general3A_16 = tpu.matmul %convert_element_type3A_5, %convert_element_type3A_13, %dot_general3A_15 {dimension_numbers = #tpu.dot_dimension_numbers<[1], [0], [0], [1], [0, 0, 1, 1], [], []>, transpose_lhs_hint = false} : vector<1024x128xbf16>, vector<128x256xbf16>, vector<1024x256xf32> -> vector<1024x256xf32>
    %add3A = arith.addf %dot_general3A_14, %dot_general3A_16 : vector<1024x256xf32>
    %get3A_17 = arith.constant 0 : index
    %get3A_18 = arith.constant 0 : index
    %get3A_19 = vector.load %arg5[%get3A_17, %get3A_18] : memref<1x256xf32, #tpu.memory_space<vmem>>, vector<1x256xf32>
    %add3A_20 = vector.broadcast %get3A_19 : vector<1x256xf32> to vector<1024x256xf32>
    %add3A_21 = arith.addf %add3A, %add3A_20 : vector<1024x256xf32>
    %max3A = arith.constant 0.000000e+00 : f32
    %max3A_22 = vector.broadcast %max3A : f32 to vector<1024x256xf32>
    %max3A_23 = arith.maximumf %add3A_21, %max3A_22 : vector<1024x256xf32>
    %get3A_24 = arith.constant 0 : index
    %get3A_25 = arith.constant 0 : index
    %get3A_26 = vector.load %arg6[%get3A_24, %get3A_25] : memref<256x1xf32, #tpu.memory_space<vmem>>, vector<256x1xf32>
    %dot_general3A_27 = arith.constant dense<0.000000e+00> : vector<1024x1xf32>
    %dot_general3A_28 = tpu.matmul %max3A_23, %get3A_26, %dot_general3A_27 {dimension_numbers = #tpu.dot_dimension_numbers<[1], [0], [0], [1], [0, 0, 1, 1], [], []>, transpose_lhs_hint = false} : vector<1024x256xf32>, vector<256x1xf32>, vector<1024x1xf32> -> vector<1024x1xf32>
    %get3A_29 = arith.constant 0 : index
    %get3A_30 = arith.constant 0 : index
    %get3A_31 = vector.load %arg7[%get3A_29, %get3A_30] : memref<1x1xf32, #tpu.memory_space<vmem>>, vector<1x1xf32>
    %add3A_32 = vector.broadcast %get3A_31 : vector<1x1xf32> to vector<1024x1xf32>
    %add3A_33 = arith.addf %dot_general3A_28, %add3A_32 : vector<1024x1xf32>
    %swap3A = arith.constant 0 : index
    %swap3A_34 = arith.constant 0 : index
    %swap3A_35 = vector.load %arg8[%swap3A, %swap3A_34] : memref<1024x1xf32, #tpu.memory_space<vmem>>, vector<1024x1xf32>
    tpu.vector_store %arg8[%swap3A, %swap3A_34], %add3A_33 {strides = array<i32>} : memref<1024x1xf32, #tpu.memory_space<vmem>>, vector<1024x1xf32>,
    return
  }
  func.func @transform_0(%arg0: i32) -> (i32, i32) {
    %c0_i32 = arith.constant 0 : i32
    %c0_i32_0 = arith.constant 0 : i32
    return %arg0, %c0_i32 : i32, i32
  }
  func.func @transform_1(%arg0: i32) -> (i32, i32) {
    %c0_i32 = arith.constant 0 : i32
    %c0_i32_0 = arith.constant 0 : i32
    return %arg0, %c0_i32 : i32, i32
  }
  func.func @transform_2(%arg0: i32) -> (i32, i32) {
    %c0_i32 = arith.constant 0 : i32
    %c0_i32_0 = arith.constant 0 : i32
    %c0_i32_1 = arith.constant 0 : i32
    return %c0_i32, %c0_i32_0 : i32, i32
  }
  func.func @transform_3(%arg0: i32) -> (i32, i32) {
    %c0_i32 = arith.constant 0 : i32
    %c0_i32_0 = arith.constant 0 : i32
    %c0_i32_1 = arith.constant 0 : i32
    return %c0_i32, %c0_i32_0 : i32, i32
  }
  func.func @transform_4(%arg0: i32) -> (i32, i32) {
    %c0_i32 = arith.constant 0 : i32
    %c0_i32_0 = arith.constant 0 : i32
    %c0_i32_1 = arith.constant 0 : i32
    return %c0_i32, %c0_i32_0 : i32, i32
  }
  func.func @transform_5(%arg0: i32) -> (i32, i32) {
    %c0_i32 = arith.constant 0 : i32
    %c0_i32_0 = arith.constant 0 : i32
    %c0_i32_1 = arith.constant 0 : i32
    return %c0_i32, %c0_i32_0 : i32, i32
  }
  func.func @transform_6(%arg0: i32) -> (i32, i32) {
    %c0_i32 = arith.constant 0 : i32
    %c0_i32_0 = arith.constant 0 : i32
    %c0_i32_1 = arith.constant 0 : i32
    return %c0_i32, %c0_i32_0 : i32, i32
  }
  func.func @transform_7(%arg0: i32) -> (i32, i32) {
    %c0_i32 = arith.constant 0 : i32
    %c0_i32_0 = arith.constant 0 : i32
    return %arg0, %c0_i32 : i32, i32
  }
}

</mosaic_0001>

<sc_bundles>
// kernel: kernel.12.cloned.1.call-start
scs
__scs_entry_jumppad:
0x0: {  	(pc) =	sbr.rel $0x88, $3  }
0x1: {  	(tag) =	ssettag $0x0;
	lr =	simm.s32 $0x1  }
0x2: {  	[smem:$0x3F94] =	sst lr;
	_ =	strace $0xD0000000  }
0x3: {  	_ = 	snop  }
0x4: {  	_ = 	snop  }
0x5: {  	_ = 	snop  }
0x6: {  	_ = 	snop  }
0x7: {  	_ = 	snop  }
__scs_overlays_trampoline_lowered:
0x8: {  	[smem:$0x3FA3] =	sst s0  }
0x9: {  	[smem:$0x3FA4] =	sst s1  }
0xa: {  	[smem:$0x3FA5] =	sst s2  }
0xb: {  	[smem:$0x3FA6] =	sst s3  }
0xc: {  	[smem:$0x3FA7] =	sst s4  }
0xd: {  	[smem:$0x3FA8] =	sst s5  }
0xe: {  	[smem:$0x3FA9] =	sst s6  }
0xf: {  	[smem:$0x3FAA] =	sst s7  }
0x10: {  	[smem:$0x3FAB] =	sst s8  }
0x11: {  	[smem:$0x3FAC] =	sst s9;
	s0 =	simm.s32 @!p0 $0x0  }
0x12: {  	s1 =	sld [smem:$0x3F92];
	s0 =	simm.s32 @p0 $0x1  }
0x13: {  	[smem:$0x3FAD] =	sst s0;
	s0 =	simm.s32 @!p1 $0x0  }
0x14: {  	s2 =	sld [smem:$0x3F91];
	s0 =	simm.s32 @p1 $0x1  }
0x15: {  	[smem:$0x3FAE] =	sst s0;
	s0 =	simm.s32 @!p2 $0x0  }
0x16: {  	s3 =	sld [smem:$0x3FDB];
	s0 =	simm.s32 @p2 $0x1  }
0x17: {  	s4 =	simm.s32 $0x1BF5;
	[smem:$0x3FB0] =	sst s0  }
0x18: {  	s0 =	sld [smem:$0x3F93];
	_ =	swait.ge [sflag:s4], $0x0  }
0x19: {  	s7 =	sld [smem:$0x3F94]  }
0x1a: {  	s8 =	sadd.s32 $0xFFFFE003, lr  }
0x1b: {  	s9 =	sadd.s32 $0xFFFFFEF7, lr;
	s5 =	simm.s32 $0xFFFFFFFF;
	p2 =	slt.u32 s8, $0xFFFFF086  }
0x1c: {  	p1 =	slt.u32 s9, $0xF7A;
	s5 =	simm.s32 @!p2 $0x0  }
0x1d: {  	s5 =	simm.s32 @p1 $0x1;
	p0 =	seq.s32 s7, s2  }
0x1e: {  	s7 =	smul.u32 @!p0 $0xF7A, s2;
	p2 =	seq.s32 @!p0 s5, $0x0  }
0x1f: {  	s9 =	smul.u32 $0xF7A, s1;
	s8 =	simm.s32 @!p0 $0x1BF5;
	p2 =	por !p2, p0  }
0x20: {  	[sflag:s8] =	ssyncset.s32 @!p0 $0xFFFFF086;
	s6 =	sadd.s32 @!p0 s3, s7;
	s7 =	simm.s32 @!p0 $0x108  }
0x21: {  	s3 =	sadd.s32 s3, s9;
	s6 =	sadd.s32 @!p0 $0x88, s6;
	s7 =	simm.s32 @p2 $0x1082  }
0x22: {  	[simem:s7], [sflag:s8] =	dma.local @!p0 [hbm:s6], $0xF7A  }
0x23: {  	s9 =	sor.u32 $0xD0000000, s2;
	s6 =	simm.s32 $0x108;
	_ =	swait.ge @!p0 [sflag:s8], $0x0  }
0x24: {  	s3 =	sadd.s32 $0x88, s3;
	s6 =	simm.s32 @!p1 $0x1082;
	[sflag:s4] =	ssyncset.s32 $0xFFFFF086  }
0x25: {  	[simem:s6], [sflag:s4] =	dma.local [hbm:s3], $0xF7A  }
0x26: {  	[smem:$0x3F94] =	sst s1;
	(tag) =	ssettag s2;
	_ =	strace s9  }
0x27: {  	s1 =	sld [smem:$0x3FA4]  }
0x28: {  	s2 =	sld [smem:$0x3FA5]  }
0x29: {  	s4 =	sld [smem:$0x3FA7]  }
0x2a: {  	p0 =	seq.s32 s5, $0x0;
	s5 =	sld [smem:$0x3FA8]  }
0x2b: {  	s6 =	sld [smem:$0x3FA9]  }
0x2c: {  	s7 =	sld [smem:$0x3FAA]  }
0x2d: {  	s3 =	simm.s32 $0x108;
	s8 =	sld [smem:$0x3FAB]  }
0x2e: {  	s3 =	simm.s32 @!p0 $0x1082;
	s9 =	sld [smem:$0x3FAC]  }
0x2f: {  	lr =	sadd.s32 s0, s3;
	s0 =	sld [smem:$0x3FA3]  }
0x30: {  	s3 =	sld [smem:$0x3FA6]  }
0x31: {  	[smem:$0x3FAF] =	sst s10  }
0x32: {  	s10 =	sld [smem:$0x3FAD];
	_ =	sdelay $0x3  }
0x33: {  	p0 =	seq.s32 s10, $0x1;
	s10 =	sld [smem:$0x3FAF];
	_ =	sdelay $0x3  }
0x34: {  	[smem:$0x3FAF] =	sst s10  }
0x35: {  	s10 =	sld [smem:$0x3FAE];
	_ =	sdelay $0x3  }
0x36: {  	p1 =	seq.s32 s10, $0x1;
	s10 =	sld [smem:$0x3FAF];
	_ =	sdelay $0x3  }
0x37: {  	[smem:$0x3FAF] =	sst s10  }
0x38: {  	s10 =	sld [smem:$0x3FB0]  }
0x39: {  	_ = 	snop;
	(pc) =	sbr.ind lr, $3  }
0x3a: {  	_ = 	snop  }
0x3b: {  	_ = 	snop  }
0x3c: {  	p2 =	seq.s32 s10, $0x1;
	s10 =	sld [smem:$0x3FAF]  }
0x3d: {  	_ =	shalt  }
0x3e: {  	_ =	shalt  }
0x3f: {  	_ =	shalt  }
0x40: {  	_ =	shalt  }
0x41: {  	_ =	shalt  }
0x42: {  	_ =	shalt  }
0x43: {  	_ =	shalt  }
0x44: {  	_ =	shalt  }
0x45: {  	_ =	shalt  }
0x46: {  	_ =	shalt  }
0x47: {  	_ =	shalt  }
0x48: {  	_ =	shalt  }
0x49: {  	_ =	shalt  }
0x4a: {  	_ =	shalt  }
0x4b: {  	_ =	shalt  }
0x4c: {  	_ =	shalt  }
0x4d: {  	_ =	shalt  }
0x4e: {  	_ =	shalt  }
0x4f: {  	_ =	shalt  }
0x50: {  	_ =	shalt  }
0x51: {  	_ =	shalt  }
0x52: {  	_ =	shalt  }
0x53: {  	_ =	shalt  }
0x54: {  	_ =	shalt  }
0x55: {  	_ =	shalt  }
0x56: {  	_ =	shalt  }
0x57: {  	_ =	shalt  }
0x58: {  	_ =	shalt  }
0x59: {  	_ =	shalt  }
0x5a: {  	_ =	shalt  }
0x5b: {  	_ =	shalt  }
0x5c: {  	_ =	shalt  }
0x5d: {  	_ =	shalt  }
0x5e: {  	_ =	shalt  }
0x5f: {  	_ =	shalt  }
0x60: {  	_ =	shalt  }
0x61: {  	_ =	shalt  }
0x62: {  	_ =	shalt  }
0x63: {  	_ =	shalt  }
0x64: {  	_ =	shalt  }
0x65: {  	_ =	shalt  }
0x66: {  	_ =	shalt  }
0x67: {  	_ =	shalt  }
0x68: {  	_ =	shalt  }
0x69: {  	_ =	shalt  }
0x6a: {  	_ =	shalt  }
0x6b: {  	_ =	shalt  }
0x6c: {  	_ =	shalt  }
0x6d: {  	_ =	shalt  }
0x6e: {  	_ =	shalt  }
0x6f: {  	_ =	shalt  }
0x70: {  	_ =	shalt  }
0x71: {  	_ =	shalt  }
0x72: {  	_ =	shalt  }
0x73: {  	_ =	shalt  }
0x74: {  	_ =	shalt  }
0x75: {  	_ =	shalt  }
0x76: {  	_ =	shalt  }
0x77: {  	_ =	shalt  }
0x78: {  	_ =	shalt  }
0x79: {  	_ =	shalt  }
0x7a: {  	_ =	shalt  }
0x7b: {  	_ =	shalt  }
0x7c: {  	_ =	shalt  }
0x7d: {  	_ =	shalt  }
0x7e: {  	_ =	shalt  }
0x7f: {  	_ =	shalt  }
0x80: {  	_ =	shalt  }
0x81: {  	_ =	shalt  }
0x82: {  	_ =	shalt  }
0x83: {  	_ =	shalt  }
0x84: {  	_ =	shalt  }
0x85: {  	_ =	shalt  }
0x86: {  	_ =	shalt  }
0x87: {  	_ =	shalt  }
.Lfunc_end0:
.L_simem_size_0:
called_computation_lowered:
.L_overlay_start_0:
0x88: {  	s2 =	sld [smem:$0x3FD9]  }
0x89: {  	s3 =	sld [smem:$0x3FFE];
	_ =	sdelay $0x1  }
0x8a: {  	s1 =	srdreg.scid  }
0x8b: {  	s0 =	sand.u32 $0x1, s1  }
0x8c: {  	s17 =	sshll.u32 s0, $0xA;
	s2 =	sadd.s32 s3, s2  }
0x8d: {  	s2 =	sadd.s32 s2, s17  }
0x8e: {  	[smem:$0x3FBB] =	sst s2  }
0x8f: {  	_ = 	snop  }
0x90: {  	s2 =	sld [smem:$0x3FC9];
	(tm) =	ssettm $0x1  }
0x91: {  	s18 =	sld [smem:$0x3FFB];
	_ =	sdelay $0x3  }
0x92: {  	_ =	strace s18  }
0x93: {  	s3 =	sld [smem:$0x3FFC];
	_ =	sdelay $0x3  }
0x94: {  	_ =	strace s3  }
0x95: {  	s3 =	sld [smem:$0x3FFD];
	_ =	sdelay $0x3  }
0x96: {  	_ =	strace s3  }
0x97: {  	_ =	strace $0x8FFFFFFF  }
0x98: {  	s19 =	sld [smem:$0x3FDB];
	_ =	sdelay $0x1  }
0x99: {  	s4 =	simm.s32 $_scs_section_size  }
0x9a: {  	s5 =	simm.s32 $_size__tile_overlayer_lowered;
	s6 =	simm.s32 $_tile_overlayer_lowered  }
0x9b: {  	s22 =	simm.s32 $0x1BFF;
	s21 =	sshll.u32 s6, $0x1;
	s3 =	sadd.s32 s4, s19  }
0x9c: {  	s7 =	simm.s32 $0x0;
	s20 =	sshll.u32 s5, $0x1;
	s5 =	sadd.s32 s21, s3  }
0x9d: {  	[timem:s7], [sflag:s22] =	dma.local [hbm:s5], s20  }
0x9e: {  	_ =	swait.ge [sflag:s22], s20  }
0x9f: {  	s4 =	ssub.s32 $0x0, s20;
	[sflag:s22] =	ssyncset.done $0x0  }
0xa0: {  	[sflag:s22] =	ssyncadd.s32 s4;
	_ =	sdelay $0x1  }
0xa1: {  	s23 =	simm.s32 $0x1B8B  }
0xa2: {  	_ =	swait.ge [sflag:s23], $0x1  }
0xa3: {  	[sflag:s23] =	ssyncset.done $0x0  }
0xa4: {  	s25 =	simm.s32 $0x1B8E;
	s24 =	sld [smem:$0x3FFE];
	[sflag:s23] =	ssyncadd.s32 $0xFFFFFFFF  }
0xa5: {  	s26 =	simm.s32 $execute0_lowered;
	[smem:$0x3FD2] =	sst s25  }
0xa6: {  	s5 =	sshll.u32 s26, $0x1;
	_ =	strace $0x80000046;
	[dreg:$0x1] =	wrdreg $0xFFFFFFFF  }
0xa7: {  	s28 =	simm.s32 $_size_execute0_lowered;
	s3 =	sadd.s32 s3, s5;
	[dreg:$0x0] =	wrdreg $0x0  }
0xa8: {  	s5 =	sshll.u32 s28, $0x1;
	[dreg:$0x2] =	wrdreg s3  }
0xa9: {  	[dreg:$0x3] =	wrdreg s5  }
0xaa: {  	[dreg:$0x4] =	wrdreg $0xC0  }
0xab: {  	_ =	task [dreg:s7], $0x5FFFF  }
0xac: {  	[dreg:$0x1] =	wrdreg $0xFFFFFFFF  }
0xad: {  	[dreg:$0x0] =	wrdreg $0x60  }
0xae: {  	[dreg:$0x2] =	wrdreg s24  }
0xaf: {  	[dreg:$0x3] =	wrdreg s2  }
0xb0: {  	[dreg:$0x4] =	wrdreg $0x58000  }
0xb1: {  	[dreg:$0x5] =	wrdreg $0x9  }
0xb2: {  	_ =	task.clear_ibuf [dreg:s7], $0x6FFFF;
	_ =	strace $0x90000046  }
0xb3: {  	s29 =	simm.s32 $0x9;
	_ =	strace $0x80000048  }
0xb4: {  	_ =	swait.ge [sflag:s29], $0x1  }
0xb5: {  	[sflag:s29] =	ssyncadd.s32 $0xFFFFFFFF  }
0xb6: {  	_ =	strace $0x90000048  }
0xb7: {  	_ =	sfence  }
0xb8: {  	s30 =	sld [smem:$0x0];
	_ =	sdelay $0x2  }
0xb9: {  	s31 =	sshll.u32 s1, $0xD;
	s1 =	sshrl.u32 s1, $0x2  }
0xba: {  	s3 =	sand.u32 $0x4000, s31;
	s1 =	sadd.s32 s1, s30  }
0xbb: {  	s0 =	sor.u32 s3, s0;
	s1 =	sshll.u32 s1, $0x11  }
0xbc: {  	s0 =	sor.u32 s1, s0  }
0xbd: {  	s0 =	sadd.s32 $0x8F2B, s0  }
0xbe: {  	[sflag:s0] =	ssyncadd.remote.s32 $0x1  }
0xbf: {  	_ =	sfence.sel $0xFFFF  }
0xc0: {  	[dreg:$0x0] =	wrdreg $0xFFFFFFFF;
	(pc) =	sbr.abs _section_cstart, $3  }
0xc1: {  	[dreg:$0x1] =	wrdreg $0xFFFFFFFF  }
0xc2: {  	_ =	task.clear_ibuf [dreg:s7], $0x2FFFF;
	_ =	strace $0x9FFFFFFF  }
0xc3: {  	(tm) =	ssettm $0x7FFFFFFF  }
tec
execute0_lowered:
.L_overlay_start_1:
0x0: {  	(tag) =	ssettag $0x1  }
0x1: {  	s1 =	rddreg [dreg:$0x0]  }
0x2: {  	s0 =	rddreg [dreg:$0x1];
	s2 =	srdreg.scid  }
0x3: {  	s16 =	stileid.u32;
	s3 =	rddreg [dreg:$0x2];
	s28 =	simm.s32 $0x200  }
0x4: {  	s29 =	simm.s32 $0x80;
	s30 =	simm.s32 $0x280;
	s31 =	simm.s32 $0x1  }
0x5: {  	s2 =	sand.u32 $0x1, s2;
	s4 =	sshll.u32 s16, $0x1;
	s9 =	smul.u32 $0x4E000, s16  }
0x6: {  	s5 =	sshrl.u32 s16, $0x2;
	s10 =	sadd.s32 $0x20800, s1;
	s25 =	smul.u32 $0x4E20, s16  }
0x7: {  	s24 =	sadd.s32 $0x138400, s3;
	p0 =	sne.s32 s16, $0x0;
	s6 =	smul.u32 $0x13C00, s5  }
0x8: {  	s7 =	sor.u32 s2, s4;
	s4 =	simm.s32 $0x0;
	s13 =	smul.u32 $0x2710, s2  }
0x9: {  	s5 =	sadd.s32 $0xCC00, s1;
	s23 =	ssub.s32 $0x2, s2;
	s2 =	smul.u32 $0x138800, s2  }
0xa: {  	s22 =	sshll.u32 s7, $0x7;
	[smem:$0x7FF] =	sst s4;
	s11 =	sshrl.u32 s23, $0x1  }
0xb: {  	s9 =	sshrl.u32 s9, $0x2;
	s12 =	smul.u32 $0x2710, s7;
	s8 =	sand.u32 $0x380, s22  }
0xc: {  	_ =	strace $0x80000047;
	s7 =	sadd.s32 s9, s3;
	[dreg:$0xb] =	wrdreg s24  }
0xd: {  	s8 =	sor.u32 s6, s8;
	s6 =	sadd.s32 $0x2E00, s1;
	s9 =	sshrl.u32 s12, $0x3  }
0xe: {  	s8 =	sshrl.u32 s8, $0x3;
	s12 =	sadd.s32 s5, s9;
	s26 =	sadd.s32 $0xA, s9  }
0xf: {  	s14 =	sadd.s32 s6, s9;
	s17 =	sadd.s32 $0x14, s9;
	s22 =	sadd.s32 $0x1E, s9  }
0x10: {  	s9 =	sadd.s32 $0x4D8, s9;
	s1 =	sadd.s32 s8, s1;
	[dreg:$0xc] =	wrdreg s12  }
0x11: {  	s8 =	ssub.s32 s23, s11;
	[dreg:$0xd] =	wrdreg s14;
	s15 =	sadd.s32 s5, s26  }
0x12: {  	s23 =	sadd.s32 $0x138000, s3;
	s12 =	sadd.s32 s6, s26;
	[dreg:$0xe] =	wrdreg s15  }
0x13: {  	s11 =	sadd.s32 s13, s25;
	s18 =	sadd.s32 s5, s17;
	[dreg:$0xf] =	wrdreg s12  }
0x14: {  	s20 =	sadd.s32 s6, s17;
	s14 =	simm.s32 $0x180;
	[dreg:$0x10] =	wrdreg s18  }
0x15: {  	s15 =	smul.u32 $0x13800, s16;
	s19 =	sadd.s32 $0x230, s11;
	[dreg:$0x11] =	wrdreg s20  }
0x16: {  	s25 =	sadd.s32 $0x1E0, s11;
	s18 =	sadd.s32 s6, s22;
	[dreg:$0xa] =	wrdreg s23  }
0x17: {  	s17 =	sadd.s32 $0x190, s11;
	s1 =	sadd.s32 $0x16A00, s1;
	[dreg:$0x14] =	wrdreg s18  }
0x18: {  	s16 =	simm.s32 $0x2C00;
	s12 =	sshrl.u32 s19, $0x3;
	[dreg:$0x17] =	wrdreg s1  }
0x19: {  	s1 =	simm.s32 $0x100;
	s18 =	simm.s32 $0x3;
	s24 =	sadd.s32 s12, s6  }
0x1a: {  	s21 =	sadd.s32 s15, s2;
	s12 =	sadd.s32 s12, s5;
	[dreg:$0x4] =	wrdreg s24  }
0x1b: {  	s2 =	sshrl.u32 s2, $0x3;
	s15 =	sadd.s32 s5, s22;
	[dreg:$0x5] =	wrdreg s12  }
0x1c: {  	s13 =	sshrl.u32 s21, $0x3;
	s2 =	sadd.s32 s10, s2;
	[dreg:$0x13] =	wrdreg s15  }
0x1d: {  	s21 =	sadd.s32 s5, s9;
	s9 =	sadd.s32 s6, s9;
	s12 =	simm.s32 $0x19080  }
0x1e: {  	s15 =	simm.s32 $0x380;
	s13 =	sadd.s32 s10, s13;
	[dreg:$0x15] =	wrdreg s21  }
0x1f: {  	s10 =	sshrl.u32 s17, $0x3;
	[dreg:$0x16] =	wrdreg s9;
	s22 =	sadd.s32 $0x27000, s2  }
0x20: {  	s2 =	simm.s32 $0x300;
	s9 =	simm.s32 $0x50;
	s17 =	simm.s32 $0x6  }
0x21: {  	s21 =	simm.s32 $0x8;
	[dreg:$0x12] =	wrdreg s13;
	s13 =	sshrl.u32 s25, $0x3  }
0x22: {  	s20 =	sadd.s32 s10, s6;
	[dreg:$0x18] =	wrdreg s22;
	s24 =	sadd.s32 s10, s5  }
0x23: {  	s25 =	smax.u32 s8, $0x1;
	s10 =	simm.s32 $0x400;
	[dreg:$0x8] =	wrdreg s20  }
0x24: {  	s26 =	sadd.s32 s13, s6;
	s19 =	sadd.s32 s13, s5;
	[dreg:$0x19] =	wrdreg s25  }
0x25: {  	[dreg:$0x9] =	wrdreg s24;
	s25 =	simm.s32 $0x5400;
	s13 =	simm.s32 $0x2  }
0x26: {  	s20 =	simm.s32 $0x4;
	s24 =	simm.s32 $0x0;
	[dreg:$0x6] =	wrdreg s26  }
0x27: {  	[dreg:$0x7] =	wrdreg s19;
	s26 =	sadd.s32 $0x140, s11;
	s11 =	simm.s32 $0x5  }
0x28: {  	v0 =	vimm.f32 $0.0e+00;
	v1 =	vimm.f32 $1.000000000e+00;
	s19 =	simm.s32 $0x7;
	[dreg:$0x1a] =	wrdreg s26;
	s26 =	simm.s32 $0x9  }
.LBB2_1:
0x29: {  	[tilespmem:$0x5400] =	vst v0  }
0x2a: {  	[tilespmem:$0x5410] =	vst v0  }
0x2b: {  	[tilespmem:$0x5420] =	vst v0  }
0x2c: {  	[tilespmem:$0x5430] =	vst v0  }
0x2d: {  	[tilespmem:$0x5440] =	vst v0  }
0x2e: {  	[tilespmem:$0x5450] =	vst v0  }
0x2f: {  	[tilespmem:$0x5460] =	vst v0  }
0x30: {  	[tilespmem:$0x5470] =	vst v0  }
0x31: {  	[tilespmem:$0x5480] =	vst v0  }
0x32: {  	[tilespmem:$0x5490] =	vst v0  }
0x33: {  	[tilespmem:$0x54A0] =	vst v0  }
0x34: {  	[tilespmem:$0x54B0] =	vst v0  }
0x35: {  	[tilespmem:$0x54C0] =	vst v0  }
0x36: {  	[tilespmem:$0x54D0] =	vst v0  }
0x37: {  	[tilespmem:$0x54E0] =	vst v0  }
0x38: {  	[tilespmem:$0x54F0] =	vst v0  }
0x39: {  	[tilespmem:$0x5500] =	vst v0  }
0x3a: {  	[tilespmem:$0x5510] =	vst v0  }
0x3b: {  	[tilespmem:$0x5520] =	vst v0  }
0x3c: {  	[tilespmem:$0x5530] =	vst v0  }
0x3d: {  	[tilespmem:$0x5540] =	vst v0  }
0x3e: {  	[tilespmem:$0x5550] =	vst v0  }
0x3f: {  	[tilespmem:$0x5560] =	vst v0  }
0x40: {  	[tilespmem:$0x5570] =	vst v0  }
0x41: {  	[tilespmem:$0x5580] =	vst v0  }
0x42: {  	[tilespmem:$0x5590] =	vst v0  }
0x43: {  	[tilespmem:$0x55A0] =	vst v0  }
0x44: {  	[tilespmem:$0x55B0] =	vst v0  }
0x45: {  	[tilespmem:$0x55C0] =	vst v0  }
0x46: {  	[tilespmem:$0x55D0] =	vst v0  }
0x47: {  	[tilespmem:$0x55E0] =	vst v0  }
0x48: {  	[tilespmem:$0x55F0] =	vst v0  }
0x49: {  	[tilespmem:$0x5600] =	vst v0  }
0x4a: {  	[tilespmem:$0x5610] =	vst v0  }
0x4b: {  	[tilespmem:$0x5620] =	vst v0  }
0x4c: {  	[tilespmem:$0x5630] =	vst v0  }
0x4d: {  	[tilespmem:$0x5640] =	vst v0  }
0x4e: {  	[tilespmem:$0x5650] =	vst v0  }
0x4f: {  	[tilespmem:$0x5660] =	vst v0  }
0x50: {  	[tilespmem:$0x5670] =	vst v0  }
0x51: {  	[tilespmem:$0x5680] =	vst v0  }
0x52: {  	[tilespmem:$0x5690] =	vst v0  }
0x53: {  	[tilespmem:$0x56A0] =	vst v0  }
0x54: {  	[tilespmem:$0x56B0] =	vst v0  }
0x55: {  	[tilespmem:$0x56C0] =	vst v0  }
0x56: {  	[tilespmem:$0x56D0] =	vst v0  }
0x57: {  	[tilespmem:$0x56E0] =	vst v0  }
0x58: {  	[tilespmem:$0x56F0] =	vst v0  }
0x59: {  	[tilespmem:$0x5700] =	vst v0  }
0x5a: {  	[tilespmem:$0x5710] =	vst v0  }
0x5b: {  	[tilespmem:$0x5720] =	vst v0  }
0x5c: {  	[tilespmem:$0x5730] =	vst v0  }
0x5d: {  	[tilespmem:$0x5740] =	vst v0  }
0x5e: {  	[tilespmem:$0x5750] =	vst v0  }
0x5f: {  	[tilespmem:$0x5760] =	vst v0  }
0x60: {  	[tilespmem:$0x5770] =	vst v0  }
0x61: {  	[tilespmem:$0x5780] =	vst v0  }
0x62: {  	[tilespmem:$0x5790] =	vst v0  }
0x63: {  	[tilespmem:$0x57A0] =	vst v0  }
0x64: {  	[tilespmem:$0x57B0] =	vst v0  }
0x65: {  	[tilespmem:$0x57C0] =	vst v0  }
0x66: {  	[tilespmem:$0x57D0] =	vst v0  }
0x67: {  	[tilespmem:$0x57E0] =	vst v0  }
0x68: {  	[dreg:$0x1b] =	wrdreg s24;
	[tilespmem:$0x57F0] =	vst v0;
	s8 =	simm.s32 $0x0  }
.LBB2_2:
0x69: {  	p1 =	sne.s32 s8, $0x9C00  }
.Ltmp0:
0x6a: {  	_ = 	snop;
	(pc) =	sbr.rel @p1 .LBB2_2-.Ltmp0, $3  }
0x6b: {  	_ =	sdelay $0x1  }
0x6c: {  	s24 =	sshra.s32 s8, $0x2  }
0x6d: {  	s8 =	sadd.s32 $0x40, s8;
	[tilespmem:s24+$0x19080] =	vst v0  }
0x6e: {  	s8 =	simm.s32 $0x1000;
	s24 =	sadd.s32 $0x0, s7  }
.LBB2_4:
0x6f: {  	[spmem:s24] =	stream.linear.scatter [tilespmem:s25], [sflag:$0x9], $0x400, $0x38;
	[tilespmem:$0x1B800] =	vst v63  }
0x70: {  	s24 =	smov.u32 s8;
	p1 =	sne.s32 s8, $0x4D000  }
.Ltmp1:
0x71: {  	s8 =	sadd.s32 $0x1000, s8;
	(pc) =	sbr.rel @p1 .LBB2_4-.Ltmp1, $3  }
0x72: {  	_ =	sdelay $0x1  }
0x73: {  	s24 =	sshra.s32 s24, $0x2  }
0x74: {  	s24 =	sadd.s32 s24, s7  }
0x75: {  	[spmem:s24] =	stream.linear.scatter [tilespmem:s25], [sflag:$0x9], $0x400, $0x38;
	[tilespmem:$0x1B800] =	vst v63  }
0x76: {  	s8 =	simm.s32 @!p0 $0x5400  }
0x77: {  	[spmem:s23] =	stream.linear.scatter @!p0 [tilespmem:s8], [sflag:$0x9], $0x400, $0x38;
	[tilespmem:$0x1B800] =	vst v63  }
0x78: {  	s22 =	rddreg [dreg:$0xb]  }
0x79: {  	[spmem:s22] =	stream.linear.scatter @!p0 [tilespmem:s8], [sflag:$0x9], $0x400, $0x38;
	[tilespmem:$0x1B800] =	vst v63  }
0x7a: {  	_ =	swait.ge [sflag:s26], $0x400  }
0x7b: {  	s8 =	simm.s32 $0x4D;
	[sflag:s26] =	ssyncset.done $0x0  }
.LBB2_6:
0x7c: {  	p1 =	sne.s32 s8, $0x1;
	s8 =	sadd.s32 $0xFFFFFFFF, s8;
	[sflag:s26] =	ssyncadd.s32 $0xFFFFFC00  }
.Ltmp2:
0x7d: {  	(pc) =	sbr.rel @p1 .LBB2_6-.Ltmp2, $3  }
0x7e: {  	_ =	sdelay $0x1  }
0x7f: {  	_ =	swait.ge [sflag:s26], $0x400  }
0x80: {  	[sflag:s26] =	ssyncset.done $0x0  }
0x81: {  	[sflag:s26] =	ssyncadd.s32 $0xFFFFFC00;
	s8 =	simm.s32 @!p0 $0x9  }
0x82: {  	_ =	swait.ge @!p0 [sflag:s8], $0x400  }
0x83: {  	[sflag:s8] =	ssyncset.done @!p0 $0x0  }
0x84: {  	[sflag:s8] =	ssyncadd.s32 @!p0 $0xFFFFFC00  }
0x85: {  	_ =	swait.ge @!p0 [sflag:s8], $0x400  }
0x86: {  	[sflag:s8] =	ssyncset.done @!p0 $0x0  }
0x87: {  	[sflag:s8] =	ssyncadd.s32 @!p0 $0xFFFFFC00  }
0x88: {  	[bflag:$0x0] =	sbarrier.arrive $0xFFFF  }
0x89: {  	s24 =	simm.s32 $0x0;
	s22 =	rddreg [dreg:$0xc]  }
0x8a: {  	[tilespmem:s24], [sflag:$0x1] =	stream.linear.gather [hbm4b:s22+s24], $0x50, $0x38;
	[tilespmem:$0x1B800] =	vst v63  }
0x8b: {  	s23 =	rddreg [dreg:$0xd]  }
0x8c: {  	[tilespmem:s28], [sflag:$0x1] =	stream.linear.gather [hbm4b:s23+s24], $0x50, $0x38;
	[tilespmem:$0x1B800] =	vst v63  }
0x8d: {  	s22 =	rddreg [dreg:$0xe]  }
0x8e: {  	[tilespmem:s29], [sflag:$0x2] =	stream.linear.gather [hbm4b:s22+s24], $0x50, $0x38;
	[tilespmem:$0x1B800] =	vst v63  }
0x8f: {  	s23 =	rddreg [dreg:$0xf]  }
0x90: {  	[tilespmem:s30], [sflag:$0x2] =	stream.linear.gather [hbm4b:s23+s24], $0x50, $0x38;
	[tilespmem:$0x1B800] =	vst v63  }
0x91: {  	_ =	swait.ge [sflag:s31], $0x50  }
0x92: {  	[sflag:s31] =	ssyncset.done $0x0  }
0x93: {  	[sflag:s31] =	ssyncadd.s32 $0xFFFFFFB0  }
0x94: {  	_ =	swait.ge [sflag:s31], $0x50  }
0x95: {  	[sflag:s31] =	ssyncset.done $0x0  }
0x96: {  	s22 =	rddreg [dreg:$0x10];
	[sflag:s31] =	ssyncadd.s32 $0xFFFFFFB0  }
0x97: {  	[tilespmem:s1], [sflag:$0x3] =	stream.linear.gather [hbm4b:s22+s24], $0x50, $0x38;
	[tilespmem:$0x1B800] =	vst v63  }
0x98: {  	s23 =	rddreg [dreg:$0x11]  }
0x99: {  	[tilespmem:s2], [sflag:$0x3] =	stream.linear.gather [hbm4b:s23+s24], $0x50, $0x38;
	[tilespmem:$0x1B800] =	vst v63  }
0x9a: {  	_ = 	snop  }
0x9b: {  	[tilespmem:s10], [sflag:$0x5] =	stream.indirect.gather [hbm4b:s0+s9], $0x80, s24, s9, $0xb8;
	[tilespmem:$0x1B800] =	vst v63  }
0x9c: {  	_ =	swait.ge [sflag:s11], $0x2800  }
0x9d: {  	[sflag:s11] =	ssyncset.done $0x0  }
0x9e: {  	[sflag:s11] =	ssyncadd.s32 $0xFFFFD800  }
0x9f: {  	v2 =	vld [tilespmem:$0x200];
	_ =	sdelay $0x7  }
0xa0: {  	[tilespmem:v2+s12+$0x0] =	vst.idx.add.f32.msk $0xffff, v1  }
0xa1: {  	v2 =	vld [tilespmem:$0x210];
	_ =	sdelay $0x7  }
0xa2: {  	[tilespmem:v2+s12+$0x0] =	vst.idx.add.f32.msk $0xffff, v1  }
0xa3: {  	v2 =	vld [tilespmem:$0x220];
	_ =	sdelay $0x7  }
0xa4: {  	[tilespmem:v2+s12+$0x0] =	vst.idx.add.f32.msk $0xffff, v1  }
0xa5: {  	v2 =	vld [tilespmem:$0x230];
	_ =	sdelay $0x7  }
0xa6: {  	[tilespmem:v2+s12+$0x0] =	vst.idx.add.f32.msk $0xffff, v1  }
0xa7: {  	v2 =	vld [tilespmem:$0x240];
	_ =	sdelay $0x7  }
0xa8: {  	[tilespmem:v2+s12+$0x0] =	vst.idx.add.f32.msk $0xffff, v1  }
0xa9: {  	[spmem:s3] =	stream.indirect.scatter.add.f32 [tilespmem:s10], [sflag:$0x7], $0x80, s28, s9, $0xb8;
	[tilespmem:$0x1B800] =	vst v63  }
0xaa: {  	_ =	swait.ge [sflag:s13], $0x50  }
0xab: {  	[sflag:s13] =	ssyncset.done $0x0  }
0xac: {  	[sflag:s13] =	ssyncadd.s32 $0xFFFFFFB0  }
0xad: {  	_ =	swait.ge [sflag:s13], $0x50  }
0xae: {  	[sflag:s13] =	ssyncset.done $0x0  }
0xaf: {  	s22 =	rddreg [dreg:$0x13];
	[sflag:s13] =	ssyncadd.s32 $0xFFFFFFB0  }
0xb0: {  	[tilespmem:s14], [sflag:$0x4] =	stream.linear.gather [hbm4b:s22+s24], $0x50, $0x38;
	[tilespmem:$0x1B800] =	vst v63  }
0xb1: {  	s23 =	rddreg [dreg:$0x14]  }
0xb2: {  	[tilespmem:s15], [sflag:$0x4] =	stream.linear.gather [hbm4b:s23+s24], $0x50, $0x38;
	[tilespmem:$0x1B800] =	vst v63  }
0xb3: {  	_ = 	snop  }
0xb4: {  	[tilespmem:s16], [sflag:$0x6] =	stream.indirect.gather [hbm4b:s0+s9], $0x80, s29, s9, $0xb8;
	[tilespmem:$0x1B800] =	vst v63  }
0xb5: {  	_ =	swait.ge [sflag:s17], $0x2800  }
0xb6: {  	[sflag:s17] =	ssyncset.done $0x0  }
0xb7: {  	[sflag:s17] =	ssyncadd.s32 $0xFFFFD800  }
0xb8: {  	v2 =	vld [tilespmem:$0x280];
	_ =	sdelay $0x7  }
0xb9: {  	[tilespmem:v2+s12+$0x0] =	vst.idx.add.f32.msk $0xffff, v1  }
0xba: {  	v2 =	vld [tilespmem:$0x290];
	_ =	sdelay $0x7  }
0xbb: {  	[tilespmem:v2+s12+$0x0] =	vst.idx.add.f32.msk $0xffff, v1  }
0xbc: {  	v2 =	vld [tilespmem:$0x2A0];
	_ =	sdelay $0x7  }
0xbd: {  	[tilespmem:v2+s12+$0x0] =	vst.idx.add.f32.msk $0xffff, v1  }
0xbe: {  	v2 =	vld [tilespmem:$0x2B0];
	_ =	sdelay $0x7  }
0xbf: {  	[tilespmem:v2+s12+$0x0] =	vst.idx.add.f32.msk $0xffff, v1  }
0xc0: {  	v2 =	vld [tilespmem:$0x2C0];
	_ =	sdelay $0x7  }
0xc1: {  	s8 =	rddreg [dreg:$0x1a];
	[tilespmem:v2+s12+$0x0] =	vst.idx.add.f32.msk $0xffff, v1  }
0xc2: {  	[spmem:s3] =	stream.indirect.scatter.add.f32 [tilespmem:s16], [sflag:$0x8], $0x80, s30, s9, $0xb8;
	[tilespmem:$0x1B800] =	vst v63  }
.LBB2_8:
0xc3: {  	_ =	swait.ge [sflag:s18], $0x50  }
0xc4: {  	[sflag:s18] =	ssyncset.done $0x0  }
0xc5: {  	[sflag:s18] =	ssyncadd.s32 $0xFFFFFFB0  }
0xc6: {  	_ =	swait.ge [sflag:s18], $0x50  }
0xc7: {  	[sflag:s18] =	ssyncset.done $0x0  }
0xc8: {  	[sflag:s18] =	ssyncadd.s32 $0xFFFFFFB0  }
0xc9: {  	_ =	swait.ge [sflag:s19], $0x2800  }
0xca: {  	s22 =	sshrl.u32 s8, $0x3;
	[sflag:s19] =	ssyncset.done $0x0  }
0xcb: {  	s23 =	sadd.s32 s5, s22;
	[sflag:s19] =	ssyncadd.s32 $0xFFFFD800  }
0xcc: {  	[tilespmem:s4], [sflag:$0x1] =	stream.linear.gather [hbm4b:s23+s4], $0x50, $0x38;
	[tilespmem:$0x1B800] =	vst v63  }
0xcd: {  	s22 =	sadd.s32 s6, s22  }
0xce: {  	[tilespmem:s28], [sflag:$0x1] =	stream.linear.gather [hbm4b:s22+s4], $0x50, $0x38;
	[tilespmem:$0x1B800] =	vst v63  }
0xcf: {  	_ = 	snop  }
0xd0: {  	[tilespmem:s10], [sflag:$0x5] =	stream.indirect.gather [hbm4b:s0+s9], $0x80, s1, s9, $0xb8;
	[tilespmem:$0x1B800] =	vst v63  }
0xd1: {  	_ =	swait.ge [sflag:s11], $0x2800  }
0xd2: {  	[sflag:s11] =	ssyncset.done $0x0  }
0xd3: {  	[sflag:s11] =	ssyncadd.s32 $0xFFFFD800  }
0xd4: {  	v2 =	vld [tilespmem:$0x300];
	_ =	sdelay $0x7  }
0xd5: {  	[tilespmem:v2+s12+$0x0] =	vst.idx.add.f32.msk $0xffff, v1  }
0xd6: {  	v2 =	vld [tilespmem:$0x310];
	_ =	sdelay $0x7  }
0xd7: {  	[tilespmem:v2+s12+$0x0] =	vst.idx.add.f32.msk $0xffff, v1  }
0xd8: {  	v2 =	vld [tilespmem:$0x320];
	_ =	sdelay $0x7  }
0xd9: {  	[tilespmem:v2+s12+$0x0] =	vst.idx.add.f32.msk $0xffff, v1  }
0xda: {  	v2 =	vld [tilespmem:$0x330];
	_ =	sdelay $0x7  }
0xdb: {  	[tilespmem:v2+s12+$0x0] =	vst.idx.add.f32.msk $0xffff, v1  }
0xdc: {  	v2 =	vld [tilespmem:$0x340];
	_ =	sdelay $0x7  }
0xdd: {  	[tilespmem:v2+s12+$0x0] =	vst.idx.add.f32.msk $0xffff, v1  }
0xde: {  	[spmem:s3] =	stream.indirect.scatter.add.f32 [tilespmem:s10], [sflag:$0x7], $0x80, s2, s9, $0xb8;
	[tilespmem:$0x1B800] =	vst v63  }
0xdf: {  	_ =	swait.ge [sflag:s20], $0x50  }
0xe0: {  	[sflag:s20] =	ssyncset.done $0x0  }
0xe1: {  	[sflag:s20] =	ssyncadd.s32 $0xFFFFFFB0  }
0xe2: {  	_ =	swait.ge [sflag:s20], $0x50  }
0xe3: {  	[sflag:s20] =	ssyncset.done $0x0  }
0xe4: {  	[sflag:s20] =	ssyncadd.s32 $0xFFFFFFB0  }
0xe5: {  	_ =	swait.ge [sflag:s21], $0x2800  }
0xe6: {  	s22 =	rddreg [dreg:$0x9];
	[sflag:s21] =	ssyncset.done $0x0  }
0xe7: {  	s23 =	rddreg [dreg:$0x8];
	[sflag:s21] =	ssyncadd.s32 $0xFFFFD800;
	s22 =	sadd.s32 s24, s22  }
0xe8: {  	[tilespmem:s29], [sflag:$0x2] =	stream.linear.gather [hbm4b:s22+s4], $0x50, $0x38;
	[tilespmem:$0x1B800] =	vst v63  }
0xe9: {  	s23 =	sadd.s32 s24, s23  }
0xea: {  	[tilespmem:s30], [sflag:$0x2] =	stream.linear.gather [hbm4b:s23+s4], $0x50, $0x38;
	[tilespmem:$0x1B800] =	vst v63  }
0xeb: {  	_ = 	snop  }
0xec: {  	[tilespmem:s16], [sflag:$0x6] =	stream.indirect.gather [hbm4b:s0+s9], $0x80, s14, s9, $0xb8;
	[tilespmem:$0x1B800] =	vst v63  }
0xed: {  	_ =	swait.ge [sflag:s17], $0x2800  }
0xee: {  	[sflag:s17] =	ssyncset.done $0x0  }
0xef: {  	[sflag:s17] =	ssyncadd.s32 $0xFFFFD800  }
0xf0: {  	v2 =	vld [tilespmem:$0x380];
	_ =	sdelay $0x7  }
0xf1: {  	[tilespmem:v2+s12+$0x0] =	vst.idx.add.f32.msk $0xffff, v1  }
0xf2: {  	v2 =	vld [tilespmem:$0x390];
	_ =	sdelay $0x7  }
0xf3: {  	[tilespmem:v2+s12+$0x0] =	vst.idx.add.f32.msk $0xffff, v1  }
0xf4: {  	v2 =	vld [tilespmem:$0x3A0];
	_ =	sdelay $0x7  }
0xf5: {  	[tilespmem:v2+s12+$0x0] =	vst.idx.add.f32.msk $0xffff, v1  }
0xf6: {  	v2 =	vld [tilespmem:$0x3B0];
	_ =	sdelay $0x7  }
0xf7: {  	[tilespmem:v2+s12+$0x0] =	vst.idx.add.f32.msk $0xffff, v1  }
0xf8: {  	v2 =	vld [tilespmem:$0x3C0];
	_ =	sdelay $0x7  }
0xf9: {  	[tilespmem:v2+s12+$0x0] =	vst.idx.add.f32.msk $0xffff, v1  }
0xfa: {  	[spmem:s3] =	stream.indirect.scatter.add.f32 [tilespmem:s16], [sflag:$0x8], $0x80, s15, s9, $0xb8;
	[tilespmem:$0x1B800] =	vst v63  }
0xfb: {  	_ =	swait.ge [sflag:s31], $0x50  }
0xfc: {  	[sflag:s31] =	ssyncset.done $0x0  }
0xfd: {  	[sflag:s31] =	ssyncadd.s32 $0xFFFFFFB0  }
0xfe: {  	_ =	swait.ge [sflag:s31], $0x50  }
0xff: {  	[sflag:s31] =	ssyncset.done $0x0  }
0x100: {  	[sflag:s31] =	ssyncadd.s32 $0xFFFFFFB0  }
0x101: {  	_ =	swait.ge [sflag:s19], $0x2800  }
0x102: {  	s22 =	rddreg [dreg:$0x7];
	[sflag:s19] =	ssyncset.done $0x0  }
0x103: {  	s23 =	rddreg [dreg:$0x6];
	[sflag:s19] =	ssyncadd.s32 $0xFFFFD800;
	s22 =	sadd.s32 s24, s22  }
0x104: {  	[tilespmem:s1], [sflag:$0x3] =	stream.linear.gather [hbm4b:s22+s4], $0x50, $0x38;
	[tilespmem:$0x1B800] =	vst v63  }
0x105: {  	s23 =	sadd.s32 s24, s23  }
0x106: {  	[tilespmem:s2], [sflag:$0x3] =	stream.linear.gather [hbm4b:s23+s4], $0x50, $0x38;
	[tilespmem:$0x1B800] =	vst v63  }
0x107: {  	_ = 	snop  }
0x108: {  	[tilespmem:s10], [sflag:$0x5] =	stream.indirect.gather [hbm4b:s0+s9], $0x80, s4, s9, $0xb8;
	[tilespmem:$0x1B800] =	vst v63  }
0x109: {  	_ =	swait.ge [sflag:s11], $0x2800  }
0x10a: {  	[sflag:s11] =	ssyncset.done $0x0  }
0x10b: {  	[sflag:s11] =	ssyncadd.s32 $0xFFFFD800  }
0x10c: {  	v2 =	vld [tilespmem:$0x200];
	_ =	sdelay $0x7  }
0x10d: {  	[tilespmem:v2+s12+$0x0] =	vst.idx.add.f32.msk $0xffff, v1  }
0x10e: {  	v2 =	vld [tilespmem:$0x210];
	_ =	sdelay $0x7  }
0x10f: {  	[tilespmem:v2+s12+$0x0] =	vst.idx.add.f32.msk $0xffff, v1  }
0x110: {  	v2 =	vld [tilespmem:$0x220];
	_ =	sdelay $0x7  }
0x111: {  	[tilespmem:v2+s12+$0x0] =	vst.idx.add.f32.msk $0xffff, v1  }
0x112: {  	v2 =	vld [tilespmem:$0x230];
	_ =	sdelay $0x7  }
0x113: {  	[tilespmem:v2+s12+$0x0] =	vst.idx.add.f32.msk $0xffff, v1  }
0x114: {  	v2 =	vld [tilespmem:$0x240];
	_ =	sdelay $0x7  }
0x115: {  	[tilespmem:v2+s12+$0x0] =	vst.idx.add.f32.msk $0xffff, v1  }
0x116: {  	[spmem:s3] =	stream.indirect.scatter.add.f32 [tilespmem:s10], [sflag:$0x7], $0x80, s28, s9, $0xb8;
	[tilespmem:$0x1B800] =	vst v63  }
0x117: {  	_ =	swait.ge [sflag:s13], $0x50  }
0x118: {  	[sflag:s13] =	ssyncset.done $0x0  }
0x119: {  	[sflag:s13] =	ssyncadd.s32 $0xFFFFFFB0  }
0x11a: {  	_ =	swait.ge [sflag:s13], $0x50  }
0x11b: {  	[sflag:s13] =	ssyncset.done $0x0  }
0x11c: {  	[sflag:s13] =	ssyncadd.s32 $0xFFFFFFB0  }
0x11d: {  	_ =	swait.ge [sflag:s21], $0x2800  }
0x11e: {  	s22 =	rddreg [dreg:$0x5];
	[sflag:s21] =	ssyncset.done $0x0  }
0x11f: {  	s23 =	rddreg [dreg:$0x4];
	[sflag:s21] =	ssyncadd.s32 $0xFFFFD800;
	s22 =	sadd.s32 s24, s22  }
0x120: {  	[tilespmem:s14], [sflag:$0x4] =	stream.linear.gather [hbm4b:s22+s4], $0x50, $0x38;
	[tilespmem:$0x1B800] =	vst v63  }
0x121: {  	s23 =	sadd.s32 s24, s23  }
0x122: {  	[tilespmem:s15], [sflag:$0x4] =	stream.linear.gather [hbm4b:s23+s4], $0x50, $0x38;
	[tilespmem:$0x1B800] =	vst v63  }
0x123: {  	_ = 	snop  }
0x124: {  	[tilespmem:s16], [sflag:$0x6] =	stream.indirect.gather [hbm4b:s0+s9], $0x80, s29, s9, $0xb8;
	[tilespmem:$0x1B800] =	vst v63  }
0x125: {  	_ =	swait.ge [sflag:s17], $0x2800  }
0x126: {  	[sflag:s17] =	ssyncset.done $0x0  }
0x127: {  	[sflag:s17] =	ssyncadd.s32 $0xFFFFD800  }
0x128: {  	v2 =	vld [tilespmem:$0x280];
	_ =	sdelay $0x7  }
0x129: {  	[tilespmem:v2+s12+$0x0] =	vst.idx.add.f32.msk $0xffff, v1  }
0x12a: {  	v2 =	vld [tilespmem:$0x290];
	_ =	sdelay $0x7  }
0x12b: {  	[tilespmem:v2+s12+$0x0] =	vst.idx.add.f32.msk $0xffff, v1  }
0x12c: {  	v2 =	vld [tilespmem:$0x2A0];
	_ =	sdelay $0x7  }
0x12d: {  	[tilespmem:v2+s12+$0x0] =	vst.idx.add.f32.msk $0xffff, v1  }
0x12e: {  	v2 =	vld [tilespmem:$0x2B0];
	_ =	sdelay $0x7  }
0x12f: {  	[tilespmem:v2+s12+$0x0] =	vst.idx.add.f32.msk $0xffff, v1  }
0x130: {  	v2 =	vld [tilespmem:$0x2C0];
	_ =	sdelay $0x3  }
0x131: {  	p1 =	sne.s32 s24, $0x488  }
.Ltmp3:
0x132: {  	_ = 	snop;
	(pc) =	sbr.rel @p1 .LBB2_8-.Ltmp3, $3  }
0x133: {  	_ =	sdelay $0x1  }
0x134: {  	s8 =	sadd.s32 $0x140, s8;
	s24 =	sadd.s32 $0x28, s24;
	[tilespmem:v2+s12+$0x0] =	vst.idx.add.f32.msk $0xffff, v1  }
0x135: {  	[spmem:s3] =	stream.indirect.scatter.add.f32 [tilespmem:s16], [sflag:$0x8], $0x80, s30, s9, $0xb8;
	[tilespmem:$0x1B800] =	vst v63  }
0x136: {  	_ =	swait.ge [sflag:s18], $0x50  }
0x137: {  	[sflag:s18] =	ssyncset.done $0x0  }
0x138: {  	[sflag:s18] =	ssyncadd.s32 $0xFFFFFFB0  }
0x139: {  	_ =	swait.ge [sflag:s18], $0x50  }
0x13a: {  	[sflag:s18] =	ssyncset.done $0x0  }
0x13b: {  	[sflag:s18] =	ssyncadd.s32 $0xFFFFFFB0  }
0x13c: {  	_ =	swait.ge [sflag:s19], $0x2800  }
0x13d: {  	[sflag:s19] =	ssyncset.done $0x0  }
0x13e: {  	s8 =	rddreg [dreg:$0x15];
	[sflag:s19] =	ssyncadd.s32 $0xFFFFD800  }
0x13f: {  	[tilespmem:s4], [sflag:$0x1] =	stream.linear.gather [hbm4b:s8+s4], $0x50, $0x38;
	[tilespmem:$0x1B800] =	vst v63  }
0x140: {  	s22 =	rddreg [dreg:$0x16]  }
0x141: {  	[tilespmem:s28], [sflag:$0x1] =	stream.linear.gather [hbm4b:s22+s4], $0x50, $0x38;
	[tilespmem:$0x1B800] =	vst v63  }
0x142: {  	_ = 	snop  }
0x143: {  	[tilespmem:s10], [sflag:$0x5] =	stream.indirect.gather [hbm4b:s0+s9], $0x80, s1, s9, $0xb8;
	[tilespmem:$0x1B800] =	vst v63  }
0x144: {  	_ =	swait.ge [sflag:s11], $0x2800  }
0x145: {  	[sflag:s11] =	ssyncset.done $0x0  }
0x146: {  	[sflag:s11] =	ssyncadd.s32 $0xFFFFD800  }
0x147: {  	v2 =	vld [tilespmem:$0x300];
	_ =	sdelay $0x7  }
0x148: {  	[tilespmem:v2+s12+$0x0] =	vst.idx.add.f32.msk $0xffff, v1  }
0x149: {  	v2 =	vld [tilespmem:$0x310];
	_ =	sdelay $0x7  }
0x14a: {  	[tilespmem:v2+s12+$0x0] =	vst.idx.add.f32.msk $0xffff, v1  }
0x14b: {  	v2 =	vld [tilespmem:$0x320];
	_ =	sdelay $0x7  }
0x14c: {  	[tilespmem:v2+s12+$0x0] =	vst.idx.add.f32.msk $0xffff, v1  }
0x14d: {  	v2 =	vld [tilespmem:$0x330];
	_ =	sdelay $0x7  }
0x14e: {  	[tilespmem:v2+s12+$0x0] =	vst.idx.add.f32.msk $0xffff, v1  }
0x14f: {  	v2 =	vld [tilespmem:$0x340];
	_ =	sdelay $0x7  }
0x150: {  	[tilespmem:v2+s12+$0x0] =	vst.idx.add.f32.msk $0xffff, v1  }
0x151: {  	[spmem:s3] =	stream.indirect.scatter.add.f32 [tilespmem:s10], [sflag:$0x7], $0x80, s2, s9, $0xb8;
	[tilespmem:$0x1B800] =	vst v63  }
0x152: {  	_ =	swait.ge [sflag:s20], $0x50  }
0x153: {  	[sflag:s20] =	ssyncset.done $0x0  }
0x154: {  	[sflag:s20] =	ssyncadd.s32 $0xFFFFFFB0  }
0x155: {  	_ =	swait.ge [sflag:s20], $0x50  }
0x156: {  	[sflag:s20] =	ssyncset.done $0x0  }
0x157: {  	[sflag:s20] =	ssyncadd.s32 $0xFFFFFFB0  }
0x158: {  	_ =	swait.ge [sflag:s21], $0x2800  }
0x159: {  	[sflag:s21] =	ssyncset.done $0x0  }
0x15a: {  	[sflag:s21] =	ssyncadd.s32 $0xFFFFD800  }
0x15b: {  	[tilespmem:s16], [sflag:$0x6] =	stream.indirect.gather [hbm4b:s0+s9], $0x80, s14, s9, $0xb8;
	[tilespmem:$0x1B800] =	vst v63  }
0x15c: {  	_ =	swait.ge [sflag:s17], $0x2800  }
0x15d: {  	[sflag:s17] =	ssyncset.done $0x0  }
0x15e: {  	[sflag:s17] =	ssyncadd.s32 $0xFFFFD800  }
0x15f: {  	v2 =	vld [tilespmem:$0x380];
	_ =	sdelay $0x7  }
0x160: {  	[tilespmem:v2+s12+$0x0] =	vst.idx.add.f32.msk $0xffff, v1  }
0x161: {  	v2 =	vld [tilespmem:$0x390];
	_ =	sdelay $0x7  }
0x162: {  	[tilespmem:v2+s12+$0x0] =	vst.idx.add.f32.msk $0xffff, v1  }
0x163: {  	v2 =	vld [tilespmem:$0x3A0];
	_ =	sdelay $0x7  }
0x164: {  	[tilespmem:v2+s12+$0x0] =	vst.idx.add.f32.msk $0xffff, v1  }
0x165: {  	v2 =	vld [tilespmem:$0x3B0];
	_ =	sdelay $0x7  }
0x166: {  	[tilespmem:v2+s12+$0x0] =	vst.idx.add.f32.msk $0xffff, v1  }
0x167: {  	v2 =	vld [tilespmem:$0x3C0];
	_ =	sdelay $0x7  }
0x168: {  	[tilespmem:v2+s12+$0x0] =	vst.idx.add.f32.msk $0xffff, v1  }
0x169: {  	[spmem:s3] =	stream.indirect.scatter.add.f32 [tilespmem:s16], [sflag:$0x8], $0x80, s15, s9, $0xb8;
	[tilespmem:$0x1B800] =	vst v63  }
0x16a: {  	_ =	swait.ge [sflag:s31], $0x50  }
0x16b: {  	[sflag:s31] =	ssyncset.done $0x0  }
0x16c: {  	[sflag:s31] =	ssyncadd.s32 $0xFFFFFFB0  }
0x16d: {  	_ =	swait.ge [sflag:s31], $0x50  }
0x16e: {  	[sflag:s31] =	ssyncset.done $0x0  }
0x16f: {  	[sflag:s31] =	ssyncadd.s32 $0xFFFFFFB0  }
0x170: {  	_ =	swait.ge [sflag:s19], $0x2800  }
0x171: {  	[sflag:s19] =	ssyncset.done $0x0  }
0x172: {  	[sflag:s19] =	ssyncadd.s32 $0xFFFFD800  }
0x173: {  	[tilespmem:s10], [sflag:$0x5] =	stream.indirect.gather [hbm4b:s0+s9], $0x80, s4, s9, $0xb8;
	[tilespmem:$0x1B800] =	vst v63  }
0x174: {  	_ =	swait.ge [sflag:s11], $0x2800  }
0x175: {  	[sflag:s11] =	ssyncset.done $0x0  }
0x176: {  	[sflag:s11] =	ssyncadd.s32 $0xFFFFD800  }
0x177: {  	v2 =	vld [tilespmem:$0x200];
	_ =	sdelay $0x7  }
0x178: {  	[tilespmem:v2+s12+$0x0] =	vst.idx.add.f32.msk $0xffff, v1  }
0x179: {  	v2 =	vld [tilespmem:$0x210];
	_ =	sdelay $0x7  }
0x17a: {  	[tilespmem:v2+s12+$0x0] =	vst.idx.add.f32.msk $0xffff, v1  }
0x17b: {  	v2 =	vld [tilespmem:$0x220];
	_ =	sdelay $0x7  }
0x17c: {  	[tilespmem:v2+s12+$0x0] =	vst.idx.add.f32.msk $0xffff, v1  }
0x17d: {  	v2 =	vld [tilespmem:$0x230];
	_ =	sdelay $0x7  }
0x17e: {  	[tilespmem:v2+s12+$0x0] =	vst.idx.add.f32.msk $0xffff, v1  }
0x17f: {  	v2 =	vld [tilespmem:$0x240];
	_ =	sdelay $0x7  }
0x180: {  	[tilespmem:v2+s12+$0x0] =	vst.idx.add.f32.msk $0xffff, v1  }
0x181: {  	[spmem:s3] =	stream.indirect.scatter.add.f32 [tilespmem:s10], [sflag:$0x7], $0x80, s28, s9, $0xb8;
	[tilespmem:$0x1B800] =	vst v63  }
0x182: {  	_ =	swait.ge [sflag:s21], $0x2800  }
0x183: {  	[sflag:s21] =	ssyncset.done $0x0  }
0x184: {  	[sflag:s21] =	ssyncadd.s32 $0xFFFFD800  }
0x185: {  	_ =	swait.ge [sflag:s19], $0x2800  }
0x186: {  	[sflag:s19] =	ssyncset.done $0x0  }
0x187: {  	s23 =	stileid.u32;
	[sflag:s19] =	ssyncadd.s32 $0xFFFFD800  }
0x188: {  	s8 =	sshll.u32 s23, $0x6;
	[bflag:$0x0] =	sbarrier.arrive $0xFFFF  }
0x189: {  	s8 =	sor.u32 $0x1C0A, s8;
	s22 =	sshrl.u32 s7, $0x3;
	s23 =	rddreg [dreg:$0x12]  }
0x18a: {  	[hbm:s23], [sflag:s8] =	dma.local [spmem:s22], $0x2700  }
0x18b: {  	s23 =	simm.s32 $0xA  }
0x18c: {  	_ =	swait.ge [sflag:s23], $0x2700  }
0x18d: {  	[sflag:s23] =	ssyncset.done $0x0  }
0x18e: {  	s24 =	rddreg [dreg:$0x17];
	[sflag:s23] =	ssyncadd.s32 $0xFFFFD900  }
0x18f: {  	[hbm4b:s24+s29] =	stream.strided.scatter [tilespmem:s12], [sflag:$0xA], $0x2780, s10, s29, $0x38;
	[tilespmem:$0x1B800] =	vst v63  }
0x190: {  	_ =	swait.ge [sflag:s23], $0x2780  }
0x191: {  	[sflag:s23] =	ssyncset.done $0x0  }
0x192: {  	[sflag:s23] =	ssyncadd.s32 $0xFFFFD880;
	s23 =	rddreg [dreg:$0xa]  }
0x193: {  	s24 =	rddreg [dreg:$0x18];
	s22 =	sshrl.u32 @!p0 s23, $0x3  }
0x194: {  	[hbm:s24], [sflag:s8] =	dma.local @!p0 [spmem:s22], $0x100  }
0x195: {  	s8 =	simm.s32 @!p0 $0xA  }
0x196: {  	_ =	swait.ge @!p0 [sflag:s8], $0x100  }
0x197: {  	s22 =	rddreg [dreg:$0x1b]  }
0x198: {  	s24 =	sadd.s32 $0x1, s22;
	s22 =	rddreg [dreg:$0x19]  }
0x199: {  	p1 =	sne.s32 s24, s22  }
.Ltmp4:
0x19a: {  	_ = 	snop;
	(pc) =	sbr.rel @p1 .LBB2_1-.Ltmp4, $3  }
0x19b: {  	_ =	sdelay $0x1  }
0x19c: {  	[sflag:s8] =	ssyncset.done @!p0 $0x0  }
0x19d: {  	[sflag:s8] =	ssyncadd.s32 @!p0 $0xFFFFFF00  }
0x19e: {  	_ =	sfence.sel $0x180000  }
0x19f: {  	[bflag:$0x0] =	sbarrier.arrive $0xFFFF  }
0x1a0: {  	_ =	strace $0x90000047  }
0x1a1: {  	[bflag:$0x2] =	sbarrier.arrive $0xFFFF  }
0x1a2: {  	s0 =	rddreg [dreg:$0x3]  }
0x1a3: {  	s0 =	sadd.s32 @!p0 $0x100000, s0  }
0x1a4: {  	[sflag:s0] =	ssyncadd.tile.s32 @!p0 $0x1;
	_ =	shalt  }
.Lfunc_end2:
_tile_overlayer_lowered:
.L_overlay_start_2:
0x1a5: {  	(tag) =	ssettag $0x2  }
0x1a6: {  	s0 =	rddreg [dreg:$0x0];
	s2 =	stileid.u32  }
0x1a7: {  	s1 =	rddreg [dreg:$0x1];
	p0 =	sne.s32 s2, $0x0  }
0x1a8: {  	s3 =	rddreg [dreg:$0x2];
	[bflag:$0x3] =	sbarrier.arrive $0xFFFF;
	s2 =	simm.s32 @!p0 $0x1C0A  }
0x1a9: {  	[timem:s3], [sflag:s2] =	dma.local @!p0 [hbm:s0], s1  }
0x1aa: {  	s0 =	simm.s32 @!p0 $0xA  }
0x1ab: {  	_ =	swait.ge @!p0 [sflag:s0], s1  }
0x1ac: {  	s1 =	ssub.s32 @!p0 $0x0, s1;
	[sflag:s0] =	ssyncset.done @!p0 $0x0  }
0x1ad: {  	[sflag:s0] =	ssyncadd.s32 @!p0 s1  }
0x1ae: {  	[bflag:$0x3] =	sbarrier.arrive $0xFFFF  }
0x1af: {  	_ =	shalt  }

// kernel: kernel.15.cloned.1.call-start
scs
__scs_entry_jumppad:
0x0: {  	(pc) =	sbr.rel $0x88, $3  }
0x1: {  	(tag) =	ssettag $0x0;
	lr =	simm.s32 $0x1  }
0x2: {  	[smem:$0x3F94] =	sst lr;
	_ =	strace $0xD0000000  }
0x3: {  	_ = 	snop  }
0x4: {  	_ = 	snop  }
0x5: {  	_ = 	snop  }
0x6: {  	_ = 	snop  }
0x7: {  	_ = 	snop  }
__scs_overlays_trampoline_lowered:
0x8: {  	[smem:$0x3FA3] =	sst s0  }
0x9: {  	[smem:$0x3FA4] =	sst s1  }
0xa: {  	[smem:$0x3FA5] =	sst s2  }
0xb: {  	[smem:$0x3FA6] =	sst s3  }
0xc: {  	[smem:$0x3FA7] =	sst s4  }
0xd: {  	[smem:$0x3FA8] =	sst s5  }
0xe: {  	[smem:$0x3FA9] =	sst s6  }
0xf: {  	[smem:$0x3FAA] =	sst s7  }
0x10: {  	[smem:$0x3FAB] =	sst s8  }
0x11: {  	[smem:$0x3FAC] =	sst s9;
	s0 =	simm.s32 @!p0 $0x0  }
0x12: {  	s1 =	sld [smem:$0x3F92];
	s0 =	simm.s32 @p0 $0x1  }
0x13: {  	[smem:$0x3FAD] =	sst s0;
	s0 =	simm.s32 @!p1 $0x0  }
0x14: {  	s2 =	sld [smem:$0x3F91];
	s0 =	simm.s32 @p1 $0x1  }
0x15: {  	[smem:$0x3FAE] =	sst s0;
	s0 =	simm.s32 @!p2 $0x0  }
0x16: {  	s3 =	sld [smem:$0x3FDB];
	s0 =	simm.s32 @p2 $0x1  }
0x17: {  	s4 =	simm.s32 $0x1BF5;
	[smem:$0x3FB0] =	sst s0  }
0x18: {  	s0 =	sld [smem:$0x3F93];
	_ =	swait.ge [sflag:s4], $0x0  }
0x19: {  	s7 =	sld [smem:$0x3F94]  }
0x1a: {  	s8 =	sadd.s32 $0xFFFFE003, lr  }
0x1b: {  	s9 =	sadd.s32 $0xFFFFFEF7, lr;
	s5 =	simm.s32 $0xFFFFFFFF;
	p2 =	slt.u32 s8, $0xFFFFF086  }
0x1c: {  	p1 =	slt.u32 s9, $0xF7A;
	s5 =	simm.s32 @!p2 $0x0  }
0x1d: {  	s5 =	simm.s32 @p1 $0x1;
	p0 =	seq.s32 s7, s2  }
0x1e: {  	s7 =	smul.u32 @!p0 $0xF7A, s2;
	p2 =	seq.s32 @!p0 s5, $0x0  }
0x1f: {  	s9 =	smul.u32 $0xF7A, s1;
	s8 =	simm.s32 @!p0 $0x1BF5;
	p2 =	por !p2, p0  }
0x20: {  	[sflag:s8] =	ssyncset.s32 @!p0 $0xFFFFF086;
	s6 =	sadd.s32 @!p0 s3, s7;
	s7 =	simm.s32 @!p0 $0x108  }
0x21: {  	s3 =	sadd.s32 s3, s9;
	s6 =	sadd.s32 @!p0 $0x88, s6;
	s7 =	simm.s32 @p2 $0x1082  }
0x22: {  	[simem:s7], [sflag:s8] =	dma.local @!p0 [hbm:s6], $0xF7A  }
0x23: {  	s9 =	sor.u32 $0xD0000000, s2;
	s6 =	simm.s32 $0x108;
	_ =	swait.ge @!p0 [sflag:s8], $0x0  }
0x24: {  	s3 =	sadd.s32 $0x88, s3;
	s6 =	simm.s32 @!p1 $0x1082;
	[sflag:s4] =	ssyncset.s32 $0xFFFFF086  }
0x25: {  	[simem:s6], [sflag:s4] =	dma.local [hbm:s3], $0xF7A  }
0x26: {  	[smem:$0x3F94] =	sst s1;
	(tag) =	ssettag s2;
	_ =	strace s9  }
0x27: {  	s1 =	sld [smem:$0x3FA4]  }
0x28: {  	s2 =	sld [smem:$0x3FA5]  }
0x29: {  	s4 =	sld [smem:$0x3FA7]  }
0x2a: {  	p0 =	seq.s32 s5, $0x0;
	s5 =	sld [smem:$0x3FA8]  }
0x2b: {  	s6 =	sld [smem:$0x3FA9]  }
0x2c: {  	s7 =	sld [smem:$0x3FAA]  }
0x2d: {  	s3 =	simm.s32 $0x108;
	s8 =	sld [smem:$0x3FAB]  }
0x2e: {  	s3 =	simm.s32 @!p0 $0x1082;
	s9 =	sld [smem:$0x3FAC]  }
0x2f: {  	lr =	sadd.s32 s0, s3;
	s0 =	sld [smem:$0x3FA3]  }
0x30: {  	s3 =	sld [smem:$0x3FA6]  }
0x31: {  	[smem:$0x3FAF] =	sst s10  }
0x32: {  	s10 =	sld [smem:$0x3FAD];
	_ =	sdelay $0x3  }
0x33: {  	p0 =	seq.s32 s10, $0x1;
	s10 =	sld [smem:$0x3FAF];
	_ =	sdelay $0x3  }
0x34: {  	[smem:$0x3FAF] =	sst s10  }
0x35: {  	s10 =	sld [smem:$0x3FAE];
	_ =	sdelay $0x3  }
0x36: {  	p1 =	seq.s32 s10, $0x1;
	s10 =	sld [smem:$0x3FAF];
	_ =	sdelay $0x3  }
0x37: {  	[smem:$0x3FAF] =	sst s10  }
0x38: {  	s10 =	sld [smem:$0x3FB0]  }
0x39: {  	_ = 	snop;
	(pc) =	sbr.ind lr, $3  }
0x3a: {  	_ = 	snop  }
0x3b: {  	_ = 	snop  }
0x3c: {  	p2 =	seq.s32 s10, $0x1;
	s10 =	sld [smem:$0x3FAF]  }
0x3d: {  	_ =	shalt  }
0x3e: {  	_ =	shalt  }
0x3f: {  	_ =	shalt  }
0x40: {  	_ =	shalt  }
0x41: {  	_ =	shalt  }
0x42: {  	_ =	shalt  }
0x43: {  	_ =	shalt  }
0x44: {  	_ =	shalt  }
0x45: {  	_ =	shalt  }
0x46: {  	_ =	shalt  }
0x47: {  	_ =	shalt  }
0x48: {  	_ =	shalt  }
0x49: {  	_ =	shalt  }
0x4a: {  	_ =	shalt  }
0x4b: {  	_ =	shalt  }
0x4c: {  	_ =	shalt  }
0x4d: {  	_ =	shalt  }
0x4e: {  	_ =	shalt  }
0x4f: {  	_ =	shalt  }
0x50: {  	_ =	shalt  }
0x51: {  	_ =	shalt  }
0x52: {  	_ =	shalt  }
0x53: {  	_ =	shalt  }
0x54: {  	_ =	shalt  }
0x55: {  	_ =	shalt  }
0x56: {  	_ =	shalt  }
0x57: {  	_ =	shalt  }
0x58: {  	_ =	shalt  }
0x59: {  	_ =	shalt  }
0x5a: {  	_ =	shalt  }
0x5b: {  	_ =	shalt  }
0x5c: {  	_ =	shalt  }
0x5d: {  	_ =	shalt  }
0x5e: {  	_ =	shalt  }
0x5f: {  	_ =	shalt  }
0x60: {  	_ =	shalt  }
0x61: {  	_ =	shalt  }
0x62: {  	_ =	shalt  }
0x63: {  	_ =	shalt  }
0x64: {  	_ =	shalt  }
0x65: {  	_ =	shalt  }
0x66: {  	_ =	shalt  }
0x67: {  	_ =	shalt  }
0x68: {  	_ =	shalt  }
0x69: {  	_ =	shalt  }
0x6a: {  	_ =	shalt  }
0x6b: {  	_ =	shalt  }
0x6c: {  	_ =	shalt  }
0x6d: {  	_ =	shalt  }
0x6e: {  	_ =	shalt  }
0x6f: {  	_ =	shalt  }
0x70: {  	_ =	shalt  }
0x71: {  	_ =	shalt  }
0x72: {  	_ =	shalt  }
0x73: {  	_ =	shalt  }
0x74: {  	_ =	shalt  }
0x75: {  	_ =	shalt  }
0x76: {  	_ =	shalt  }
0x77: {  	_ =	shalt  }
0x78: {  	_ =	shalt  }
0x79: {  	_ =	shalt  }
0x7a: {  	_ =	shalt  }
0x7b: {  	_ =	shalt  }
0x7c: {  	_ =	shalt  }
0x7d: {  	_ =	shalt  }
0x7e: {  	_ =	shalt  }
0x7f: {  	_ =	shalt  }
0x80: {  	_ =	shalt  }
0x81: {  	_ =	shalt  }
0x82: {  	_ =	shalt  }
0x83: {  	_ =	shalt  }
0x84: {  	_ =	shalt  }
0x85: {  	_ =	shalt  }
0x86: {  	_ =	shalt  }
0x87: {  	_ =	shalt  }
.Lfunc_end0:
.L_simem_size_0:
called_computation.1_lowered:
.L_overlay_start_0:
0x88: {  	s2 =	sld [smem:$0x3FD9]  }
0x89: {  	s3 =	sld [smem:$0x3FFE];
	_ =	sdelay $0x1  }
0x8a: {  	s1 =	srdreg.scid  }
0x8b: {  	s0 =	sand.u32 $0x1, s1  }
0x8c: {  	s16 =	sshll.u32 s0, $0xA;
	s2 =	sadd.s32 s3, s2  }
0x8d: {  	s2 =	sadd.s32 s2, s16  }
0x8e: {  	[smem:$0x3FBB] =	sst s2  }
0x8f: {  	_ = 	snop  }
0x90: {  	(tm) =	ssettm $0x1  }
0x91: {  	s17 =	sld [smem:$0x3FFB];
	_ =	sdelay $0x3  }
0x92: {  	_ =	strace s17  }
0x93: {  	s2 =	sld [smem:$0x3FFC];
	_ =	sdelay $0x3  }
0x94: {  	_ =	strace s2  }
0x95: {  	s2 =	sld [smem:$0x3FFD];
	_ =	sdelay $0x3  }
0x96: {  	_ =	strace s2  }
0x97: {  	_ =	strace $0x8FFFFFFF  }
0x98: {  	s18 =	sld [smem:$0x3FDB];
	_ =	sdelay $0x1  }
0x99: {  	s19 =	simm.s32 $_scs_section_size  }
0x9a: {  	s4 =	simm.s32 $_size__tile_overlayer_lowered;
	s5 =	simm.s32 $_tile_overlayer_lowered  }
0x9b: {  	s22 =	simm.s32 $0x1BFF;
	s21 =	sshll.u32 s5, $0x1;
	s2 =	sadd.s32 s19, s18  }
0x9c: {  	s6 =	simm.s32 $0x0;
	s20 =	sshll.u32 s4, $0x1;
	s4 =	sadd.s32 s21, s2  }
0x9d: {  	[timem:s6], [sflag:s22] =	dma.local [hbm:s4], s20  }
0x9e: {  	_ =	swait.ge [sflag:s22], s20  }
0x9f: {  	s3 =	ssub.s32 $0x0, s20;
	[sflag:s22] =	ssyncset.done $0x0  }
0xa0: {  	[sflag:s22] =	ssyncadd.s32 s3;
	_ =	sdelay $0x1  }
0xa1: {  	s23 =	simm.s32 $0x1B8B  }
0xa2: {  	_ =	swait.ge [sflag:s23], $0x1  }
0xa3: {  	[sflag:s23] =	ssyncset.done $0x0  }
0xa4: {  	s25 =	simm.s32 $0x1B8E;
	s24 =	sld [smem:$0x3FFE];
	[sflag:s23] =	ssyncadd.s32 $0xFFFFFFFF  }
0xa5: {  	s26 =	simm.s32 $execute0_lowered;
	[smem:$0x3FD2] =	sst s25  }
0xa6: {  	s4 =	sshll.u32 s26, $0x1;
	_ =	strace $0x80000049;
	[dreg:$0x1] =	wrdreg $0xFFFFFFFF  }
0xa7: {  	s28 =	simm.s32 $_size_execute0_lowered;
	s2 =	sadd.s32 s2, s4;
	[dreg:$0x0] =	wrdreg $0x0  }
0xa8: {  	s4 =	sshll.u32 s28, $0x1;
	[dreg:$0x2] =	wrdreg s2  }
0xa9: {  	[dreg:$0x3] =	wrdreg s4  }
0xaa: {  	[dreg:$0x4] =	wrdreg $0xC0  }
0xab: {  	_ =	task [dreg:s6], $0x5FFFF  }
0xac: {  	[dreg:$0x1] =	wrdreg $0xFFFFFFFF  }
0xad: {  	[dreg:$0x0] =	wrdreg $0x60  }
0xae: {  	[dreg:$0x2] =	wrdreg s24  }
0xaf: {  	[dreg:$0x3] =	wrdreg $0x88000  }
0xb0: {  	[dreg:$0x4] =	wrdreg $0x9  }
0xb1: {  	_ =	task.clear_ibuf [dreg:s6], $0x5FFFF;
	_ =	strace $0x90000049  }
0xb2: {  	s29 =	simm.s32 $0x9;
	_ =	strace $0x8000004B  }
0xb3: {  	_ =	swait.ge [sflag:s29], $0x1  }
0xb4: {  	[sflag:s29] =	ssyncadd.s32 $0xFFFFFFFF  }
0xb5: {  	_ =	strace $0x9000004B  }
0xb6: {  	_ =	sfence  }
0xb7: {  	s30 =	sld [smem:$0x0];
	_ =	sdelay $0x2  }
0xb8: {  	s31 =	sshll.u32 s1, $0xD;
	s1 =	sshrl.u32 s1, $0x2  }
0xb9: {  	s3 =	sand.u32 $0x4000, s31;
	s1 =	sadd.s32 s1, s30  }
0xba: {  	s0 =	sor.u32 s3, s0;
	s1 =	sshll.u32 s1, $0x11  }
0xbb: {  	s0 =	sor.u32 s1, s0  }
0xbc: {  	s0 =	sadd.s32 $0x8F2B, s0  }
0xbd: {  	[sflag:s0] =	ssyncadd.remote.s32 $0x1  }
0xbe: {  	_ =	sfence.sel $0xFFFF  }
0xbf: {  	[dreg:$0x0] =	wrdreg $0xFFFFFFFF;
	(pc) =	sbr.abs _section_cstart, $3  }
0xc0: {  	[dreg:$0x1] =	wrdreg $0xFFFFFFFF  }
0xc1: {  	_ =	task.clear_ibuf [dreg:s6], $0x2FFFF;
	_ =	strace $0x9FFFFFFF  }
0xc2: {  	(tm) =	ssettm $0x7FFFFFFF  }
0xc3: {  	_ =	shalt  }
tec
execute0_lowered:
.L_overlay_start_1:
0x0: {  	(tag) =	ssettag $0x1  }
0x1: {  	s0 =	rddreg [dreg:$0x0]  }
0x2: {  	s1 =	rddreg [dreg:$0x1];
	s2 =	simm.s32 $0x0  }
0x3: {  	s3 =	srdreg.scid;
	s14 =	stileid.u32;
	s29 =	simm.s32 $0x8400  }
0x4: {  	s30 =	simm.s32 $0x9;
	s31 =	simm.s32 $0x3;
	s7 =	smul.u32 $0x4E000, s14  }
0x5: {  	[smem:$0x7FF] =	sst s2;
	s3 =	sand.u32 $0x1, s3;
	s12 =	smul.u32 $0x13800, s14  }
0x6: {  	s4 =	sshll.u32 s14, $0x1;
	s5 =	sadd.s32 $0x2E00, s0;
	s19 =	smul.u32 $0x4E20, s14  }
0x7: {  	p0 =	sne.s32 s14, $0x0;
	s14 =	simm.s32 $0x100;
	s28 =	smul.u32 $0x138800, s3  }
0x8: {  	s6 =	sor.u32 s3, s4;
	s9 =	ssub.s32 $0x2, s3;
	s3 =	smul.u32 $0x2710, s3  }
0x9: {  	_ =	strace $0x8000004A;
	s4 =	sadd.s32 $0xCC00, s0;
	s8 =	smul.u32 $0x2710, s6  }
0xa: {  	s6 =	sadd.s32 $0x16A00, s0;
	s10 =	sshrl.u32 s9, $0x1;
	s7 =	sshrl.u32 s7, $0x2  }
0xb: {  	s0 =	sadd.s32 $0x8BE00, s0;
	s9 =	ssub.s32 s9, s10;
	s7 =	sadd.s32 s7, s1  }
0xc: {  	s12 =	sadd.s32 s12, s28;
	s3 =	sadd.s32 s3, s19;
	s8 =	sshrl.u32 s8, $0x3  }
0xd: {  	s23 =	sshrl.u32 s12, $0x3;
	s24 =	sadd.s32 $0x380, s3;
	s16 =	sadd.s32 s4, s8  }
0xe: {  	s26 =	sadd.s32 $0x4E0, s8;
	s13 =	sadd.s32 s5, s8;
	[dreg:$0xb] =	wrdreg s16  }
0xf: {  	s17 =	sadd.s32 $0x10, s8;
	s11 =	sadd.s32 s4, s26;
	[dreg:$0xc] =	wrdreg s13  }
0x10: {  	s20 =	sadd.s32 $0x20, s8;
	s10 =	sadd.s32 s5, s26;
	[dreg:$0x9] =	wrdreg s11  }
0x11: {  	s21 =	sadd.s32 $0x30, s8;
	s18 =	sadd.s32 s4, s17;
	[dreg:$0xa] =	wrdreg s10  }
0x12: {  	s25 =	sshrl.u32 s24, $0x3;
	s15 =	sadd.s32 s4, s20;
	[dreg:$0xd] =	wrdreg s18  }
0x13: {  	s19 =	sadd.s32 $0x4C0, s8;
	s22 =	sadd.s32 s4, s21;
	[dreg:$0xf] =	wrdreg s15  }
0x14: {  	s8 =	sadd.s32 $0x4D0, s8;
	s26 =	sadd.s32 s25, s5;
	[dreg:$0x11] =	wrdreg s22  }
0x15: {  	s12 =	simm.s32 $0x280;
	s24 =	sadd.s32 s4, s8;
	[dreg:$0x3] =	wrdreg s26  }
0x16: {  	s16 =	sadd.s32 $0x280, s3;
	s8 =	sadd.s32 s5, s8;
	[dreg:$0x16] =	wrdreg s24  }
0x17: {  	s11 =	sadd.s32 s5, s17;
	s10 =	sshrl.u32 s28, $0x3;
	[dreg:$0x17] =	wrdreg s8  }
0x18: {  	s28 =	sadd.s32 $0x300, s3;
	s26 =	sadd.s32 $0x200, s3;
	[dreg:$0xe] =	wrdreg s11  }
0x19: {  	s18 =	sshrl.u32 s16, $0x3;
	s11 =	sadd.s32 s5, s20;
	[dreg:$0x1a] =	wrdreg s26  }
0x1a: {  	s16 =	simm.s32 $0x400;
	s20 =	sadd.s32 s18, s5;
	[dreg:$0x10] =	wrdreg s11  }
0x1b: {  	s24 =	simm.s32 $0x4;
	s22 =	sadd.s32 s18, s4;
	[dreg:$0x7] =	wrdreg s20  }
0x1c: {  	s13 =	sshrl.u32 s28, $0x3;
	s28 =	sadd.s32 $0x138400, s1;
	[dreg:$0x8] =	wrdreg s22  }
0x1d: {  	s3 =	simm.s32 $0x8;
	s26 =	sadd.s32 $0x138000, s1;
	[dreg:$0x1c] =	wrdreg s28  }
0x1e: {  	s18 =	simm.s32 $0x2;
	s11 =	sadd.s32 s5, s21;
	[dreg:$0x1b] =	wrdreg s26  }
0x1f: {  	s15 =	sadd.s32 s13, s5;
	s17 =	sadd.s32 s13, s4;
	[dreg:$0x12] =	wrdreg s11  }
0x20: {  	s21 =	sadd.s32 s4, s19;
	s13 =	simm.s32 $0x1;
	[dreg:$0x5] =	wrdreg s15  }
0x21: {  	s20 =	simm.s32 $0x380;
	s22 =	simm.s32 $0x6;
	[dreg:$0x6] =	wrdreg s17  }
0x22: {  	s11 =	sadd.s32 s0, s23;
	s0 =	sadd.s32 s0, s10;
	[dreg:$0x14] =	wrdreg s21  }
0x23: {  	s23 =	sadd.s32 s5, s19;
	s10 =	simm.s32 $0x200;
	[dreg:$0x13] =	wrdreg s11  }
0x24: {  	s15 =	simm.s32 $0x300;
	s11 =	sadd.s32 s25, s4;
	[dreg:$0x15] =	wrdreg s23  }
0x25: {  	s17 =	simm.s32 $0x5;
	s0 =	sadd.s32 $0x27000, s0;
	[dreg:$0x4] =	wrdreg s11  }
0x26: {  	s19 =	simm.s32 $0x180;
	s25 =	smax.u32 s9, $0x1;
	[dreg:$0x18] =	wrdreg s0  }
0x27: {  	s21 =	simm.s32 $0x4400;
	s23 =	simm.s32 $0x7;
	[dreg:$0x19] =	wrdreg s25  }
0x28: {  	v0 =	vimm.f32 $0.0e+00;
	s0 =	simm.s32 $0xA;
	s11 =	simm.s32 $0x80;
	s25 =	simm.s32 $0x0  }
.LBB2_1:
0x29: {  	[tilespmem:$0x8400] =	vst v0  }
0x2a: {  	[tilespmem:$0x8410] =	vst v0  }
0x2b: {  	[tilespmem:$0x8420] =	vst v0  }
0x2c: {  	[tilespmem:$0x8430] =	vst v0  }
0x2d: {  	[tilespmem:$0x8440] =	vst v0  }
0x2e: {  	[tilespmem:$0x8450] =	vst v0  }
0x2f: {  	[tilespmem:$0x8460] =	vst v0  }
0x30: {  	[tilespmem:$0x8470] =	vst v0  }
0x31: {  	[tilespmem:$0x8480] =	vst v0  }
0x32: {  	[tilespmem:$0x8490] =	vst v0  }
0x33: {  	[tilespmem:$0x84A0] =	vst v0  }
0x34: {  	[tilespmem:$0x84B0] =	vst v0  }
0x35: {  	[tilespmem:$0x84C0] =	vst v0  }
0x36: {  	[tilespmem:$0x84D0] =	vst v0  }
0x37: {  	[tilespmem:$0x84E0] =	vst v0  }
0x38: {  	[tilespmem:$0x84F0] =	vst v0  }
0x39: {  	[tilespmem:$0x8500] =	vst v0  }
0x3a: {  	[tilespmem:$0x8510] =	vst v0  }
0x3b: {  	[tilespmem:$0x8520] =	vst v0  }
0x3c: {  	[tilespmem:$0x8530] =	vst v0  }
0x3d: {  	[tilespmem:$0x8540] =	vst v0  }
0x3e: {  	[tilespmem:$0x8550] =	vst v0  }
0x3f: {  	[tilespmem:$0x8560] =	vst v0  }
0x40: {  	[tilespmem:$0x8570] =	vst v0  }
0x41: {  	[tilespmem:$0x8580] =	vst v0  }
0x42: {  	[tilespmem:$0x8590] =	vst v0  }
0x43: {  	[tilespmem:$0x85A0] =	vst v0  }
0x44: {  	[tilespmem:$0x85B0] =	vst v0  }
0x45: {  	[tilespmem:$0x85C0] =	vst v0  }
0x46: {  	[tilespmem:$0x85D0] =	vst v0  }
0x47: {  	[tilespmem:$0x85E0] =	vst v0  }
0x48: {  	[tilespmem:$0x85F0] =	vst v0  }
0x49: {  	[tilespmem:$0x8600] =	vst v0  }
0x4a: {  	[tilespmem:$0x8610] =	vst v0  }
0x4b: {  	[tilespmem:$0x8620] =	vst v0  }
0x4c: {  	[tilespmem:$0x8630] =	vst v0  }
0x4d: {  	[tilespmem:$0x8640] =	vst v0  }
0x4e: {  	[tilespmem:$0x8650] =	vst v0  }
0x4f: {  	[tilespmem:$0x8660] =	vst v0  }
0x50: {  	[tilespmem:$0x8670] =	vst v0  }
0x51: {  	[tilespmem:$0x8680] =	vst v0  }
0x52: {  	[tilespmem:$0x8690] =	vst v0  }
0x53: {  	[tilespmem:$0x86A0] =	vst v0  }
0x54: {  	[tilespmem:$0x86B0] =	vst v0  }
0x55: {  	[tilespmem:$0x86C0] =	vst v0  }
0x56: {  	[tilespmem:$0x86D0] =	vst v0  }
0x57: {  	[tilespmem:$0x86E0] =	vst v0  }
0x58: {  	[tilespmem:$0x86F0] =	vst v0  }
0x59: {  	[tilespmem:$0x8700] =	vst v0  }
0x5a: {  	[tilespmem:$0x8710] =	vst v0  }
0x5b: {  	[tilespmem:$0x8720] =	vst v0  }
0x5c: {  	[tilespmem:$0x8730] =	vst v0  }
0x5d: {  	[tilespmem:$0x8740] =	vst v0  }
0x5e: {  	[tilespmem:$0x8750] =	vst v0  }
0x5f: {  	[tilespmem:$0x8760] =	vst v0  }
0x60: {  	[tilespmem:$0x8770] =	vst v0  }
0x61: {  	[tilespmem:$0x8780] =	vst v0  }
0x62: {  	[tilespmem:$0x8790] =	vst v0  }
0x63: {  	[tilespmem:$0x87A0] =	vst v0  }
0x64: {  	[tilespmem:$0x87B0] =	vst v0  }
0x65: {  	[tilespmem:$0x87C0] =	vst v0  }
0x66: {  	[tilespmem:$0x87D0] =	vst v0  }
0x67: {  	[tilespmem:$0x87E0] =	vst v0  }
0x68: {  	[dreg:$0x1d] =	wrdreg s25;
	[tilespmem:$0x87F0] =	vst v0;
	s9 =	simm.s32 $0x1000;
	s25 =	sadd.s32 $0x0, s7  }
.LBB2_2:
0x69: {  	[spmem:s25] =	stream.linear.scatter [tilespmem:s29], [sflag:$0x9], $0x400, $0x38;
	[tilespmem:$0x1C980] =	vst v63  }
0x6a: {  	s25 =	smov.u32 s9;
	p1 =	sne.s32 s9, $0x4D000  }
.Ltmp0:
0x6b: {  	s9 =	sadd.s32 $0x1000, s9;
	(pc) =	sbr.rel @p1 .LBB2_2-.Ltmp0, $3  }
0x6c: {  	_ =	sdelay $0x1  }
0x6d: {  	s25 =	sshra.s32 s25, $0x2  }
0x6e: {  	s25 =	sadd.s32 s25, s7  }
0x6f: {  	[spmem:s25] =	stream.linear.scatter [tilespmem:s29], [sflag:$0x9], $0x400, $0x38;
	[tilespmem:$0x1C980] =	vst v63  }
0x70: {  	s9 =	simm.s32 @!p0 $0x8400  }
0x71: {  	[spmem:s26] =	stream.linear.scatter @!p0 [tilespmem:s9], [sflag:$0x9], $0x400, $0x38;
	[tilespmem:$0x1C980] =	vst v63  }
0x72: {  	s8 =	rddreg [dreg:$0x1c]  }
0x73: {  	[spmem:s8] =	stream.linear.scatter @!p0 [tilespmem:s9], [sflag:$0x9], $0x400, $0x38;
	[tilespmem:$0x1C980] =	vst v63  }
0x74: {  	_ =	swait.ge [sflag:s30], $0x400  }
0x75: {  	s9 =	simm.s32 $0x4D;
	[sflag:s30] =	ssyncset.done $0x0  }
.LBB2_4:
0x76: {  	p1 =	sne.s32 s9, $0x1;
	s9 =	sadd.s32 $0xFFFFFFFF, s9;
	[sflag:s30] =	ssyncadd.s32 $0xFFFFFC00  }
.Ltmp1:
0x77: {  	(pc) =	sbr.rel @p1 .LBB2_4-.Ltmp1, $3  }
0x78: {  	_ =	sdelay $0x1  }
0x79: {  	_ =	swait.ge [sflag:s30], $0x400  }
0x7a: {  	[sflag:s30] =	ssyncset.done $0x0  }
0x7b: {  	[sflag:s30] =	ssyncadd.s32 $0xFFFFFC00;
	s9 =	simm.s32 @!p0 $0x9  }
0x7c: {  	_ =	swait.ge @!p0 [sflag:s9], $0x400  }
0x7d: {  	[sflag:s9] =	ssyncset.done @!p0 $0x0  }
0x7e: {  	[sflag:s9] =	ssyncadd.s32 @!p0 $0xFFFFFC00  }
0x7f: {  	_ =	swait.ge @!p0 [sflag:s9], $0x400  }
0x80: {  	[sflag:s9] =	ssyncset.done @!p0 $0x0  }
0x81: {  	[sflag:s9] =	ssyncadd.s32 @!p0 $0xFFFFFC00  }
0x82: {  	[bflag:$0x0] =	sbarrier.arrive $0xFFFF  }
0x83: {  	s25 =	simm.s32 $0x1C080;
	s9 =	simm.s32 $0x0;
	s8 =	rddreg [dreg:$0x9]  }
0x84: {  	[tilespmem:s25], [sflag:$0xA] =	stream.linear.gather [hbm4b:s8+s9], $0x10, $0x38;
	[tilespmem:$0x1C980] =	vst v63  }
0x85: {  	_ =	swait.ge [sflag:s0], $0x10  }
0x86: {  	[sflag:s0] =	ssyncset.done $0x0  }
0x87: {  	s26 =	simm.s32 $0x1C100;
	s8 =	rddreg [dreg:$0xa];
	[sflag:s0] =	ssyncadd.s32 $0xFFFFFFF0  }
0x88: {  	[tilespmem:s26], [sflag:$0xA] =	stream.linear.gather [hbm4b:s8+s9], $0x10, $0x38;
	[tilespmem:$0x1C980] =	vst v63  }
0x89: {  	_ =	swait.ge [sflag:s0], $0x10  }
0x8a: {  	[sflag:s0] =	ssyncset.done $0x0  }
0x8b: {  	s28 =	simm.s32 $0x1C180;
	s8 =	simm.s32 $0x10;
	[sflag:s0] =	ssyncadd.s32 $0xFFFFFFF0  }
0x8c: {  	[tilespmem:s28], [sflag:$0xA] =	stream.indirect.gather [hbm4b:s6+s8], $0x80, s25, s8, $0xb8;
	[tilespmem:$0x1C980] =	vst v63  }
0x8d: {  	_ =	swait.ge [sflag:s0], $0x800  }
0x8e: {  	[sflag:s0] =	ssyncset.done $0x0  }
0x8f: {  	[sflag:s0] =	ssyncadd.s32 $0xFFFFF800  }
0x90: {  	[spmem:s1] =	stream.indirect.scatter.add.f32 [tilespmem:s28], [sflag:$0xA], $0x80, s26, s8, $0xb8;
	[tilespmem:$0x1C980] =	vst v63  }
0x91: {  	_ =	swait.ge [sflag:s0], $0x800  }
0x92: {  	[sflag:s0] =	ssyncset.done $0x0  }
0x93: {  	s26 =	rddreg [dreg:$0xb];
	[sflag:s0] =	ssyncadd.s32 $0xFFFFF800  }
0x94: {  	[tilespmem:s9], [sflag:$0x1] =	stream.linear.gather [hbm4b:s26+s9], $0x80, $0x38;
	[tilespmem:$0x1C980] =	vst v63  }
0x95: {  	s25 =	rddreg [dreg:$0xc]  }
0x96: {  	[tilespmem:s10], [sflag:$0x1] =	stream.linear.gather [hbm4b:s25+s9], $0x80, $0x38;
	[tilespmem:$0x1C980] =	vst v63  }
0x97: {  	s26 =	rddreg [dreg:$0xd]  }
0x98: {  	[tilespmem:s11], [sflag:$0x2] =	stream.linear.gather [hbm4b:s26+s9], $0x80, $0x38;
	[tilespmem:$0x1C980] =	vst v63  }
0x99: {  	s25 =	rddreg [dreg:$0xe]  }
0x9a: {  	[tilespmem:s12], [sflag:$0x2] =	stream.linear.gather [hbm4b:s25+s9], $0x80, $0x38;
	[tilespmem:$0x1C980] =	vst v63  }
0x9b: {  	_ =	swait.ge [sflag:s13], $0x80  }
0x9c: {  	[sflag:s13] =	ssyncset.done $0x0  }
0x9d: {  	[sflag:s13] =	ssyncadd.s32 $0xFFFFFF80  }
0x9e: {  	_ =	swait.ge [sflag:s13], $0x80  }
0x9f: {  	[sflag:s13] =	ssyncset.done $0x0  }
0xa0: {  	s26 =	rddreg [dreg:$0xf];
	[sflag:s13] =	ssyncadd.s32 $0xFFFFFF80  }
0xa1: {  	[tilespmem:s14], [sflag:$0x3] =	stream.linear.gather [hbm4b:s26+s9], $0x80, $0x38;
	[tilespmem:$0x1C980] =	vst v63  }
0xa2: {  	s25 =	rddreg [dreg:$0x10]  }
0xa3: {  	[tilespmem:s15], [sflag:$0x3] =	stream.linear.gather [hbm4b:s25+s9], $0x80, $0x38;
	[tilespmem:$0x1C980] =	vst v63  }
0xa4: {  	_ = 	snop  }
0xa5: {  	[tilespmem:s16], [sflag:$0x5] =	stream.indirect.gather [hbm4b:s6+s11], $0x80, s9, s11, $0xb8;
	[tilespmem:$0x1C980] =	vst v63  }
0xa6: {  	_ =	swait.ge [sflag:s17], $0x4000  }
0xa7: {  	[sflag:s17] =	ssyncset.done $0x0  }
0xa8: {  	[sflag:s17] =	ssyncadd.s32 $0xFFFFC000  }
0xa9: {  	[spmem:s1] =	stream.indirect.scatter.add.f32 [tilespmem:s16], [sflag:$0x7], $0x80, s10, s11, $0xb8;
	[tilespmem:$0x1C980] =	vst v63  }
0xaa: {  	_ =	swait.ge [sflag:s18], $0x80  }
0xab: {  	[sflag:s18] =	ssyncset.done $0x0  }
0xac: {  	[sflag:s18] =	ssyncadd.s32 $0xFFFFFF80  }
0xad: {  	_ =	swait.ge [sflag:s18], $0x80  }
0xae: {  	[sflag:s18] =	ssyncset.done $0x0  }
0xaf: {  	s26 =	rddreg [dreg:$0x11];
	[sflag:s18] =	ssyncadd.s32 $0xFFFFFF80  }
0xb0: {  	[tilespmem:s19], [sflag:$0x4] =	stream.linear.gather [hbm4b:s26+s9], $0x80, $0x38;
	[tilespmem:$0x1C980] =	vst v63  }
0xb1: {  	s25 =	rddreg [dreg:$0x12]  }
0xb2: {  	[tilespmem:s20], [sflag:$0x4] =	stream.linear.gather [hbm4b:s25+s9], $0x80, $0x38;
	[tilespmem:$0x1C980] =	vst v63  }
0xb3: {  	_ = 	snop  }
0xb4: {  	[tilespmem:s21], [sflag:$0x6] =	stream.indirect.gather [hbm4b:s6+s11], $0x80, s11, s11, $0xb8;
	[tilespmem:$0x1C980] =	vst v63  }
0xb5: {  	_ =	swait.ge [sflag:s22], $0x4000  }
0xb6: {  	[sflag:s22] =	ssyncset.done $0x0  }
0xb7: {  	[sflag:s22] =	ssyncadd.s32 $0xFFFFC000  }
0xb8: {  	[spmem:s1] =	stream.indirect.scatter.add.f32 [tilespmem:s21], [sflag:$0x8], $0x80, s12, s11, $0xb8;
	[tilespmem:$0x1C980] =	vst v63  }
0xb9: {  	_ =	swait.ge [sflag:s31], $0x80  }
0xba: {  	[sflag:s31] =	ssyncset.done $0x0  }
0xbb: {  	[sflag:s31] =	ssyncadd.s32 $0xFFFFFF80  }
0xbc: {  	_ =	swait.ge [sflag:s31], $0x80  }
0xbd: {  	[sflag:s31] =	ssyncset.done $0x0  }
0xbe: {  	[sflag:s31] =	ssyncadd.s32 $0xFFFFFF80  }
0xbf: {  	_ =	swait.ge [sflag:s23], $0x4000  }
0xc0: {  	s8 =	rddreg [dreg:$0x1a]  }
0xc1: {  	[sflag:s23] =	ssyncset.done $0x0;
	s9 =	sshrl.u32 s8, $0x3  }
0xc2: {  	[sflag:s23] =	ssyncadd.s32 $0xFFFFC000;
	s26 =	sadd.s32 s4, s9  }
0xc3: {  	[tilespmem:s2], [sflag:$0x1] =	stream.linear.gather [hbm4b:s26+s2], $0x80, $0x38;
	[tilespmem:$0x1C980] =	vst v63  }
0xc4: {  	s9 =	sadd.s32 s5, s9  }
0xc5: {  	[tilespmem:s10], [sflag:$0x1] =	stream.linear.gather [hbm4b:s9+s2], $0x80, $0x38;
	[tilespmem:$0x1C980] =	vst v63  }
0xc6: {  	_ = 	snop  }
0xc7: {  	[tilespmem:s16], [sflag:$0x5] =	stream.indirect.gather [hbm4b:s6+s11], $0x80, s14, s11, $0xb8;
	[tilespmem:$0x1C980] =	vst v63  }
0xc8: {  	_ =	swait.ge [sflag:s17], $0x4000  }
0xc9: {  	[sflag:s17] =	ssyncset.done $0x0  }
0xca: {  	[sflag:s17] =	ssyncadd.s32 $0xFFFFC000  }
0xcb: {  	[spmem:s1] =	stream.indirect.scatter.add.f32 [tilespmem:s16], [sflag:$0x7], $0x80, s15, s11, $0xb8;
	[tilespmem:$0x1C980] =	vst v63  }
0xcc: {  	_ =	swait.ge [sflag:s24], $0x80  }
0xcd: {  	[sflag:s24] =	ssyncset.done $0x0  }
0xce: {  	[sflag:s24] =	ssyncadd.s32 $0xFFFFFF80  }
0xcf: {  	_ =	swait.ge [sflag:s24], $0x80  }
0xd0: {  	[sflag:s24] =	ssyncset.done $0x0  }
0xd1: {  	[sflag:s24] =	ssyncadd.s32 $0xFFFFFF80  }
0xd2: {  	_ =	swait.ge [sflag:s3], $0x4000  }
0xd3: {  	s25 =	rddreg [dreg:$0x8];
	[sflag:s3] =	ssyncset.done $0x0  }
0xd4: {  	s26 =	rddreg [dreg:$0x7];
	[sflag:s3] =	ssyncadd.s32 $0xFFFFC000;
	s9 =	sadd.s32 $0x0, s25  }
0xd5: {  	[tilespmem:s11], [sflag:$0x2] =	stream.linear.gather [hbm4b:s9+s2], $0x80, $0x38;
	[tilespmem:$0x1C980] =	vst v63  }
0xd6: {  	s26 =	sadd.s32 $0x0, s26  }
0xd7: {  	[tilespmem:s12], [sflag:$0x2] =	stream.linear.gather [hbm4b:s26+s2], $0x80, $0x38;
	[tilespmem:$0x1C980] =	vst v63  }
0xd8: {  	_ = 	snop  }
0xd9: {  	[tilespmem:s21], [sflag:$0x6] =	stream.indirect.gather [hbm4b:s6+s11], $0x80, s19, s11, $0xb8;
	[tilespmem:$0x1C980] =	vst v63  }
0xda: {  	_ =	swait.ge [sflag:s22], $0x4000  }
0xdb: {  	[sflag:s22] =	ssyncset.done $0x0  }
0xdc: {  	[sflag:s22] =	ssyncadd.s32 $0xFFFFC000  }
0xdd: {  	[spmem:s1] =	stream.indirect.scatter.add.f32 [tilespmem:s21], [sflag:$0x8], $0x80, s20, s11, $0xb8;
	[tilespmem:$0x1C980] =	vst v63  }
0xde: {  	_ =	swait.ge [sflag:s13], $0x80  }
0xdf: {  	[sflag:s13] =	ssyncset.done $0x0  }
0xe0: {  	[sflag:s13] =	ssyncadd.s32 $0xFFFFFF80  }
0xe1: {  	_ =	swait.ge [sflag:s13], $0x80  }
0xe2: {  	[sflag:s13] =	ssyncset.done $0x0  }
0xe3: {  	[sflag:s13] =	ssyncadd.s32 $0xFFFFFF80  }
0xe4: {  	_ =	swait.ge [sflag:s23], $0x4000  }
0xe5: {  	s25 =	rddreg [dreg:$0x6];
	[sflag:s23] =	ssyncset.done $0x0  }
0xe6: {  	s26 =	rddreg [dreg:$0x5];
	[sflag:s23] =	ssyncadd.s32 $0xFFFFC000;
	s9 =	sadd.s32 $0x0, s25  }
0xe7: {  	[tilespmem:s14], [sflag:$0x3] =	stream.linear.gather [hbm4b:s9+s2], $0x80, $0x38;
	[tilespmem:$0x1C980] =	vst v63  }
0xe8: {  	s26 =	sadd.s32 $0x0, s26  }
0xe9: {  	[tilespmem:s15], [sflag:$0x3] =	stream.linear.gather [hbm4b:s26+s2], $0x80, $0x38;
	[tilespmem:$0x1C980] =	vst v63  }
0xea: {  	_ = 	snop  }
0xeb: {  	[tilespmem:s16], [sflag:$0x5] =	stream.indirect.gather [hbm4b:s6+s11], $0x80, s2, s11, $0xb8;
	[tilespmem:$0x1C980] =	vst v63  }
0xec: {  	_ =	swait.ge [sflag:s17], $0x4000  }
0xed: {  	[sflag:s17] =	ssyncset.done $0x0  }
0xee: {  	[sflag:s17] =	ssyncadd.s32 $0xFFFFC000  }
0xef: {  	[spmem:s1] =	stream.indirect.scatter.add.f32 [tilespmem:s16], [sflag:$0x7], $0x80, s10, s11, $0xb8;
	[tilespmem:$0x1C980] =	vst v63  }
0xf0: {  	_ =	swait.ge [sflag:s18], $0x80  }
0xf1: {  	[sflag:s18] =	ssyncset.done $0x0  }
0xf2: {  	[sflag:s18] =	ssyncadd.s32 $0xFFFFFF80  }
0xf3: {  	_ =	swait.ge [sflag:s18], $0x80  }
0xf4: {  	[sflag:s18] =	ssyncset.done $0x0  }
0xf5: {  	[sflag:s18] =	ssyncadd.s32 $0xFFFFFF80  }
0xf6: {  	_ =	swait.ge [sflag:s3], $0x4000  }
0xf7: {  	s25 =	rddreg [dreg:$0x4];
	[sflag:s3] =	ssyncset.done $0x0  }
0xf8: {  	s26 =	rddreg [dreg:$0x3];
	[sflag:s3] =	ssyncadd.s32 $0xFFFFC000;
	s9 =	sadd.s32 $0x0, s25  }
0xf9: {  	[tilespmem:s19], [sflag:$0x4] =	stream.linear.gather [hbm4b:s9+s2], $0x80, $0x38;
	[tilespmem:$0x1C980] =	vst v63  }
0xfa: {  	s26 =	sadd.s32 $0x0, s26  }
0xfb: {  	[tilespmem:s20], [sflag:$0x4] =	stream.linear.gather [hbm4b:s26+s2], $0x80, $0x38;
	[tilespmem:$0x1C980] =	vst v63  }
0xfc: {  	_ = 	snop  }
0xfd: {  	[tilespmem:s21], [sflag:$0x6] =	stream.indirect.gather [hbm4b:s6+s11], $0x80, s11, s11, $0xb8;
	[tilespmem:$0x1C980] =	vst v63  }
0xfe: {  	_ =	swait.ge [sflag:s22], $0x4000  }
0xff: {  	[sflag:s22] =	ssyncset.done $0x0  }
0x100: {  	s28 =	sadd.s32 $0x200, s8;
	s9 =	simm.s32 $0x40;
	[sflag:s22] =	ssyncadd.s32 $0xFFFFC000  }
.LBB2_6:
0x101: {  	[spmem:s1] =	stream.indirect.scatter.add.f32 [tilespmem:s21], [sflag:$0x8], $0x80, s12, s11, $0xb8;
	[tilespmem:$0x1C980] =	vst v63  }
0x102: {  	_ =	swait.ge [sflag:s31], $0x80  }
0x103: {  	[sflag:s31] =	ssyncset.done $0x0  }
0x104: {  	[sflag:s31] =	ssyncadd.s32 $0xFFFFFF80  }
0x105: {  	_ =	swait.ge [sflag:s31], $0x80  }
0x106: {  	[sflag:s31] =	ssyncset.done $0x0  }
0x107: {  	[sflag:s31] =	ssyncadd.s32 $0xFFFFFF80  }
0x108: {  	_ =	swait.ge [sflag:s23], $0x4000  }
0x109: {  	s26 =	sshrl.u32 s28, $0x3;
	[sflag:s23] =	ssyncset.done $0x0  }
0x10a: {  	s8 =	sadd.s32 s4, s26;
	[sflag:s23] =	ssyncadd.s32 $0xFFFFC000  }
0x10b: {  	[tilespmem:s2], [sflag:$0x1] =	stream.linear.gather [hbm4b:s8+s2], $0x80, $0x38;
	[tilespmem:$0x1C980] =	vst v63  }
0x10c: {  	s26 =	sadd.s32 s5, s26  }
0x10d: {  	[tilespmem:s10], [sflag:$0x1] =	stream.linear.gather [hbm4b:s26+s2], $0x80, $0x38;
	[tilespmem:$0x1C980] =	vst v63  }
0x10e: {  	_ = 	snop  }
0x10f: {  	[tilespmem:s16], [sflag:$0x5] =	stream.indirect.gather [hbm4b:s6+s11], $0x80, s14, s11, $0xb8;
	[tilespmem:$0x1C980] =	vst v63  }
0x110: {  	_ =	swait.ge [sflag:s17], $0x4000  }
0x111: {  	[sflag:s17] =	ssyncset.done $0x0  }
0x112: {  	[sflag:s17] =	ssyncadd.s32 $0xFFFFC000  }
0x113: {  	[spmem:s1] =	stream.indirect.scatter.add.f32 [tilespmem:s16], [sflag:$0x7], $0x80, s15, s11, $0xb8;
	[tilespmem:$0x1C980] =	vst v63  }
0x114: {  	_ =	swait.ge [sflag:s24], $0x80  }
0x115: {  	[sflag:s24] =	ssyncset.done $0x0  }
0x116: {  	[sflag:s24] =	ssyncadd.s32 $0xFFFFFF80  }
0x117: {  	_ =	swait.ge [sflag:s24], $0x80  }
0x118: {  	[sflag:s24] =	ssyncset.done $0x0  }
0x119: {  	[sflag:s24] =	ssyncadd.s32 $0xFFFFFF80  }
0x11a: {  	_ =	swait.ge [sflag:s3], $0x4000  }
0x11b: {  	s25 =	smov.u32 s9;
	s8 =	rddreg [dreg:$0x8];
	[sflag:s3] =	ssyncset.done $0x0  }
0x11c: {  	s26 =	rddreg [dreg:$0x7];
	[sflag:s3] =	ssyncadd.s32 $0xFFFFC000;
	s8 =	sadd.s32 s25, s8  }
0x11d: {  	[tilespmem:s11], [sflag:$0x2] =	stream.linear.gather [hbm4b:s8+s2], $0x80, $0x38;
	[tilespmem:$0x1C980] =	vst v63  }
0x11e: {  	s26 =	sadd.s32 s25, s26  }
0x11f: {  	[tilespmem:s12], [sflag:$0x2] =	stream.linear.gather [hbm4b:s26+s2], $0x80, $0x38;
	[tilespmem:$0x1C980] =	vst v63  }
0x120: {  	_ = 	snop  }
0x121: {  	[tilespmem:s21], [sflag:$0x6] =	stream.indirect.gather [hbm4b:s6+s11], $0x80, s19, s11, $0xb8;
	[tilespmem:$0x1C980] =	vst v63  }
0x122: {  	_ =	swait.ge [sflag:s22], $0x4000  }
0x123: {  	[sflag:s22] =	ssyncset.done $0x0  }
0x124: {  	[sflag:s22] =	ssyncadd.s32 $0xFFFFC000  }
0x125: {  	[spmem:s1] =	stream.indirect.scatter.add.f32 [tilespmem:s21], [sflag:$0x8], $0x80, s20, s11, $0xb8;
	[tilespmem:$0x1C980] =	vst v63  }
0x126: {  	_ =	swait.ge [sflag:s13], $0x80  }
0x127: {  	[sflag:s13] =	ssyncset.done $0x0  }
0x128: {  	[sflag:s13] =	ssyncadd.s32 $0xFFFFFF80  }
0x129: {  	_ =	swait.ge [sflag:s13], $0x80  }
0x12a: {  	[sflag:s13] =	ssyncset.done $0x0  }
0x12b: {  	[sflag:s13] =	ssyncadd.s32 $0xFFFFFF80  }
0x12c: {  	_ =	swait.ge [sflag:s23], $0x4000  }
0x12d: {  	s8 =	rddreg [dreg:$0x6];
	[sflag:s23] =	ssyncset.done $0x0  }
0x12e: {  	s26 =	rddreg [dreg:$0x5];
	[sflag:s23] =	ssyncadd.s32 $0xFFFFC000;
	s8 =	sadd.s32 s25, s8  }
0x12f: {  	[tilespmem:s14], [sflag:$0x3] =	stream.linear.gather [hbm4b:s8+s2], $0x80, $0x38;
	[tilespmem:$0x1C980] =	vst v63  }
0x130: {  	s26 =	sadd.s32 s25, s26  }
0x131: {  	[tilespmem:s15], [sflag:$0x3] =	stream.linear.gather [hbm4b:s26+s2], $0x80, $0x38;
	[tilespmem:$0x1C980] =	vst v63  }
0x132: {  	_ = 	snop  }
0x133: {  	[tilespmem:s16], [sflag:$0x5] =	stream.indirect.gather [hbm4b:s6+s11], $0x80, s2, s11, $0xb8;
	[tilespmem:$0x1C980] =	vst v63  }
0x134: {  	_ =	swait.ge [sflag:s17], $0x4000  }
0x135: {  	[sflag:s17] =	ssyncset.done $0x0  }
0x136: {  	[sflag:s17] =	ssyncadd.s32 $0xFFFFC000  }
0x137: {  	[spmem:s1] =	stream.indirect.scatter.add.f32 [tilespmem:s16], [sflag:$0x7], $0x80, s10, s11, $0xb8;
	[tilespmem:$0x1C980] =	vst v63  }
0x138: {  	_ =	swait.ge [sflag:s18], $0x80  }
0x139: {  	[sflag:s18] =	ssyncset.done $0x0  }
0x13a: {  	[sflag:s18] =	ssyncadd.s32 $0xFFFFFF80  }
0x13b: {  	_ =	swait.ge [sflag:s18], $0x80  }
0x13c: {  	[sflag:s18] =	ssyncset.done $0x0  }
0x13d: {  	[sflag:s18] =	ssyncadd.s32 $0xFFFFFF80  }
0x13e: {  	_ =	swait.ge [sflag:s3], $0x4000  }
0x13f: {  	s8 =	rddreg [dreg:$0x4];
	[sflag:s3] =	ssyncset.done $0x0  }
0x140: {  	s26 =	rddreg [dreg:$0x3];
	[sflag:s3] =	ssyncadd.s32 $0xFFFFC000;
	s8 =	sadd.s32 s25, s8  }
0x141: {  	[tilespmem:s19], [sflag:$0x4] =	stream.linear.gather [hbm4b:s8+s2], $0x80, $0x38;
	[tilespmem:$0x1C980] =	vst v63  }
0x142: {  	p1 =	sne.s32 s9, $0x440;
	s26 =	sadd.s32 s25, s26  }
0x143: {  	[tilespmem:s20], [sflag:$0x4] =	stream.linear.gather [hbm4b:s26+s2], $0x80, $0x38;
	[tilespmem:$0x1C980] =	vst v63  }
.Ltmp2:
0x144: {  	_ = 	snop;
	(pc) =	sbr.rel @p1 .LBB2_6-.Ltmp2, $4  }
0x145: {  	[tilespmem:s21], [sflag:$0x6] =	stream.indirect.gather [hbm4b:s6+s11], $0x80, s11, s11, $0xb8;
	[tilespmem:$0x1C980] =	vst v63  }
0x146: {  	_ =	swait.ge [sflag:s22], $0x4000  }
0x147: {  	[sflag:s22] =	ssyncset.done $0x0  }
0x148: {  	s9 =	sadd.s32 $0x40, s9;
	s28 =	sadd.s32 $0x200, s28;
	[sflag:s22] =	ssyncadd.s32 $0xFFFFC000  }
0x149: {  	[spmem:s1] =	stream.indirect.scatter.add.f32 [tilespmem:s21], [sflag:$0x8], $0x80, s12, s11, $0xb8;
	[tilespmem:$0x1C980] =	vst v63  }
0x14a: {  	_ =	swait.ge [sflag:s31], $0x80  }
0x14b: {  	[sflag:s31] =	ssyncset.done $0x0  }
0x14c: {  	[sflag:s31] =	ssyncadd.s32 $0xFFFFFF80  }
0x14d: {  	_ =	swait.ge [sflag:s31], $0x80  }
0x14e: {  	[sflag:s31] =	ssyncset.done $0x0  }
0x14f: {  	[sflag:s31] =	ssyncadd.s32 $0xFFFFFF80  }
0x150: {  	_ =	swait.ge [sflag:s23], $0x4000  }
0x151: {  	[sflag:s23] =	ssyncset.done $0x0  }
0x152: {  	s8 =	rddreg [dreg:$0x14];
	[sflag:s23] =	ssyncadd.s32 $0xFFFFC000  }
0x153: {  	[tilespmem:s2], [sflag:$0x1] =	stream.linear.gather [hbm4b:s8+s2], $0x80, $0x38;
	[tilespmem:$0x1C980] =	vst v63  }
0x154: {  	s9 =	rddreg [dreg:$0x15]  }
0x155: {  	[tilespmem:s10], [sflag:$0x1] =	stream.linear.gather [hbm4b:s9+s2], $0x80, $0x38;
	[tilespmem:$0x1C980] =	vst v63  }
0x156: {  	_ = 	snop  }
0x157: {  	[tilespmem:s16], [sflag:$0x5] =	stream.indirect.gather [hbm4b:s6+s11], $0x80, s14, s11, $0xb8;
	[tilespmem:$0x1C980] =	vst v63  }
0x158: {  	_ =	swait.ge [sflag:s17], $0x4000  }
0x159: {  	[sflag:s17] =	ssyncset.done $0x0  }
0x15a: {  	[sflag:s17] =	ssyncadd.s32 $0xFFFFC000  }
0x15b: {  	[spmem:s1] =	stream.indirect.scatter.add.f32 [tilespmem:s16], [sflag:$0x7], $0x80, s15, s11, $0xb8;
	[tilespmem:$0x1C980] =	vst v63  }
0x15c: {  	_ =	swait.ge [sflag:s24], $0x80  }
0x15d: {  	[sflag:s24] =	ssyncset.done $0x0  }
0x15e: {  	[sflag:s24] =	ssyncadd.s32 $0xFFFFFF80  }
0x15f: {  	_ =	swait.ge [sflag:s24], $0x80  }
0x160: {  	[sflag:s24] =	ssyncset.done $0x0  }
0x161: {  	[sflag:s24] =	ssyncadd.s32 $0xFFFFFF80  }
0x162: {  	_ =	swait.ge [sflag:s3], $0x4000  }
0x163: {  	[sflag:s3] =	ssyncset.done $0x0  }
0x164: {  	s25 =	rddreg [dreg:$0x16];
	[sflag:s3] =	ssyncadd.s32 $0xFFFFC000  }
0x165: {  	[tilespmem:s11], [sflag:$0x2] =	stream.linear.gather [hbm4b:s25+s2], $0x80, $0x38;
	[tilespmem:$0x1C980] =	vst v63  }
0x166: {  	s26 =	rddreg [dreg:$0x17]  }
0x167: {  	[tilespmem:s12], [sflag:$0x2] =	stream.linear.gather [hbm4b:s26+s2], $0x80, $0x38;
	[tilespmem:$0x1C980] =	vst v63  }
0x168: {  	_ = 	snop  }
0x169: {  	[tilespmem:s21], [sflag:$0x6] =	stream.indirect.gather [hbm4b:s6+s11], $0x80, s19, s11, $0xb8;
	[tilespmem:$0x1C980] =	vst v63  }
0x16a: {  	_ =	swait.ge [sflag:s22], $0x4000  }
0x16b: {  	[sflag:s22] =	ssyncset.done $0x0  }
0x16c: {  	[sflag:s22] =	ssyncadd.s32 $0xFFFFC000  }
0x16d: {  	[spmem:s1] =	stream.indirect.scatter.add.f32 [tilespmem:s21], [sflag:$0x8], $0x80, s20, s11, $0xb8;
	[tilespmem:$0x1C980] =	vst v63  }
0x16e: {  	_ =	swait.ge [sflag:s13], $0x80  }
0x16f: {  	[sflag:s13] =	ssyncset.done $0x0  }
0x170: {  	[sflag:s13] =	ssyncadd.s32 $0xFFFFFF80  }
0x171: {  	_ =	swait.ge [sflag:s13], $0x80  }
0x172: {  	[sflag:s13] =	ssyncset.done $0x0  }
0x173: {  	[sflag:s13] =	ssyncadd.s32 $0xFFFFFF80  }
0x174: {  	_ =	swait.ge [sflag:s23], $0x4000  }
0x175: {  	[sflag:s23] =	ssyncset.done $0x0  }
0x176: {  	[sflag:s23] =	ssyncadd.s32 $0xFFFFC000  }
0x177: {  	[tilespmem:s16], [sflag:$0x5] =	stream.indirect.gather [hbm4b:s6+s11], $0x80, s2, s11, $0xb8;
	[tilespmem:$0x1C980] =	vst v63  }
0x178: {  	_ =	swait.ge [sflag:s17], $0x4000  }
0x179: {  	[sflag:s17] =	ssyncset.done $0x0  }
0x17a: {  	[sflag:s17] =	ssyncadd.s32 $0xFFFFC000  }
0x17b: {  	[spmem:s1] =	stream.indirect.scatter.add.f32 [tilespmem:s16], [sflag:$0x7], $0x80, s10, s11, $0xb8;
	[tilespmem:$0x1C980] =	vst v63  }
0x17c: {  	_ =	swait.ge [sflag:s18], $0x80  }
0x17d: {  	[sflag:s18] =	ssyncset.done $0x0  }
0x17e: {  	[sflag:s18] =	ssyncadd.s32 $0xFFFFFF80  }
0x17f: {  	_ =	swait.ge [sflag:s18], $0x80  }
0x180: {  	[sflag:s18] =	ssyncset.done $0x0  }
0x181: {  	[sflag:s18] =	ssyncadd.s32 $0xFFFFFF80  }
0x182: {  	_ =	swait.ge [sflag:s3], $0x4000  }
0x183: {  	[sflag:s3] =	ssyncset.done $0x0  }
0x184: {  	[sflag:s3] =	ssyncadd.s32 $0xFFFFC000  }
0x185: {  	[tilespmem:s21], [sflag:$0x6] =	stream.indirect.gather [hbm4b:s6+s11], $0x80, s11, s11, $0xb8;
	[tilespmem:$0x1C980] =	vst v63  }
0x186: {  	_ =	swait.ge [sflag:s22], $0x4000  }
0x187: {  	[sflag:s22] =	ssyncset.done $0x0  }
0x188: {  	[sflag:s22] =	ssyncadd.s32 $0xFFFFC000  }
0x189: {  	[spmem:s1] =	stream.indirect.scatter.add.f32 [tilespmem:s21], [sflag:$0x8], $0x80, s12, s11, $0xb8;
	[tilespmem:$0x1C980] =	vst v63  }
0x18a: {  	_ =	swait.ge [sflag:s23], $0x4000  }
0x18b: {  	[sflag:s23] =	ssyncset.done $0x0  }
0x18c: {  	[sflag:s23] =	ssyncadd.s32 $0xFFFFC000  }
0x18d: {  	_ =	swait.ge [sflag:s3], $0x4000  }
0x18e: {  	[sflag:s3] =	ssyncset.done $0x0  }
0x18f: {  	s28 =	stileid.u32;
	[sflag:s3] =	ssyncadd.s32 $0xFFFFC000  }
0x190: {  	s8 =	sshll.u32 s28, $0x6;
	[bflag:$0x0] =	sbarrier.arrive $0xFFFF  }
0x191: {  	s8 =	sor.u32 $0x1C0A, s8;
	s9 =	sshrl.u32 s7, $0x3;
	s25 =	rddreg [dreg:$0x13]  }
0x192: {  	[hbm:s25], [sflag:s8] =	dma.local [spmem:s9], $0x2700  }
0x193: {  	_ =	swait.ge [sflag:s0], $0x2700  }
0x194: {  	[sflag:s0] =	ssyncset.done $0x0;
	s26 =	rddreg [dreg:$0x1b]  }
0x195: {  	s25 =	rddreg [dreg:$0x18];
	[sflag:s0] =	ssyncadd.s32 $0xFFFFD900;
	s9 =	sshrl.u32 @!p0 s26, $0x3  }
0x196: {  	[hbm:s25], [sflag:s8] =	dma.local @!p0 [spmem:s9], $0x100  }
0x197: {  	s8 =	simm.s32 @!p0 $0xA  }
0x198: {  	_ =	swait.ge @!p0 [sflag:s8], $0x100  }
0x199: {  	s9 =	rddreg [dreg:$0x1d]  }
0x19a: {  	s28 =	rddreg [dreg:$0x19];
	s25 =	sadd.s32 $0x1, s9  }
0x19b: {  	p1 =	sne.s32 s25, s28  }
.Ltmp3:
0x19c: {  	_ = 	snop;
	(pc) =	sbr.rel @p1 .LBB2_1-.Ltmp3, $3  }
0x19d: {  	_ =	sdelay $0x1  }
0x19e: {  	[sflag:s8] =	ssyncset.done @!p0 $0x0  }
0x19f: {  	[sflag:s8] =	ssyncadd.s32 @!p0 $0xFFFFFF00  }
0x1a0: {  	_ =	sfence.sel $0x180000  }
0x1a1: {  	[bflag:$0x0] =	sbarrier.arrive $0xFFFF  }
0x1a2: {  	_ =	strace $0x9000004A  }
0x1a3: {  	[bflag:$0x2] =	sbarrier.arrive $0xFFFF  }
0x1a4: {  	s0 =	rddreg [dreg:$0x2]  }
0x1a5: {  	s0 =	sadd.s32 @!p0 $0x100000, s0  }
0x1a6: {  	[sflag:s0] =	ssyncadd.tile.s32 @!p0 $0x1;
	_ =	shalt  }
.Lfunc_end2:
_tile_overlayer_lowered:
.L_overlay_start_2:
0x1a7: {  	(tag) =	ssettag $0x2  }
0x1a8: {  	s0 =	rddreg [dreg:$0x0];
	s2 =	stileid.u32  }
0x1a9: {  	s1 =	rddreg [dreg:$0x1];
	p0 =	sne.s32 s2, $0x0  }
0x1aa: {  	s3 =	rddreg [dreg:$0x2];
	[bflag:$0x3] =	sbarrier.arrive $0xFFFF;
	s2 =	simm.s32 @!p0 $0x1C0A  }
0x1ab: {  	[timem:s3], [sflag:s2] =	dma.local @!p0 [hbm:s0], s1  }
0x1ac: {  	s0 =	simm.s32 @!p0 $0xA  }
0x1ad: {  	_ =	swait.ge @!p0 [sflag:s0], s1  }
0x1ae: {  	s1 =	ssub.s32 @!p0 $0x0, s1;
	[sflag:s0] =	ssyncset.done @!p0 $0x0  }
0x1af: {  	[sflag:s0] =	ssyncadd.s32 @!p0 s1  }
0x1b0: {  	[bflag:$0x3] =	sbarrier.arrive $0xFFFF  }
0x1b1: {  	_ =	shalt  }

// kernel: kernel.18.cloned.1.call-start
scs
__scs_entry_jumppad:
0x0: {  	(pc) =	sbr.rel $0x88, $3  }
0x1: {  	(tag) =	ssettag $0x0;
	lr =	simm.s32 $0x1  }
0x2: {  	[smem:$0x3F94] =	sst lr;
	_ =	strace $0xD0000000  }
0x3: {  	_ = 	snop  }
0x4: {  	_ = 	snop  }
0x5: {  	_ = 	snop  }
0x6: {  	_ = 	snop  }
0x7: {  	_ = 	snop  }
__scs_overlays_trampoline_lowered:
0x8: {  	[smem:$0x3FA3] =	sst s0  }
0x9: {  	[smem:$0x3FA4] =	sst s1  }
0xa: {  	[smem:$0x3FA5] =	sst s2  }
0xb: {  	[smem:$0x3FA6] =	sst s3  }
0xc: {  	[smem:$0x3FA7] =	sst s4  }
0xd: {  	[smem:$0x3FA8] =	sst s5  }
0xe: {  	[smem:$0x3FA9] =	sst s6  }
0xf: {  	[smem:$0x3FAA] =	sst s7  }
0x10: {  	[smem:$0x3FAB] =	sst s8  }
0x11: {  	[smem:$0x3FAC] =	sst s9;
	s0 =	simm.s32 @!p0 $0x0  }
0x12: {  	s1 =	sld [smem:$0x3F92];
	s0 =	simm.s32 @p0 $0x1  }
0x13: {  	[smem:$0x3FAD] =	sst s0;
	s0 =	simm.s32 @!p1 $0x0  }
0x14: {  	s2 =	sld [smem:$0x3F91];
	s0 =	simm.s32 @p1 $0x1  }
0x15: {  	[smem:$0x3FAE] =	sst s0;
	s0 =	simm.s32 @!p2 $0x0  }
0x16: {  	s3 =	sld [smem:$0x3FDB];
	s0 =	simm.s32 @p2 $0x1  }
0x17: {  	s4 =	simm.s32 $0x1BF5;
	[smem:$0x3FB0] =	sst s0  }
0x18: {  	s0 =	sld [smem:$0x3F93];
	_ =	swait.ge [sflag:s4], $0x0  }
0x19: {  	s7 =	sld [smem:$0x3F94]  }
0x1a: {  	s8 =	sadd.s32 $0xFFFFE003, lr  }
0x1b: {  	s9 =	sadd.s32 $0xFFFFFEF7, lr;
	s5 =	simm.s32 $0xFFFFFFFF;
	p2 =	slt.u32 s8, $0xFFFFF086  }
0x1c: {  	p1 =	slt.u32 s9, $0xF7A;
	s5 =	simm.s32 @!p2 $0x0  }
0x1d: {  	s5 =	simm.s32 @p1 $0x1;
	p0 =	seq.s32 s7, s2  }
0x1e: {  	s7 =	smul.u32 @!p0 $0xF7A, s2;
	p2 =	seq.s32 @!p0 s5, $0x0  }
0x1f: {  	s9 =	smul.u32 $0xF7A, s1;
	s8 =	simm.s32 @!p0 $0x1BF5;
	p2 =	por !p2, p0  }
0x20: {  	[sflag:s8] =	ssyncset.s32 @!p0 $0xFFFFF086;
	s6 =	sadd.s32 @!p0 s3, s7;
	s7 =	simm.s32 @!p0 $0x108  }
0x21: {  	s3 =	sadd.s32 s3, s9;
	s6 =	sadd.s32 @!p0 $0x88, s6;
	s7 =	simm.s32 @p2 $0x1082  }
0x22: {  	[simem:s7], [sflag:s8] =	dma.local @!p0 [hbm:s6], $0xF7A  }
0x23: {  	s9 =	sor.u32 $0xD0000000, s2;
	s6 =	simm.s32 $0x108;
	_ =	swait.ge @!p0 [sflag:s8], $0x0  }
0x24: {  	s3 =	sadd.s32 $0x88, s3;
	s6 =	simm.s32 @!p1 $0x1082;
	[sflag:s4] =	ssyncset.s32 $0xFFFFF086  }
0x25: {  	[simem:s6], [sflag:s4] =	dma.local [hbm:s3], $0xF7A  }
0x26: {  	[smem:$0x3F94] =	sst s1;
	(tag) =	ssettag s2;
	_ =	strace s9  }
0x27: {  	s1 =	sld [smem:$0x3FA4]  }
0x28: {  	s2 =	sld [smem:$0x3FA5]  }
0x29: {  	s4 =	sld [smem:$0x3FA7]  }
0x2a: {  	p0 =	seq.s32 s5, $0x0;
	s5 =	sld [smem:$0x3FA8]  }
0x2b: {  	s6 =	sld [smem:$0x3FA9]  }
0x2c: {  	s7 =	sld [smem:$0x3FAA]  }
0x2d: {  	s3 =	simm.s32 $0x108;
	s8 =	sld [smem:$0x3FAB]  }
0x2e: {  	s3 =	simm.s32 @!p0 $0x1082;
	s9 =	sld [smem:$0x3FAC]  }
0x2f: {  	lr =	sadd.s32 s0, s3;
	s0 =	sld [smem:$0x3FA3]  }
0x30: {  	s3 =	sld [smem:$0x3FA6]  }
0x31: {  	[smem:$0x3FAF] =	sst s10  }
0x32: {  	s10 =	sld [smem:$0x3FAD];
	_ =	sdelay $0x3  }
0x33: {  	p0 =	seq.s32 s10, $0x1;
	s10 =	sld [smem:$0x3FAF];
	_ =	sdelay $0x3  }
0x34: {  	[smem:$0x3FAF] =	sst s10  }
0x35: {  	s10 =	sld [smem:$0x3FAE];
	_ =	sdelay $0x3  }
0x36: {  	p1 =	seq.s32 s10, $0x1;
	s10 =	sld [smem:$0x3FAF];
	_ =	sdelay $0x3  }
0x37: {  	[smem:$0x3FAF] =	sst s10  }
0x38: {  	s10 =	sld [smem:$0x3FB0]  }
0x39: {  	_ = 	snop;
	(pc) =	sbr.ind lr, $3  }
0x3a: {  	_ = 	snop  }
0x3b: {  	_ = 	snop  }
0x3c: {  	p2 =	seq.s32 s10, $0x1;
	s10 =	sld [smem:$0x3FAF]  }
0x3d: {  	_ =	shalt  }
0x3e: {  	_ =	shalt  }
0x3f: {  	_ =	shalt  }
0x40: {  	_ =	shalt  }
0x41: {  	_ =	shalt  }
0x42: {  	_ =	shalt  }
0x43: {  	_ =	shalt  }
0x44: {  	_ =	shalt  }
0x45: {  	_ =	shalt  }
0x46: {  	_ =	shalt  }
0x47: {  	_ =	shalt  }
0x48: {  	_ =	shalt  }
0x49: {  	_ =	shalt  }
0x4a: {  	_ =	shalt  }
0x4b: {  	_ =	shalt  }
0x4c: {  	_ =	shalt  }
0x4d: {  	_ =	shalt  }
0x4e: {  	_ =	shalt  }
0x4f: {  	_ =	shalt  }
0x50: {  	_ =	shalt  }
0x51: {  	_ =	shalt  }
0x52: {  	_ =	shalt  }
0x53: {  	_ =	shalt  }
0x54: {  	_ =	shalt  }
0x55: {  	_ =	shalt  }
0x56: {  	_ =	shalt  }
0x57: {  	_ =	shalt  }
0x58: {  	_ =	shalt  }
0x59: {  	_ =	shalt  }
0x5a: {  	_ =	shalt  }
0x5b: {  	_ =	shalt  }
0x5c: {  	_ =	shalt  }
0x5d: {  	_ =	shalt  }
0x5e: {  	_ =	shalt  }
0x5f: {  	_ =	shalt  }
0x60: {  	_ =	shalt  }
0x61: {  	_ =	shalt  }
0x62: {  	_ =	shalt  }
0x63: {  	_ =	shalt  }
0x64: {  	_ =	shalt  }
0x65: {  	_ =	shalt  }
0x66: {  	_ =	shalt  }
0x67: {  	_ =	shalt  }
0x68: {  	_ =	shalt  }
0x69: {  	_ =	shalt  }
0x6a: {  	_ =	shalt  }
0x6b: {  	_ =	shalt  }
0x6c: {  	_ =	shalt  }
0x6d: {  	_ =	shalt  }
0x6e: {  	_ =	shalt  }
0x6f: {  	_ =	shalt  }
0x70: {  	_ =	shalt  }
0x71: {  	_ =	shalt  }
0x72: {  	_ =	shalt  }
0x73: {  	_ =	shalt  }
0x74: {  	_ =	shalt  }
0x75: {  	_ =	shalt  }
0x76: {  	_ =	shalt  }
0x77: {  	_ =	shalt  }
0x78: {  	_ =	shalt  }
0x79: {  	_ =	shalt  }
0x7a: {  	_ =	shalt  }
0x7b: {  	_ =	shalt  }
0x7c: {  	_ =	shalt  }
0x7d: {  	_ =	shalt  }
0x7e: {  	_ =	shalt  }
0x7f: {  	_ =	shalt  }
0x80: {  	_ =	shalt  }
0x81: {  	_ =	shalt  }
0x82: {  	_ =	shalt  }
0x83: {  	_ =	shalt  }
0x84: {  	_ =	shalt  }
0x85: {  	_ =	shalt  }
0x86: {  	_ =	shalt  }
0x87: {  	_ =	shalt  }
.Lfunc_end0:
.L_simem_size_0:
called_computation.2_lowered:
.L_overlay_start_0:
0x88: {  	s2 =	sld [smem:$0x3FD9]  }
0x89: {  	s3 =	sld [smem:$0x3FFE];
	_ =	sdelay $0x1  }
0x8a: {  	s1 =	srdreg.scid  }
0x8b: {  	s0 =	sand.u32 $0x1, s1  }
0x8c: {  	s17 =	sshll.u32 s0, $0xA;
	s2 =	sadd.s32 s3, s2  }
0x8d: {  	s2 =	sadd.s32 s2, s17  }
0x8e: {  	[smem:$0x3FBB] =	sst s2  }
0x8f: {  	_ = 	snop  }
0x90: {  	(tm) =	ssettm $0x1  }
0x91: {  	s18 =	sld [smem:$0x3FFB];
	_ =	sdelay $0x3  }
0x92: {  	_ =	strace s18  }
0x93: {  	s2 =	sld [smem:$0x3FFC];
	_ =	sdelay $0x3  }
0x94: {  	_ =	strace s2  }
0x95: {  	s2 =	sld [smem:$0x3FFD];
	_ =	sdelay $0x3  }
0x96: {  	_ =	strace s2  }
0x97: {  	_ =	strace $0x8FFFFFFF  }
0x98: {  	s19 =	sld [smem:$0x3FDB];
	_ =	sdelay $0x1  }
0x99: {  	s20 =	simm.s32 $_scs_section_size  }
0x9a: {  	s4 =	simm.s32 $_size__tile_overlayer_lowered;
	s5 =	simm.s32 $_tile_overlayer_lowered  }
0x9b: {  	s6 =	simm.s32 $0x1BFF;
	s21 =	sshll.u32 s5, $0x1;
	s3 =	sadd.s32 s20, s19  }
0x9c: {  	s22 =	simm.s32 $0x0;
	s4 =	sshll.u32 s4, $0x1;
	s5 =	sadd.s32 s21, s3  }
0x9d: {  	[timem:s22], [sflag:s6] =	dma.local [hbm:s5], s4  }
0x9e: {  	_ =	swait.ge [sflag:s6], s4  }
0x9f: {  	s4 =	ssub.s32 $0x0, s4;
	[sflag:s6] =	ssyncset.done $0x0  }
0xa0: {  	[sflag:s6] =	ssyncadd.s32 s4;
	_ =	sdelay $0x1  }
0xa1: {  	s23 =	simm.s32 $0x1B8B  }
0xa2: {  	_ =	swait.ge [sflag:s23], $0x1  }
0xa3: {  	[sflag:s23] =	ssyncset.done $0x0  }
0xa4: {  	[sflag:s23] =	ssyncadd.s32 $0xFFFFFFFF  }
0xa5: {  	s4 =	sld [smem:$0x0]  }
0xa6: {  	s5 =	sand.u32 $0xFFFFFFFE, s1  }
0xa7: {  	p0 =	sne.s32 s1, s5  }
0xa8: {  	s5 =	sshll.u32 @p0 s5, $0xE  }
0xa9: {  	s5 =	sadd.s32 @p0 $0x11B8D, s5;
	s6 =	sshll.u32 @p0 s4, $0x11  }
0xaa: {  	s5 =	sor.u32 @p0 s6, s5  }
0xab: {  	[sflag:s5] =	ssyncadd.remote.s32 @p0 $0x1;
	_ =	sdelay $0x1  }
0xac: {  	s5 =	simm.s32 @p0 $0x1B8D  }
0xad: {  	_ =	swait.eq @p0 [sflag:s5], $0x1  }
0xae: {  	[sflag:s5] =	ssyncadd.s32 @p0 $0xFFFFFFFF  }
0xaf: {  	s6 =	sshll.u32 @!p0 s1, $0xE  }
0xb0: {  	s6 =	sor.u32 @!p0 $0x4000, s6;
	s5 =	simm.s32 @!p0 $0x1B8D  }
0xb1: {  	s4 =	sshll.u32 @!p0 s4, $0x11;
	s6 =	sadd.s32 @!p0 $0x11B8D, s6;
	_ =	swait.eq @!p0 [sflag:s5], $0x1  }
0xb2: {  	s4 =	sor.u32 @!p0 s4, s6;
	[sflag:s5] =	ssyncadd.s32 @!p0 $0xFFFFFFFF  }
0xb3: {  	s25 =	simm.s32 $0x1B8E;
	s24 =	sld [smem:$0x3FFE];
	[sflag:s4] =	ssyncadd.remote.s32 @!p0 $0x1  }
0xb4: {  	s26 =	simm.s32 $execute0_lowered;
	[smem:$0x3FD2] =	sst s25  }
0xb5: {  	s5 =	sshll.u32 s26, $0x1;
	_ =	strace $0x8000004F;
	[dreg:$0x1] =	wrdreg $0xFFFFFFFF  }
0xb6: {  	s28 =	simm.s32 $_size_execute0_lowered;
	s3 =	sadd.s32 s3, s5;
	[dreg:$0x0] =	wrdreg $0x0  }
0xb7: {  	s5 =	sshll.u32 s28, $0x1;
	[dreg:$0x2] =	wrdreg s3  }
0xb8: {  	[dreg:$0x3] =	wrdreg s5  }
0xb9: {  	[dreg:$0x4] =	wrdreg $0xC0  }
0xba: {  	_ =	task [dreg:s22], $0x5FFFF  }
0xbb: {  	[dreg:$0x1] =	wrdreg $0xFFFFFFFF  }
0xbc: {  	[dreg:$0x0] =	wrdreg $0x60  }
0xbd: {  	[dreg:$0x2] =	wrdreg s24  }
0xbe: {  	[dreg:$0x3] =	wrdreg $0x9  }
0xbf: {  	_ =	task.clear_ibuf [dreg:s22], $0x4FFFF;
	_ =	strace $0x9000004F  }
0xc0: {  	s29 =	simm.s32 $0x9;
	_ =	strace $0x80000051  }
0xc1: {  	_ =	swait.ge [sflag:s29], $0x1  }
0xc2: {  	[sflag:s29] =	ssyncadd.s32 $0xFFFFFFFF  }
0xc3: {  	_ =	strace $0x90000051  }
0xc4: {  	_ =	sfence  }
0xc5: {  	s30 =	sld [smem:$0x0];
	_ =	sdelay $0x2  }
0xc6: {  	s31 =	sshll.u32 s1, $0xD;
	s1 =	sshrl.u32 s1, $0x2  }
0xc7: {  	s4 =	sand.u32 $0x4000, s31;
	s1 =	sadd.s32 s1, s30  }
0xc8: {  	s0 =	sor.u32 s4, s0;
	s1 =	sshll.u32 s1, $0x11  }
0xc9: {  	s0 =	sor.u32 s1, s0  }
0xca: {  	s0 =	sadd.s32 $0x8F2B, s0  }
0xcb: {  	[sflag:s0] =	ssyncadd.remote.s32 $0x1  }
0xcc: {  	_ =	sfence.sel $0xFFFF  }
0xcd: {  	[dreg:$0x0] =	wrdreg $0xFFFFFFFF;
	(pc) =	sbr.abs _section_cstart, $3  }
0xce: {  	[dreg:$0x1] =	wrdreg $0xFFFFFFFF  }
0xcf: {  	_ =	task.clear_ibuf [dreg:s22], $0x2FFFF;
	_ =	strace $0x9FFFFFFF  }
0xd0: {  	(tm) =	ssettm $0x7FFFFFFF  }
0xd1: {  	_ =	shalt  }
tec
execute0_lowered:
.L_overlay_start_1:
0x0: {  	(tag) =	ssettag $0x1  }
0x1: {  	s0 =	rddreg [dreg:$0x0];
	s2 =	simm.s32 $0x0;
	s1 =	srdreg.scid  }
0x2: {  	s16 =	stileid.u32;
	s28 =	simm.s32 $0x180;
	s29 =	simm.s32 $0x1  }
0x3: {  	s30 =	simm.s32 $0x50;
	[smem:$0x7FF] =	sst s2;
	s1 =	sand.u32 $0x1, s1  }
0x4: {  	s4 =	sshll.u32 s16, $0x1;
	s3 =	sadd.s32 $0x2E00, s0;
	s17 =	smul.u32 $0xC800, s16  }
0x5: {  	s15 =	sadd.s32 $0xDD200, s0;
	s6 =	sadd.s32 $0x270400, s0;
	s18 =	smul.u32 $0x6400, s1  }
0x6: {  	s4 =	sor.u32 s1, s4;
	s7 =	ssub.s32 $0x2, s1;
	s1 =	smul.u32 $0x640, s1  }
0x7: {  	s14 =	sadd.s32 $0xDA000, s0;
	s0 =	sadd.s32 $0x338400, s0;
	s5 =	smul.u32 $0x640, s4  }
0x8: {  	s31 =	simm.s32 $0x200;
	_ =	strace $0x80000050;
	s25 =	smul.u32 $0x6400, s4  }
0x9: {  	s8 =	sshrl.u32 s7, $0x1;
	s4 =	smul.u32 $0x32000, s4;
	s13 =	sadd.s32 s17, s6  }
0xa: {  	s7 =	ssub.s32 s7, s8;
	s21 =	sadd.s32 s18, s13;
	s9 =	sshrl.u32 s5, $0x3  }
0xb: {  	s5 =	sadd.s32 $0x50, s5;
	s11 =	sadd.s32 s6, s25;
	[dreg:$0x2] =	wrdreg s21  }
0xc: {  	s4 =	sshrl.u32 s4, $0x3;
	s22 =	sadd.s32 s15, s9;
	[dreg:$0x8] =	wrdreg s11  }
0xd: {  	s23 =	sshrl.u32 s5, $0x3;
	s10 =	sadd.s32 s14, s9;
	[dreg:$0x4] =	wrdreg s22  }
0xe: {  	s26 =	sadd.s32 $0x14, s9;
	[dreg:$0x5] =	wrdreg s10;
	s24 =	sadd.s32 s15, s23  }
0xf: {  	s5 =	sshll.u32 s5, $0x4;
	s8 =	sadd.s32 s14, s23;
	[dreg:$0x6] =	wrdreg s24  }
0x10: {  	s19 =	sadd.s32 $0x5A00, s4;
	s10 =	sadd.s32 s0, s25;
	[dreg:$0x7] =	wrdreg s8  }
0x11: {  	s4 =	sadd.s32 $0x5F00, s4;
	s12 =	sadd.s32 s6, s5;
	[dreg:$0x9] =	wrdreg s10  }
0x12: {  	s11 =	simm.s32 $0x6;
	s5 =	sadd.s32 s0, s5;
	[dreg:$0xa] =	wrdreg s12  }
0x13: {  	s20 =	sadd.s32 s6, s19;
	s22 =	smul.u32 $0xC80, s16;
	[dreg:$0xb] =	wrdreg s5  }
0x14: {  	s6 =	sadd.s32 s6, s4;
	s4 =	sadd.s32 s0, s4;
	[dreg:$0xc] =	wrdreg s20  }
0x15: {  	s23 =	sadd.s32 s15, s26;
	s25 =	sadd.s32 $0x1E, s9;
	[dreg:$0xe] =	wrdreg s6  }
0x16: {  	s9 =	simm.s32 $0x4;
	s12 =	sadd.s32 s0, s19;
	[dreg:$0xf] =	wrdreg s4  }
0x17: {  	s0 =	sadd.s32 s17, s0;
	[dreg:$0x10] =	wrdreg s23;
	s24 =	sadd.s32 s14, s26  }
0x18: {  	s20 =	sadd.s32 s15, s25;
	s21 =	sadd.s32 s14, s25;
	s25 =	simm.s32 $0x100  }
0x19: {  	s6 =	simm.s32 $0x2;
	s8 =	simm.s32 $0x7A00;
	[dreg:$0xd] =	wrdreg s12  }
0x1a: {  	s10 =	simm.s32 $0x5;
	[dreg:$0x11] =	wrdreg s24;
	s1 =	sadd.s32 s1, s22  }
0x1b: {  	s22 =	smax.u32 s7, $0x1;
	s0 =	sadd.s32 s18, s0;
	s7 =	simm.s32 $0x2A00  }
0x1c: {  	s12 =	simm.s32 $0x0;
	s26 =	sadd.s32 $0x190, s1;
	s1 =	sadd.s32 $0x140, s1  }
0x1d: {  	[dreg:$0x3] =	wrdreg s0;
	s0 =	simm.s32 $0x5200;
	s23 =	sshrl.u32 s26, $0x3  }
0x1e: {  	s24 =	sshrl.u32 s1, $0x3;
	s26 =	simm.s32 $0x80;
	s1 =	simm.s32 $0x3  }
.LBB2_1:
0x1f: {  	s4 =	rddreg [dreg:$0x4]  }
0x20: {  	[tilespmem:s2], [sflag:$0x1] =	stream.linear.gather [hbm4b:s4+s2], $0x50, $0x38;
	[tilespmem:$0xA200] =	vst v63  }
0x21: {  	s18 =	rddreg [dreg:$0x5]  }
0x22: {  	[tilespmem:s25], [sflag:$0x1] =	stream.linear.gather [hbm4b:s18+s2], $0x50, $0x38;
	[tilespmem:$0xA200] =	vst v63  }
0x23: {  	s19 =	rddreg [dreg:$0x6]  }
0x24: {  	[tilespmem:s26], [sflag:$0x2] =	stream.linear.gather [hbm4b:s19+s2], $0x50, $0x38;
	[tilespmem:$0xA200] =	vst v63  }
0x25: {  	s5 =	rddreg [dreg:$0x7]  }
0x26: {  	[tilespmem:s28], [sflag:$0x2] =	stream.linear.gather [hbm4b:s5+s2], $0x50, $0x38;
	[tilespmem:$0xA200] =	vst v63  }
0x27: {  	_ =	swait.ge [sflag:s29], $0x50  }
0x28: {  	[sflag:s29] =	ssyncset.done $0x0  }
0x29: {  	[sflag:s29] =	ssyncadd.s32 $0xFFFFFFB0  }
0x2a: {  	_ =	swait.ge [sflag:s29], $0x50  }
0x2b: {  	[sflag:s29] =	ssyncset.done $0x0  }
0x2c: {  	[sflag:s29] =	ssyncadd.s32 $0xFFFFFFB0  }
0x2d: {  	[tilespmem:s31], [sflag:$0x3] =	stream.indirect.gather [hbm4b:s3+s30], $0x80, s2, s30, $0xb8;
	[tilespmem:$0xA200] =	vst v63  }
0x2e: {  	_ = 	snop  }
0x2f: {  	[tilespmem:s0], [sflag:$0x3] =	stream.indirect.gather [hbm4b:s3+s30], $0x80, s25, s30, $0xb8;
	[tilespmem:$0xA200] =	vst v63  }
0x30: {  	_ =	swait.ge [sflag:s1], $0x2800  }
0x31: {  	[sflag:s1] =	ssyncset.done $0x0  }
0x32: {  	[sflag:s1] =	ssyncadd.s32 $0xFFFFD800  }
0x33: {  	_ =	swait.ge [sflag:s1], $0x2800  }
0x34: {  	[sflag:s1] =	ssyncset.done $0x0  }
0x35: {  	s13 =	rddreg [dreg:$0x10];
	[sflag:s1] =	ssyncadd.s32 $0xFFFFD800  }
0x36: {  	[tilespmem:s2], [sflag:$0x1] =	stream.linear.gather [hbm4b:s13+s2], $0x50, $0x38;
	[tilespmem:$0xA200] =	vst v63  }
0x37: {  	s16 =	rddreg [dreg:$0x11]  }
0x38: {  	[tilespmem:s25], [sflag:$0x1] =	stream.linear.gather [hbm4b:s16+s2], $0x50, $0x38;
	[tilespmem:$0xA200] =	vst v63  }
0x39: {  	s17 =	rddreg [dreg:$0x8]  }
0x3a: {  	[hbm4b:s17+s2] =	stream.linear.scatter [tilespmem:s31], [sflag:$0x5], $0x2800, $0x38;
	[tilespmem:$0xA200] =	vst v63  }
0x3b: {  	s18 =	rddreg [dreg:$0x9]  }
0x3c: {  	[hbm4b:s18+s2] =	stream.linear.scatter [tilespmem:s0], [sflag:$0x5], $0x2800, $0x38;
	[tilespmem:$0xA200] =	vst v63  }
0x3d: {  	_ =	swait.ge [sflag:s6], $0x50  }
0x3e: {  	[sflag:s6] =	ssyncset.done $0x0  }
0x3f: {  	[sflag:s6] =	ssyncadd.s32 $0xFFFFFFB0  }
0x40: {  	_ =	swait.ge [sflag:s6], $0x50  }
0x41: {  	[sflag:s6] =	ssyncset.done $0x0  }
0x42: {  	[sflag:s6] =	ssyncadd.s32 $0xFFFFFFB0  }
0x43: {  	[tilespmem:s7], [sflag:$0x4] =	stream.indirect.gather [hbm4b:s3+s30], $0x80, s26, s30, $0xb8;
	[tilespmem:$0xA200] =	vst v63  }
0x44: {  	_ = 	snop  }
0x45: {  	[tilespmem:s8], [sflag:$0x4] =	stream.indirect.gather [hbm4b:s3+s30], $0x80, s28, s30, $0xb8;
	[tilespmem:$0xA200] =	vst v63  }
0x46: {  	_ =	swait.ge [sflag:s9], $0x2800  }
0x47: {  	[sflag:s9] =	ssyncset.done $0x0  }
0x48: {  	[sflag:s9] =	ssyncadd.s32 $0xFFFFD800  }
0x49: {  	_ =	swait.ge [sflag:s9], $0x2800  }
0x4a: {  	[sflag:s9] =	ssyncset.done $0x0  }
0x4b: {  	[sflag:s9] =	ssyncadd.s32 $0xFFFFD800  }
0x4c: {  	[tilespmem:s26], [sflag:$0x2] =	stream.linear.gather [hbm4b:s20+s2], $0x50, $0x38;
	[tilespmem:$0xA200] =	vst v63  }
0x4d: {  	_ = 	snop  }
0x4e: {  	[tilespmem:s28], [sflag:$0x2] =	stream.linear.gather [hbm4b:s21+s2], $0x50, $0x38;
	[tilespmem:$0xA200] =	vst v63  }
0x4f: {  	s19 =	rddreg [dreg:$0xa]  }
0x50: {  	[hbm4b:s19+s2] =	stream.linear.scatter [tilespmem:s7], [sflag:$0x6], $0x2800, $0x38;
	[tilespmem:$0xA200] =	vst v63  }
0x51: {  	s5 =	rddreg [dreg:$0xb]  }
0x52: {  	[hbm4b:s5+s2] =	stream.linear.scatter [tilespmem:s8], [sflag:$0x6], $0x2800, $0x38;
	[tilespmem:$0xA200] =	vst v63  }
0x53: {  	_ =	swait.ge [sflag:s29], $0x50  }
0x54: {  	[sflag:s29] =	ssyncset.done $0x0  }
0x55: {  	[sflag:s29] =	ssyncadd.s32 $0xFFFFFFB0  }
0x56: {  	_ =	swait.ge [sflag:s29], $0x50  }
0x57: {  	[sflag:s29] =	ssyncset.done $0x0  }
0x58: {  	[sflag:s29] =	ssyncadd.s32 $0xFFFFFFB0  }
0x59: {  	_ =	swait.ge [sflag:s10], $0x2800  }
0x5a: {  	[sflag:s10] =	ssyncset.done $0x0  }
0x5b: {  	[sflag:s10] =	ssyncadd.s32 $0xFFFFD800  }
0x5c: {  	_ =	swait.ge [sflag:s10], $0x2800  }
0x5d: {  	[sflag:s10] =	ssyncset.done $0x0  }
0x5e: {  	[sflag:s10] =	ssyncadd.s32 $0xFFFFD800  }
0x5f: {  	[tilespmem:s31], [sflag:$0x3] =	stream.indirect.gather [hbm4b:s3+s30], $0x80, s2, s30, $0xb8;
	[tilespmem:$0xA200] =	vst v63  }
0x60: {  	_ = 	snop  }
0x61: {  	[tilespmem:s0], [sflag:$0x3] =	stream.indirect.gather [hbm4b:s3+s30], $0x80, s25, s30, $0xb8;
	[tilespmem:$0xA200] =	vst v63  }
0x62: {  	_ =	swait.ge [sflag:s1], $0x2800  }
0x63: {  	[sflag:s1] =	ssyncset.done $0x0  }
0x64: {  	[sflag:s1] =	ssyncadd.s32 $0xFFFFD800  }
0x65: {  	_ =	swait.ge [sflag:s1], $0x2800  }
0x66: {  	[sflag:s1] =	ssyncset.done $0x0  }
0x67: {  	s13 =	sadd.s32 s15, s24;
	s5 =	rddreg [dreg:$0x2];
	[sflag:s1] =	ssyncadd.s32 $0xFFFFD800  }
0x68: {  	[tilespmem:s2], [sflag:$0x1] =	stream.linear.gather [hbm4b:s13+s2], $0x50, $0x38;
	[tilespmem:$0xA200] =	vst v63  }
0x69: {  	s16 =	sadd.s32 s14, s24;
	s4 =	sadd.s32 $0x0, s5;
	s13 =	rddreg [dreg:$0x3]  }
0x6a: {  	[tilespmem:s25], [sflag:$0x1] =	stream.linear.gather [hbm4b:s16+s2], $0x50, $0x38;
	[tilespmem:$0xA200] =	vst v63  }
0x6b: {  	s5 =	sadd.s32 $0xA00, s4;
	s16 =	sadd.s32 $0x0, s13  }
0x6c: {  	[hbm4b:s5+s2] =	stream.linear.scatter [tilespmem:s31], [sflag:$0x5], $0x2800, $0x38;
	[tilespmem:$0xA200] =	vst v63  }
0x6d: {  	s17 =	sadd.s32 $0xA00, s16  }
0x6e: {  	[hbm4b:s17+s2] =	stream.linear.scatter [tilespmem:s0], [sflag:$0x5], $0x2800, $0x38;
	[tilespmem:$0xA200] =	vst v63  }
0x6f: {  	_ =	swait.ge [sflag:s6], $0x50  }
0x70: {  	[sflag:s6] =	ssyncset.done $0x0  }
0x71: {  	[sflag:s6] =	ssyncadd.s32 $0xFFFFFFB0  }
0x72: {  	_ =	swait.ge [sflag:s6], $0x50  }
0x73: {  	[sflag:s6] =	ssyncset.done $0x0  }
0x74: {  	[sflag:s6] =	ssyncadd.s32 $0xFFFFFFB0  }
0x75: {  	_ =	swait.ge [sflag:s11], $0x2800  }
0x76: {  	[sflag:s11] =	ssyncset.done $0x0  }
0x77: {  	[sflag:s11] =	ssyncadd.s32 $0xFFFFD800  }
0x78: {  	_ =	swait.ge [sflag:s11], $0x2800  }
0x79: {  	[sflag:s11] =	ssyncset.done $0x0  }
0x7a: {  	[sflag:s11] =	ssyncadd.s32 $0xFFFFD800  }
0x7b: {  	[tilespmem:s7], [sflag:$0x4] =	stream.indirect.gather [hbm4b:s3+s30], $0x80, s26, s30, $0xb8;
	[tilespmem:$0xA200] =	vst v63  }
0x7c: {  	_ = 	snop  }
0x7d: {  	[tilespmem:s8], [sflag:$0x4] =	stream.indirect.gather [hbm4b:s3+s30], $0x80, s28, s30, $0xb8;
	[tilespmem:$0xA200] =	vst v63  }
0x7e: {  	_ =	swait.ge [sflag:s9], $0x2800  }
0x7f: {  	[sflag:s9] =	ssyncset.done $0x0  }
0x80: {  	[sflag:s9] =	ssyncadd.s32 $0xFFFFD800  }
0x81: {  	_ =	swait.ge [sflag:s9], $0x2800  }
0x82: {  	[sflag:s9] =	ssyncset.done $0x0  }
0x83: {  	s18 =	sadd.s32 s15, s23;
	[sflag:s9] =	ssyncadd.s32 $0xFFFFD800  }
0x84: {  	[tilespmem:s26], [sflag:$0x2] =	stream.linear.gather [hbm4b:s18+s2], $0x50, $0x38;
	[tilespmem:$0xA200] =	vst v63  }
0x85: {  	s19 =	sadd.s32 s14, s23  }
0x86: {  	[tilespmem:s28], [sflag:$0x2] =	stream.linear.gather [hbm4b:s19+s2], $0x50, $0x38;
	[tilespmem:$0xA200] =	vst v63  }
0x87: {  	s4 =	sadd.s32 $0xF00, s4;
	s13 =	simm.s32 $0xA00  }
0x88: {  	[hbm4b:s4+s2] =	stream.linear.scatter [tilespmem:s7], [sflag:$0x6], $0x2800, $0x38;
	[tilespmem:$0xA200] =	vst v63  }
0x89: {  	s16 =	sadd.s32 $0xF00, s16;
	s5 =	smov.u32 s14;
	s4 =	smov.u32 s15  }
.LBB2_2:
0x8a: {  	[hbm4b:s16+s2] =	stream.linear.scatter [tilespmem:s8], [sflag:$0x6], $0x2800, $0x38;
	[tilespmem:$0xA200] =	vst v63  }
0x8b: {  	_ =	swait.ge [sflag:s29], $0x50  }
0x8c: {  	[sflag:s29] =	ssyncset.done $0x0  }
0x8d: {  	[sflag:s29] =	ssyncadd.s32 $0xFFFFFFB0  }
0x8e: {  	_ =	swait.ge [sflag:s29], $0x50  }
0x8f: {  	[sflag:s29] =	ssyncset.done $0x0  }
0x90: {  	[sflag:s29] =	ssyncadd.s32 $0xFFFFFFB0  }
0x91: {  	_ =	swait.ge [sflag:s10], $0x2800  }
0x92: {  	[sflag:s10] =	ssyncset.done $0x0  }
0x93: {  	[sflag:s10] =	ssyncadd.s32 $0xFFFFD800  }
0x94: {  	_ =	swait.ge [sflag:s10], $0x2800  }
0x95: {  	[sflag:s10] =	ssyncset.done $0x0  }
0x96: {  	[sflag:s10] =	ssyncadd.s32 $0xFFFFD800  }
0x97: {  	[tilespmem:s31], [sflag:$0x3] =	stream.indirect.gather [hbm4b:s3+s30], $0x80, s2, s30, $0xb8;
	[tilespmem:$0xA200] =	vst v63  }
0x98: {  	_ = 	snop  }
0x99: {  	[tilespmem:s0], [sflag:$0x3] =	stream.indirect.gather [hbm4b:s3+s30], $0x80, s25, s30, $0xb8;
	[tilespmem:$0xA200] =	vst v63  }
0x9a: {  	_ =	swait.ge [sflag:s1], $0x2800  }
0x9b: {  	[sflag:s1] =	ssyncset.done $0x0  }
0x9c: {  	[sflag:s1] =	ssyncadd.s32 $0xFFFFD800  }
0x9d: {  	_ =	swait.ge [sflag:s1], $0x2800  }
0x9e: {  	s4 =	sadd.s32 $0x14, s4;
	[sflag:s1] =	ssyncset.done $0x0  }
0x9f: {  	s5 =	sadd.s32 $0x14, s5;
	s17 =	sadd.s32 s4, s24;
	[sflag:s1] =	ssyncadd.s32 $0xFFFFD800  }
0xa0: {  	[tilespmem:s2], [sflag:$0x1] =	stream.linear.gather [hbm4b:s17+s2], $0x50, $0x38;
	[tilespmem:$0xA200] =	vst v63  }
0xa1: {  	s16 =	smov.u32 s13;
	s18 =	rddreg [dreg:$0x2];
	s17 =	sadd.s32 s5, s24  }
0xa2: {  	[tilespmem:s25], [sflag:$0x1] =	stream.linear.gather [hbm4b:s17+s2], $0x50, $0x38;
	[tilespmem:$0xA200] =	vst v63  }
0xa3: {  	s19 =	rddreg [dreg:$0x3];
	s17 =	sadd.s32 s16, s18  }
0xa4: {  	s16 =	sadd.s32 s16, s19;
	s18 =	sadd.s32 $0xA00, s17  }
0xa5: {  	[hbm4b:s18+s2] =	stream.linear.scatter [tilespmem:s31], [sflag:$0x5], $0x2800, $0x38;
	[tilespmem:$0xA200] =	vst v63  }
0xa6: {  	s19 =	sadd.s32 $0xA00, s16  }
0xa7: {  	[hbm4b:s19+s2] =	stream.linear.scatter [tilespmem:s0], [sflag:$0x5], $0x2800, $0x38;
	[tilespmem:$0xA200] =	vst v63  }
0xa8: {  	_ =	swait.ge [sflag:s6], $0x50  }
0xa9: {  	[sflag:s6] =	ssyncset.done $0x0  }
0xaa: {  	[sflag:s6] =	ssyncadd.s32 $0xFFFFFFB0  }
0xab: {  	_ =	swait.ge [sflag:s6], $0x50  }
0xac: {  	[sflag:s6] =	ssyncset.done $0x0  }
0xad: {  	[sflag:s6] =	ssyncadd.s32 $0xFFFFFFB0  }
0xae: {  	_ =	swait.ge [sflag:s11], $0x2800  }
0xaf: {  	[sflag:s11] =	ssyncset.done $0x0  }
0xb0: {  	[sflag:s11] =	ssyncadd.s32 $0xFFFFD800  }
0xb1: {  	_ =	swait.ge [sflag:s11], $0x2800  }
0xb2: {  	[sflag:s11] =	ssyncset.done $0x0  }
0xb3: {  	[sflag:s11] =	ssyncadd.s32 $0xFFFFD800  }
0xb4: {  	[tilespmem:s7], [sflag:$0x4] =	stream.indirect.gather [hbm4b:s3+s30], $0x80, s26, s30, $0xb8;
	[tilespmem:$0xA200] =	vst v63  }
0xb5: {  	_ = 	snop  }
0xb6: {  	[tilespmem:s8], [sflag:$0x4] =	stream.indirect.gather [hbm4b:s3+s30], $0x80, s28, s30, $0xb8;
	[tilespmem:$0xA200] =	vst v63  }
0xb7: {  	_ =	swait.ge [sflag:s9], $0x2800  }
0xb8: {  	[sflag:s9] =	ssyncset.done $0x0  }
0xb9: {  	[sflag:s9] =	ssyncadd.s32 $0xFFFFD800  }
0xba: {  	_ =	swait.ge [sflag:s9], $0x2800  }
0xbb: {  	[sflag:s9] =	ssyncset.done $0x0  }
0xbc: {  	p0 =	sne.s32 s13, $0x4600;
	s18 =	sadd.s32 s4, s23;
	[sflag:s9] =	ssyncadd.s32 $0xFFFFD800  }
0xbd: {  	[tilespmem:s26], [sflag:$0x2] =	stream.linear.gather [hbm4b:s18+s2], $0x50, $0x38;
	[tilespmem:$0xA200] =	vst v63  }
.Ltmp0:
0xbe: {  	_ = 	snop;
	(pc) =	sbr.rel @p0 .LBB2_2-.Ltmp0, $4  }
0xbf: {  	s19 =	sadd.s32 s5, s23  }
0xc0: {  	[tilespmem:s28], [sflag:$0x2] =	stream.linear.gather [hbm4b:s19+s2], $0x50, $0x38;
	[tilespmem:$0xA200] =	vst v63  }
0xc1: {  	s13 =	sadd.s32 $0xA00, s13;
	s17 =	sadd.s32 $0xF00, s17;
	s16 =	sadd.s32 $0xF00, s16  }
0xc2: {  	[hbm4b:s17+s2] =	stream.linear.scatter [tilespmem:s7], [sflag:$0x6], $0x2800, $0x38;
	[tilespmem:$0xA200] =	vst v63  }
0xc3: {  	[hbm4b:s16+s2] =	stream.linear.scatter [tilespmem:s8], [sflag:$0x6], $0x2800, $0x38;
	[tilespmem:$0xA200] =	vst v63  }
0xc4: {  	_ =	swait.ge [sflag:s29], $0x50  }
0xc5: {  	[sflag:s29] =	ssyncset.done $0x0  }
0xc6: {  	[sflag:s29] =	ssyncadd.s32 $0xFFFFFFB0  }
0xc7: {  	_ =	swait.ge [sflag:s29], $0x50  }
0xc8: {  	[sflag:s29] =	ssyncset.done $0x0  }
0xc9: {  	[sflag:s29] =	ssyncadd.s32 $0xFFFFFFB0  }
0xca: {  	_ =	swait.ge [sflag:s10], $0x2800  }
0xcb: {  	[sflag:s10] =	ssyncset.done $0x0  }
0xcc: {  	[sflag:s10] =	ssyncadd.s32 $0xFFFFD800  }
0xcd: {  	_ =	swait.ge [sflag:s10], $0x2800  }
0xce: {  	[sflag:s10] =	ssyncset.done $0x0  }
0xcf: {  	[sflag:s10] =	ssyncadd.s32 $0xFFFFD800  }
0xd0: {  	[tilespmem:s31], [sflag:$0x3] =	stream.indirect.gather [hbm4b:s3+s30], $0x80, s2, s30, $0xb8;
	[tilespmem:$0xA200] =	vst v63  }
0xd1: {  	_ = 	snop  }
0xd2: {  	[tilespmem:s0], [sflag:$0x3] =	stream.indirect.gather [hbm4b:s3+s30], $0x80, s25, s30, $0xb8;
	[tilespmem:$0xA200] =	vst v63  }
0xd3: {  	_ =	swait.ge [sflag:s1], $0x2800  }
0xd4: {  	[sflag:s1] =	ssyncset.done $0x0  }
0xd5: {  	[sflag:s1] =	ssyncadd.s32 $0xFFFFD800  }
0xd6: {  	_ =	swait.ge [sflag:s1], $0x2800  }
0xd7: {  	[sflag:s1] =	ssyncset.done $0x0  }
0xd8: {  	s4 =	rddreg [dreg:$0xc];
	[sflag:s1] =	ssyncadd.s32 $0xFFFFD800  }
0xd9: {  	[hbm4b:s4+s2] =	stream.linear.scatter [tilespmem:s31], [sflag:$0x5], $0x2800, $0x38;
	[tilespmem:$0xA200] =	vst v63  }
0xda: {  	s17 =	rddreg [dreg:$0xd]  }
0xdb: {  	[hbm4b:s17+s2] =	stream.linear.scatter [tilespmem:s0], [sflag:$0x5], $0x2800, $0x38;
	[tilespmem:$0xA200] =	vst v63  }
0xdc: {  	_ =	swait.ge [sflag:s6], $0x50  }
0xdd: {  	[sflag:s6] =	ssyncset.done $0x0  }
0xde: {  	[sflag:s6] =	ssyncadd.s32 $0xFFFFFFB0  }
0xdf: {  	_ =	swait.ge [sflag:s6], $0x50  }
0xe0: {  	[sflag:s6] =	ssyncset.done $0x0  }
0xe1: {  	[sflag:s6] =	ssyncadd.s32 $0xFFFFFFB0  }
0xe2: {  	_ =	swait.ge [sflag:s11], $0x2800  }
0xe3: {  	[sflag:s11] =	ssyncset.done $0x0  }
0xe4: {  	[sflag:s11] =	ssyncadd.s32 $0xFFFFD800  }
0xe5: {  	_ =	swait.ge [sflag:s11], $0x2800  }
0xe6: {  	[sflag:s11] =	ssyncset.done $0x0  }
0xe7: {  	[sflag:s11] =	ssyncadd.s32 $0xFFFFD800  }
0xe8: {  	[tilespmem:s7], [sflag:$0x4] =	stream.indirect.gather [hbm4b:s3+s30], $0x80, s26, s30, $0xb8;
	[tilespmem:$0xA200] =	vst v63  }
0xe9: {  	_ = 	snop  }
0xea: {  	[tilespmem:s8], [sflag:$0x4] =	stream.indirect.gather [hbm4b:s3+s30], $0x80, s28, s30, $0xb8;
	[tilespmem:$0xA200] =	vst v63  }
0xeb: {  	_ =	swait.ge [sflag:s9], $0x2800  }
0xec: {  	[sflag:s9] =	ssyncset.done $0x0  }
0xed: {  	[sflag:s9] =	ssyncadd.s32 $0xFFFFD800  }
0xee: {  	_ =	swait.ge [sflag:s9], $0x2800  }
0xef: {  	[sflag:s9] =	ssyncset.done $0x0  }
0xf0: {  	s18 =	rddreg [dreg:$0xe];
	[sflag:s9] =	ssyncadd.s32 $0xFFFFD800  }
0xf1: {  	[hbm4b:s18+s2] =	stream.linear.scatter [tilespmem:s7], [sflag:$0x6], $0x2800, $0x38;
	[tilespmem:$0xA200] =	vst v63  }
0xf2: {  	s19 =	rddreg [dreg:$0xf]  }
0xf3: {  	[hbm4b:s19+s2] =	stream.linear.scatter [tilespmem:s8], [sflag:$0x6], $0x2800, $0x38;
	[tilespmem:$0xA200] =	vst v63  }
0xf4: {  	_ =	swait.ge [sflag:s10], $0x2800  }
0xf5: {  	[sflag:s10] =	ssyncset.done $0x0  }
0xf6: {  	[sflag:s10] =	ssyncadd.s32 $0xFFFFD800  }
0xf7: {  	_ =	swait.ge [sflag:s10], $0x2800  }
0xf8: {  	[sflag:s10] =	ssyncset.done $0x0  }
0xf9: {  	s12 =	sadd.s32 $0x1, s12;
	[sflag:s10] =	ssyncadd.s32 $0xFFFFD800  }
0xfa: {  	p0 =	sne.s32 s12, s22;
	_ =	swait.ge [sflag:s11], $0x2800  }
.Ltmp1:
0xfb: {  	[sflag:s11] =	ssyncset.done $0x0;
	(pc) =	sbr.rel @p0 .LBB2_1-.Ltmp1, $4  }
0xfc: {  	[sflag:s11] =	ssyncadd.s32 $0xFFFFD800  }
0xfd: {  	_ =	swait.ge [sflag:s11], $0x2800  }
0xfe: {  	[sflag:s11] =	ssyncset.done $0x0  }
0xff: {  	[sflag:s11] =	ssyncadd.s32 $0xFFFFD800  }
0x100: {  	_ =	sfence.sel $0x180000  }
0x101: {  	[bflag:$0x0] =	sbarrier.arrive $0xFFFF  }
0x102: {  	_ =	strace $0x90000050  }
0x103: {  	s0 =	stileid.u32;
	[bflag:$0x2] =	sbarrier.arrive $0xFFFF  }
0x104: {  	p0 =	sne.s32 s0, $0x0;
	s0 =	rddreg [dreg:$0x1]  }
0x105: {  	s0 =	sadd.s32 @!p0 $0x100000, s0  }
0x106: {  	[sflag:s0] =	ssyncadd.tile.s32 @!p0 $0x1;
	_ =	shalt  }
.Lfunc_end2:
_tile_overlayer_lowered:
.L_overlay_start_2:
0x107: {  	(tag) =	ssettag $0x2  }
0x108: {  	s0 =	rddreg [dreg:$0x0];
	s2 =	stileid.u32  }
0x109: {  	s1 =	rddreg [dreg:$0x1];
	p0 =	sne.s32 s2, $0x0  }
0x10a: {  	s3 =	rddreg [dreg:$0x2];
	[bflag:$0x3] =	sbarrier.arrive $0xFFFF;
	s2 =	simm.s32 @!p0 $0x1C07  }
0x10b: {  	[timem:s3], [sflag:s2] =	dma.local @!p0 [hbm:s0], s1  }
0x10c: {  	s0 =	simm.s32 @!p0 $0x7  }
0x10d: {  	_ =	swait.ge @!p0 [sflag:s0], s1  }
0x10e: {  	s1 =	ssub.s32 @!p0 $0x0, s1;
	[sflag:s0] =	ssyncset.done @!p0 $0x0  }
0x10f: {  	[sflag:s0] =	ssyncadd.s32 @!p0 s1  }
0x110: {  	[bflag:$0x3] =	sbarrier.arrive $0xFFFF  }
0x111: {  	_ =	shalt  }

// kernel: kernel.21.cloned.1.call-start
scs
__scs_entry_jumppad:
0x0: {  	(pc) =	sbr.rel $0x88, $3  }
0x1: {  	(tag) =	ssettag $0x0;
	lr =	simm.s32 $0x1  }
0x2: {  	[smem:$0x3F94] =	sst lr;
	_ =	strace $0xD0000000  }
0x3: {  	_ = 	snop  }
0x4: {  	_ = 	snop  }
0x5: {  	_ = 	snop  }
0x6: {  	_ = 	snop  }
0x7: {  	_ = 	snop  }
__scs_overlays_trampoline_lowered:
0x8: {  	[smem:$0x3FA3] =	sst s0  }
0x9: {  	[smem:$0x3FA4] =	sst s1  }
0xa: {  	[smem:$0x3FA5] =	sst s2  }
0xb: {  	[smem:$0x3FA6] =	sst s3  }
0xc: {  	[smem:$0x3FA7] =	sst s4  }
0xd: {  	[smem:$0x3FA8] =	sst s5  }
0xe: {  	[smem:$0x3FA9] =	sst s6  }
0xf: {  	[smem:$0x3FAA] =	sst s7  }
0x10: {  	[smem:$0x3FAB] =	sst s8  }
0x11: {  	[smem:$0x3FAC] =	sst s9;
	s0 =	simm.s32 @!p0 $0x0  }
0x12: {  	s1 =	sld [smem:$0x3F92];
	s0 =	simm.s32 @p0 $0x1  }
0x13: {  	[smem:$0x3FAD] =	sst s0;
	s0 =	simm.s32 @!p1 $0x0  }
0x14: {  	s2 =	sld [smem:$0x3F91];
	s0 =	simm.s32 @p1 $0x1  }
0x15: {  	[smem:$0x3FAE] =	sst s0;
	s0 =	simm.s32 @!p2 $0x0  }
0x16: {  	s3 =	sld [smem:$0x3FDB];
	s0 =	simm.s32 @p2 $0x1  }
0x17: {  	s4 =	simm.s32 $0x1BF5;
	[smem:$0x3FB0] =	sst s0  }
0x18: {  	s0 =	sld [smem:$0x3F93];
	_ =	swait.ge [sflag:s4], $0x0  }
0x19: {  	s7 =	sld [smem:$0x3F94]  }
0x1a: {  	s8 =	sadd.s32 $0xFFFFE003, lr  }
0x1b: {  	s9 =	sadd.s32 $0xFFFFFEF7, lr;
	s5 =	simm.s32 $0xFFFFFFFF;
	p2 =	slt.u32 s8, $0xFFFFF086  }
0x1c: {  	p1 =	slt.u32 s9, $0xF7A;
	s5 =	simm.s32 @!p2 $0x0  }
0x1d: {  	s5 =	simm.s32 @p1 $0x1;
	p0 =	seq.s32 s7, s2  }
0x1e: {  	s7 =	smul.u32 @!p0 $0xF7A, s2;
	p2 =	seq.s32 @!p0 s5, $0x0  }
0x1f: {  	s9 =	smul.u32 $0xF7A, s1;
	s8 =	simm.s32 @!p0 $0x1BF5;
	p2 =	por !p2, p0  }
0x20: {  	[sflag:s8] =	ssyncset.s32 @!p0 $0xFFFFF086;
	s6 =	sadd.s32 @!p0 s3, s7;
	s7 =	simm.s32 @!p0 $0x108  }
0x21: {  	s3 =	sadd.s32 s3, s9;
	s6 =	sadd.s32 @!p0 $0x88, s6;
	s7 =	simm.s32 @p2 $0x1082  }
0x22: {  	[simem:s7], [sflag:s8] =	dma.local @!p0 [hbm:s6], $0xF7A  }
0x23: {  	s9 =	sor.u32 $0xD0000000, s2;
	s6 =	simm.s32 $0x108;
	_ =	swait.ge @!p0 [sflag:s8], $0x0  }
0x24: {  	s3 =	sadd.s32 $0x88, s3;
	s6 =	simm.s32 @!p1 $0x1082;
	[sflag:s4] =	ssyncset.s32 $0xFFFFF086  }
0x25: {  	[simem:s6], [sflag:s4] =	dma.local [hbm:s3], $0xF7A  }
0x26: {  	[smem:$0x3F94] =	sst s1;
	(tag) =	ssettag s2;
	_ =	strace s9  }
0x27: {  	s1 =	sld [smem:$0x3FA4]  }
0x28: {  	s2 =	sld [smem:$0x3FA5]  }
0x29: {  	s4 =	sld [smem:$0x3FA7]  }
0x2a: {  	p0 =	seq.s32 s5, $0x0;
	s5 =	sld [smem:$0x3FA8]  }
0x2b: {  	s6 =	sld [smem:$0x3FA9]  }
0x2c: {  	s7 =	sld [smem:$0x3FAA]  }
0x2d: {  	s3 =	simm.s32 $0x108;
	s8 =	sld [smem:$0x3FAB]  }
0x2e: {  	s3 =	simm.s32 @!p0 $0x1082;
	s9 =	sld [smem:$0x3FAC]  }
0x2f: {  	lr =	sadd.s32 s0, s3;
	s0 =	sld [smem:$0x3FA3]  }
0x30: {  	s3 =	sld [smem:$0x3FA6]  }
0x31: {  	[smem:$0x3FAF] =	sst s10  }
0x32: {  	s10 =	sld [smem:$0x3FAD];
	_ =	sdelay $0x3  }
0x33: {  	p0 =	seq.s32 s10, $0x1;
	s10 =	sld [smem:$0x3FAF];
	_ =	sdelay $0x3  }
0x34: {  	[smem:$0x3FAF] =	sst s10  }
0x35: {  	s10 =	sld [smem:$0x3FAE];
	_ =	sdelay $0x3  }
0x36: {  	p1 =	seq.s32 s10, $0x1;
	s10 =	sld [smem:$0x3FAF];
	_ =	sdelay $0x3  }
0x37: {  	[smem:$0x3FAF] =	sst s10  }
0x38: {  	s10 =	sld [smem:$0x3FB0]  }
0x39: {  	_ = 	snop;
	(pc) =	sbr.ind lr, $3  }
0x3a: {  	_ = 	snop  }
0x3b: {  	_ = 	snop  }
0x3c: {  	p2 =	seq.s32 s10, $0x1;
	s10 =	sld [smem:$0x3FAF]  }
0x3d: {  	_ =	shalt  }
0x3e: {  	_ =	shalt  }
0x3f: {  	_ =	shalt  }
0x40: {  	_ =	shalt  }
0x41: {  	_ =	shalt  }
0x42: {  	_ =	shalt  }
0x43: {  	_ =	shalt  }
0x44: {  	_ =	shalt  }
0x45: {  	_ =	shalt  }
0x46: {  	_ =	shalt  }
0x47: {  	_ =	shalt  }
0x48: {  	_ =	shalt  }
0x49: {  	_ =	shalt  }
0x4a: {  	_ =	shalt  }
0x4b: {  	_ =	shalt  }
0x4c: {  	_ =	shalt  }
0x4d: {  	_ =	shalt  }
0x4e: {  	_ =	shalt  }
0x4f: {  	_ =	shalt  }
0x50: {  	_ =	shalt  }
0x51: {  	_ =	shalt  }
0x52: {  	_ =	shalt  }
0x53: {  	_ =	shalt  }
0x54: {  	_ =	shalt  }
0x55: {  	_ =	shalt  }
0x56: {  	_ =	shalt  }
0x57: {  	_ =	shalt  }
0x58: {  	_ =	shalt  }
0x59: {  	_ =	shalt  }
0x5a: {  	_ =	shalt  }
0x5b: {  	_ =	shalt  }
0x5c: {  	_ =	shalt  }
0x5d: {  	_ =	shalt  }
0x5e: {  	_ =	shalt  }
0x5f: {  	_ =	shalt  }
0x60: {  	_ =	shalt  }
0x61: {  	_ =	shalt  }
0x62: {  	_ =	shalt  }
0x63: {  	_ =	shalt  }
0x64: {  	_ =	shalt  }
0x65: {  	_ =	shalt  }
0x66: {  	_ =	shalt  }
0x67: {  	_ =	shalt  }
0x68: {  	_ =	shalt  }
0x69: {  	_ =	shalt  }
0x6a: {  	_ =	shalt  }
0x6b: {  	_ =	shalt  }
0x6c: {  	_ =	shalt  }
0x6d: {  	_ =	shalt  }
0x6e: {  	_ =	shalt  }
0x6f: {  	_ =	shalt  }
0x70: {  	_ =	shalt  }
0x71: {  	_ =	shalt  }
0x72: {  	_ =	shalt  }
0x73: {  	_ =	shalt  }
0x74: {  	_ =	shalt  }
0x75: {  	_ =	shalt  }
0x76: {  	_ =	shalt  }
0x77: {  	_ =	shalt  }
0x78: {  	_ =	shalt  }
0x79: {  	_ =	shalt  }
0x7a: {  	_ =	shalt  }
0x7b: {  	_ =	shalt  }
0x7c: {  	_ =	shalt  }
0x7d: {  	_ =	shalt  }
0x7e: {  	_ =	shalt  }
0x7f: {  	_ =	shalt  }
0x80: {  	_ =	shalt  }
0x81: {  	_ =	shalt  }
0x82: {  	_ =	shalt  }
0x83: {  	_ =	shalt  }
0x84: {  	_ =	shalt  }
0x85: {  	_ =	shalt  }
0x86: {  	_ =	shalt  }
0x87: {  	_ =	shalt  }
.Lfunc_end0:
.L_simem_size_0:
called_computation.3_lowered:
.L_overlay_start_0:
0x88: {  	s2 =	sld [smem:$0x3FD9]  }
0x89: {  	s3 =	sld [smem:$0x3FFE];
	_ =	sdelay $0x1  }
0x8a: {  	s1 =	srdreg.scid  }
0x8b: {  	s0 =	sand.u32 $0x1, s1  }
0x8c: {  	s16 =	sshll.u32 s0, $0xA;
	s2 =	sadd.s32 s3, s2  }
0x8d: {  	s2 =	sadd.s32 s2, s16  }
0x8e: {  	[smem:$0x3FBB] =	sst s2  }
0x8f: {  	_ = 	snop  }
0x90: {  	(tm) =	ssettm $0x1  }
0x91: {  	s17 =	sld [smem:$0x3FFB];
	_ =	sdelay $0x3  }
0x92: {  	_ =	strace s17  }
0x93: {  	s2 =	sld [smem:$0x3FFC];
	_ =	sdelay $0x3  }
0x94: {  	_ =	strace s2  }
0x95: {  	s2 =	sld [smem:$0x3FFD];
	_ =	sdelay $0x3  }
0x96: {  	_ =	strace s2  }
0x97: {  	_ =	strace $0x8FFFFFFF  }
0x98: {  	s18 =	sld [smem:$0x3FDB];
	_ =	sdelay $0x1  }
0x99: {  	s19 =	simm.s32 $_scs_section_size  }
0x9a: {  	s4 =	simm.s32 $_size__tile_overlayer_lowered;
	s5 =	simm.s32 $_tile_overlayer_lowered  }
0x9b: {  	s22 =	simm.s32 $0x1BFF;
	s21 =	sshll.u32 s5, $0x1;
	s2 =	sadd.s32 s19, s18  }
0x9c: {  	s6 =	simm.s32 $0x0;
	s20 =	sshll.u32 s4, $0x1;
	s4 =	sadd.s32 s21, s2  }
0x9d: {  	[timem:s6], [sflag:s22] =	dma.local [hbm:s4], s20  }
0x9e: {  	_ =	swait.ge [sflag:s22], s20  }
0x9f: {  	s3 =	ssub.s32 $0x0, s20;
	[sflag:s22] =	ssyncset.done $0x0  }
0xa0: {  	[sflag:s22] =	ssyncadd.s32 s3;
	_ =	sdelay $0x1  }
0xa1: {  	s23 =	simm.s32 $0x1B8B  }
0xa2: {  	_ =	swait.ge [sflag:s23], $0x1  }
0xa3: {  	[sflag:s23] =	ssyncset.done $0x0  }
0xa4: {  	s25 =	simm.s32 $0x1B8E;
	s24 =	sld [smem:$0x3FFE];
	[sflag:s23] =	ssyncadd.s32 $0xFFFFFFFF  }
0xa5: {  	s26 =	simm.s32 $execute0_lowered;
	[smem:$0x3FD2] =	sst s25  }
0xa6: {  	s4 =	sshll.u32 s26, $0x1;
	_ =	strace $0x8000004C;
	[dreg:$0x1] =	wrdreg $0xFFFFFFFF  }
0xa7: {  	s28 =	simm.s32 $_size_execute0_lowered;
	s2 =	sadd.s32 s2, s4;
	[dreg:$0x0] =	wrdreg $0x0  }
0xa8: {  	s4 =	sshll.u32 s28, $0x1;
	[dreg:$0x2] =	wrdreg s2  }
0xa9: {  	[dreg:$0x3] =	wrdreg s4  }
0xaa: {  	[dreg:$0x4] =	wrdreg $0xC0  }
0xab: {  	_ =	task [dreg:s6], $0x5FFFF  }
0xac: {  	[dreg:$0x1] =	wrdreg $0xFFFFFFFF  }
0xad: {  	[dreg:$0x0] =	wrdreg $0x60  }
0xae: {  	[dreg:$0x2] =	wrdreg s24  }
0xaf: {  	[dreg:$0x3] =	wrdreg $0xA  }
0xb0: {  	_ =	task.clear_ibuf [dreg:s6], $0x4FFFF;
	_ =	strace $0x9000004C  }
0xb1: {  	s29 =	simm.s32 $0xA;
	_ =	strace $0x8000004E  }
0xb2: {  	_ =	swait.ge [sflag:s29], $0x1  }
0xb3: {  	[sflag:s29] =	ssyncadd.s32 $0xFFFFFFFF  }
0xb4: {  	_ =	strace $0x9000004E  }
0xb5: {  	_ =	sfence  }
0xb6: {  	s30 =	sld [smem:$0x0];
	_ =	sdelay $0x2  }
0xb7: {  	s31 =	sshll.u32 s1, $0xD;
	s1 =	sshrl.u32 s1, $0x2  }
0xb8: {  	s3 =	sand.u32 $0x4000, s31;
	s1 =	sadd.s32 s1, s30  }
0xb9: {  	s0 =	sor.u32 s3, s0;
	s1 =	sshll.u32 s1, $0x11  }
0xba: {  	s0 =	sor.u32 s1, s0  }
0xbb: {  	s0 =	sadd.s32 $0x8F2B, s0  }
0xbc: {  	[sflag:s0] =	ssyncadd.remote.s32 $0x1  }
0xbd: {  	_ =	sfence.sel $0xFFFF  }
0xbe: {  	[dreg:$0x0] =	wrdreg $0xFFFFFFFF;
	(pc) =	sbr.abs _section_cstart, $3  }
0xbf: {  	[dreg:$0x1] =	wrdreg $0xFFFFFFFF  }
0xc0: {  	_ =	task.clear_ibuf [dreg:s6], $0x2FFFF;
	_ =	strace $0x9FFFFFFF  }
0xc1: {  	(tm) =	ssettm $0x7FFFFFFF  }
tec
execute0_lowered:
.L_overlay_start_1:
0x0: {  	(tag) =	ssettag $0x1  }
0x1: {  	s0 =	rddreg [dreg:$0x0]  }
0x2: {  	s1 =	srdreg.scid;
	s16 =	stileid.u32  }
0x3: {  	s2 =	simm.s32 $0x0;
	s28 =	simm.s32 $0x180;
	s29 =	simm.s32 $0x1  }
0x4: {  	s30 =	simm.s32 $0x50;
	s31 =	simm.s32 $0x200;
	s17 =	smul.u32 $0xC800, s16  }
0x5: {  	s1 =	sand.u32 $0x1, s1;
	s3 =	sshll.u32 s16, $0x1;
	s22 =	smul.u32 $0xC80, s16  }
0x6: {  	[smem:$0x7FF] =	sst s2;
	s15 =	sadd.s32 $0xDD200, s0;
	s11 =	smul.u32 $0x6400, s1  }
0x7: {  	s4 =	sor.u32 s1, s3;
	s7 =	ssub.s32 $0x2, s1;
	s1 =	smul.u32 $0x640, s1  }
0x8: {  	s14 =	sadd.s32 $0xDA000, s0;
	s6 =	sadd.s32 $0xE0400, s0;
	s5 =	smul.u32 $0x640, s4  }
0x9: {  	_ =	strace $0x8000004D;
	s3 =	sadd.s32 $0x2E00, s0;
	s24 =	smul.u32 $0x6400, s4  }
0xa: {  	s0 =	sadd.s32 $0x1A8400, s0;
	s8 =	sshrl.u32 s7, $0x1;
	s4 =	smul.u32 $0x32000, s4  }
0xb: {  	s7 =	ssub.s32 s7, s8;
	s1 =	sadd.s32 s1, s22;
	s5 =	sshrl.u32 s5, $0x3  }
0xc: {  	s13 =	sadd.s32 s6, s24;
	s4 =	sshrl.u32 s4, $0x3;
	s8 =	sadd.s32 s0, s24  }
0xd: {  	s22 =	smax.u32 s7, $0x1;
	s9 =	sadd.s32 $0x1900, s5;
	[dreg:$0x8] =	wrdreg s13  }
0xe: {  	s7 =	simm.s32 $0x2A00;
	[dreg:$0x9] =	wrdreg s8;
	s23 =	sadd.s32 s15, s9  }
0xf: {  	s25 =	sadd.s32 $0x190A, s5;
	s9 =	sadd.s32 s14, s9;
	[dreg:$0x4] =	wrdreg s23  }
0x10: {  	s18 =	sadd.s32 $0x500, s4;
	s10 =	sadd.s32 s15, s25;
	[dreg:$0x5] =	wrdreg s9  }
0x11: {  	s26 =	sadd.s32 $0x1914, s5;
	s12 =	sadd.s32 s6, s18;
	[dreg:$0x6] =	wrdreg s10  }
0x12: {  	s19 =	sadd.s32 $0x5A00, s4;
	s8 =	sadd.s32 s0, s18;
	[dreg:$0xa] =	wrdreg s12  }
0x13: {  	s13 =	sadd.s32 s17, s6;
	s20 =	sadd.s32 s6, s19;
	[dreg:$0xb] =	wrdreg s8  }
0x14: {  	s4 =	sadd.s32 $0x5F00, s4;
	s21 =	sadd.s32 s11, s13;
	[dreg:$0xc] =	wrdreg s20  }
0x15: {  	s6 =	sadd.s32 s6, s4;
	s4 =	sadd.s32 s0, s4;
	[dreg:$0x2] =	wrdreg s21  }
0x16: {  	s24 =	sadd.s32 s14, s26;
	s9 =	sadd.s32 s14, s25;
	[dreg:$0xe] =	wrdreg s6  }
0x17: {  	s12 =	sadd.s32 s0, s19;
	[dreg:$0xf] =	wrdreg s4;
	s0 =	sadd.s32 s17, s0  }
0x18: {  	s23 =	sadd.s32 s15, s26;
	[dreg:$0x11] =	wrdreg s24;
	s25 =	sadd.s32 $0x191E, s5  }
0x19: {  	s26 =	sadd.s32 $0xC990, s1;
	s1 =	sadd.s32 $0xC940, s1;
	[dreg:$0x7] =	wrdreg s9  }
0x1a: {  	s6 =	simm.s32 $0x2;
	s8 =	simm.s32 $0x7A00;
	[dreg:$0xd] =	wrdreg s12  }
0x1b: {  	s10 =	simm.s32 $0x5;
	[dreg:$0x10] =	wrdreg s23;
	s20 =	sadd.s32 s15, s25  }
0x1c: {  	s21 =	sadd.s32 s14, s25;
	s0 =	sadd.s32 s11, s0;
	s23 =	sshrl.u32 s26, $0x3  }
0x1d: {  	s24 =	sshrl.u32 s1, $0x3;
	s25 =	simm.s32 $0x100;
	s26 =	simm.s32 $0x80  }
0x1e: {  	s1 =	simm.s32 $0x3;
	s9 =	simm.s32 $0x4;
	s11 =	simm.s32 $0x6  }
0x1f: {  	s12 =	simm.s32 $0x0;
	[dreg:$0x3] =	wrdreg s0;
	s0 =	simm.s32 $0x5200  }
.LBB2_1:
0x20: {  	s4 =	rddreg [dreg:$0x4]  }
0x21: {  	[tilespmem:s2], [sflag:$0x1] =	stream.linear.gather [hbm4b:s4+s2], $0x50, $0x38;
	[tilespmem:$0xA200] =	vst v63  }
0x22: {  	s18 =	rddreg [dreg:$0x5]  }
0x23: {  	[tilespmem:s25], [sflag:$0x1] =	stream.linear.gather [hbm4b:s18+s2], $0x50, $0x38;
	[tilespmem:$0xA200] =	vst v63  }
0x24: {  	s19 =	rddreg [dreg:$0x6]  }
0x25: {  	[tilespmem:s26], [sflag:$0x2] =	stream.linear.gather [hbm4b:s19+s2], $0x50, $0x38;
	[tilespmem:$0xA200] =	vst v63  }
0x26: {  	s5 =	rddreg [dreg:$0x7]  }
0x27: {  	[tilespmem:s28], [sflag:$0x2] =	stream.linear.gather [hbm4b:s5+s2], $0x50, $0x38;
	[tilespmem:$0xA200] =	vst v63  }
0x28: {  	_ =	swait.ge [sflag:s29], $0x50  }
0x29: {  	[sflag:s29] =	ssyncset.done $0x0  }
0x2a: {  	[sflag:s29] =	ssyncadd.s32 $0xFFFFFFB0  }
0x2b: {  	_ =	swait.ge [sflag:s29], $0x50  }
0x2c: {  	[sflag:s29] =	ssyncset.done $0x0  }
0x2d: {  	[sflag:s29] =	ssyncadd.s32 $0xFFFFFFB0  }
0x2e: {  	[tilespmem:s31], [sflag:$0x3] =	stream.indirect.gather [hbm4b:s3+s30], $0x80, s2, s30, $0xb8;
	[tilespmem:$0xA200] =	vst v63  }
0x2f: {  	_ = 	snop  }
0x30: {  	[tilespmem:s0], [sflag:$0x3] =	stream.indirect.gather [hbm4b:s3+s30], $0x80, s25, s30, $0xb8;
	[tilespmem:$0xA200] =	vst v63  }
0x31: {  	_ =	swait.ge [sflag:s1], $0x2800  }
0x32: {  	[sflag:s1] =	ssyncset.done $0x0  }
0x33: {  	[sflag:s1] =	ssyncadd.s32 $0xFFFFD800  }
0x34: {  	_ =	swait.ge [sflag:s1], $0x2800  }
0x35: {  	[sflag:s1] =	ssyncset.done $0x0  }
0x36: {  	s13 =	rddreg [dreg:$0x10];
	[sflag:s1] =	ssyncadd.s32 $0xFFFFD800  }
0x37: {  	[tilespmem:s2], [sflag:$0x1] =	stream.linear.gather [hbm4b:s13+s2], $0x50, $0x38;
	[tilespmem:$0xA200] =	vst v63  }
0x38: {  	s16 =	rddreg [dreg:$0x11]  }
0x39: {  	[tilespmem:s25], [sflag:$0x1] =	stream.linear.gather [hbm4b:s16+s2], $0x50, $0x38;
	[tilespmem:$0xA200] =	vst v63  }
0x3a: {  	s17 =	rddreg [dreg:$0x8]  }
0x3b: {  	[hbm4b:s17+s2] =	stream.linear.scatter [tilespmem:s31], [sflag:$0x5], $0x2800, $0x38;
	[tilespmem:$0xA200] =	vst v63  }
0x3c: {  	s18 =	rddreg [dreg:$0x9]  }
0x3d: {  	[hbm4b:s18+s2] =	stream.linear.scatter [tilespmem:s0], [sflag:$0x5], $0x2800, $0x38;
	[tilespmem:$0xA200] =	vst v63  }
0x3e: {  	_ =	swait.ge [sflag:s6], $0x50  }
0x3f: {  	[sflag:s6] =	ssyncset.done $0x0  }
0x40: {  	[sflag:s6] =	ssyncadd.s32 $0xFFFFFFB0  }
0x41: {  	_ =	swait.ge [sflag:s6], $0x50  }
0x42: {  	[sflag:s6] =	ssyncset.done $0x0  }
0x43: {  	[sflag:s6] =	ssyncadd.s32 $0xFFFFFFB0  }
0x44: {  	[tilespmem:s7], [sflag:$0x4] =	stream.indirect.gather [hbm4b:s3+s30], $0x80, s26, s30, $0xb8;
	[tilespmem:$0xA200] =	vst v63  }
0x45: {  	_ = 	snop  }
0x46: {  	[tilespmem:s8], [sflag:$0x4] =	stream.indirect.gather [hbm4b:s3+s30], $0x80, s28, s30, $0xb8;
	[tilespmem:$0xA200] =	vst v63  }
0x47: {  	_ =	swait.ge [sflag:s9], $0x2800  }
0x48: {  	[sflag:s9] =	ssyncset.done $0x0  }
0x49: {  	[sflag:s9] =	ssyncadd.s32 $0xFFFFD800  }
0x4a: {  	_ =	swait.ge [sflag:s9], $0x2800  }
0x4b: {  	[sflag:s9] =	ssyncset.done $0x0  }
0x4c: {  	[sflag:s9] =	ssyncadd.s32 $0xFFFFD800  }
0x4d: {  	[tilespmem:s26], [sflag:$0x2] =	stream.linear.gather [hbm4b:s20+s2], $0x50, $0x38;
	[tilespmem:$0xA200] =	vst v63  }
0x4e: {  	_ = 	snop  }
0x4f: {  	[tilespmem:s28], [sflag:$0x2] =	stream.linear.gather [hbm4b:s21+s2], $0x50, $0x38;
	[tilespmem:$0xA200] =	vst v63  }
0x50: {  	s19 =	rddreg [dreg:$0xa]  }
0x51: {  	[hbm4b:s19+s2] =	stream.linear.scatter [tilespmem:s7], [sflag:$0x6], $0x2800, $0x38;
	[tilespmem:$0xA200] =	vst v63  }
0x52: {  	s5 =	rddreg [dreg:$0xb]  }
0x53: {  	[hbm4b:s5+s2] =	stream.linear.scatter [tilespmem:s8], [sflag:$0x6], $0x2800, $0x38;
	[tilespmem:$0xA200] =	vst v63  }
0x54: {  	_ =	swait.ge [sflag:s29], $0x50  }
0x55: {  	[sflag:s29] =	ssyncset.done $0x0  }
0x56: {  	[sflag:s29] =	ssyncadd.s32 $0xFFFFFFB0  }
0x57: {  	_ =	swait.ge [sflag:s29], $0x50  }
0x58: {  	[sflag:s29] =	ssyncset.done $0x0  }
0x59: {  	[sflag:s29] =	ssyncadd.s32 $0xFFFFFFB0  }
0x5a: {  	_ =	swait.ge [sflag:s10], $0x2800  }
0x5b: {  	[sflag:s10] =	ssyncset.done $0x0  }
0x5c: {  	[sflag:s10] =	ssyncadd.s32 $0xFFFFD800  }
0x5d: {  	_ =	swait.ge [sflag:s10], $0x2800  }
0x5e: {  	[sflag:s10] =	ssyncset.done $0x0  }
0x5f: {  	[sflag:s10] =	ssyncadd.s32 $0xFFFFD800  }
0x60: {  	[tilespmem:s31], [sflag:$0x3] =	stream.indirect.gather [hbm4b:s3+s30], $0x80, s2, s30, $0xb8;
	[tilespmem:$0xA200] =	vst v63  }
0x61: {  	_ = 	snop  }
0x62: {  	[tilespmem:s0], [sflag:$0x3] =	stream.indirect.gather [hbm4b:s3+s30], $0x80, s25, s30, $0xb8;
	[tilespmem:$0xA200] =	vst v63  }
0x63: {  	_ =	swait.ge [sflag:s1], $0x2800  }
0x64: {  	[sflag:s1] =	ssyncset.done $0x0  }
0x65: {  	[sflag:s1] =	ssyncadd.s32 $0xFFFFD800  }
0x66: {  	_ =	swait.ge [sflag:s1], $0x2800  }
0x67: {  	[sflag:s1] =	ssyncset.done $0x0  }
0x68: {  	s13 =	sadd.s32 s15, s24;
	s5 =	rddreg [dreg:$0x2];
	[sflag:s1] =	ssyncadd.s32 $0xFFFFD800  }
0x69: {  	[tilespmem:s2], [sflag:$0x1] =	stream.linear.gather [hbm4b:s13+s2], $0x50, $0x38;
	[tilespmem:$0xA200] =	vst v63  }
0x6a: {  	s16 =	sadd.s32 s14, s24;
	s4 =	sadd.s32 $0x0, s5;
	s13 =	rddreg [dreg:$0x3]  }
0x6b: {  	[tilespmem:s25], [sflag:$0x1] =	stream.linear.gather [hbm4b:s16+s2], $0x50, $0x38;
	[tilespmem:$0xA200] =	vst v63  }
0x6c: {  	s5 =	sadd.s32 $0xA00, s4;
	s16 =	sadd.s32 $0x0, s13  }
0x6d: {  	[hbm4b:s5+s2] =	stream.linear.scatter [tilespmem:s31], [sflag:$0x5], $0x2800, $0x38;
	[tilespmem:$0xA200] =	vst v63  }
0x6e: {  	s17 =	sadd.s32 $0xA00, s16  }
0x6f: {  	[hbm4b:s17+s2] =	stream.linear.scatter [tilespmem:s0], [sflag:$0x5], $0x2800, $0x38;
	[tilespmem:$0xA200] =	vst v63  }
0x70: {  	_ =	swait.ge [sflag:s6], $0x50  }
0x71: {  	[sflag:s6] =	ssyncset.done $0x0  }
0x72: {  	[sflag:s6] =	ssyncadd.s32 $0xFFFFFFB0  }
0x73: {  	_ =	swait.ge [sflag:s6], $0x50  }
0x74: {  	[sflag:s6] =	ssyncset.done $0x0  }
0x75: {  	[sflag:s6] =	ssyncadd.s32 $0xFFFFFFB0  }
0x76: {  	_ =	swait.ge [sflag:s11], $0x2800  }
0x77: {  	[sflag:s11] =	ssyncset.done $0x0  }
0x78: {  	[sflag:s11] =	ssyncadd.s32 $0xFFFFD800  }
0x79: {  	_ =	swait.ge [sflag:s11], $0x2800  }
0x7a: {  	[sflag:s11] =	ssyncset.done $0x0  }
0x7b: {  	[sflag:s11] =	ssyncadd.s32 $0xFFFFD800  }
0x7c: {  	[tilespmem:s7], [sflag:$0x4] =	stream.indirect.gather [hbm4b:s3+s30], $0x80, s26, s30, $0xb8;
	[tilespmem:$0xA200] =	vst v63  }
0x7d: {  	_ = 	snop  }
0x7e: {  	[tilespmem:s8], [sflag:$0x4] =	stream.indirect.gather [hbm4b:s3+s30], $0x80, s28, s30, $0xb8;
	[tilespmem:$0xA200] =	vst v63  }
0x7f: {  	_ =	swait.ge [sflag:s9], $0x2800  }
0x80: {  	[sflag:s9] =	ssyncset.done $0x0  }
0x81: {  	[sflag:s9] =	ssyncadd.s32 $0xFFFFD800  }
0x82: {  	_ =	swait.ge [sflag:s9], $0x2800  }
0x83: {  	[sflag:s9] =	ssyncset.done $0x0  }
0x84: {  	s18 =	sadd.s32 s15, s23;
	[sflag:s9] =	ssyncadd.s32 $0xFFFFD800  }
0x85: {  	[tilespmem:s26], [sflag:$0x2] =	stream.linear.gather [hbm4b:s18+s2], $0x50, $0x38;
	[tilespmem:$0xA200] =	vst v63  }
0x86: {  	s19 =	sadd.s32 s14, s23  }
0x87: {  	[tilespmem:s28], [sflag:$0x2] =	stream.linear.gather [hbm4b:s19+s2], $0x50, $0x38;
	[tilespmem:$0xA200] =	vst v63  }
0x88: {  	s4 =	sadd.s32 $0xF00, s4;
	s13 =	simm.s32 $0xA00  }
0x89: {  	[hbm4b:s4+s2] =	stream.linear.scatter [tilespmem:s7], [sflag:$0x6], $0x2800, $0x38;
	[tilespmem:$0xA200] =	vst v63  }
0x8a: {  	s16 =	sadd.s32 $0xF00, s16;
	s5 =	smov.u32 s14;
	s4 =	smov.u32 s15  }
.LBB2_2:
0x8b: {  	[hbm4b:s16+s2] =	stream.linear.scatter [tilespmem:s8], [sflag:$0x6], $0x2800, $0x38;
	[tilespmem:$0xA200] =	vst v63  }
0x8c: {  	_ =	swait.ge [sflag:s29], $0x50  }
0x8d: {  	[sflag:s29] =	ssyncset.done $0x0  }
0x8e: {  	[sflag:s29] =	ssyncadd.s32 $0xFFFFFFB0  }
0x8f: {  	_ =	swait.ge [sflag:s29], $0x50  }
0x90: {  	[sflag:s29] =	ssyncset.done $0x0  }
0x91: {  	[sflag:s29] =	ssyncadd.s32 $0xFFFFFFB0  }
0x92: {  	_ =	swait.ge [sflag:s10], $0x2800  }
0x93: {  	[sflag:s10] =	ssyncset.done $0x0  }
0x94: {  	[sflag:s10] =	ssyncadd.s32 $0xFFFFD800  }
0x95: {  	_ =	swait.ge [sflag:s10], $0x2800  }
0x96: {  	[sflag:s10] =	ssyncset.done $0x0  }
0x97: {  	[sflag:s10] =	ssyncadd.s32 $0xFFFFD800  }
0x98: {  	[tilespmem:s31], [sflag:$0x3] =	stream.indirect.gather [hbm4b:s3+s30], $0x80, s2, s30, $0xb8;
	[tilespmem:$0xA200] =	vst v63  }
0x99: {  	_ = 	snop  }
0x9a: {  	[tilespmem:s0], [sflag:$0x3] =	stream.indirect.gather [hbm4b:s3+s30], $0x80, s25, s30, $0xb8;
	[tilespmem:$0xA200] =	vst v63  }
0x9b: {  	_ =	swait.ge [sflag:s1], $0x2800  }
0x9c: {  	[sflag:s1] =	ssyncset.done $0x0  }
0x9d: {  	[sflag:s1] =	ssyncadd.s32 $0xFFFFD800  }
0x9e: {  	_ =	swait.ge [sflag:s1], $0x2800  }
0x9f: {  	s4 =	sadd.s32 $0x14, s4;
	[sflag:s1] =	ssyncset.done $0x0  }
0xa0: {  	s5 =	sadd.s32 $0x14, s5;
	s17 =	sadd.s32 s4, s24;
	[sflag:s1] =	ssyncadd.s32 $0xFFFFD800  }
0xa1: {  	[tilespmem:s2], [sflag:$0x1] =	stream.linear.gather [hbm4b:s17+s2], $0x50, $0x38;
	[tilespmem:$0xA200] =	vst v63  }
0xa2: {  	s16 =	smov.u32 s13;
	s18 =	rddreg [dreg:$0x2];
	s17 =	sadd.s32 s5, s24  }
0xa3: {  	[tilespmem:s25], [sflag:$0x1] =	stream.linear.gather [hbm4b:s17+s2], $0x50, $0x38;
	[tilespmem:$0xA200] =	vst v63  }
0xa4: {  	s19 =	rddreg [dreg:$0x3];
	s17 =	sadd.s32 s16, s18  }
0xa5: {  	s16 =	sadd.s32 s16, s19;
	s18 =	sadd.s32 $0xA00, s17  }
0xa6: {  	[hbm4b:s18+s2] =	stream.linear.scatter [tilespmem:s31], [sflag:$0x5], $0x2800, $0x38;
	[tilespmem:$0xA200] =	vst v63  }
0xa7: {  	s19 =	sadd.s32 $0xA00, s16  }
0xa8: {  	[hbm4b:s19+s2] =	stream.linear.scatter [tilespmem:s0], [sflag:$0x5], $0x2800, $0x38;
	[tilespmem:$0xA200] =	vst v63  }
0xa9: {  	_ =	swait.ge [sflag:s6], $0x50  }
0xaa: {  	[sflag:s6] =	ssyncset.done $0x0  }
0xab: {  	[sflag:s6] =	ssyncadd.s32 $0xFFFFFFB0  }
0xac: {  	_ =	swait.ge [sflag:s6], $0x50  }
0xad: {  	[sflag:s6] =	ssyncset.done $0x0  }
0xae: {  	[sflag:s6] =	ssyncadd.s32 $0xFFFFFFB0  }
0xaf: {  	_ =	swait.ge [sflag:s11], $0x2800  }
0xb0: {  	[sflag:s11] =	ssyncset.done $0x0  }
0xb1: {  	[sflag:s11] =	ssyncadd.s32 $0xFFFFD800  }
0xb2: {  	_ =	swait.ge [sflag:s11], $0x2800  }
0xb3: {  	[sflag:s11] =	ssyncset.done $0x0  }
0xb4: {  	[sflag:s11] =	ssyncadd.s32 $0xFFFFD800  }
0xb5: {  	[tilespmem:s7], [sflag:$0x4] =	stream.indirect.gather [hbm4b:s3+s30], $0x80, s26, s30, $0xb8;
	[tilespmem:$0xA200] =	vst v63  }
0xb6: {  	_ = 	snop  }
0xb7: {  	[tilespmem:s8], [sflag:$0x4] =	stream.indirect.gather [hbm4b:s3+s30], $0x80, s28, s30, $0xb8;
	[tilespmem:$0xA200] =	vst v63  }
0xb8: {  	_ =	swait.ge [sflag:s9], $0x2800  }
0xb9: {  	[sflag:s9] =	ssyncset.done $0x0  }
0xba: {  	[sflag:s9] =	ssyncadd.s32 $0xFFFFD800  }
0xbb: {  	_ =	swait.ge [sflag:s9], $0x2800  }
0xbc: {  	[sflag:s9] =	ssyncset.done $0x0  }
0xbd: {  	p0 =	sne.s32 s13, $0x4600;
	s18 =	sadd.s32 s4, s23;
	[sflag:s9] =	ssyncadd.s32 $0xFFFFD800  }
0xbe: {  	[tilespmem:s26], [sflag:$0x2] =	stream.linear.gather [hbm4b:s18+s2], $0x50, $0x38;
	[tilespmem:$0xA200] =	vst v63  }
.Ltmp0:
0xbf: {  	_ = 	snop;
	(pc) =	sbr.rel @p0 .LBB2_2-.Ltmp0, $4  }
0xc0: {  	s19 =	sadd.s32 s5, s23  }
0xc1: {  	[tilespmem:s28], [sflag:$0x2] =	stream.linear.gather [hbm4b:s19+s2], $0x50, $0x38;
	[tilespmem:$0xA200] =	vst v63  }
0xc2: {  	s13 =	sadd.s32 $0xA00, s13;
	s17 =	sadd.s32 $0xF00, s17;
	s16 =	sadd.s32 $0xF00, s16  }
0xc3: {  	[hbm4b:s17+s2] =	stream.linear.scatter [tilespmem:s7], [sflag:$0x6], $0x2800, $0x38;
	[tilespmem:$0xA200] =	vst v63  }
0xc4: {  	[hbm4b:s16+s2] =	stream.linear.scatter [tilespmem:s8], [sflag:$0x6], $0x2800, $0x38;
	[tilespmem:$0xA200] =	vst v63  }
0xc5: {  	_ =	swait.ge [sflag:s29], $0x50  }
0xc6: {  	[sflag:s29] =	ssyncset.done $0x0  }
0xc7: {  	[sflag:s29] =	ssyncadd.s32 $0xFFFFFFB0  }
0xc8: {  	_ =	swait.ge [sflag:s29], $0x50  }
0xc9: {  	[sflag:s29] =	ssyncset.done $0x0  }
0xca: {  	[sflag:s29] =	ssyncadd.s32 $0xFFFFFFB0  }
0xcb: {  	_ =	swait.ge [sflag:s10], $0x2800  }
0xcc: {  	[sflag:s10] =	ssyncset.done $0x0  }
0xcd: {  	[sflag:s10] =	ssyncadd.s32 $0xFFFFD800  }
0xce: {  	_ =	swait.ge [sflag:s10], $0x2800  }
0xcf: {  	[sflag:s10] =	ssyncset.done $0x0  }
0xd0: {  	[sflag:s10] =	ssyncadd.s32 $0xFFFFD800  }
0xd1: {  	[tilespmem:s31], [sflag:$0x3] =	stream.indirect.gather [hbm4b:s3+s30], $0x80, s2, s30, $0xb8;
	[tilespmem:$0xA200] =	vst v63  }
0xd2: {  	_ = 	snop  }
0xd3: {  	[tilespmem:s0], [sflag:$0x3] =	stream.indirect.gather [hbm4b:s3+s30], $0x80, s25, s30, $0xb8;
	[tilespmem:$0xA200] =	vst v63  }
0xd4: {  	_ =	swait.ge [sflag:s1], $0x2800  }
0xd5: {  	[sflag:s1] =	ssyncset.done $0x0  }
0xd6: {  	[sflag:s1] =	ssyncadd.s32 $0xFFFFD800  }
0xd7: {  	_ =	swait.ge [sflag:s1], $0x2800  }
0xd8: {  	[sflag:s1] =	ssyncset.done $0x0  }
0xd9: {  	s4 =	rddreg [dreg:$0xc];
	[sflag:s1] =	ssyncadd.s32 $0xFFFFD800  }
0xda: {  	[hbm4b:s4+s2] =	stream.linear.scatter [tilespmem:s31], [sflag:$0x5], $0x2800, $0x38;
	[tilespmem:$0xA200] =	vst v63  }
0xdb: {  	s17 =	rddreg [dreg:$0xd]  }
0xdc: {  	[hbm4b:s17+s2] =	stream.linear.scatter [tilespmem:s0], [sflag:$0x5], $0x2800, $0x38;
	[tilespmem:$0xA200] =	vst v63  }
0xdd: {  	_ =	swait.ge [sflag:s6], $0x50  }
0xde: {  	[sflag:s6] =	ssyncset.done $0x0  }
0xdf: {  	[sflag:s6] =	ssyncadd.s32 $0xFFFFFFB0  }
0xe0: {  	_ =	swait.ge [sflag:s6], $0x50  }
0xe1: {  	[sflag:s6] =	ssyncset.done $0x0  }
0xe2: {  	[sflag:s6] =	ssyncadd.s32 $0xFFFFFFB0  }
0xe3: {  	_ =	swait.ge [sflag:s11], $0x2800  }
0xe4: {  	[sflag:s11] =	ssyncset.done $0x0  }
0xe5: {  	[sflag:s11] =	ssyncadd.s32 $0xFFFFD800  }
0xe6: {  	_ =	swait.ge [sflag:s11], $0x2800  }
0xe7: {  	[sflag:s11] =	ssyncset.done $0x0  }
0xe8: {  	[sflag:s11] =	ssyncadd.s32 $0xFFFFD800  }
0xe9: {  	[tilespmem:s7], [sflag:$0x4] =	stream.indirect.gather [hbm4b:s3+s30], $0x80, s26, s30, $0xb8;
	[tilespmem:$0xA200] =	vst v63  }
0xea: {  	_ = 	snop  }
0xeb: {  	[tilespmem:s8], [sflag:$0x4] =	stream.indirect.gather [hbm4b:s3+s30], $0x80, s28, s30, $0xb8;
	[tilespmem:$0xA200] =	vst v63  }
0xec: {  	_ =	swait.ge [sflag:s9], $0x2800  }
0xed: {  	[sflag:s9] =	ssyncset.done $0x0  }
0xee: {  	[sflag:s9] =	ssyncadd.s32 $0xFFFFD800  }
0xef: {  	_ =	swait.ge [sflag:s9], $0x2800  }
0xf0: {  	[sflag:s9] =	ssyncset.done $0x0  }
0xf1: {  	s18 =	rddreg [dreg:$0xe];
	[sflag:s9] =	ssyncadd.s32 $0xFFFFD800  }
0xf2: {  	[hbm4b:s18+s2] =	stream.linear.scatter [tilespmem:s7], [sflag:$0x6], $0x2800, $0x38;
	[tilespmem:$0xA200] =	vst v63  }
0xf3: {  	s19 =	rddreg [dreg:$0xf]  }
0xf4: {  	[hbm4b:s19+s2] =	stream.linear.scatter [tilespmem:s8], [sflag:$0x6], $0x2800, $0x38;
	[tilespmem:$0xA200] =	vst v63  }
0xf5: {  	_ =	swait.ge [sflag:s10], $0x2800  }
0xf6: {  	[sflag:s10] =	ssyncset.done $0x0  }
0xf7: {  	[sflag:s10] =	ssyncadd.s32 $0xFFFFD800  }
0xf8: {  	_ =	swait.ge [sflag:s10], $0x2800  }
0xf9: {  	[sflag:s10] =	ssyncset.done $0x0  }
0xfa: {  	s12 =	sadd.s32 $0x1, s12;
	[sflag:s10] =	ssyncadd.s32 $0xFFFFD800  }
0xfb: {  	p0 =	sne.s32 s12, s22;
	_ =	swait.ge [sflag:s11], $0x2800  }
.Ltmp1:
0xfc: {  	[sflag:s11] =	ssyncset.done $0x0;
	(pc) =	sbr.rel @p0 .LBB2_1-.Ltmp1, $4  }
0xfd: {  	[sflag:s11] =	ssyncadd.s32 $0xFFFFD800  }
0xfe: {  	_ =	swait.ge [sflag:s11], $0x2800  }
0xff: {  	[sflag:s11] =	ssyncset.done $0x0  }
0x100: {  	[sflag:s11] =	ssyncadd.s32 $0xFFFFD800  }
0x101: {  	_ =	sfence.sel $0x180000  }
0x102: {  	[bflag:$0x0] =	sbarrier.arrive $0xFFFF  }
0x103: {  	_ =	strace $0x9000004D  }
0x104: {  	s0 =	stileid.u32;
	[bflag:$0x2] =	sbarrier.arrive $0xFFFF  }
0x105: {  	p0 =	sne.s32 s0, $0x0;
	s0 =	rddreg [dreg:$0x1]  }
0x106: {  	s0 =	sadd.s32 @!p0 $0x100000, s0  }
0x107: {  	[sflag:s0] =	ssyncadd.tile.s32 @!p0 $0x1;
	_ =	shalt  }
.Lfunc_end2:
_tile_overlayer_lowered:
.L_overlay_start_2:
0x108: {  	(tag) =	ssettag $0x2  }
0x109: {  	s0 =	rddreg [dreg:$0x0];
	s2 =	stileid.u32  }
0x10a: {  	s1 =	rddreg [dreg:$0x1];
	p0 =	sne.s32 s2, $0x0  }
0x10b: {  	s3 =	rddreg [dreg:$0x2];
	[bflag:$0x3] =	sbarrier.arrive $0xFFFF;
	s2 =	simm.s32 @!p0 $0x1C07  }
0x10c: {  	[timem:s3], [sflag:s2] =	dma.local @!p0 [hbm:s0], s1  }
0x10d: {  	s0 =	simm.s32 @!p0 $0x7  }
0x10e: {  	_ =	swait.ge @!p0 [sflag:s0], s1  }
0x10f: {  	s1 =	ssub.s32 @!p0 $0x0, s1;
	[sflag:s0] =	ssyncset.done @!p0 $0x0  }
0x110: {  	[sflag:s0] =	ssyncadd.s32 @!p0 s1  }
0x111: {  	[bflag:$0x3] =	sbarrier.arrive $0xFFFF  }
0x112: {  	_ =	shalt  }

</sc_bundles>
